<compile_context>
chip_gen: v7x
topology: tpu7x:2x2x1
jax: 0.10.2.dev20260603
libtpu: 0.0.44.dev20260713+nightly
codegen_flags: <defaults>
</compile_context>

<pallas_src>
import functools

import jax
import jax.numpy as jnp
from jax import lax
from jax.experimental import pallas as pl
from jax.experimental.pallas import tpu as pltpu
from jax.experimental.pallas import tpu_sc as plsc

N_NODES = 10000
N_EDGES = 320000
D = 128
E_DIM = 16

NW = 32
CH = 128
NCHT = N_EDGES // CH
SLICES = (1250, 1250)
RPS = 624

_EPS = 1e-5


def _ln(h, gamma, beta):
    mu = jnp.mean(h, axis=-1, keepdims=True)
    var = jnp.mean((h - mu) ** 2, axis=-1, keepdims=True)
    return (h - mu) * lax.rsqrt(var + _EPS) * gamma + beta


def _worker_chunks(wid, total):
    q, r = total // NW, total % NW
    count = q + (wid < r).astype(jnp.int32)
    base = q * wid + jnp.minimum(wid, r)
    return base, count


def _npairs(total):
    q, r = total // NW, total % NW
    return (q + (1 if r else 0) + 2 + 1) // 2 + 1



def _premix_body(x_ref, w1s_ref, w1r_ref, be1_ref, a_ref, b_ref):
    x = x_ref[...]
    a_ref[...] = jnp.dot(x, w1s_ref[...], preferred_element_type=jnp.float32)
    b_ref[...] = jnp.dot(x, w1r_ref[...], preferred_element_type=jnp.float32) + be1_ref[...]


def _premix(x, w1s, w1r, b_e1):
    blk = 2000
    grid = N_NODES // blk
    return pl.pallas_call(
        _premix_body,
        grid=(grid,),
        in_specs=[
            pl.BlockSpec((blk, D), lambda i: (i, 0)),
            pl.BlockSpec((D, D), lambda i: (0, 0)),
            pl.BlockSpec((D, D), lambda i: (0, 0)),
            pl.BlockSpec((1, D), lambda i: (0, 0)),
        ],
        out_specs=[
            pl.BlockSpec((blk, D), lambda i: (i, 0)),
            pl.BlockSpec((blk, D), lambda i: (i, 0)),
        ],
        out_shape=[
            jax.ShapeDtypeStruct((N_NODES, D), jnp.float32),
            jax.ShapeDtypeStruct((N_NODES, D), jnp.float32),
        ],
    )(x, w1s, w1r, b_e1.reshape(1, D))



def _gather_body(chunk0, nchunks, send_ref, recv_ref, a_ref, b_ref, g_ref,
                 idx_s0, idx_s1, idx_r0, idx_r1,
                 bufa0, bufa1, bufb0, bufb1, g0, g1,
                 sem_i0, sem_i1, sem_g0, sem_g1, sem_o0, sem_o1):
    cid = lax.axis_index("c")
    sid = lax.axis_index("s")
    wid = sid * 2 + cid
    base, count = _worker_chunks(wid, nchunks)

    idx_s = (idx_s0, idx_s1)
    idx_r = (idx_r0, idx_r1)
    bufa = (bufa0, bufa1)
    bufb = (bufb0, bufb1)
    gbuf = (g0, g1)
    sem_i = (sem_i0, sem_i1)
    sem_g = (sem_g0, sem_g1)
    sem_o = (sem_o0, sem_o1)

    def idx_start(t, b):
        pltpu.async_copy(send_ref.at[chunk0 + base + t], idx_s[b], sem_i[b])
        pltpu.async_copy(recv_ref.at[chunk0 + base + t], idx_r[b], sem_i[b])

    def idx_wait(b):
        pltpu.make_async_copy(send_ref.at[0], idx_s[b], sem_i[b]).wait()
        pltpu.make_async_copy(recv_ref.at[0], idx_r[b], sem_i[b]).wait()

    def gat_start(b):
        pltpu.async_copy(a_ref.at[idx_s[b]], bufa[b], sem_g[b])
        pltpu.async_copy(b_ref.at[idx_r[b]], bufb[b], sem_g[b])

    def gat_wait(b):
        pltpu.make_async_copy(a_ref.at[idx_s[b]], bufa[b], sem_g[b]).wait()
        pltpu.make_async_copy(b_ref.at[idx_r[b]], bufb[b], sem_g[b]).wait()

    def wb_wait(b):
        pltpu.make_async_copy(gbuf[b], g_ref.at[pl.ds(0, CH)], sem_o[b]).wait()

    round_c = jnp.full((16,), 0x8000, jnp.uint32)
    mask_hi = jnp.full((16,), 0xFFFF0000, jnp.uint32)
    sh16 = jnp.full((16,), 16, jnp.uint32)

    def add_wb(t, b):
        def row_group(rr, carry):
            for j in range(2):
                r = rr * 2 + j
                for k in range(4):
                    sl = pl.ds(k * 16, 16)
                    sh = pl.ds(64 + k * 16, 16)
                    s_lo = bufa[b][r, sl] + bufb[b][r, sl]
                    s_hi = bufa[b][r, sh] + bufb[b][r, sh]
                    u_lo = jax.lax.bitcast_convert_type(s_lo, jnp.uint32)
                    u_hi = jax.lax.bitcast_convert_type(s_hi, jnp.uint32)
                    w = (((u_lo + round_c) >> sh16)
                         | ((u_hi + round_c) & mask_hi))
                    gbuf[b][r, sl] = jax.lax.bitcast_convert_type(w, jnp.float32)
            return carry

        lax.fori_loop(0, CH // 2, row_group, 0)
        pltpu.async_copy(gbuf[b], g_ref.at[pl.ds((base + t) * CH, CH)], sem_o[b])

    def pair(p, carry):
        for bb in range(2):
            t = p * 2 + bb
            b = bb

            @pl.when((t >= 2) & (t <= count + 1))
            def _wait_gather():
                gat_wait(b)

            @pl.when(t < count)
            def _prefetch_idx():
                idx_start(t, b)

            @pl.when((t >= 1) & (t <= count))
            def _start_gather():
                idx_wait(1 - b)
                gat_start(1 - b)

            @pl.when((t >= 2) & (t <= count + 1))
            def _add_writeback():
                @pl.when(t >= 4)
                def _wb_drain():
                    wb_wait(b)
                add_wb(t - 2, b)

        return carry

    lax.fori_loop(0, _npairs(nchunks), pair, 0)
    wb_wait(0)
    wb_wait(1)


def _edge_gather(chunk0, nchunks, send2d, recv2d, a, b):
    mesh = plsc.VectorSubcoreMesh(core_axis_name="c", subcore_axis_name="s")
    return pl.kernel(
        functools.partial(_gather_body, chunk0, nchunks),
        out_type=jax.ShapeDtypeStruct((nchunks * CH, D // 2), jnp.float32),
        mesh=mesh,
        scratch_types=[
            pltpu.VMEM((CH,), jnp.int32), pltpu.VMEM((CH,), jnp.int32),
            pltpu.VMEM((CH,), jnp.int32), pltpu.VMEM((CH,), jnp.int32),
            pltpu.VMEM((CH, D), jnp.float32), pltpu.VMEM((CH, D), jnp.float32),
            pltpu.VMEM((CH, D), jnp.float32), pltpu.VMEM((CH, D), jnp.float32),
            pltpu.VMEM((CH, D // 2), jnp.float32), pltpu.VMEM((CH, D // 2), jnp.float32),
            pltpu.SemaphoreType.DMA, pltpu.SemaphoreType.DMA,
            pltpu.SemaphoreType.DMA, pltpu.SemaphoreType.DMA,
            pltpu.SemaphoreType.DMA, pltpu.SemaphoreType.DMA,
        ],
    )(send2d, recv2d, a, b)



def _halves(p):
    u = jax.lax.bitcast_convert_type(p, jnp.uint32)
    lo = jax.lax.bitcast_convert_type(u << 16, jnp.float32)
    hi = jax.lax.bitcast_convert_type(u & jnp.uint32(0xFFFF0000), jnp.float32)
    return lo, hi


def _edge_mlp_body(g_ref, ea_ref, w1el_ref, w1eh_ref, w2l_ref,
                   w2h_ref, b2_ref, ge_ref, bee_ref, msg_ref):
    ea = ea_ref[...]
    g_lo, g_hi = _halves(g_ref[...])
    ec_l = jnp.dot(ea, w1el_ref[...], preferred_element_type=jnp.float32)
    ec_h = jnp.dot(ea, w1eh_ref[...], preferred_element_type=jnp.float32)
    h_l = jnp.maximum(g_lo + ec_l, 0.0)
    h_h = jnp.maximum(g_hi + ec_h, 0.0)
    m = jnp.dot(h_l, w2l_ref[...], preferred_element_type=jnp.float32)
    m = m + jnp.dot(h_h, w2h_ref[...], preferred_element_type=jnp.float32)
    m = jnp.maximum(m + b2_ref[...], 0.0)
    msg_ref[...] = _ln(m, ge_ref[...], bee_ref[...])


def _edge_mlp(g, ea, ea_blk0, w1e, w_e2, b_e2, g_e, be_e):
    blk = 2000
    nrows = g.shape[0]
    grid = nrows // blk
    return pl.pallas_call(
        _edge_mlp_body,
        grid=(grid,),
        in_specs=[
            pl.BlockSpec((blk, D // 2), lambda i: (i, 0)),
            pl.BlockSpec((blk, E_DIM), lambda i: (i + ea_blk0, 0)),
            pl.BlockSpec((E_DIM, D // 2), lambda i: (0, 0)),
            pl.BlockSpec((E_DIM, D // 2), lambda i: (0, 0)),
            pl.BlockSpec((D // 2, D), lambda i: (0, 0)),
            pl.BlockSpec((D // 2, D), lambda i: (0, 0)),
            pl.BlockSpec((1, D), lambda i: (0, 0)),
            pl.BlockSpec((1, D), lambda i: (0, 0)),
            pl.BlockSpec((1, D), lambda i: (0, 0)),
        ],
        out_specs=pl.BlockSpec((blk, D), lambda i: (i, 0)),
        out_shape=jax.ShapeDtypeStruct((nrows, D), jnp.float32),
    )(g, ea, w1e[:, :D // 2], w1e[:, D // 2:], w_e2[:D // 2],
      w_e2[D // 2:], b_e2.reshape(1, D), g_e.reshape(1, D),
      be_e.reshape(1, D))



def _scatter_body(chunk0, nchunks, recv_ref, msg_ref, init_ref, out_ref,
                  idx0, idx1, rows0, rows1, acc,
                  sem_f0, sem_f1, sem_s0, sem_s1):
    cid = lax.axis_index("c")
    sid = lax.axis_index("s")
    wid = sid * 2 + cid
    base, count = _worker_chunks(wid, nchunks)

    idx = (idx0, idx1)
    rows = (rows0, rows1)
    sem_f = (sem_f0, sem_f1)
    sem_s = (sem_s0, sem_s1)

    init_off = cid * (init_ref.shape[0] // 2) if init_ref.shape[0] == 2 * N_NODES else 0

    pltpu.sync_copy(init_ref.at[pl.ds(init_off + sid * RPS, RPS)],
                    acc.at[pl.ds(sid * RPS, RPS)])

    @pl.when(sid == 15)
    def _init_tail():
        pltpu.sync_copy(init_ref.at[pl.ds(init_off + 16 * RPS, N_NODES - 16 * RPS)],
                        acc.at[pl.ds(16 * RPS, N_NODES - 16 * RPS)])

    plsc.subcore_barrier()

    def fetch_start(t, b):
        pltpu.async_copy(recv_ref.at[chunk0 + base + t], idx[b], sem_f[b])
        pltpu.async_copy(msg_ref.at[pl.ds((base + t) * CH, CH)], rows[b], sem_f[b])

    def fetch_wait(b):
        pltpu.make_async_copy(recv_ref.at[0], idx[b], sem_f[b]).wait()
        pltpu.make_async_copy(msg_ref.at[pl.ds(0, CH)], rows[b], sem_f[b]).wait()

    def scat_start(b):
        pltpu.async_copy(rows[b], acc.at[idx[b]], sem_s[b], add=True)

    def scat_wait(b):
        pltpu.make_async_copy(rows[b], acc.at[idx[b]], sem_s[b]).wait()

    def pair(p, carry):
        for bb in range(2):
            t = p * 2 + bb
            b = bb

            @pl.when(t < count)
            def _fetch():
                @pl.when(t >= 2)
                def _scat_drain():
                    scat_wait(b)
                fetch_start(t, b)

            @pl.when((t >= 1) & (t <= count))
            def _scatter():
                fetch_wait(1 - b)
                scat_start(1 - b)

        return carry

    lax.fori_loop(0, _npairs(nchunks), pair, 0)
    scat_wait(0)
    scat_wait(1)

    plsc.subcore_barrier()
    pltpu.sync_copy(acc.at[pl.ds(sid * RPS, RPS)],
                    out_ref.at[pl.ds(cid * N_NODES + sid * RPS, RPS)])

    @pl.when(sid == 15)
    def _out_tail():
        pltpu.sync_copy(acc.at[pl.ds(16 * RPS, N_NODES - 16 * RPS)],
                        out_ref.at[pl.ds(cid * N_NODES + 16 * RPS,
                                         N_NODES - 16 * RPS)])


def _scatter_agg(chunk0, nchunks, recv2d, msg, init):
    mesh = plsc.VectorSubcoreMesh(core_axis_name="c", subcore_axis_name="s")
    return pl.kernel(
        functools.partial(_scatter_body, chunk0, nchunks),
        out_type=jax.ShapeDtypeStruct((2 * N_NODES, D), jnp.float32),
        mesh=mesh,
        scratch_types=[
            pltpu.VMEM((CH,), jnp.int32), pltpu.VMEM((CH,), jnp.int32),
            pltpu.VMEM((CH, D), jnp.float32), pltpu.VMEM((CH, D), jnp.float32),
            pltpu.VMEM_SHARED((N_NODES, D), jnp.float32),
            pltpu.SemaphoreType.DMA, pltpu.SemaphoreType.DMA,
            pltpu.SemaphoreType.DMA, pltpu.SemaphoreType.DMA,
        ],
    )(recv2d, msg, init)



def _node_mlp_body(x_ref, p0_ref, p1_ref, wn1a_ref, wn1b_ref, bn1_ref,
                   wn2_ref, bn2_ref, gn_ref, ben_ref, out_ref):
    x = x_ref[...]
    agg = p0_ref[...] + p1_ref[...]
    h = jnp.dot(x, wn1a_ref[...], preferred_element_type=jnp.float32)
    h = h + jnp.dot(agg, wn1b_ref[...], preferred_element_type=jnp.float32)
    h = jnp.maximum(h + bn1_ref[...], 0.0)
    upd = jnp.dot(h, wn2_ref[...], preferred_element_type=jnp.float32) + bn2_ref[...]
    out_ref[...] = _ln(x + upd, gn_ref[...], ben_ref[...])


def _node_mlp(x, partials, wn1a, wn1b, b_n1, w_n2, b_n2, g_n, be_n):
    blk = 2000
    grid = N_NODES // blk
    return pl.pallas_call(
        _node_mlp_body,
        grid=(grid,),
        in_specs=[
            pl.BlockSpec((blk, D), lambda i: (i, 0)),
            pl.BlockSpec((blk, D), lambda i: (i, 0)),
            pl.BlockSpec((blk, D), lambda i: (i + N_NODES // blk, 0)),
            pl.BlockSpec((D, D), lambda i: (0, 0)),
            pl.BlockSpec((D, D), lambda i: (0, 0)),
            pl.BlockSpec((1, D), lambda i: (0, 0)),
            pl.BlockSpec((D, D), lambda i: (0, 0)),
            pl.BlockSpec((1, D), lambda i: (0, 0)),
            pl.BlockSpec((1, D), lambda i: (0, 0)),
            pl.BlockSpec((1, D), lambda i: (0, 0)),
        ],
        out_specs=pl.BlockSpec((blk, D), lambda i: (i, 0)),
        out_shape=jax.ShapeDtypeStruct((N_NODES, D), jnp.float32),
    )(x, partials, partials, wn1a, wn1b, b_n1.reshape(1, D), w_n2,
      b_n2.reshape(1, D), g_n.reshape(1, D), be_n.reshape(1, D))



def kernel(x, edge_index, edge_attr, W_e1, b_e1, W_e2, b_e2, g_e, be_e,
           W_n1, b_n1, W_n2, b_n2, g_n, be_n):
    send2d = edge_index[0].astype(jnp.int32).reshape(NCHT, CH)
    recv2d = edge_index[1].astype(jnp.int32).reshape(NCHT, CH)

    w1s = W_e1[:D]
    w1r = W_e1[D:2 * D]
    w1e = W_e1[2 * D:]
    wn1a = W_n1[:D]
    wn1b = W_n1[D:]

    a, b = _premix(x, w1s, w1r, b_e1)

    offs = [sum(SLICES[:s]) for s in range(len(SLICES))]
    gathered = [_edge_gather(off, n, send2d, recv2d, a, b)
                for off, n in zip(offs, SLICES)]
    msgs = [_edge_mlp(g, edge_attr, off * CH // 2000, w1e, W_e2, b_e2, g_e, be_e)
            for (off, n), g in zip(zip(offs, SLICES), gathered)]

    partials = jnp.zeros((N_NODES, D), jnp.float32)
    for (off, n), m in zip(zip(offs, SLICES), msgs):
        partials = _scatter_agg(off, n, recv2d, m, partials)

    return _node_mlp(x, partials, wn1a, wn1b, b_n1, W_n2, b_n2, g_n, be_n)

# --- scband reference (transcript-rebuilt; emitter-appended) ---
"""Pipeline reference for scband-gnslayer-29592324670080 (READ-ONLY COPY).

The authoritative reference and input builder live on the scoring server;
editing this copy changes nothing except your own understanding.
"""

import jax, jax.numpy as jnp
import numpy as np

NODE_DIM = 128
EDGE_DIM = 16
HIDDEN_DIM = 128
N_NODES = 10000
N_EDGES = 320000


def _layer_norm(h, gamma, beta, eps=1e-5):
    mu = jnp.mean(h, axis=-1, keepdims=True)
    var = jnp.mean((h - mu) ** 2, axis=-1, keepdims=True)
    return (h - mu) / jnp.sqrt(var + eps) * gamma + beta


def setup_inputs(seed: int = 0) -> dict:
    key = jax.random.key(seed)
    ks = jax.random.split(key, 16)

    def lin(k, fan_in, fan_out):
        bound = 1.0 / np.sqrt(fan_in)
        kw, kb = jax.random.split(k)
        W = jax.random.uniform(kw, (fan_in, fan_out), jnp.float32, -bound, bound)
        b = jax.random.uniform(kb, (fan_out,), jnp.float32, -bound, bound)
        return W, b

    x = jax.random.normal(ks[0], (N_NODES, NODE_DIM), jnp.float32)
    edge_index = jax.random.randint(ks[1], (2, N_EDGES), 0, N_NODES, jnp.int64)
    edge_attr = jax.random.normal(ks[2], (N_EDGES, EDGE_DIM), jnp.float32)

    W_e1, b_e1 = lin(ks[3], NODE_DIM * 2 + EDGE_DIM, HIDDEN_DIM)
    W_e2, b_e2 = lin(ks[4], HIDDEN_DIM, HIDDEN_DIM)
    W_n1, b_n1 = lin(ks[5], HIDDEN_DIM + NODE_DIM, HIDDEN_DIM)
    W_n2, b_n2 = lin(ks[6], HIDDEN_DIM, NODE_DIM)
    g_e = jnp.ones((HIDDEN_DIM,), jnp.float32)
    be_e = jnp.zeros((HIDDEN_DIM,), jnp.float32)
    g_n = jnp.ones((NODE_DIM,), jnp.float32)
    be_n = jnp.zeros((NODE_DIM,), jnp.float32)

    return {
        "x": x, "edge_index": edge_index, "edge_attr": edge_attr,
        "W_e1": W_e1, "b_e1": b_e1, "W_e2": W_e2, "b_e2": b_e2,
        "g_e": g_e, "be_e": be_e,
        "W_n1": W_n1, "b_n1": b_n1, "W_n2": W_n2, "b_n2": b_n2,
        "g_n": g_n, "be_n": be_n,
    }


def reference(x, edge_index, edge_attr, W_e1, b_e1, W_e2, b_e2, g_e, be_e,
              W_n1, b_n1, W_n2, b_n2, g_n, be_n):
    senders = edge_index[0]
    receivers = edge_index[1]
    sender_features = x[senders]
    receiver_features = x[receivers]
    edge_input = jnp.concatenate([sender_features, receiver_features, edge_attr], axis=-1)
    h = jax.nn.relu(edge_input @ W_e1 + b_e1)
    edge_messages = jax.nn.relu(h @ W_e2 + b_e2)
    edge_messages = _layer_norm(edge_messages, g_e, be_e)
    node_agg = jnp.zeros((x.shape[0], edge_messages.shape[1]), x.dtype).at[receivers].add(edge_messages)
    node_input = jnp.concatenate([x, node_agg], axis=-1)
    h2 = jax.nn.relu(node_input @ W_n1 + b_n1)
    node_update = h2 @ W_n2 + b_n2
    out = x + node_update
    out = _layer_norm(out, g_n, be_n)
    return out


if False:  # reference __main__ guard neutralized (emitter)
    inp = setup_inputs()
    y = reference(**inp)
    print(y.shape, y.dtype)

if __name__ == "__main__":
    import jax
    _d = setup_inputs()
    print(jax.jit(kernel)(*tuple(_d.values())))

</pallas_src>

<mosaic_0001>
#map = affine_map<(d0, d1) -> (0, 0)>
module attributes {stable_mosaic.version = 14 : i64} {
  func.func @_gather_body(%arg0: i32, %arg1: i32, %arg2: memref<2500x128xi32, #tpu.memory_space<hbm>>, %arg3: memref<2500x128xi32, #tpu.memory_space<hbm>>, %arg4: memref<10000x128xf32, #tpu.memory_space<hbm>>, %arg5: memref<10000x128xf32, #tpu.memory_space<hbm>>, %arg6: memref<160000x64xf32, #tpu.memory_space<hbm>>, %arg7: memref<128xi32, #tpu.memory_space<vmem>>, %arg8: memref<128xi32, #tpu.memory_space<vmem>>, %arg9: memref<128xi32, #tpu.memory_space<vmem>>, %arg10: memref<128xi32, #tpu.memory_space<vmem>>, %arg11: memref<128x128xf32, #tpu.memory_space<vmem>>, %arg12: memref<128x128xf32, #tpu.memory_space<vmem>>, %arg13: memref<128x128xf32, #tpu.memory_space<vmem>>, %arg14: memref<128x128xf32, #tpu.memory_space<vmem>>, %arg15: memref<128x64xf32, #tpu.memory_space<vmem>>, %arg16: memref<128x64xf32, #tpu.memory_space<vmem>>, %arg17: memref<!tpu.dma_semaphore, #tpu.memory_space<semaphore_mem>>, %arg18: memref<!tpu.dma_semaphore, #tpu.memory_space<semaphore_mem>>, %arg19: memref<!tpu.dma_semaphore, #tpu.memory_space<semaphore_mem>>, %arg20: memref<!tpu.dma_semaphore, #tpu.memory_space<semaphore_mem>>, %arg21: memref<!tpu.dma_semaphore, #tpu.memory_space<semaphore_mem>>, %arg22: memref<!tpu.dma_semaphore, #tpu.memory_space<semaphore_mem>>) attributes {dimension_semantics = [#tpu.dimension_semantics<core_parallel>, #tpu.dimension_semantics<subcore_parallel>], iteration_bounds = array<i64: 2, 16>, scalar_prefetch = 0 : i64, scratch_operands = 16 : i64, tpu.core_type = #tpu.core_type<sc_vector_subcore>, window_params = [{transform_indices = #map}, {transform_indices = #map}, {transform_indices = #map}, {transform_indices = #map}, {transform_indices = #map}]} {
    %mul3A = arith.constant 2 : i32
    %mul3A_0 = arith.muli %arg1, %mul3A : i32
    %add3A = arith.addi %mul3A_0, %arg0 : i32
    %lt3A = arith.constant 2 : i32
    %lt3A_1 = arith.cmpi slt, %add3A, %lt3A : i32
    %convert_element_type3A = arith.extui %lt3A_1 : i1 to i32
    %add3A_2 = arith.constant 39 : i32
    %add3A_3 = arith.addi %add3A_2, %convert_element_type3A : i32
    %mul3A_4 = arith.constant 39 : i32
    %mul3A_5 = arith.muli %mul3A_4, %add3A : i32
    %min3A = arith.constant 2 : i32
    %min3A_6 = arith.minsi %add3A, %min3A : i32
    %add3A_7 = arith.addi %mul3A_5, %min3A_6 : i32
    %broadcast_in_dim3A = arith.constant 32768 : i32
    %broadcast_in_dim3A_8 = vector.broadcast %broadcast_in_dim3A : i32 to vector<16xi32>
    %broadcast_in_dim3A_9 = arith.constant -65536 : i32
    %broadcast_in_dim3A_10 = vector.broadcast %broadcast_in_dim3A_9 : i32 to vector<16xi32>
    %broadcast_in_dim3A_11 = arith.constant 16 : i32
    %broadcast_in_dim3A_12 = vector.broadcast %broadcast_in_dim3A_11 : i32 to vector<16xi32>
    %scan3A = arith.constant 0 : i32
    %scan3A_13 = arith.constant 0 : i32
    %scan3A_14 = arith.constant 22 : i32
    %scan3A_15 = arith.addi %scan3A_13, %scan3A_14 : i32
    %scan3A_16 = arith.constant 1 : i32
    scf.for %scan3A_29 = %scan3A_13 to %scan3A_15 step %scan3A_16  : i32 {
      %mul3A_30 = arith.constant 2 : i32
      %mul3A_31 = arith.muli %scan3A_29, %mul3A_30 : i32
      %add3A_32 = arith.constant 0 : i32
      %add3A_33 = arith.addi %mul3A_31, %add3A_32 : i32
      %ge3A = arith.constant 2 : i32
      %ge3A_34 = arith.cmpi sge, %add3A_33, %ge3A : i32
      %add3A_35 = arith.constant 1 : i32
      %add3A_36 = arith.addi %add3A_3, %add3A_35 : i32
      %le3A = arith.cmpi sle, %add3A_33, %add3A_36 : i32
      %and3A = arith.andi %ge3A_34, %le3A : i1
      %convert_element_type3A_37 = arith.extui %and3A : i1 to i32
      %cond3A = arith.constant 0 : i32
      %cond3A_38 = arith.cmpi ne, %convert_element_type3A_37, %cond3A : i32
      scf.if %cond3A_38 {
        %dma_wait3A_92 = arith.constant 0 : i32
        %dma_wait3A_93 = arith.constant 0 : i32
        %dma_wait3A_94 = tpu.memref_slice %arg4[%dma_wait3A_92, %dma_wait3A_93] : memref<10000x128xf32, #tpu.memory_space<hbm>> -> memref<10000x128xf32, #tpu.memory_space<hbm>>
        tpu.wait_indirect_dma semaphore(%arg19 : memref<!tpu.dma_semaphore, #tpu.memory_space<semaphore_mem>>) src(%dma_wait3A_94 : memref<10000x128xf32, #tpu.memory_space<hbm>>) dst(%arg11 : memref<128x128xf32, #tpu.memory_space<vmem>>)
        %dma_wait3A_95 = arith.constant 0 : i32
        %dma_wait3A_96 = arith.constant 0 : i32
        %dma_wait3A_97 = tpu.memref_slice %arg5[%dma_wait3A_95, %dma_wait3A_96] : memref<10000x128xf32, #tpu.memory_space<hbm>> -> memref<10000x128xf32, #tpu.memory_space<hbm>>
        tpu.wait_indirect_dma semaphore(%arg19 : memref<!tpu.dma_semaphore, #tpu.memory_space<semaphore_mem>>) src(%dma_wait3A_97 : memref<10000x128xf32, #tpu.memory_space<hbm>>) dst(%arg13 : memref<128x128xf32, #tpu.memory_space<vmem>>)
      } else {
      }
      %lt3A_39 = arith.cmpi slt, %add3A_33, %add3A_3 : i32
      %convert_element_type3A_40 = arith.extui %lt3A_39 : i1 to i32
      %cond3A_41 = arith.constant 0 : i32
      %cond3A_42 = arith.cmpi ne, %convert_element_type3A_40, %cond3A_41 : i32
      scf.if %cond3A_42 {
        %add3A_92 = arith.constant 0 : i32
        %add3A_93 = arith.addi %add3A_92, %add3A_7 : i32
        %add3A_94 = arith.addi %add3A_93, %add3A_33 : i32
        %dma_start3A = arith.constant 0 : i32
        %dma_start3A_95 = tpu.memref_slice %arg2[%add3A_94, %dma_start3A] : memref<2500x128xi32, #tpu.memory_space<hbm>> -> memref<1x128xi32, #tpu.memory_space<hbm>>
        %dma_start3A_96 = tpu.memref_squeeze %dma_start3A_95 : memref<1x128xi32, #tpu.memory_space<hbm>> -> memref<128xi32, #tpu.memory_space<hbm>>
        %dma_start3A_97 = arith.constant 0 : i32
        %dma_start3A_98 = tpu.memref_slice %arg2[%add3A_94, %dma_start3A_97] : memref<2500x128xi32, #tpu.memory_space<hbm>> -> memref<1x128xi32, #tpu.memory_space<hbm>>
        %dma_start3A_99 = tpu.memref_squeeze %dma_start3A_98 : memref<1x128xi32, #tpu.memory_space<hbm>> -> memref<128xi32, #tpu.memory_space<hbm>>
        tpu.enqueue_dma source(%dma_start3A_99 : memref<128xi32, #tpu.memory_space<hbm>>) target(%arg7 : memref<128xi32, #tpu.memory_space<vmem>>) target_semaphore(%arg17 : memref<!tpu.dma_semaphore, #tpu.memory_space<semaphore_mem>>)
        %add3A_100 = arith.constant 0 : i32
        %add3A_101 = arith.addi %add3A_100, %add3A_7 : i32
        %add3A_102 = arith.addi %add3A_101, %add3A_33 : i32
        %dma_start3A_103 = arith.constant 0 : i32
        %dma_start3A_104 = tpu.memref_slice %arg3[%add3A_102, %dma_start3A_103] : memref<2500x128xi32, #tpu.memory_space<hbm>> -> memref<1x128xi32, #tpu.memory_space<hbm>>
        %dma_start3A_105 = tpu.memref_squeeze %dma_start3A_104 : memref<1x128xi32, #tpu.memory_space<hbm>> -> memref<128xi32, #tpu.memory_space<hbm>>
        %dma_start3A_106 = arith.constant 0 : i32
        %dma_start3A_107 = tpu.memref_slice %arg3[%add3A_102, %dma_start3A_106] : memref<2500x128xi32, #tpu.memory_space<hbm>> -> memref<1x128xi32, #tpu.memory_space<hbm>>
        %dma_start3A_108 = tpu.memref_squeeze %dma_start3A_107 : memref<1x128xi32, #tpu.memory_space<hbm>> -> memref<128xi32, #tpu.memory_space<hbm>>
        tpu.enqueue_dma source(%dma_start3A_108 : memref<128xi32, #tpu.memory_space<hbm>>) target(%arg9 : memref<128xi32, #tpu.memory_space<vmem>>) target_semaphore(%arg17 : memref<!tpu.dma_semaphore, #tpu.memory_space<semaphore_mem>>)
      } else {
      }
      %ge3A_43 = arith.constant 1 : i32
      %ge3A_44 = arith.cmpi sge, %add3A_33, %ge3A_43 : i32
      %le3A_45 = arith.cmpi sle, %add3A_33, %add3A_3 : i32
      %and3A_46 = arith.andi %ge3A_44, %le3A_45 : i1
      %convert_element_type3A_47 = arith.extui %and3A_46 : i1 to i32
      %cond3A_48 = arith.constant 0 : i32
      %cond3A_49 = arith.cmpi ne, %convert_element_type3A_47, %cond3A_48 : i32
      scf.if %cond3A_49 {
        %dma_wait3A_92 = arith.constant 0 : i32
        %dma_wait3A_93 = arith.constant 0 : i32
        %dma_wait3A_94 = tpu.memref_slice %arg2[%dma_wait3A_92, %dma_wait3A_93] : memref<2500x128xi32, #tpu.memory_space<hbm>> -> memref<1x128xi32, #tpu.memory_space<hbm>>
        %dma_wait3A_95 = tpu.memref_squeeze %dma_wait3A_94 : memref<1x128xi32, #tpu.memory_space<hbm>> -> memref<128xi32, #tpu.memory_space<hbm>>
        %dma_wait3A_96 = arith.constant 0 : i32
        %dma_wait3A_97 = tpu.memref_slice %arg2[%dma_wait3A_92, %dma_wait3A_96] : memref<2500x128xi32, #tpu.memory_space<hbm>> -> memref<1x128xi32, #tpu.memory_space<hbm>>
        %dma_wait3A_98 = tpu.memref_squeeze %dma_wait3A_97 : memref<1x128xi32, #tpu.memory_space<hbm>> -> memref<128xi32, #tpu.memory_space<hbm>>
        tpu.wait_dma2 semaphore(%arg18 : memref<!tpu.dma_semaphore, #tpu.memory_space<semaphore_mem>>) src(%dma_wait3A_98 : memref<128xi32, #tpu.memory_space<hbm>>) dst(%arg8 : memref<128xi32, #tpu.memory_space<vmem>>)
        %dma_wait3A_99 = arith.constant 0 : i32
        %dma_wait3A_100 = arith.constant 0 : i32
        %dma_wait3A_101 = tpu.memref_slice %arg3[%dma_wait3A_99, %dma_wait3A_100] : memref<2500x128xi32, #tpu.memory_space<hbm>> -> memref<1x128xi32, #tpu.memory_space<hbm>>
        %dma_wait3A_102 = tpu.memref_squeeze %dma_wait3A_101 : memref<1x128xi32, #tpu.memory_space<hbm>> -> memref<128xi32, #tpu.memory_space<hbm>>
        %dma_wait3A_103 = arith.constant 0 : i32
        %dma_wait3A_104 = tpu.memref_slice %arg3[%dma_wait3A_99, %dma_wait3A_103] : memref<2500x128xi32, #tpu.memory_space<hbm>> -> memref<1x128xi32, #tpu.memory_space<hbm>>
        %dma_wait3A_105 = tpu.memref_squeeze %dma_wait3A_104 : memref<1x128xi32, #tpu.memory_space<hbm>> -> memref<128xi32, #tpu.memory_space<hbm>>
        tpu.wait_dma2 semaphore(%arg18 : memref<!tpu.dma_semaphore, #tpu.memory_space<semaphore_mem>>) src(%dma_wait3A_105 : memref<128xi32, #tpu.memory_space<hbm>>) dst(%arg10 : memref<128xi32, #tpu.memory_space<vmem>>)
        %dma_start3A = arith.constant 0 : i32
        %dma_start3A_106 = arith.constant 0 : i32
        %dma_start3A_107 = tpu.memref_slice %arg4[%dma_start3A, %dma_start3A_106] : memref<10000x128xf32, #tpu.memory_space<hbm>> -> memref<10000x128xf32, #tpu.memory_space<hbm>>
        tpu.enqueue_indirect_dma source(%dma_start3A_107 : memref<10000x128xf32, #tpu.memory_space<hbm>>) target(%arg12 : memref<128x128xf32, #tpu.memory_space<vmem>>) offsets(%arg8 : memref<128xi32, #tpu.memory_space<vmem>>) semaphore(%arg20 : memref<!tpu.dma_semaphore, #tpu.memory_space<semaphore_mem>>)
        %dma_start3A_108 = arith.constant 0 : i32
        %dma_start3A_109 = arith.constant 0 : i32
        %dma_start3A_110 = tpu.memref_slice %arg5[%dma_start3A_108, %dma_start3A_109] : memref<10000x128xf32, #tpu.memory_space<hbm>> -> memref<10000x128xf32, #tpu.memory_space<hbm>>
        tpu.enqueue_indirect_dma source(%dma_start3A_110 : memref<10000x128xf32, #tpu.memory_space<hbm>>) target(%arg14 : memref<128x128xf32, #tpu.memory_space<vmem>>) offsets(%arg10 : memref<128xi32, #tpu.memory_space<vmem>>) semaphore(%arg20 : memref<!tpu.dma_semaphore, #tpu.memory_space<semaphore_mem>>)
      } else {
      }
      %ge3A_50 = arith.constant 2 : i32
      %ge3A_51 = arith.cmpi sge, %add3A_33, %ge3A_50 : i32
      %add3A_52 = arith.constant 1 : i32
      %add3A_53 = arith.addi %add3A_3, %add3A_52 : i32
      %le3A_54 = arith.cmpi sle, %add3A_33, %add3A_53 : i32
      %and3A_55 = arith.andi %ge3A_51, %le3A_54 : i1
      %convert_element_type3A_56 = arith.extui %and3A_55 : i1 to i32
      %cond3A_57 = arith.constant 0 : i32
      %cond3A_58 = arith.cmpi ne, %convert_element_type3A_56, %cond3A_57 : i32
      scf.if %cond3A_58 {
        %ge3A_92 = arith.constant 4 : i32
        %ge3A_93 = arith.cmpi sge, %add3A_33, %ge3A_92 : i32
        %convert_element_type3A_94 = arith.extui %ge3A_93 : i1 to i32
        %cond3A_95 = arith.constant 0 : i32
        %cond3A_96 = arith.cmpi ne, %convert_element_type3A_94, %cond3A_95 : i32
        scf.if %cond3A_96 {
          %dma_wait3A_110 = arith.constant 0 : i32
          %dma_wait3A_111 = arith.constant 0 : i32
          %dma_wait3A_112 = tpu.memref_slice %arg6[%dma_wait3A_110, %dma_wait3A_111] : memref<160000x64xf32, #tpu.memory_space<hbm>> -> memref<128x64xf32, #tpu.memory_space<hbm>>
          %dma_wait3A_113 = arith.constant 0 : i32
          %dma_wait3A_114 = arith.constant 0 : i32
          %dma_wait3A_115 = tpu.memref_slice %arg6[%dma_wait3A_113, %dma_wait3A_114] : memref<160000x64xf32, #tpu.memory_space<hbm>> -> memref<128x64xf32, #tpu.memory_space<hbm>>
          tpu.wait_dma2 semaphore(%arg21 : memref<!tpu.dma_semaphore, #tpu.memory_space<semaphore_mem>>) src(%arg15 : memref<128x64xf32, #tpu.memory_space<vmem>>) dst(%dma_wait3A_115 : memref<128x64xf32, #tpu.memory_space<hbm>>)
        } else {
        }
        %sub3A = arith.constant 2 : i32
        %sub3A_97 = arith.subi %add3A_33, %sub3A : i32
        %scan3A_98 = arith.constant 0 : i32
        %scan3A_99 = arith.constant 0 : i32
        %scan3A_100 = arith.constant 64 : i32
        %scan3A_101 = arith.addi %scan3A_99, %scan3A_100 : i32
        %scan3A_102 = arith.constant 1 : i32
        scf.for %scan3A_110 = %scan3A_99 to %scan3A_101 step %scan3A_102  : i32 {
          %mul3A_111 = arith.constant 2 : i32
          %mul3A_112 = arith.muli %scan3A_110, %mul3A_111 : i32
          %add3A_113 = arith.constant 0 : i32
          %add3A_114 = arith.addi %mul3A_112, %add3A_113 : i32
          %get3A = arith.index_cast %add3A_114 : i32 to index
          %get3A_115 = arith.constant 0 : index
          %get3A_116 = tpu.vector_load %arg11[%get3A, %get3A_115] {strides = array<i32>} : memref<128x128xf32, #tpu.memory_space<vmem>>, vector<1x16xf32>,
          %get3A_117 = vector.shape_cast %get3A_116 : vector<1x16xf32> to vector<16xf32>
          %get3A_118 = arith.index_cast %add3A_114 : i32 to index
          %get3A_119 = arith.constant 0 : index
          %get3A_120 = tpu.vector_load %arg13[%get3A_118, %get3A_119] {strides = array<i32>} : memref<128x128xf32, #tpu.memory_space<vmem>>, vector<1x16xf32>,
          %get3A_121 = vector.shape_cast %get3A_120 : vector<1x16xf32> to vector<16xf32>
          %add3A_122 = arith.addf %get3A_117, %get3A_121 : vector<16xf32>
          %get3A_123 = arith.index_cast %add3A_114 : i32 to index
          %get3A_124 = arith.constant 64 : index
          %get3A_125 = tpu.vector_load %arg11[%get3A_123, %get3A_124] {strides = array<i32>} : memref<128x128xf32, #tpu.memory_space<vmem>>, vector<1x16xf32>,
          %get3A_126 = vector.shape_cast %get3A_125 : vector<1x16xf32> to vector<16xf32>
          %get3A_127 = arith.index_cast %add3A_114 : i32 to index
          %get3A_128 = arith.constant 64 : index
          %get3A_129 = tpu.vector_load %arg13[%get3A_127, %get3A_128] {strides = array<i32>} : memref<128x128xf32, #tpu.memory_space<vmem>>, vector<1x16xf32>,
          %get3A_130 = vector.shape_cast %get3A_129 : vector<1x16xf32> to vector<16xf32>
          %add3A_131 = arith.addf %get3A_126, %get3A_130 : vector<16xf32>
          %bitcast_convert_type3A = tpu.bitcast %add3A_122 : vector<16xf32> -> vector<16xi32>
          %bitcast_convert_type3A_132 = tpu.bitcast %add3A_131 : vector<16xf32> -> vector<16xi32>
          %add3A_133 = arith.addi %bitcast_convert_type3A, %broadcast_in_dim3A_8 : vector<16xi32>
          %shift_right_logical3A = arith.shrui %add3A_133, %broadcast_in_dim3A_12 : vector<16xi32>
          %add3A_134 = arith.addi %bitcast_convert_type3A_132, %broadcast_in_dim3A_8 : vector<16xi32>
          %and3A_135 = arith.andi %add3A_134, %broadcast_in_dim3A_10 : vector<16xi32>
          %or3A = arith.ori %shift_right_logical3A, %and3A_135 : vector<16xi32>
          %bitcast_convert_type3A_136 = tpu.bitcast %or3A : vector<16xi32> -> vector<16xf32>
          %swap3A = arith.index_cast %add3A_114 : i32 to index
          %swap3A_137 = arith.constant 0 : index
          %swap3A_138 = tpu.vector_load %arg15[%swap3A, %swap3A_137] {strides = array<i32>} : memref<128x64xf32, #tpu.memory_space<vmem>>, vector<1x16xf32>,
          %swap3A_139 = vector.shape_cast %swap3A_138 : vector<1x16xf32> to vector<16xf32>
          %swap3A_140 = vector.shape_cast %bitcast_convert_type3A_136 : vector<16xf32> to vector<1x16xf32>
          tpu.vector_store %arg15[%swap3A, %swap3A_137], %swap3A_140 {strides = array<i32>} : memref<128x64xf32, #tpu.memory_space<vmem>>, vector<1x16xf32>,
          %get3A_141 = arith.index_cast %add3A_114 : i32 to index
          %get3A_142 = arith.constant 16 : index
          %get3A_143 = tpu.vector_load %arg11[%get3A_141, %get3A_142] {strides = array<i32>} : memref<128x128xf32, #tpu.memory_space<vmem>>, vector<1x16xf32>,
          %get3A_144 = vector.shape_cast %get3A_143 : vector<1x16xf32> to vector<16xf32>
          %get3A_145 = arith.index_cast %add3A_114 : i32 to index
          %get3A_146 = arith.constant 16 : index
          %get3A_147 = tpu.vector_load %arg13[%get3A_145, %get3A_146] {strides = array<i32>} : memref<128x128xf32, #tpu.memory_space<vmem>>, vector<1x16xf32>,
          %get3A_148 = vector.shape_cast %get3A_147 : vector<1x16xf32> to vector<16xf32>
          %add3A_149 = arith.addf %get3A_144, %get3A_148 : vector<16xf32>
          %get3A_150 = arith.index_cast %add3A_114 : i32 to index
          %get3A_151 = arith.constant 80 : index
          %get3A_152 = tpu.vector_load %arg11[%get3A_150, %get3A_151] {strides = array<i32>} : memref<128x128xf32, #tpu.memory_space<vmem>>, vector<1x16xf32>,
          %get3A_153 = vector.shape_cast %get3A_152 : vector<1x16xf32> to vector<16xf32>
          %get3A_154 = arith.index_cast %add3A_114 : i32 to index
          %get3A_155 = arith.constant 80 : index
          %get3A_156 = tpu.vector_load %arg13[%get3A_154, %get3A_155] {strides = array<i32>} : memref<128x128xf32, #tpu.memory_space<vmem>>, vector<1x16xf32>,
          %get3A_157 = vector.shape_cast %get3A_156 : vector<1x16xf32> to vector<16xf32>
          %add3A_158 = arith.addf %get3A_153, %get3A_157 : vector<16xf32>
          %bitcast_convert_type3A_159 = tpu.bitcast %add3A_149 : vector<16xf32> -> vector<16xi32>
          %bitcast_convert_type3A_160 = tpu.bitcast %add3A_158 : vector<16xf32> -> vector<16xi32>
          %add3A_161 = arith.addi %bitcast_convert_type3A_159, %broadcast_in_dim3A_8 : vector<16xi32>
          %shift_right_logical3A_162 = arith.shrui %add3A_161, %broadcast_in_dim3A_12 : vector<16xi32>
          %add3A_163 = arith.addi %bitcast_convert_type3A_160, %broadcast_in_dim3A_8 : vector<16xi32>
          %and3A_164 = arith.andi %add3A_163, %broadcast_in_dim3A_10 : vector<16xi32>
          %or3A_165 = arith.ori %shift_right_logical3A_162, %and3A_164 : vector<16xi32>
          %bitcast_convert_type3A_166 = tpu.bitcast %or3A_165 : vector<16xi32> -> vector<16xf32>
          %swap3A_167 = arith.index_cast %add3A_114 : i32 to index
          %swap3A_168 = arith.constant 16 : index
          %swap3A_169 = tpu.vector_load %arg15[%swap3A_167, %swap3A_168] {strides = array<i32>} : memref<128x64xf32, #tpu.memory_space<vmem>>, vector<1x16xf32>,
          %swap3A_170 = vector.shape_cast %swap3A_169 : vector<1x16xf32> to vector<16xf32>
          %swap3A_171 = vector.shape_cast %bitcast_convert_type3A_166 : vector<16xf32> to vector<1x16xf32>
          tpu.vector_store %arg15[%swap3A_167, %swap3A_168], %swap3A_171 {strides = array<i32>} : memref<128x64xf32, #tpu.memory_space<vmem>>, vector<1x16xf32>,
          %get3A_172 = arith.index_cast %add3A_114 : i32 to index
          %get3A_173 = arith.constant 32 : index
          %get3A_174 = tpu.vector_load %arg11[%get3A_172, %get3A_173] {strides = array<i32>} : memref<128x128xf32, #tpu.memory_space<vmem>>, vector<1x16xf32>,
          %get3A_175 = vector.shape_cast %get3A_174 : vector<1x16xf32> to vector<16xf32>
          %get3A_176 = arith.index_cast %add3A_114 : i32 to index
          %get3A_177 = arith.constant 32 : index
          %get3A_178 = tpu.vector_load %arg13[%get3A_176, %get3A_177] {strides = array<i32>} : memref<128x128xf32, #tpu.memory_space<vmem>>, vector<1x16xf32>,
          %get3A_179 = vector.shape_cast %get3A_178 : vector<1x16xf32> to vector<16xf32>
          %add3A_180 = arith.addf %get3A_175, %get3A_179 : vector<16xf32>
          %get3A_181 = arith.index_cast %add3A_114 : i32 to index
          %get3A_182 = arith.constant 96 : index
          %get3A_183 = tpu.vector_load %arg11[%get3A_181, %get3A_182] {strides = array<i32>} : memref<128x128xf32, #tpu.memory_space<vmem>>, vector<1x16xf32>,
          %get3A_184 = vector.shape_cast %get3A_183 : vector<1x16xf32> to vector<16xf32>
          %get3A_185 = arith.index_cast %add3A_114 : i32 to index
          %get3A_186 = arith.constant 96 : index
          %get3A_187 = tpu.vector_load %arg13[%get3A_185, %get3A_186] {strides = array<i32>} : memref<128x128xf32, #tpu.memory_space<vmem>>, vector<1x16xf32>,
          %get3A_188 = vector.shape_cast %get3A_187 : vector<1x16xf32> to vector<16xf32>
          %add3A_189 = arith.addf %get3A_184, %get3A_188 : vector<16xf32>
          %bitcast_convert_type3A_190 = tpu.bitcast %add3A_180 : vector<16xf32> -> vector<16xi32>
          %bitcast_convert_type3A_191 = tpu.bitcast %add3A_189 : vector<16xf32> -> vector<16xi32>
          %add3A_192 = arith.addi %bitcast_convert_type3A_190, %broadcast_in_dim3A_8 : vector<16xi32>
          %shift_right_logical3A_193 = arith.shrui %add3A_192, %broadcast_in_dim3A_12 : vector<16xi32>
          %add3A_194 = arith.addi %bitcast_convert_type3A_191, %broadcast_in_dim3A_8 : vector<16xi32>
          %and3A_195 = arith.andi %add3A_194, %broadcast_in_dim3A_10 : vector<16xi32>
          %or3A_196 = arith.ori %shift_right_logical3A_193, %and3A_195 : vector<16xi32>
          %bitcast_convert_type3A_197 = tpu.bitcast %or3A_196 : vector<16xi32> -> vector<16xf32>
          %swap3A_198 = arith.index_cast %add3A_114 : i32 to index
          %swap3A_199 = arith.constant 32 : index
          %swap3A_200 = tpu.vector_load %arg15[%swap3A_198, %swap3A_199] {strides = array<i32>} : memref<128x64xf32, #tpu.memory_space<vmem>>, vector<1x16xf32>,
          %swap3A_201 = vector.shape_cast %swap3A_200 : vector<1x16xf32> to vector<16xf32>
          %swap3A_202 = vector.shape_cast %bitcast_convert_type3A_197 : vector<16xf32> to vector<1x16xf32>
          tpu.vector_store %arg15[%swap3A_198, %swap3A_199], %swap3A_202 {strides = array<i32>} : memref<128x64xf32, #tpu.memory_space<vmem>>, vector<1x16xf32>,
          %get3A_203 = arith.index_cast %add3A_114 : i32 to index
          %get3A_204 = arith.constant 48 : index
          %get3A_205 = tpu.vector_load %arg11[%get3A_203, %get3A_204] {strides = array<i32>} : memref<128x128xf32, #tpu.memory_space<vmem>>, vector<1x16xf32>,
          %get3A_206 = vector.shape_cast %get3A_205 : vector<1x16xf32> to vector<16xf32>
          %get3A_207 = arith.index_cast %add3A_114 : i32 to index
          %get3A_208 = arith.constant 48 : index
          %get3A_209 = tpu.vector_load %arg13[%get3A_207, %get3A_208] {strides = array<i32>} : memref<128x128xf32, #tpu.memory_space<vmem>>, vector<1x16xf32>,
          %get3A_210 = vector.shape_cast %get3A_209 : vector<1x16xf32> to vector<16xf32>
          %add3A_211 = arith.addf %get3A_206, %get3A_210 : vector<16xf32>
          %get3A_212 = arith.index_cast %add3A_114 : i32 to index
          %get3A_213 = arith.constant 112 : index
          %get3A_214 = tpu.vector_load %arg11[%get3A_212, %get3A_213] {strides = array<i32>} : memref<128x128xf32, #tpu.memory_space<vmem>>, vector<1x16xf32>,
          %get3A_215 = vector.shape_cast %get3A_214 : vector<1x16xf32> to vector<16xf32>
          %get3A_216 = arith.index_cast %add3A_114 : i32 to index
          %get3A_217 = arith.constant 112 : index
          %get3A_218 = tpu.vector_load %arg13[%get3A_216, %get3A_217] {strides = array<i32>} : memref<128x128xf32, #tpu.memory_space<vmem>>, vector<1x16xf32>,
          %get3A_219 = vector.shape_cast %get3A_218 : vector<1x16xf32> to vector<16xf32>
          %add3A_220 = arith.addf %get3A_215, %get3A_219 : vector<16xf32>
          %bitcast_convert_type3A_221 = tpu.bitcast %add3A_211 : vector<16xf32> -> vector<16xi32>
          %bitcast_convert_type3A_222 = tpu.bitcast %add3A_220 : vector<16xf32> -> vector<16xi32>
          %add3A_223 = arith.addi %bitcast_convert_type3A_221, %broadcast_in_dim3A_8 : vector<16xi32>
          %shift_right_logical3A_224 = arith.shrui %add3A_223, %broadcast_in_dim3A_12 : vector<16xi32>
          %add3A_225 = arith.addi %bitcast_convert_type3A_222, %broadcast_in_dim3A_8 : vector<16xi32>
          %and3A_226 = arith.andi %add3A_225, %broadcast_in_dim3A_10 : vector<16xi32>
          %or3A_227 = arith.ori %shift_right_logical3A_224, %and3A_226 : vector<16xi32>
          %bitcast_convert_type3A_228 = tpu.bitcast %or3A_227 : vector<16xi32> -> vector<16xf32>
          %swap3A_229 = arith.index_cast %add3A_114 : i32 to index
          %swap3A_230 = arith.constant 48 : index
          %swap3A_231 = tpu.vector_load %arg15[%swap3A_229, %swap3A_230] {strides = array<i32>} : memref<128x64xf32, #tpu.memory_space<vmem>>, vector<1x16xf32>,
          %swap3A_232 = vector.shape_cast %swap3A_231 : vector<1x16xf32> to vector<16xf32>
          %swap3A_233 = vector.shape_cast %bitcast_convert_type3A_228 : vector<16xf32> to vector<1x16xf32>
          tpu.vector_store %arg15[%swap3A_229, %swap3A_230], %swap3A_233 {strides = array<i32>} : memref<128x64xf32, #tpu.memory_space<vmem>>, vector<1x16xf32>,
          %mul3A_234 = arith.constant 2 : i32
          %mul3A_235 = arith.muli %scan3A_110, %mul3A_234 : i32
          %add3A_236 = arith.constant 1 : i32
          %add3A_237 = arith.addi %mul3A_235, %add3A_236 : i32
          %get3A_238 = arith.index_cast %add3A_237 : i32 to index
          %get3A_239 = arith.constant 0 : index
          %get3A_240 = tpu.vector_load %arg11[%get3A_238, %get3A_239] {strides = array<i32>} : memref<128x128xf32, #tpu.memory_space<vmem>>, vector<1x16xf32>,
          %get3A_241 = vector.shape_cast %get3A_240 : vector<1x16xf32> to vector<16xf32>
          %get3A_242 = arith.index_cast %add3A_237 : i32 to index
          %get3A_243 = arith.constant 0 : index
          %get3A_244 = tpu.vector_load %arg13[%get3A_242, %get3A_243] {strides = array<i32>} : memref<128x128xf32, #tpu.memory_space<vmem>>, vector<1x16xf32>,
          %get3A_245 = vector.shape_cast %get3A_244 : vector<1x16xf32> to vector<16xf32>
          %add3A_246 = arith.addf %get3A_241, %get3A_245 : vector<16xf32>
          %get3A_247 = arith.index_cast %add3A_237 : i32 to index
          %get3A_248 = arith.constant 64 : index
          %get3A_249 = tpu.vector_load %arg11[%get3A_247, %get3A_248] {strides = array<i32>} : memref<128x128xf32, #tpu.memory_space<vmem>>, vector<1x16xf32>,
          %get3A_250 = vector.shape_cast %get3A_249 : vector<1x16xf32> to vector<16xf32>
          %get3A_251 = arith.index_cast %add3A_237 : i32 to index
          %get3A_252 = arith.constant 64 : index
          %get3A_253 = tpu.vector_load %arg13[%get3A_251, %get3A_252] {strides = array<i32>} : memref<128x128xf32, #tpu.memory_space<vmem>>, vector<1x16xf32>,
          %get3A_254 = vector.shape_cast %get3A_253 : vector<1x16xf32> to vector<16xf32>
          %add3A_255 = arith.addf %get3A_250, %get3A_254 : vector<16xf32>
          %bitcast_convert_type3A_256 = tpu.bitcast %add3A_246 : vector<16xf32> -> vector<16xi32>
          %bitcast_convert_type3A_257 = tpu.bitcast %add3A_255 : vector<16xf32> -> vector<16xi32>
          %add3A_258 = arith.addi %bitcast_convert_type3A_256, %broadcast_in_dim3A_8 : vector<16xi32>
          %shift_right_logical3A_259 = arith.shrui %add3A_258, %broadcast_in_dim3A_12 : vector<16xi32>
          %add3A_260 = arith.addi %bitcast_convert_type3A_257, %broadcast_in_dim3A_8 : vector<16xi32>
          %and3A_261 = arith.andi %add3A_260, %broadcast_in_dim3A_10 : vector<16xi32>
          %or3A_262 = arith.ori %shift_right_logical3A_259, %and3A_261 : vector<16xi32>
          %bitcast_convert_type3A_263 = tpu.bitcast %or3A_262 : vector<16xi32> -> vector<16xf32>
          %swap3A_264 = arith.index_cast %add3A_237 : i32 to index
          %swap3A_265 = arith.constant 0 : index
          %swap3A_266 = tpu.vector_load %arg15[%swap3A_264, %swap3A_265] {strides = array<i32>} : memref<128x64xf32, #tpu.memory_space<vmem>>, vector<1x16xf32>,
          %swap3A_267 = vector.shape_cast %swap3A_266 : vector<1x16xf32> to vector<16xf32>
          %swap3A_268 = vector.shape_cast %bitcast_convert_type3A_263 : vector<16xf32> to vector<1x16xf32>
          tpu.vector_store %arg15[%swap3A_264, %swap3A_265], %swap3A_268 {strides = array<i32>} : memref<128x64xf32, #tpu.memory_space<vmem>>, vector<1x16xf32>,
          %get3A_269 = arith.index_cast %add3A_237 : i32 to index
          %get3A_270 = arith.constant 16 : index
          %get3A_271 = tpu.vector_load %arg11[%get3A_269, %get3A_270] {strides = array<i32>} : memref<128x128xf32, #tpu.memory_space<vmem>>, vector<1x16xf32>,
          %get3A_272 = vector.shape_cast %get3A_271 : vector<1x16xf32> to vector<16xf32>
          %get3A_273 = arith.index_cast %add3A_237 : i32 to index
          %get3A_274 = arith.constant 16 : index
          %get3A_275 = tpu.vector_load %arg13[%get3A_273, %get3A_274] {strides = array<i32>} : memref<128x128xf32, #tpu.memory_space<vmem>>, vector<1x16xf32>,
          %get3A_276 = vector.shape_cast %get3A_275 : vector<1x16xf32> to vector<16xf32>
          %add3A_277 = arith.addf %get3A_272, %get3A_276 : vector<16xf32>
          %get3A_278 = arith.index_cast %add3A_237 : i32 to index
          %get3A_279 = arith.constant 80 : index
          %get3A_280 = tpu.vector_load %arg11[%get3A_278, %get3A_279] {strides = array<i32>} : memref<128x128xf32, #tpu.memory_space<vmem>>, vector<1x16xf32>,
          %get3A_281 = vector.shape_cast %get3A_280 : vector<1x16xf32> to vector<16xf32>
          %get3A_282 = arith.index_cast %add3A_237 : i32 to index
          %get3A_283 = arith.constant 80 : index
          %get3A_284 = tpu.vector_load %arg13[%get3A_282, %get3A_283] {strides = array<i32>} : memref<128x128xf32, #tpu.memory_space<vmem>>, vector<1x16xf32>,
          %get3A_285 = vector.shape_cast %get3A_284 : vector<1x16xf32> to vector<16xf32>
          %add3A_286 = arith.addf %get3A_281, %get3A_285 : vector<16xf32>
          %bitcast_convert_type3A_287 = tpu.bitcast %add3A_277 : vector<16xf32> -> vector<16xi32>
          %bitcast_convert_type3A_288 = tpu.bitcast %add3A_286 : vector<16xf32> -> vector<16xi32>
          %add3A_289 = arith.addi %bitcast_convert_type3A_287, %broadcast_in_dim3A_8 : vector<16xi32>
          %shift_right_logical3A_290 = arith.shrui %add3A_289, %broadcast_in_dim3A_12 : vector<16xi32>
          %add3A_291 = arith.addi %bitcast_convert_type3A_288, %broadcast_in_dim3A_8 : vector<16xi32>
          %and3A_292 = arith.andi %add3A_291, %broadcast_in_dim3A_10 : vector<16xi32>
          %or3A_293 = arith.ori %shift_right_logical3A_290, %and3A_292 : vector<16xi32>
          %bitcast_convert_type3A_294 = tpu.bitcast %or3A_293 : vector<16xi32> -> vector<16xf32>
          %swap3A_295 = arith.index_cast %add3A_237 : i32 to index
          %swap3A_296 = arith.constant 16 : index
          %swap3A_297 = tpu.vector_load %arg15[%swap3A_295, %swap3A_296] {strides = array<i32>} : memref<128x64xf32, #tpu.memory_space<vmem>>, vector<1x16xf32>,
          %swap3A_298 = vector.shape_cast %swap3A_297 : vector<1x16xf32> to vector<16xf32>
          %swap3A_299 = vector.shape_cast %bitcast_convert_type3A_294 : vector<16xf32> to vector<1x16xf32>
          tpu.vector_store %arg15[%swap3A_295, %swap3A_296], %swap3A_299 {strides = array<i32>} : memref<128x64xf32, #tpu.memory_space<vmem>>, vector<1x16xf32>,
          %get3A_300 = arith.index_cast %add3A_237 : i32 to index
          %get3A_301 = arith.constant 32 : index
          %get3A_302 = tpu.vector_load %arg11[%get3A_300, %get3A_301] {strides = array<i32>} : memref<128x128xf32, #tpu.memory_space<vmem>>, vector<1x16xf32>,
          %get3A_303 = vector.shape_cast %get3A_302 : vector<1x16xf32> to vector<16xf32>
          %get3A_304 = arith.index_cast %add3A_237 : i32 to index
          %get3A_305 = arith.constant 32 : index
          %get3A_306 = tpu.vector_load %arg13[%get3A_304, %get3A_305] {strides = array<i32>} : memref<128x128xf32, #tpu.memory_space<vmem>>, vector<1x16xf32>,
          %get3A_307 = vector.shape_cast %get3A_306 : vector<1x16xf32> to vector<16xf32>
          %add3A_308 = arith.addf %get3A_303, %get3A_307 : vector<16xf32>
          %get3A_309 = arith.index_cast %add3A_237 : i32 to index
          %get3A_310 = arith.constant 96 : index
          %get3A_311 = tpu.vector_load %arg11[%get3A_309, %get3A_310] {strides = array<i32>} : memref<128x128xf32, #tpu.memory_space<vmem>>, vector<1x16xf32>,
          %get3A_312 = vector.shape_cast %get3A_311 : vector<1x16xf32> to vector<16xf32>
          %get3A_313 = arith.index_cast %add3A_237 : i32 to index
          %get3A_314 = arith.constant 96 : index
          %get3A_315 = tpu.vector_load %arg13[%get3A_313, %get3A_314] {strides = array<i32>} : memref<128x128xf32, #tpu.memory_space<vmem>>, vector<1x16xf32>,
          %get3A_316 = vector.shape_cast %get3A_315 : vector<1x16xf32> to vector<16xf32>
          %add3A_317 = arith.addf %get3A_312, %get3A_316 : vector<16xf32>
          %bitcast_convert_type3A_318 = tpu.bitcast %add3A_308 : vector<16xf32> -> vector<16xi32>
          %bitcast_convert_type3A_319 = tpu.bitcast %add3A_317 : vector<16xf32> -> vector<16xi32>
          %add3A_320 = arith.addi %bitcast_convert_type3A_318, %broadcast_in_dim3A_8 : vector<16xi32>
          %shift_right_logical3A_321 = arith.shrui %add3A_320, %broadcast_in_dim3A_12 : vector<16xi32>
          %add3A_322 = arith.addi %bitcast_convert_type3A_319, %broadcast_in_dim3A_8 : vector<16xi32>
          %and3A_323 = arith.andi %add3A_322, %broadcast_in_dim3A_10 : vector<16xi32>
          %or3A_324 = arith.ori %shift_right_logical3A_321, %and3A_323 : vector<16xi32>
          %bitcast_convert_type3A_325 = tpu.bitcast %or3A_324 : vector<16xi32> -> vector<16xf32>
          %swap3A_326 = arith.index_cast %add3A_237 : i32 to index
          %swap3A_327 = arith.constant 32 : index
          %swap3A_328 = tpu.vector_load %arg15[%swap3A_326, %swap3A_327] {strides = array<i32>} : memref<128x64xf32, #tpu.memory_space<vmem>>, vector<1x16xf32>,
          %swap3A_329 = vector.shape_cast %swap3A_328 : vector<1x16xf32> to vector<16xf32>
          %swap3A_330 = vector.shape_cast %bitcast_convert_type3A_325 : vector<16xf32> to vector<1x16xf32>
          tpu.vector_store %arg15[%swap3A_326, %swap3A_327], %swap3A_330 {strides = array<i32>} : memref<128x64xf32, #tpu.memory_space<vmem>>, vector<1x16xf32>,
          %get3A_331 = arith.index_cast %add3A_237 : i32 to index
          %get3A_332 = arith.constant 48 : index
          %get3A_333 = tpu.vector_load %arg11[%get3A_331, %get3A_332] {strides = array<i32>} : memref<128x128xf32, #tpu.memory_space<vmem>>, vector<1x16xf32>,
          %get3A_334 = vector.shape_cast %get3A_333 : vector<1x16xf32> to vector<16xf32>
          %get3A_335 = arith.index_cast %add3A_237 : i32 to index
          %get3A_336 = arith.constant 48 : index
          %get3A_337 = tpu.vector_load %arg13[%get3A_335, %get3A_336] {strides = array<i32>} : memref<128x128xf32, #tpu.memory_space<vmem>>, vector<1x16xf32>,
          %get3A_338 = vector.shape_cast %get3A_337 : vector<1x16xf32> to vector<16xf32>
          %add3A_339 = arith.addf %get3A_334, %get3A_338 : vector<16xf32>
          %get3A_340 = arith.index_cast %add3A_237 : i32 to index
          %get3A_341 = arith.constant 112 : index
          %get3A_342 = tpu.vector_load %arg11[%get3A_340, %get3A_341] {strides = array<i32>} : memref<128x128xf32, #tpu.memory_space<vmem>>, vector<1x16xf32>,
          %get3A_343 = vector.shape_cast %get3A_342 : vector<1x16xf32> to vector<16xf32>
          %get3A_344 = arith.index_cast %add3A_237 : i32 to index
          %get3A_345 = arith.constant 112 : index
          %get3A_346 = tpu.vector_load %arg13[%get3A_344, %get3A_345] {strides = array<i32>} : memref<128x128xf32, #tpu.memory_space<vmem>>, vector<1x16xf32>,
          %get3A_347 = vector.shape_cast %get3A_346 : vector<1x16xf32> to vector<16xf32>
          %add3A_348 = arith.addf %get3A_343, %get3A_347 : vector<16xf32>
          %bitcast_convert_type3A_349 = tpu.bitcast %add3A_339 : vector<16xf32> -> vector<16xi32>
          %bitcast_convert_type3A_350 = tpu.bitcast %add3A_348 : vector<16xf32> -> vector<16xi32>
          %add3A_351 = arith.addi %bitcast_convert_type3A_349, %broadcast_in_dim3A_8 : vector<16xi32>
          %shift_right_logical3A_352 = arith.shrui %add3A_351, %broadcast_in_dim3A_12 : vector<16xi32>
          %add3A_353 = arith.addi %bitcast_convert_type3A_350, %broadcast_in_dim3A_8 : vector<16xi32>
          %and3A_354 = arith.andi %add3A_353, %broadcast_in_dim3A_10 : vector<16xi32>
          %or3A_355 = arith.ori %shift_right_logical3A_352, %and3A_354 : vector<16xi32>
          %bitcast_convert_type3A_356 = tpu.bitcast %or3A_355 : vector<16xi32> -> vector<16xf32>
          %swap3A_357 = arith.index_cast %add3A_237 : i32 to index
          %swap3A_358 = arith.constant 48 : index
          %swap3A_359 = tpu.vector_load %arg15[%swap3A_357, %swap3A_358] {strides = array<i32>} : memref<128x64xf32, #tpu.memory_space<vmem>>, vector<1x16xf32>,
          %swap3A_360 = vector.shape_cast %swap3A_359 : vector<1x16xf32> to vector<16xf32>
          %swap3A_361 = vector.shape_cast %bitcast_convert_type3A_356 : vector<16xf32> to vector<1x16xf32>
          tpu.vector_store %arg15[%swap3A_357, %swap3A_358], %swap3A_361 {strides = array<i32>} : memref<128x64xf32, #tpu.memory_space<vmem>>, vector<1x16xf32>,
        }
        %scan3A_103 = arith.constant 64 : i32
        %add3A_104 = arith.addi %add3A_7, %sub3A_97 : i32
        %mul3A_105 = arith.constant 128 : i32
        %mul3A_106 = arith.muli %add3A_104, %mul3A_105 : i32
        %dma_start3A = arith.constant 0 : i32
        %dma_start3A_107 = tpu.memref_slice %arg6[%mul3A_106, %dma_start3A] : memref<160000x64xf32, #tpu.memory_space<hbm>> -> memref<128x64xf32, #tpu.memory_space<hbm>>
        %dma_start3A_108 = arith.constant 0 : i32
        %dma_start3A_109 = tpu.memref_slice %arg6[%mul3A_106, %dma_start3A_108] : memref<160000x64xf32, #tpu.memory_space<hbm>> -> memref<128x64xf32, #tpu.memory_space<hbm>>
        tpu.enqueue_dma source(%arg15 : memref<128x64xf32, #tpu.memory_space<vmem>>) target(%dma_start3A_109 : memref<128x64xf32, #tpu.memory_space<hbm>>) target_semaphore(%arg21 : memref<!tpu.dma_semaphore, #tpu.memory_space<semaphore_mem>>)
      } else {
      }
      %mul3A_59 = arith.constant 2 : i32
      %mul3A_60 = arith.muli %scan3A_29, %mul3A_59 : i32
      %add3A_61 = arith.constant 1 : i32
      %add3A_62 = arith.addi %mul3A_60, %add3A_61 : i32
      %ge3A_63 = arith.constant 2 : i32
      %ge3A_64 = arith.cmpi sge, %add3A_62, %ge3A_63 : i32
      %add3A_65 = arith.constant 1 : i32
      %add3A_66 = arith.addi %add3A_3, %add3A_65 : i32
      %le3A_67 = arith.cmpi sle, %add3A_62, %add3A_66 : i32
      %and3A_68 = arith.andi %ge3A_64, %le3A_67 : i1
      %convert_element_type3A_69 = arith.extui %and3A_68 : i1 to i32
      %cond3A_70 = arith.constant 0 : i32
      %cond3A_71 = arith.cmpi ne, %convert_element_type3A_69, %cond3A_70 : i32
      scf.if %cond3A_71 {
        %dma_wait3A_92 = arith.constant 0 : i32
        %dma_wait3A_93 = arith.constant 0 : i32
        %dma_wait3A_94 = tpu.memref_slice %arg4[%dma_wait3A_92, %dma_wait3A_93] : memref<10000x128xf32, #tpu.memory_space<hbm>> -> memref<10000x128xf32, #tpu.memory_space<hbm>>
        tpu.wait_indirect_dma semaphore(%arg20 : memref<!tpu.dma_semaphore, #tpu.memory_space<semaphore_mem>>) src(%dma_wait3A_94 : memref<10000x128xf32, #tpu.memory_space<hbm>>) dst(%arg12 : memref<128x128xf32, #tpu.memory_space<vmem>>)
        %dma_wait3A_95 = arith.constant 0 : i32
        %dma_wait3A_96 = arith.constant 0 : i32
        %dma_wait3A_97 = tpu.memref_slice %arg5[%dma_wait3A_95, %dma_wait3A_96] : memref<10000x128xf32, #tpu.memory_space<hbm>> -> memref<10000x128xf32, #tpu.memory_space<hbm>>
        tpu.wait_indirect_dma semaphore(%arg20 : memref<!tpu.dma_semaphore, #tpu.memory_space<semaphore_mem>>) src(%dma_wait3A_97 : memref<10000x128xf32, #tpu.memory_space<hbm>>) dst(%arg14 : memref<128x128xf32, #tpu.memory_space<vmem>>)
      } else {
      }
      %lt3A_72 = arith.cmpi slt, %add3A_62, %add3A_3 : i32
      %convert_element_type3A_73 = arith.extui %lt3A_72 : i1 to i32
      %cond3A_74 = arith.constant 0 : i32
      %cond3A_75 = arith.cmpi ne, %convert_element_type3A_73, %cond3A_74 : i32
      scf.if %cond3A_75 {
        %add3A_92 = arith.constant 0 : i32
        %add3A_93 = arith.addi %add3A_92, %add3A_7 : i32
        %add3A_94 = arith.addi %add3A_93, %add3A_62 : i32
        %dma_start3A = arith.constant 0 : i32
        %dma_start3A_95 = tpu.memref_slice %arg2[%add3A_94, %dma_start3A] : memref<2500x128xi32, #tpu.memory_space<hbm>> -> memref<1x128xi32, #tpu.memory_space<hbm>>
        %dma_start3A_96 = tpu.memref_squeeze %dma_start3A_95 : memref<1x128xi32, #tpu.memory_space<hbm>> -> memref<128xi32, #tpu.memory_space<hbm>>
        %dma_start3A_97 = arith.constant 0 : i32
        %dma_start3A_98 = tpu.memref_slice %arg2[%add3A_94, %dma_start3A_97] : memref<2500x128xi32, #tpu.memory_space<hbm>> -> memref<1x128xi32, #tpu.memory_space<hbm>>
        %dma_start3A_99 = tpu.memref_squeeze %dma_start3A_98 : memref<1x128xi32, #tpu.memory_space<hbm>> -> memref<128xi32, #tpu.memory_space<hbm>>
        tpu.enqueue_dma source(%dma_start3A_99 : memref<128xi32, #tpu.memory_space<hbm>>) target(%arg8 : memref<128xi32, #tpu.memory_space<vmem>>) target_semaphore(%arg18 : memref<!tpu.dma_semaphore, #tpu.memory_space<semaphore_mem>>)
        %add3A_100 = arith.constant 0 : i32
        %add3A_101 = arith.addi %add3A_100, %add3A_7 : i32
        %add3A_102 = arith.addi %add3A_101, %add3A_62 : i32
        %dma_start3A_103 = arith.constant 0 : i32
        %dma_start3A_104 = tpu.memref_slice %arg3[%add3A_102, %dma_start3A_103] : memref<2500x128xi32, #tpu.memory_space<hbm>> -> memref<1x128xi32, #tpu.memory_space<hbm>>
        %dma_start3A_105 = tpu.memref_squeeze %dma_start3A_104 : memref<1x128xi32, #tpu.memory_space<hbm>> -> memref<128xi32, #tpu.memory_space<hbm>>
        %dma_start3A_106 = arith.constant 0 : i32
        %dma_start3A_107 = tpu.memref_slice %arg3[%add3A_102, %dma_start3A_106] : memref<2500x128xi32, #tpu.memory_space<hbm>> -> memref<1x128xi32, #tpu.memory_space<hbm>>
        %dma_start3A_108 = tpu.memref_squeeze %dma_start3A_107 : memref<1x128xi32, #tpu.memory_space<hbm>> -> memref<128xi32, #tpu.memory_space<hbm>>
        tpu.enqueue_dma source(%dma_start3A_108 : memref<128xi32, #tpu.memory_space<hbm>>) target(%arg10 : memref<128xi32, #tpu.memory_space<vmem>>) target_semaphore(%arg18 : memref<!tpu.dma_semaphore, #tpu.memory_space<semaphore_mem>>)
      } else {
      }
      %ge3A_76 = arith.constant 1 : i32
      %ge3A_77 = arith.cmpi sge, %add3A_62, %ge3A_76 : i32
      %le3A_78 = arith.cmpi sle, %add3A_62, %add3A_3 : i32
      %and3A_79 = arith.andi %ge3A_77, %le3A_78 : i1
      %convert_element_type3A_80 = arith.extui %and3A_79 : i1 to i32
      %cond3A_81 = arith.constant 0 : i32
      %cond3A_82 = arith.cmpi ne, %convert_element_type3A_80, %cond3A_81 : i32
      scf.if %cond3A_82 {
        %dma_wait3A_92 = arith.constant 0 : i32
        %dma_wait3A_93 = arith.constant 0 : i32
        %dma_wait3A_94 = tpu.memref_slice %arg2[%dma_wait3A_92, %dma_wait3A_93] : memref<2500x128xi32, #tpu.memory_space<hbm>> -> memref<1x128xi32, #tpu.memory_space<hbm>>
        %dma_wait3A_95 = tpu.memref_squeeze %dma_wait3A_94 : memref<1x128xi32, #tpu.memory_space<hbm>> -> memref<128xi32, #tpu.memory_space<hbm>>
        %dma_wait3A_96 = arith.constant 0 : i32
        %dma_wait3A_97 = tpu.memref_slice %arg2[%dma_wait3A_92, %dma_wait3A_96] : memref<2500x128xi32, #tpu.memory_space<hbm>> -> memref<1x128xi32, #tpu.memory_space<hbm>>
        %dma_wait3A_98 = tpu.memref_squeeze %dma_wait3A_97 : memref<1x128xi32, #tpu.memory_space<hbm>> -> memref<128xi32, #tpu.memory_space<hbm>>
        tpu.wait_dma2 semaphore(%arg17 : memref<!tpu.dma_semaphore, #tpu.memory_space<semaphore_mem>>) src(%dma_wait3A_98 : memref<128xi32, #tpu.memory_space<hbm>>) dst(%arg7 : memref<128xi32, #tpu.memory_space<vmem>>)
        %dma_wait3A_99 = arith.constant 0 : i32
        %dma_wait3A_100 = arith.constant 0 : i32
        %dma_wait3A_101 = tpu.memref_slice %arg3[%dma_wait3A_99, %dma_wait3A_100] : memref<2500x128xi32, #tpu.memory_space<hbm>> -> memref<1x128xi32, #tpu.memory_space<hbm>>
        %dma_wait3A_102 = tpu.memref_squeeze %dma_wait3A_101 : memref<1x128xi32, #tpu.memory_space<hbm>> -> memref<128xi32, #tpu.memory_space<hbm>>
        %dma_wait3A_103 = arith.constant 0 : i32
        %dma_wait3A_104 = tpu.memref_slice %arg3[%dma_wait3A_99, %dma_wait3A_103] : memref<2500x128xi32, #tpu.memory_space<hbm>> -> memref<1x128xi32, #tpu.memory_space<hbm>>
        %dma_wait3A_105 = tpu.memref_squeeze %dma_wait3A_104 : memref<1x128xi32, #tpu.memory_space<hbm>> -> memref<128xi32, #tpu.memory_space<hbm>>
        tpu.wait_dma2 semaphore(%arg17 : memref<!tpu.dma_semaphore, #tpu.memory_space<semaphore_mem>>) src(%dma_wait3A_105 : memref<128xi32, #tpu.memory_space<hbm>>) dst(%arg9 : memref<128xi32, #tpu.memory_space<vmem>>)
        %dma_start3A = arith.constant 0 : i32
        %dma_start3A_106 = arith.constant 0 : i32
        %dma_start3A_107 = tpu.memref_slice %arg4[%dma_start3A, %dma_start3A_106] : memref<10000x128xf32, #tpu.memory_space<hbm>> -> memref<10000x128xf32, #tpu.memory_space<hbm>>
        tpu.enqueue_indirect_dma source(%dma_start3A_107 : memref<10000x128xf32, #tpu.memory_space<hbm>>) target(%arg11 : memref<128x128xf32, #tpu.memory_space<vmem>>) offsets(%arg7 : memref<128xi32, #tpu.memory_space<vmem>>) semaphore(%arg19 : memref<!tpu.dma_semaphore, #tpu.memory_space<semaphore_mem>>)
        %dma_start3A_108 = arith.constant 0 : i32
        %dma_start3A_109 = arith.constant 0 : i32
        %dma_start3A_110 = tpu.memref_slice %arg5[%dma_start3A_108, %dma_start3A_109] : memref<10000x128xf32, #tpu.memory_space<hbm>> -> memref<10000x128xf32, #tpu.memory_space<hbm>>
        tpu.enqueue_indirect_dma source(%dma_start3A_110 : memref<10000x128xf32, #tpu.memory_space<hbm>>) target(%arg13 : memref<128x128xf32, #tpu.memory_space<vmem>>) offsets(%arg9 : memref<128xi32, #tpu.memory_space<vmem>>) semaphore(%arg19 : memref<!tpu.dma_semaphore, #tpu.memory_space<semaphore_mem>>)
      } else {
      }
      %ge3A_83 = arith.constant 2 : i32
      %ge3A_84 = arith.cmpi sge, %add3A_62, %ge3A_83 : i32
      %add3A_85 = arith.constant 1 : i32
      %add3A_86 = arith.addi %add3A_3, %add3A_85 : i32
      %le3A_87 = arith.cmpi sle, %add3A_62, %add3A_86 : i32
      %and3A_88 = arith.andi %ge3A_84, %le3A_87 : i1
      %convert_element_type3A_89 = arith.extui %and3A_88 : i1 to i32
      %cond3A_90 = arith.constant 0 : i32
      %cond3A_91 = arith.cmpi ne, %convert_element_type3A_89, %cond3A_90 : i32
      scf.if %cond3A_91 {
        %ge3A_92 = arith.constant 4 : i32
        %ge3A_93 = arith.cmpi sge, %add3A_62, %ge3A_92 : i32
        %convert_element_type3A_94 = arith.extui %ge3A_93 : i1 to i32
        %cond3A_95 = arith.constant 0 : i32
        %cond3A_96 = arith.cmpi ne, %convert_element_type3A_94, %cond3A_95 : i32
        scf.if %cond3A_96 {
          %dma_wait3A_110 = arith.constant 0 : i32
          %dma_wait3A_111 = arith.constant 0 : i32
          %dma_wait3A_112 = tpu.memref_slice %arg6[%dma_wait3A_110, %dma_wait3A_111] : memref<160000x64xf32, #tpu.memory_space<hbm>> -> memref<128x64xf32, #tpu.memory_space<hbm>>
          %dma_wait3A_113 = arith.constant 0 : i32
          %dma_wait3A_114 = arith.constant 0 : i32
          %dma_wait3A_115 = tpu.memref_slice %arg6[%dma_wait3A_113, %dma_wait3A_114] : memref<160000x64xf32, #tpu.memory_space<hbm>> -> memref<128x64xf32, #tpu.memory_space<hbm>>
          tpu.wait_dma2 semaphore(%arg22 : memref<!tpu.dma_semaphore, #tpu.memory_space<semaphore_mem>>) src(%arg16 : memref<128x64xf32, #tpu.memory_space<vmem>>) dst(%dma_wait3A_115 : memref<128x64xf32, #tpu.memory_space<hbm>>)
        } else {
        }
        %sub3A = arith.constant 2 : i32
        %sub3A_97 = arith.subi %add3A_62, %sub3A : i32
        %scan3A_98 = arith.constant 0 : i32
        %scan3A_99 = arith.constant 0 : i32
        %scan3A_100 = arith.constant 64 : i32
        %scan3A_101 = arith.addi %scan3A_99, %scan3A_100 : i32
        %scan3A_102 = arith.constant 1 : i32
        scf.for %scan3A_110 = %scan3A_99 to %scan3A_101 step %scan3A_102  : i32 {
          %mul3A_111 = arith.constant 2 : i32
          %mul3A_112 = arith.muli %scan3A_110, %mul3A_111 : i32
          %add3A_113 = arith.constant 0 : i32
          %add3A_114 = arith.addi %mul3A_112, %add3A_113 : i32
          %get3A = arith.index_cast %add3A_114 : i32 to index
          %get3A_115 = arith.constant 0 : index
          %get3A_116 = tpu.vector_load %arg12[%get3A, %get3A_115] {strides = array<i32>} : memref<128x128xf32, #tpu.memory_space<vmem>>, vector<1x16xf32>,
          %get3A_117 = vector.shape_cast %get3A_116 : vector<1x16xf32> to vector<16xf32>
          %get3A_118 = arith.index_cast %add3A_114 : i32 to index
          %get3A_119 = arith.constant 0 : index
          %get3A_120 = tpu.vector_load %arg14[%get3A_118, %get3A_119] {strides = array<i32>} : memref<128x128xf32, #tpu.memory_space<vmem>>, vector<1x16xf32>,
          %get3A_121 = vector.shape_cast %get3A_120 : vector<1x16xf32> to vector<16xf32>
          %add3A_122 = arith.addf %get3A_117, %get3A_121 : vector<16xf32>
          %get3A_123 = arith.index_cast %add3A_114 : i32 to index
          %get3A_124 = arith.constant 64 : index
          %get3A_125 = tpu.vector_load %arg12[%get3A_123, %get3A_124] {strides = array<i32>} : memref<128x128xf32, #tpu.memory_space<vmem>>, vector<1x16xf32>,
          %get3A_126 = vector.shape_cast %get3A_125 : vector<1x16xf32> to vector<16xf32>
          %get3A_127 = arith.index_cast %add3A_114 : i32 to index
          %get3A_128 = arith.constant 64 : index
          %get3A_129 = tpu.vector_load %arg14[%get3A_127, %get3A_128] {strides = array<i32>} : memref<128x128xf32, #tpu.memory_space<vmem>>, vector<1x16xf32>,
          %get3A_130 = vector.shape_cast %get3A_129 : vector<1x16xf32> to vector<16xf32>
          %add3A_131 = arith.addf %get3A_126, %get3A_130 : vector<16xf32>
          %bitcast_convert_type3A = tpu.bitcast %add3A_122 : vector<16xf32> -> vector<16xi32>
          %bitcast_convert_type3A_132 = tpu.bitcast %add3A_131 : vector<16xf32> -> vector<16xi32>
          %add3A_133 = arith.addi %bitcast_convert_type3A, %broadcast_in_dim3A_8 : vector<16xi32>
          %shift_right_logical3A = arith.shrui %add3A_133, %broadcast_in_dim3A_12 : vector<16xi32>
          %add3A_134 = arith.addi %bitcast_convert_type3A_132, %broadcast_in_dim3A_8 : vector<16xi32>
          %and3A_135 = arith.andi %add3A_134, %broadcast_in_dim3A_10 : vector<16xi32>
          %or3A = arith.ori %shift_right_logical3A, %and3A_135 : vector<16xi32>
          %bitcast_convert_type3A_136 = tpu.bitcast %or3A : vector<16xi32> -> vector<16xf32>
          %swap3A = arith.index_cast %add3A_114 : i32 to index
          %swap3A_137 = arith.constant 0 : index
          %swap3A_138 = tpu.vector_load %arg16[%swap3A, %swap3A_137] {strides = array<i32>} : memref<128x64xf32, #tpu.memory_space<vmem>>, vector<1x16xf32>,
          %swap3A_139 = vector.shape_cast %swap3A_138 : vector<1x16xf32> to vector<16xf32>
          %swap3A_140 = vector.shape_cast %bitcast_convert_type3A_136 : vector<16xf32> to vector<1x16xf32>
          tpu.vector_store %arg16[%swap3A, %swap3A_137], %swap3A_140 {strides = array<i32>} : memref<128x64xf32, #tpu.memory_space<vmem>>, vector<1x16xf32>,
          %get3A_141 = arith.index_cast %add3A_114 : i32 to index
          %get3A_142 = arith.constant 16 : index
          %get3A_143 = tpu.vector_load %arg12[%get3A_141, %get3A_142] {strides = array<i32>} : memref<128x128xf32, #tpu.memory_space<vmem>>, vector<1x16xf32>,
          %get3A_144 = vector.shape_cast %get3A_143 : vector<1x16xf32> to vector<16xf32>
          %get3A_145 = arith.index_cast %add3A_114 : i32 to index
          %get3A_146 = arith.constant 16 : index
          %get3A_147 = tpu.vector_load %arg14[%get3A_145, %get3A_146] {strides = array<i32>} : memref<128x128xf32, #tpu.memory_space<vmem>>, vector<1x16xf32>,
          %get3A_148 = vector.shape_cast %get3A_147 : vector<1x16xf32> to vector<16xf32>
          %add3A_149 = arith.addf %get3A_144, %get3A_148 : vector<16xf32>
          %get3A_150 = arith.index_cast %add3A_114 : i32 to index
          %get3A_151 = arith.constant 80 : index
          %get3A_152 = tpu.vector_load %arg12[%get3A_150, %get3A_151] {strides = array<i32>} : memref<128x128xf32, #tpu.memory_space<vmem>>, vector<1x16xf32>,
          %get3A_153 = vector.shape_cast %get3A_152 : vector<1x16xf32> to vector<16xf32>
          %get3A_154 = arith.index_cast %add3A_114 : i32 to index
          %get3A_155 = arith.constant 80 : index
          %get3A_156 = tpu.vector_load %arg14[%get3A_154, %get3A_155] {strides = array<i32>} : memref<128x128xf32, #tpu.memory_space<vmem>>, vector<1x16xf32>,
          %get3A_157 = vector.shape_cast %get3A_156 : vector<1x16xf32> to vector<16xf32>
          %add3A_158 = arith.addf %get3A_153, %get3A_157 : vector<16xf32>
          %bitcast_convert_type3A_159 = tpu.bitcast %add3A_149 : vector<16xf32> -> vector<16xi32>
          %bitcast_convert_type3A_160 = tpu.bitcast %add3A_158 : vector<16xf32> -> vector<16xi32>
          %add3A_161 = arith.addi %bitcast_convert_type3A_159, %broadcast_in_dim3A_8 : vector<16xi32>
          %shift_right_logical3A_162 = arith.shrui %add3A_161, %broadcast_in_dim3A_12 : vector<16xi32>
          %add3A_163 = arith.addi %bitcast_convert_type3A_160, %broadcast_in_dim3A_8 : vector<16xi32>
          %and3A_164 = arith.andi %add3A_163, %broadcast_in_dim3A_10 : vector<16xi32>
          %or3A_165 = arith.ori %shift_right_logical3A_162, %and3A_164 : vector<16xi32>
          %bitcast_convert_type3A_166 = tpu.bitcast %or3A_165 : vector<16xi32> -> vector<16xf32>
          %swap3A_167 = arith.index_cast %add3A_114 : i32 to index
          %swap3A_168 = arith.constant 16 : index
          %swap3A_169 = tpu.vector_load %arg16[%swap3A_167, %swap3A_168] {strides = array<i32>} : memref<128x64xf32, #tpu.memory_space<vmem>>, vector<1x16xf32>,
          %swap3A_170 = vector.shape_cast %swap3A_169 : vector<1x16xf32> to vector<16xf32>
          %swap3A_171 = vector.shape_cast %bitcast_convert_type3A_166 : vector<16xf32> to vector<1x16xf32>
          tpu.vector_store %arg16[%swap3A_167, %swap3A_168], %swap3A_171 {strides = array<i32>} : memref<128x64xf32, #tpu.memory_space<vmem>>, vector<1x16xf32>,
          %get3A_172 = arith.index_cast %add3A_114 : i32 to index
          %get3A_173 = arith.constant 32 : index
          %get3A_174 = tpu.vector_load %arg12[%get3A_172, %get3A_173] {strides = array<i32>} : memref<128x128xf32, #tpu.memory_space<vmem>>, vector<1x16xf32>,
          %get3A_175 = vector.shape_cast %get3A_174 : vector<1x16xf32> to vector<16xf32>
          %get3A_176 = arith.index_cast %add3A_114 : i32 to index
          %get3A_177 = arith.constant 32 : index
          %get3A_178 = tpu.vector_load %arg14[%get3A_176, %get3A_177] {strides = array<i32>} : memref<128x128xf32, #tpu.memory_space<vmem>>, vector<1x16xf32>,
          %get3A_179 = vector.shape_cast %get3A_178 : vector<1x16xf32> to vector<16xf32>
          %add3A_180 = arith.addf %get3A_175, %get3A_179 : vector<16xf32>
          %get3A_181 = arith.index_cast %add3A_114 : i32 to index
          %get3A_182 = arith.constant 96 : index
          %get3A_183 = tpu.vector_load %arg12[%get3A_181, %get3A_182] {strides = array<i32>} : memref<128x128xf32, #tpu.memory_space<vmem>>, vector<1x16xf32>,
          %get3A_184 = vector.shape_cast %get3A_183 : vector<1x16xf32> to vector<16xf32>
          %get3A_185 = arith.index_cast %add3A_114 : i32 to index
          %get3A_186 = arith.constant 96 : index
          %get3A_187 = tpu.vector_load %arg14[%get3A_185, %get3A_186] {strides = array<i32>} : memref<128x128xf32, #tpu.memory_space<vmem>>, vector<1x16xf32>,
          %get3A_188 = vector.shape_cast %get3A_187 : vector<1x16xf32> to vector<16xf32>
          %add3A_189 = arith.addf %get3A_184, %get3A_188 : vector<16xf32>
          %bitcast_convert_type3A_190 = tpu.bitcast %add3A_180 : vector<16xf32> -> vector<16xi32>
          %bitcast_convert_type3A_191 = tpu.bitcast %add3A_189 : vector<16xf32> -> vector<16xi32>
          %add3A_192 = arith.addi %bitcast_convert_type3A_190, %broadcast_in_dim3A_8 : vector<16xi32>
          %shift_right_logical3A_193 = arith.shrui %add3A_192, %broadcast_in_dim3A_12 : vector<16xi32>
          %add3A_194 = arith.addi %bitcast_convert_type3A_191, %broadcast_in_dim3A_8 : vector<16xi32>
          %and3A_195 = arith.andi %add3A_194, %broadcast_in_dim3A_10 : vector<16xi32>
          %or3A_196 = arith.ori %shift_right_logical3A_193, %and3A_195 : vector<16xi32>
          %bitcast_convert_type3A_197 = tpu.bitcast %or3A_196 : vector<16xi32> -> vector<16xf32>
          %swap3A_198 = arith.index_cast %add3A_114 : i32 to index
          %swap3A_199 = arith.constant 32 : index
          %swap3A_200 = tpu.vector_load %arg16[%swap3A_198, %swap3A_199] {strides = array<i32>} : memref<128x64xf32, #tpu.memory_space<vmem>>, vector<1x16xf32>,
          %swap3A_201 = vector.shape_cast %swap3A_200 : vector<1x16xf32> to vector<16xf32>
          %swap3A_202 = vector.shape_cast %bitcast_convert_type3A_197 : vector<16xf32> to vector<1x16xf32>
          tpu.vector_store %arg16[%swap3A_198, %swap3A_199], %swap3A_202 {strides = array<i32>} : memref<128x64xf32, #tpu.memory_space<vmem>>, vector<1x16xf32>,
          %get3A_203 = arith.index_cast %add3A_114 : i32 to index
          %get3A_204 = arith.constant 48 : index
          %get3A_205 = tpu.vector_load %arg12[%get3A_203, %get3A_204] {strides = array<i32>} : memref<128x128xf32, #tpu.memory_space<vmem>>, vector<1x16xf32>,
          %get3A_206 = vector.shape_cast %get3A_205 : vector<1x16xf32> to vector<16xf32>
          %get3A_207 = arith.index_cast %add3A_114 : i32 to index
          %get3A_208 = arith.constant 48 : index
          %get3A_209 = tpu.vector_load %arg14[%get3A_207, %get3A_208] {strides = array<i32>} : memref<128x128xf32, #tpu.memory_space<vmem>>, vector<1x16xf32>,
          %get3A_210 = vector.shape_cast %get3A_209 : vector<1x16xf32> to vector<16xf32>
          %add3A_211 = arith.addf %get3A_206, %get3A_210 : vector<16xf32>
          %get3A_212 = arith.index_cast %add3A_114 : i32 to index
          %get3A_213 = arith.constant 112 : index
          %get3A_214 = tpu.vector_load %arg12[%get3A_212, %get3A_213] {strides = array<i32>} : memref<128x128xf32, #tpu.memory_space<vmem>>, vector<1x16xf32>,
          %get3A_215 = vector.shape_cast %get3A_214 : vector<1x16xf32> to vector<16xf32>
          %get3A_216 = arith.index_cast %add3A_114 : i32 to index
          %get3A_217 = arith.constant 112 : index
          %get3A_218 = tpu.vector_load %arg14[%get3A_216, %get3A_217] {strides = array<i32>} : memref<128x128xf32, #tpu.memory_space<vmem>>, vector<1x16xf32>,
          %get3A_219 = vector.shape_cast %get3A_218 : vector<1x16xf32> to vector<16xf32>
          %add3A_220 = arith.addf %get3A_215, %get3A_219 : vector<16xf32>
          %bitcast_convert_type3A_221 = tpu.bitcast %add3A_211 : vector<16xf32> -> vector<16xi32>
          %bitcast_convert_type3A_222 = tpu.bitcast %add3A_220 : vector<16xf32> -> vector<16xi32>
          %add3A_223 = arith.addi %bitcast_convert_type3A_221, %broadcast_in_dim3A_8 : vector<16xi32>
          %shift_right_logical3A_224 = arith.shrui %add3A_223, %broadcast_in_dim3A_12 : vector<16xi32>
          %add3A_225 = arith.addi %bitcast_convert_type3A_222, %broadcast_in_dim3A_8 : vector<16xi32>
          %and3A_226 = arith.andi %add3A_225, %broadcast_in_dim3A_10 : vector<16xi32>
          %or3A_227 = arith.ori %shift_right_logical3A_224, %and3A_226 : vector<16xi32>
          %bitcast_convert_type3A_228 = tpu.bitcast %or3A_227 : vector<16xi32> -> vector<16xf32>
          %swap3A_229 = arith.index_cast %add3A_114 : i32 to index
          %swap3A_230 = arith.constant 48 : index
          %swap3A_231 = tpu.vector_load %arg16[%swap3A_229, %swap3A_230] {strides = array<i32>} : memref<128x64xf32, #tpu.memory_space<vmem>>, vector<1x16xf32>,
          %swap3A_232 = vector.shape_cast %swap3A_231 : vector<1x16xf32> to vector<16xf32>
          %swap3A_233 = vector.shape_cast %bitcast_convert_type3A_228 : vector<16xf32> to vector<1x16xf32>
          tpu.vector_store %arg16[%swap3A_229, %swap3A_230], %swap3A_233 {strides = array<i32>} : memref<128x64xf32, #tpu.memory_space<vmem>>, vector<1x16xf32>,
          %mul3A_234 = arith.constant 2 : i32
          %mul3A_235 = arith.muli %scan3A_110, %mul3A_234 : i32
          %add3A_236 = arith.constant 1 : i32
          %add3A_237 = arith.addi %mul3A_235, %add3A_236 : i32
          %get3A_238 = arith.index_cast %add3A_237 : i32 to index
          %get3A_239 = arith.constant 0 : index
          %get3A_240 = tpu.vector_load %arg12[%get3A_238, %get3A_239] {strides = array<i32>} : memref<128x128xf32, #tpu.memory_space<vmem>>, vector<1x16xf32>,
          %get3A_241 = vector.shape_cast %get3A_240 : vector<1x16xf32> to vector<16xf32>
          %get3A_242 = arith.index_cast %add3A_237 : i32 to index
          %get3A_243 = arith.constant 0 : index
          %get3A_244 = tpu.vector_load %arg14[%get3A_242, %get3A_243] {strides = array<i32>} : memref<128x128xf32, #tpu.memory_space<vmem>>, vector<1x16xf32>,
          %get3A_245 = vector.shape_cast %get3A_244 : vector<1x16xf32> to vector<16xf32>
          %add3A_246 = arith.addf %get3A_241, %get3A_245 : vector<16xf32>
          %get3A_247 = arith.index_cast %add3A_237 : i32 to index
          %get3A_248 = arith.constant 64 : index
          %get3A_249 = tpu.vector_load %arg12[%get3A_247, %get3A_248] {strides = array<i32>} : memref<128x128xf32, #tpu.memory_space<vmem>>, vector<1x16xf32>,
          %get3A_250 = vector.shape_cast %get3A_249 : vector<1x16xf32> to vector<16xf32>
          %get3A_251 = arith.index_cast %add3A_237 : i32 to index
          %get3A_252 = arith.constant 64 : index
          %get3A_253 = tpu.vector_load %arg14[%get3A_251, %get3A_252] {strides = array<i32>} : memref<128x128xf32, #tpu.memory_space<vmem>>, vector<1x16xf32>,
          %get3A_254 = vector.shape_cast %get3A_253 : vector<1x16xf32> to vector<16xf32>
          %add3A_255 = arith.addf %get3A_250, %get3A_254 : vector<16xf32>
          %bitcast_convert_type3A_256 = tpu.bitcast %add3A_246 : vector<16xf32> -> vector<16xi32>
          %bitcast_convert_type3A_257 = tpu.bitcast %add3A_255 : vector<16xf32> -> vector<16xi32>
          %add3A_258 = arith.addi %bitcast_convert_type3A_256, %broadcast_in_dim3A_8 : vector<16xi32>
          %shift_right_logical3A_259 = arith.shrui %add3A_258, %broadcast_in_dim3A_12 : vector<16xi32>
          %add3A_260 = arith.addi %bitcast_convert_type3A_257, %broadcast_in_dim3A_8 : vector<16xi32>
          %and3A_261 = arith.andi %add3A_260, %broadcast_in_dim3A_10 : vector<16xi32>
          %or3A_262 = arith.ori %shift_right_logical3A_259, %and3A_261 : vector<16xi32>
          %bitcast_convert_type3A_263 = tpu.bitcast %or3A_262 : vector<16xi32> -> vector<16xf32>
          %swap3A_264 = arith.index_cast %add3A_237 : i32 to index
          %swap3A_265 = arith.constant 0 : index
          %swap3A_266 = tpu.vector_load %arg16[%swap3A_264, %swap3A_265] {strides = array<i32>} : memref<128x64xf32, #tpu.memory_space<vmem>>, vector<1x16xf32>,
          %swap3A_267 = vector.shape_cast %swap3A_266 : vector<1x16xf32> to vector<16xf32>
          %swap3A_268 = vector.shape_cast %bitcast_convert_type3A_263 : vector<16xf32> to vector<1x16xf32>
          tpu.vector_store %arg16[%swap3A_264, %swap3A_265], %swap3A_268 {strides = array<i32>} : memref<128x64xf32, #tpu.memory_space<vmem>>, vector<1x16xf32>,
          %get3A_269 = arith.index_cast %add3A_237 : i32 to index
          %get3A_270 = arith.constant 16 : index
          %get3A_271 = tpu.vector_load %arg12[%get3A_269, %get3A_270] {strides = array<i32>} : memref<128x128xf32, #tpu.memory_space<vmem>>, vector<1x16xf32>,
          %get3A_272 = vector.shape_cast %get3A_271 : vector<1x16xf32> to vector<16xf32>
          %get3A_273 = arith.index_cast %add3A_237 : i32 to index
          %get3A_274 = arith.constant 16 : index
          %get3A_275 = tpu.vector_load %arg14[%get3A_273, %get3A_274] {strides = array<i32>} : memref<128x128xf32, #tpu.memory_space<vmem>>, vector<1x16xf32>,
          %get3A_276 = vector.shape_cast %get3A_275 : vector<1x16xf32> to vector<16xf32>
          %add3A_277 = arith.addf %get3A_272, %get3A_276 : vector<16xf32>
          %get3A_278 = arith.index_cast %add3A_237 : i32 to index
          %get3A_279 = arith.constant 80 : index
          %get3A_280 = tpu.vector_load %arg12[%get3A_278, %get3A_279] {strides = array<i32>} : memref<128x128xf32, #tpu.memory_space<vmem>>, vector<1x16xf32>,
          %get3A_281 = vector.shape_cast %get3A_280 : vector<1x16xf32> to vector<16xf32>
          %get3A_282 = arith.index_cast %add3A_237 : i32 to index
          %get3A_283 = arith.constant 80 : index
          %get3A_284 = tpu.vector_load %arg14[%get3A_282, %get3A_283] {strides = array<i32>} : memref<128x128xf32, #tpu.memory_space<vmem>>, vector<1x16xf32>,
          %get3A_285 = vector.shape_cast %get3A_284 : vector<1x16xf32> to vector<16xf32>
          %add3A_286 = arith.addf %get3A_281, %get3A_285 : vector<16xf32>
          %bitcast_convert_type3A_287 = tpu.bitcast %add3A_277 : vector<16xf32> -> vector<16xi32>
          %bitcast_convert_type3A_288 = tpu.bitcast %add3A_286 : vector<16xf32> -> vector<16xi32>
          %add3A_289 = arith.addi %bitcast_convert_type3A_287, %broadcast_in_dim3A_8 : vector<16xi32>
          %shift_right_logical3A_290 = arith.shrui %add3A_289, %broadcast_in_dim3A_12 : vector<16xi32>
          %add3A_291 = arith.addi %bitcast_convert_type3A_288, %broadcast_in_dim3A_8 : vector<16xi32>
          %and3A_292 = arith.andi %add3A_291, %broadcast_in_dim3A_10 : vector<16xi32>
          %or3A_293 = arith.ori %shift_right_logical3A_290, %and3A_292 : vector<16xi32>
          %bitcast_convert_type3A_294 = tpu.bitcast %or3A_293 : vector<16xi32> -> vector<16xf32>
          %swap3A_295 = arith.index_cast %add3A_237 : i32 to index
          %swap3A_296 = arith.constant 16 : index
          %swap3A_297 = tpu.vector_load %arg16[%swap3A_295, %swap3A_296] {strides = array<i32>} : memref<128x64xf32, #tpu.memory_space<vmem>>, vector<1x16xf32>,
          %swap3A_298 = vector.shape_cast %swap3A_297 : vector<1x16xf32> to vector<16xf32>
          %swap3A_299 = vector.shape_cast %bitcast_convert_type3A_294 : vector<16xf32> to vector<1x16xf32>
          tpu.vector_store %arg16[%swap3A_295, %swap3A_296], %swap3A_299 {strides = array<i32>} : memref<128x64xf32, #tpu.memory_space<vmem>>, vector<1x16xf32>,
          %get3A_300 = arith.index_cast %add3A_237 : i32 to index
          %get3A_301 = arith.constant 32 : index
          %get3A_302 = tpu.vector_load %arg12[%get3A_300, %get3A_301] {strides = array<i32>} : memref<128x128xf32, #tpu.memory_space<vmem>>, vector<1x16xf32>,
          %get3A_303 = vector.shape_cast %get3A_302 : vector<1x16xf32> to vector<16xf32>
          %get3A_304 = arith.index_cast %add3A_237 : i32 to index
          %get3A_305 = arith.constant 32 : index
          %get3A_306 = tpu.vector_load %arg14[%get3A_304, %get3A_305] {strides = array<i32>} : memref<128x128xf32, #tpu.memory_space<vmem>>, vector<1x16xf32>,
          %get3A_307 = vector.shape_cast %get3A_306 : vector<1x16xf32> to vector<16xf32>
          %add3A_308 = arith.addf %get3A_303, %get3A_307 : vector<16xf32>
          %get3A_309 = arith.index_cast %add3A_237 : i32 to index
          %get3A_310 = arith.constant 96 : index
          %get3A_311 = tpu.vector_load %arg12[%get3A_309, %get3A_310] {strides = array<i32>} : memref<128x128xf32, #tpu.memory_space<vmem>>, vector<1x16xf32>,
          %get3A_312 = vector.shape_cast %get3A_311 : vector<1x16xf32> to vector<16xf32>
          %get3A_313 = arith.index_cast %add3A_237 : i32 to index
          %get3A_314 = arith.constant 96 : index
          %get3A_315 = tpu.vector_load %arg14[%get3A_313, %get3A_314] {strides = array<i32>} : memref<128x128xf32, #tpu.memory_space<vmem>>, vector<1x16xf32>,
          %get3A_316 = vector.shape_cast %get3A_315 : vector<1x16xf32> to vector<16xf32>
          %add3A_317 = arith.addf %get3A_312, %get3A_316 : vector<16xf32>
          %bitcast_convert_type3A_318 = tpu.bitcast %add3A_308 : vector<16xf32> -> vector<16xi32>
          %bitcast_convert_type3A_319 = tpu.bitcast %add3A_317 : vector<16xf32> -> vector<16xi32>
          %add3A_320 = arith.addi %bitcast_convert_type3A_318, %broadcast_in_dim3A_8 : vector<16xi32>
          %shift_right_logical3A_321 = arith.shrui %add3A_320, %broadcast_in_dim3A_12 : vector<16xi32>
          %add3A_322 = arith.addi %bitcast_convert_type3A_319, %broadcast_in_dim3A_8 : vector<16xi32>
          %and3A_323 = arith.andi %add3A_322, %broadcast_in_dim3A_10 : vector<16xi32>
          %or3A_324 = arith.ori %shift_right_logical3A_321, %and3A_323 : vector<16xi32>
          %bitcast_convert_type3A_325 = tpu.bitcast %or3A_324 : vector<16xi32> -> vector<16xf32>
          %swap3A_326 = arith.index_cast %add3A_237 : i32 to index
          %swap3A_327 = arith.constant 32 : index
          %swap3A_328 = tpu.vector_load %arg16[%swap3A_326, %swap3A_327] {strides = array<i32>} : memref<128x64xf32, #tpu.memory_space<vmem>>, vector<1x16xf32>,
          %swap3A_329 = vector.shape_cast %swap3A_328 : vector<1x16xf32> to vector<16xf32>
          %swap3A_330 = vector.shape_cast %bitcast_convert_type3A_325 : vector<16xf32> to vector<1x16xf32>
          tpu.vector_store %arg16[%swap3A_326, %swap3A_327], %swap3A_330 {strides = array<i32>} : memref<128x64xf32, #tpu.memory_space<vmem>>, vector<1x16xf32>,
          %get3A_331 = arith.index_cast %add3A_237 : i32 to index
          %get3A_332 = arith.constant 48 : index
          %get3A_333 = tpu.vector_load %arg12[%get3A_331, %get3A_332] {strides = array<i32>} : memref<128x128xf32, #tpu.memory_space<vmem>>, vector<1x16xf32>,
          %get3A_334 = vector.shape_cast %get3A_333 : vector<1x16xf32> to vector<16xf32>
          %get3A_335 = arith.index_cast %add3A_237 : i32 to index
          %get3A_336 = arith.constant 48 : index
          %get3A_337 = tpu.vector_load %arg14[%get3A_335, %get3A_336] {strides = array<i32>} : memref<128x128xf32, #tpu.memory_space<vmem>>, vector<1x16xf32>,
          %get3A_338 = vector.shape_cast %get3A_337 : vector<1x16xf32> to vector<16xf32>
          %add3A_339 = arith.addf %get3A_334, %get3A_338 : vector<16xf32>
          %get3A_340 = arith.index_cast %add3A_237 : i32 to index
          %get3A_341 = arith.constant 112 : index
          %get3A_342 = tpu.vector_load %arg12[%get3A_340, %get3A_341] {strides = array<i32>} : memref<128x128xf32, #tpu.memory_space<vmem>>, vector<1x16xf32>,
          %get3A_343 = vector.shape_cast %get3A_342 : vector<1x16xf32> to vector<16xf32>
          %get3A_344 = arith.index_cast %add3A_237 : i32 to index
          %get3A_345 = arith.constant 112 : index
          %get3A_346 = tpu.vector_load %arg14[%get3A_344, %get3A_345] {strides = array<i32>} : memref<128x128xf32, #tpu.memory_space<vmem>>, vector<1x16xf32>,
          %get3A_347 = vector.shape_cast %get3A_346 : vector<1x16xf32> to vector<16xf32>
          %add3A_348 = arith.addf %get3A_343, %get3A_347 : vector<16xf32>
          %bitcast_convert_type3A_349 = tpu.bitcast %add3A_339 : vector<16xf32> -> vector<16xi32>
          %bitcast_convert_type3A_350 = tpu.bitcast %add3A_348 : vector<16xf32> -> vector<16xi32>
          %add3A_351 = arith.addi %bitcast_convert_type3A_349, %broadcast_in_dim3A_8 : vector<16xi32>
          %shift_right_logical3A_352 = arith.shrui %add3A_351, %broadcast_in_dim3A_12 : vector<16xi32>
          %add3A_353 = arith.addi %bitcast_convert_type3A_350, %broadcast_in_dim3A_8 : vector<16xi32>
          %and3A_354 = arith.andi %add3A_353, %broadcast_in_dim3A_10 : vector<16xi32>
          %or3A_355 = arith.ori %shift_right_logical3A_352, %and3A_354 : vector<16xi32>
          %bitcast_convert_type3A_356 = tpu.bitcast %or3A_355 : vector<16xi32> -> vector<16xf32>
          %swap3A_357 = arith.index_cast %add3A_237 : i32 to index
          %swap3A_358 = arith.constant 48 : index
          %swap3A_359 = tpu.vector_load %arg16[%swap3A_357, %swap3A_358] {strides = array<i32>} : memref<128x64xf32, #tpu.memory_space<vmem>>, vector<1x16xf32>,
          %swap3A_360 = vector.shape_cast %swap3A_359 : vector<1x16xf32> to vector<16xf32>
          %swap3A_361 = vector.shape_cast %bitcast_convert_type3A_356 : vector<16xf32> to vector<1x16xf32>
          tpu.vector_store %arg16[%swap3A_357, %swap3A_358], %swap3A_361 {strides = array<i32>} : memref<128x64xf32, #tpu.memory_space<vmem>>, vector<1x16xf32>,
        }
        %scan3A_103 = arith.constant 64 : i32
        %add3A_104 = arith.addi %add3A_7, %sub3A_97 : i32
        %mul3A_105 = arith.constant 128 : i32
        %mul3A_106 = arith.muli %add3A_104, %mul3A_105 : i32
        %dma_start3A = arith.constant 0 : i32
        %dma_start3A_107 = tpu.memref_slice %arg6[%mul3A_106, %dma_start3A] : memref<160000x64xf32, #tpu.memory_space<hbm>> -> memref<128x64xf32, #tpu.memory_space<hbm>>
        %dma_start3A_108 = arith.constant 0 : i32
        %dma_start3A_109 = tpu.memref_slice %arg6[%mul3A_106, %dma_start3A_108] : memref<160000x64xf32, #tpu.memory_space<hbm>> -> memref<128x64xf32, #tpu.memory_space<hbm>>
        tpu.enqueue_dma source(%arg16 : memref<128x64xf32, #tpu.memory_space<vmem>>) target(%dma_start3A_109 : memref<128x64xf32, #tpu.memory_space<hbm>>) target_semaphore(%arg22 : memref<!tpu.dma_semaphore, #tpu.memory_space<semaphore_mem>>)
      } else {
      }
    }
    %scan3A_17 = arith.constant 22 : i32
    %dma_wait3A = arith.constant 0 : i32
    %dma_wait3A_18 = arith.constant 0 : i32
    %dma_wait3A_19 = tpu.memref_slice %arg6[%dma_wait3A, %dma_wait3A_18] : memref<160000x64xf32, #tpu.memory_space<hbm>> -> memref<128x64xf32, #tpu.memory_space<hbm>>
    %dma_wait3A_20 = arith.constant 0 : i32
    %dma_wait3A_21 = arith.constant 0 : i32
    %dma_wait3A_22 = tpu.memref_slice %arg6[%dma_wait3A_20, %dma_wait3A_21] : memref<160000x64xf32, #tpu.memory_space<hbm>> -> memref<128x64xf32, #tpu.memory_space<hbm>>
    tpu.wait_dma2 semaphore(%arg21 : memref<!tpu.dma_semaphore, #tpu.memory_space<semaphore_mem>>) src(%arg15 : memref<128x64xf32, #tpu.memory_space<vmem>>) dst(%dma_wait3A_22 : memref<128x64xf32, #tpu.memory_space<hbm>>)
    %dma_wait3A_23 = arith.constant 0 : i32
    %dma_wait3A_24 = arith.constant 0 : i32
    %dma_wait3A_25 = tpu.memref_slice %arg6[%dma_wait3A_23, %dma_wait3A_24] : memref<160000x64xf32, #tpu.memory_space<hbm>> -> memref<128x64xf32, #tpu.memory_space<hbm>>
    %dma_wait3A_26 = arith.constant 0 : i32
    %dma_wait3A_27 = arith.constant 0 : i32
    %dma_wait3A_28 = tpu.memref_slice %arg6[%dma_wait3A_26, %dma_wait3A_27] : memref<160000x64xf32, #tpu.memory_space<hbm>> -> memref<128x64xf32, #tpu.memory_space<hbm>>
    tpu.wait_dma2 semaphore(%arg22 : memref<!tpu.dma_semaphore, #tpu.memory_space<semaphore_mem>>) src(%arg16 : memref<128x64xf32, #tpu.memory_space<vmem>>) dst(%dma_wait3A_28 : memref<128x64xf32, #tpu.memory_space<hbm>>)
    return
  }
}

#map = affine_map<(d0, d1) -> (0, 0)>
module attributes {stable_mosaic.version = 14 : i64} {
  func.func @_gather_body(%arg0: i32, %arg1: i32, %arg2: memref<2500x128xi32, #tpu.memory_space<hbm>>, %arg3: memref<2500x128xi32, #tpu.memory_space<hbm>>, %arg4: memref<10000x128xf32, #tpu.memory_space<hbm>>, %arg5: memref<10000x128xf32, #tpu.memory_space<hbm>>, %arg6: memref<160000x64xf32, #tpu.memory_space<hbm>>, %arg7: memref<128xi32, #tpu.memory_space<vmem>>, %arg8: memref<128xi32, #tpu.memory_space<vmem>>, %arg9: memref<128xi32, #tpu.memory_space<vmem>>, %arg10: memref<128xi32, #tpu.memory_space<vmem>>, %arg11: memref<128x128xf32, #tpu.memory_space<vmem>>, %arg12: memref<128x128xf32, #tpu.memory_space<vmem>>, %arg13: memref<128x128xf32, #tpu.memory_space<vmem>>, %arg14: memref<128x128xf32, #tpu.memory_space<vmem>>, %arg15: memref<128x64xf32, #tpu.memory_space<vmem>>, %arg16: memref<128x64xf32, #tpu.memory_space<vmem>>, %arg17: memref<!tpu.dma_semaphore, #tpu.memory_space<semaphore_mem>>, %arg18: memref<!tpu.dma_semaphore, #tpu.memory_space<semaphore_mem>>, %arg19: memref<!tpu.dma_semaphore, #tpu.memory_space<semaphore_mem>>, %arg20: memref<!tpu.dma_semaphore, #tpu.memory_space<semaphore_mem>>, %arg21: memref<!tpu.dma_semaphore, #tpu.memory_space<semaphore_mem>>, %arg22: memref<!tpu.dma_semaphore, #tpu.memory_space<semaphore_mem>>) attributes {dimension_semantics = [#tpu.dimension_semantics<core_parallel>, #tpu.dimension_semantics<subcore_parallel>], iteration_bounds = array<i64: 2, 16>, scalar_prefetch = 0 : i64, scratch_operands = 16 : i64, tpu.core_type = #tpu.core_type<sc_vector_subcore>, window_params = [{transform_indices = #map}, {transform_indices = #map}, {transform_indices = #map}, {transform_indices = #map}, {transform_indices = #map}]} {
    %mul3A = arith.constant 2 : i32
    %mul3A_0 = arith.muli %arg1, %mul3A : i32
    %add3A = arith.addi %mul3A_0, %arg0 : i32
    %lt3A = arith.constant 2 : i32
    %lt3A_1 = arith.cmpi slt, %add3A, %lt3A : i32
    %convert_element_type3A = arith.extui %lt3A_1 : i1 to i32
    %add3A_2 = arith.constant 39 : i32
    %add3A_3 = arith.addi %add3A_2, %convert_element_type3A : i32
    %mul3A_4 = arith.constant 39 : i32
    %mul3A_5 = arith.muli %mul3A_4, %add3A : i32
    %min3A = arith.constant 2 : i32
    %min3A_6 = arith.minsi %add3A, %min3A : i32
    %add3A_7 = arith.addi %mul3A_5, %min3A_6 : i32
    %broadcast_in_dim3A = arith.constant 32768 : i32
    %broadcast_in_dim3A_8 = vector.broadcast %broadcast_in_dim3A : i32 to vector<16xi32>
    %broadcast_in_dim3A_9 = arith.constant -65536 : i32
    %broadcast_in_dim3A_10 = vector.broadcast %broadcast_in_dim3A_9 : i32 to vector<16xi32>
    %broadcast_in_dim3A_11 = arith.constant 16 : i32
    %broadcast_in_dim3A_12 = vector.broadcast %broadcast_in_dim3A_11 : i32 to vector<16xi32>
    %scan3A = arith.constant 0 : i32
    %scan3A_13 = arith.constant 0 : i32
    %scan3A_14 = arith.constant 22 : i32
    %scan3A_15 = arith.addi %scan3A_13, %scan3A_14 : i32
    %scan3A_16 = arith.constant 1 : i32
    scf.for %scan3A_29 = %scan3A_13 to %scan3A_15 step %scan3A_16  : i32 {
      %mul3A_30 = arith.constant 2 : i32
      %mul3A_31 = arith.muli %scan3A_29, %mul3A_30 : i32
      %add3A_32 = arith.constant 0 : i32
      %add3A_33 = arith.addi %mul3A_31, %add3A_32 : i32
      %ge3A = arith.constant 2 : i32
      %ge3A_34 = arith.cmpi sge, %add3A_33, %ge3A : i32
      %add3A_35 = arith.constant 1 : i32
      %add3A_36 = arith.addi %add3A_3, %add3A_35 : i32
      %le3A = arith.cmpi sle, %add3A_33, %add3A_36 : i32
      %and3A = arith.andi %ge3A_34, %le3A : i1
      %convert_element_type3A_37 = arith.extui %and3A : i1 to i32
      %cond3A = arith.constant 0 : i32
      %cond3A_38 = arith.cmpi ne, %convert_element_type3A_37, %cond3A : i32
      scf.if %cond3A_38 {
        %dma_wait3A_92 = arith.constant 0 : i32
        %dma_wait3A_93 = arith.constant 0 : i32
        %dma_wait3A_94 = tpu.memref_slice %arg4[%dma_wait3A_92, %dma_wait3A_93] : memref<10000x128xf32, #tpu.memory_space<hbm>> -> memref<10000x128xf32, #tpu.memory_space<hbm>>
        tpu.wait_indirect_dma semaphore(%arg19 : memref<!tpu.dma_semaphore, #tpu.memory_space<semaphore_mem>>) src(%dma_wait3A_94 : memref<10000x128xf32, #tpu.memory_space<hbm>>) dst(%arg11 : memref<128x128xf32, #tpu.memory_space<vmem>>)
        %dma_wait3A_95 = arith.constant 0 : i32
        %dma_wait3A_96 = arith.constant 0 : i32
        %dma_wait3A_97 = tpu.memref_slice %arg5[%dma_wait3A_95, %dma_wait3A_96] : memref<10000x128xf32, #tpu.memory_space<hbm>> -> memref<10000x128xf32, #tpu.memory_space<hbm>>
        tpu.wait_indirect_dma semaphore(%arg19 : memref<!tpu.dma_semaphore, #tpu.memory_space<semaphore_mem>>) src(%dma_wait3A_97 : memref<10000x128xf32, #tpu.memory_space<hbm>>) dst(%arg13 : memref<128x128xf32, #tpu.memory_space<vmem>>)
      } else {
      }
      %lt3A_39 = arith.cmpi slt, %add3A_33, %add3A_3 : i32
      %convert_element_type3A_40 = arith.extui %lt3A_39 : i1 to i32
      %cond3A_41 = arith.constant 0 : i32
      %cond3A_42 = arith.cmpi ne, %convert_element_type3A_40, %cond3A_41 : i32
      scf.if %cond3A_42 {
        %add3A_92 = arith.constant 1250 : i32
        %add3A_93 = arith.addi %add3A_92, %add3A_7 : i32
        %add3A_94 = arith.addi %add3A_93, %add3A_33 : i32
        %dma_start3A = arith.constant 0 : i32
        %dma_start3A_95 = tpu.memref_slice %arg2[%add3A_94, %dma_start3A] : memref<2500x128xi32, #tpu.memory_space<hbm>> -> memref<1x128xi32, #tpu.memory_space<hbm>>
        %dma_start3A_96 = tpu.memref_squeeze %dma_start3A_95 : memref<1x128xi32, #tpu.memory_space<hbm>> -> memref<128xi32, #tpu.memory_space<hbm>>
        %dma_start3A_97 = arith.constant 0 : i32
        %dma_start3A_98 = tpu.memref_slice %arg2[%add3A_94, %dma_start3A_97] : memref<2500x128xi32, #tpu.memory_space<hbm>> -> memref<1x128xi32, #tpu.memory_space<hbm>>
        %dma_start3A_99 = tpu.memref_squeeze %dma_start3A_98 : memref<1x128xi32, #tpu.memory_space<hbm>> -> memref<128xi32, #tpu.memory_space<hbm>>
        tpu.enqueue_dma source(%dma_start3A_99 : memref<128xi32, #tpu.memory_space<hbm>>) target(%arg7 : memref<128xi32, #tpu.memory_space<vmem>>) target_semaphore(%arg17 : memref<!tpu.dma_semaphore, #tpu.memory_space<semaphore_mem>>)
        %add3A_100 = arith.constant 1250 : i32
        %add3A_101 = arith.addi %add3A_100, %add3A_7 : i32
        %add3A_102 = arith.addi %add3A_101, %add3A_33 : i32
        %dma_start3A_103 = arith.constant 0 : i32
        %dma_start3A_104 = tpu.memref_slice %arg3[%add3A_102, %dma_start3A_103] : memref<2500x128xi32, #tpu.memory_space<hbm>> -> memref<1x128xi32, #tpu.memory_space<hbm>>
        %dma_start3A_105 = tpu.memref_squeeze %dma_start3A_104 : memref<1x128xi32, #tpu.memory_space<hbm>> -> memref<128xi32, #tpu.memory_space<hbm>>
        %dma_start3A_106 = arith.constant 0 : i32
        %dma_start3A_107 = tpu.memref_slice %arg3[%add3A_102, %dma_start3A_106] : memref<2500x128xi32, #tpu.memory_space<hbm>> -> memref<1x128xi32, #tpu.memory_space<hbm>>
        %dma_start3A_108 = tpu.memref_squeeze %dma_start3A_107 : memref<1x128xi32, #tpu.memory_space<hbm>> -> memref<128xi32, #tpu.memory_space<hbm>>
        tpu.enqueue_dma source(%dma_start3A_108 : memref<128xi32, #tpu.memory_space<hbm>>) target(%arg9 : memref<128xi32, #tpu.memory_space<vmem>>) target_semaphore(%arg17 : memref<!tpu.dma_semaphore, #tpu.memory_space<semaphore_mem>>)
      } else {
      }
      %ge3A_43 = arith.constant 1 : i32
      %ge3A_44 = arith.cmpi sge, %add3A_33, %ge3A_43 : i32
      %le3A_45 = arith.cmpi sle, %add3A_33, %add3A_3 : i32
      %and3A_46 = arith.andi %ge3A_44, %le3A_45 : i1
      %convert_element_type3A_47 = arith.extui %and3A_46 : i1 to i32
      %cond3A_48 = arith.constant 0 : i32
      %cond3A_49 = arith.cmpi ne, %convert_element_type3A_47, %cond3A_48 : i32
      scf.if %cond3A_49 {
        %dma_wait3A_92 = arith.constant 0 : i32
        %dma_wait3A_93 = arith.constant 0 : i32
        %dma_wait3A_94 = tpu.memref_slice %arg2[%dma_wait3A_92, %dma_wait3A_93] : memref<2500x128xi32, #tpu.memory_space<hbm>> -> memref<1x128xi32, #tpu.memory_space<hbm>>
        %dma_wait3A_95 = tpu.memref_squeeze %dma_wait3A_94 : memref<1x128xi32, #tpu.memory_space<hbm>> -> memref<128xi32, #tpu.memory_space<hbm>>
        %dma_wait3A_96 = arith.constant 0 : i32
        %dma_wait3A_97 = tpu.memref_slice %arg2[%dma_wait3A_92, %dma_wait3A_96] : memref<2500x128xi32, #tpu.memory_space<hbm>> -> memref<1x128xi32, #tpu.memory_space<hbm>>
        %dma_wait3A_98 = tpu.memref_squeeze %dma_wait3A_97 : memref<1x128xi32, #tpu.memory_space<hbm>> -> memref<128xi32, #tpu.memory_space<hbm>>
        tpu.wait_dma2 semaphore(%arg18 : memref<!tpu.dma_semaphore, #tpu.memory_space<semaphore_mem>>) src(%dma_wait3A_98 : memref<128xi32, #tpu.memory_space<hbm>>) dst(%arg8 : memref<128xi32, #tpu.memory_space<vmem>>)
        %dma_wait3A_99 = arith.constant 0 : i32
        %dma_wait3A_100 = arith.constant 0 : i32
        %dma_wait3A_101 = tpu.memref_slice %arg3[%dma_wait3A_99, %dma_wait3A_100] : memref<2500x128xi32, #tpu.memory_space<hbm>> -> memref<1x128xi32, #tpu.memory_space<hbm>>
        %dma_wait3A_102 = tpu.memref_squeeze %dma_wait3A_101 : memref<1x128xi32, #tpu.memory_space<hbm>> -> memref<128xi32, #tpu.memory_space<hbm>>
        %dma_wait3A_103 = arith.constant 0 : i32
        %dma_wait3A_104 = tpu.memref_slice %arg3[%dma_wait3A_99, %dma_wait3A_103] : memref<2500x128xi32, #tpu.memory_space<hbm>> -> memref<1x128xi32, #tpu.memory_space<hbm>>
        %dma_wait3A_105 = tpu.memref_squeeze %dma_wait3A_104 : memref<1x128xi32, #tpu.memory_space<hbm>> -> memref<128xi32, #tpu.memory_space<hbm>>
        tpu.wait_dma2 semaphore(%arg18 : memref<!tpu.dma_semaphore, #tpu.memory_space<semaphore_mem>>) src(%dma_wait3A_105 : memref<128xi32, #tpu.memory_space<hbm>>) dst(%arg10 : memref<128xi32, #tpu.memory_space<vmem>>)
        %dma_start3A = arith.constant 0 : i32
        %dma_start3A_106 = arith.constant 0 : i32
        %dma_start3A_107 = tpu.memref_slice %arg4[%dma_start3A, %dma_start3A_106] : memref<10000x128xf32, #tpu.memory_space<hbm>> -> memref<10000x128xf32, #tpu.memory_space<hbm>>
        tpu.enqueue_indirect_dma source(%dma_start3A_107 : memref<10000x128xf32, #tpu.memory_space<hbm>>) target(%arg12 : memref<128x128xf32, #tpu.memory_space<vmem>>) offsets(%arg8 : memref<128xi32, #tpu.memory_space<vmem>>) semaphore(%arg20 : memref<!tpu.dma_semaphore, #tpu.memory_space<semaphore_mem>>)
        %dma_start3A_108 = arith.constant 0 : i32
        %dma_start3A_109 = arith.constant 0 : i32
        %dma_start3A_110 = tpu.memref_slice %arg5[%dma_start3A_108, %dma_start3A_109] : memref<10000x128xf32, #tpu.memory_space<hbm>> -> memref<10000x128xf32, #tpu.memory_space<hbm>>
        tpu.enqueue_indirect_dma source(%dma_start3A_110 : memref<10000x128xf32, #tpu.memory_space<hbm>>) target(%arg14 : memref<128x128xf32, #tpu.memory_space<vmem>>) offsets(%arg10 : memref<128xi32, #tpu.memory_space<vmem>>) semaphore(%arg20 : memref<!tpu.dma_semaphore, #tpu.memory_space<semaphore_mem>>)
      } else {
      }
      %ge3A_50 = arith.constant 2 : i32
      %ge3A_51 = arith.cmpi sge, %add3A_33, %ge3A_50 : i32
      %add3A_52 = arith.constant 1 : i32
      %add3A_53 = arith.addi %add3A_3, %add3A_52 : i32
      %le3A_54 = arith.cmpi sle, %add3A_33, %add3A_53 : i32
      %and3A_55 = arith.andi %ge3A_51, %le3A_54 : i1
      %convert_element_type3A_56 = arith.extui %and3A_55 : i1 to i32
      %cond3A_57 = arith.constant 0 : i32
      %cond3A_58 = arith.cmpi ne, %convert_element_type3A_56, %cond3A_57 : i32
      scf.if %cond3A_58 {
        %ge3A_92 = arith.constant 4 : i32
        %ge3A_93 = arith.cmpi sge, %add3A_33, %ge3A_92 : i32
        %convert_element_type3A_94 = arith.extui %ge3A_93 : i1 to i32
        %cond3A_95 = arith.constant 0 : i32
        %cond3A_96 = arith.cmpi ne, %convert_element_type3A_94, %cond3A_95 : i32
        scf.if %cond3A_96 {
          %dma_wait3A_110 = arith.constant 0 : i32
          %dma_wait3A_111 = arith.constant 0 : i32
          %dma_wait3A_112 = tpu.memref_slice %arg6[%dma_wait3A_110, %dma_wait3A_111] : memref<160000x64xf32, #tpu.memory_space<hbm>> -> memref<128x64xf32, #tpu.memory_space<hbm>>
          %dma_wait3A_113 = arith.constant 0 : i32
          %dma_wait3A_114 = arith.constant 0 : i32
          %dma_wait3A_115 = tpu.memref_slice %arg6[%dma_wait3A_113, %dma_wait3A_114] : memref<160000x64xf32, #tpu.memory_space<hbm>> -> memref<128x64xf32, #tpu.memory_space<hbm>>
          tpu.wait_dma2 semaphore(%arg21 : memref<!tpu.dma_semaphore, #tpu.memory_space<semaphore_mem>>) src(%arg15 : memref<128x64xf32, #tpu.memory_space<vmem>>) dst(%dma_wait3A_115 : memref<128x64xf32, #tpu.memory_space<hbm>>)
        } else {
        }
        %sub3A = arith.constant 2 : i32
        %sub3A_97 = arith.subi %add3A_33, %sub3A : i32
        %scan3A_98 = arith.constant 0 : i32
        %scan3A_99 = arith.constant 0 : i32
        %scan3A_100 = arith.constant 64 : i32
        %scan3A_101 = arith.addi %scan3A_99, %scan3A_100 : i32
        %scan3A_102 = arith.constant 1 : i32
        scf.for %scan3A_110 = %scan3A_99 to %scan3A_101 step %scan3A_102  : i32 {
          %mul3A_111 = arith.constant 2 : i32
          %mul3A_112 = arith.muli %scan3A_110, %mul3A_111 : i32
          %add3A_113 = arith.constant 0 : i32
          %add3A_114 = arith.addi %mul3A_112, %add3A_113 : i32
          %get3A = arith.index_cast %add3A_114 : i32 to index
          %get3A_115 = arith.constant 0 : index
          %get3A_116 = tpu.vector_load %arg11[%get3A, %get3A_115] {strides = array<i32>} : memref<128x128xf32, #tpu.memory_space<vmem>>, vector<1x16xf32>,
          %get3A_117 = vector.shape_cast %get3A_116 : vector<1x16xf32> to vector<16xf32>
          %get3A_118 = arith.index_cast %add3A_114 : i32 to index
          %get3A_119 = arith.constant 0 : index
          %get3A_120 = tpu.vector_load %arg13[%get3A_118, %get3A_119] {strides = array<i32>} : memref<128x128xf32, #tpu.memory_space<vmem>>, vector<1x16xf32>,
          %get3A_121 = vector.shape_cast %get3A_120 : vector<1x16xf32> to vector<16xf32>
          %add3A_122 = arith.addf %get3A_117, %get3A_121 : vector<16xf32>
          %get3A_123 = arith.index_cast %add3A_114 : i32 to index
          %get3A_124 = arith.constant 64 : index
          %get3A_125 = tpu.vector_load %arg11[%get3A_123, %get3A_124] {strides = array<i32>} : memref<128x128xf32, #tpu.memory_space<vmem>>, vector<1x16xf32>,
          %get3A_126 = vector.shape_cast %get3A_125 : vector<1x16xf32> to vector<16xf32>
          %get3A_127 = arith.index_cast %add3A_114 : i32 to index
          %get3A_128 = arith.constant 64 : index
          %get3A_129 = tpu.vector_load %arg13[%get3A_127, %get3A_128] {strides = array<i32>} : memref<128x128xf32, #tpu.memory_space<vmem>>, vector<1x16xf32>,
          %get3A_130 = vector.shape_cast %get3A_129 : vector<1x16xf32> to vector<16xf32>
          %add3A_131 = arith.addf %get3A_126, %get3A_130 : vector<16xf32>
          %bitcast_convert_type3A = tpu.bitcast %add3A_122 : vector<16xf32> -> vector<16xi32>
          %bitcast_convert_type3A_132 = tpu.bitcast %add3A_131 : vector<16xf32> -> vector<16xi32>
          %add3A_133 = arith.addi %bitcast_convert_type3A, %broadcast_in_dim3A_8 : vector<16xi32>
          %shift_right_logical3A = arith.shrui %add3A_133, %broadcast_in_dim3A_12 : vector<16xi32>
          %add3A_134 = arith.addi %bitcast_convert_type3A_132, %broadcast_in_dim3A_8 : vector<16xi32>
          %and3A_135 = arith.andi %add3A_134, %broadcast_in_dim3A_10 : vector<16xi32>
          %or3A = arith.ori %shift_right_logical3A, %and3A_135 : vector<16xi32>
          %bitcast_convert_type3A_136 = tpu.bitcast %or3A : vector<16xi32> -> vector<16xf32>
          %swap3A = arith.index_cast %add3A_114 : i32 to index
          %swap3A_137 = arith.constant 0 : index
          %swap3A_138 = tpu.vector_load %arg15[%swap3A, %swap3A_137] {strides = array<i32>} : memref<128x64xf32, #tpu.memory_space<vmem>>, vector<1x16xf32>,
          %swap3A_139 = vector.shape_cast %swap3A_138 : vector<1x16xf32> to vector<16xf32>
          %swap3A_140 = vector.shape_cast %bitcast_convert_type3A_136 : vector<16xf32> to vector<1x16xf32>
          tpu.vector_store %arg15[%swap3A, %swap3A_137], %swap3A_140 {strides = array<i32>} : memref<128x64xf32, #tpu.memory_space<vmem>>, vector<1x16xf32>,
          %get3A_141 = arith.index_cast %add3A_114 : i32 to index
          %get3A_142 = arith.constant 16 : index
          %get3A_143 = tpu.vector_load %arg11[%get3A_141, %get3A_142] {strides = array<i32>} : memref<128x128xf32, #tpu.memory_space<vmem>>, vector<1x16xf32>,
          %get3A_144 = vector.shape_cast %get3A_143 : vector<1x16xf32> to vector<16xf32>
          %get3A_145 = arith.index_cast %add3A_114 : i32 to index
          %get3A_146 = arith.constant 16 : index
          %get3A_147 = tpu.vector_load %arg13[%get3A_145, %get3A_146] {strides = array<i32>} : memref<128x128xf32, #tpu.memory_space<vmem>>, vector<1x16xf32>,
          %get3A_148 = vector.shape_cast %get3A_147 : vector<1x16xf32> to vector<16xf32>
          %add3A_149 = arith.addf %get3A_144, %get3A_148 : vector<16xf32>
          %get3A_150 = arith.index_cast %add3A_114 : i32 to index
          %get3A_151 = arith.constant 80 : index
          %get3A_152 = tpu.vector_load %arg11[%get3A_150, %get3A_151] {strides = array<i32>} : memref<128x128xf32, #tpu.memory_space<vmem>>, vector<1x16xf32>,
          %get3A_153 = vector.shape_cast %get3A_152 : vector<1x16xf32> to vector<16xf32>
          %get3A_154 = arith.index_cast %add3A_114 : i32 to index
          %get3A_155 = arith.constant 80 : index
          %get3A_156 = tpu.vector_load %arg13[%get3A_154, %get3A_155] {strides = array<i32>} : memref<128x128xf32, #tpu.memory_space<vmem>>, vector<1x16xf32>,
          %get3A_157 = vector.shape_cast %get3A_156 : vector<1x16xf32> to vector<16xf32>
          %add3A_158 = arith.addf %get3A_153, %get3A_157 : vector<16xf32>
          %bitcast_convert_type3A_159 = tpu.bitcast %add3A_149 : vector<16xf32> -> vector<16xi32>
          %bitcast_convert_type3A_160 = tpu.bitcast %add3A_158 : vector<16xf32> -> vector<16xi32>
          %add3A_161 = arith.addi %bitcast_convert_type3A_159, %broadcast_in_dim3A_8 : vector<16xi32>
          %shift_right_logical3A_162 = arith.shrui %add3A_161, %broadcast_in_dim3A_12 : vector<16xi32>
          %add3A_163 = arith.addi %bitcast_convert_type3A_160, %broadcast_in_dim3A_8 : vector<16xi32>
          %and3A_164 = arith.andi %add3A_163, %broadcast_in_dim3A_10 : vector<16xi32>
          %or3A_165 = arith.ori %shift_right_logical3A_162, %and3A_164 : vector<16xi32>
          %bitcast_convert_type3A_166 = tpu.bitcast %or3A_165 : vector<16xi32> -> vector<16xf32>
          %swap3A_167 = arith.index_cast %add3A_114 : i32 to index
          %swap3A_168 = arith.constant 16 : index
          %swap3A_169 = tpu.vector_load %arg15[%swap3A_167, %swap3A_168] {strides = array<i32>} : memref<128x64xf32, #tpu.memory_space<vmem>>, vector<1x16xf32>,
          %swap3A_170 = vector.shape_cast %swap3A_169 : vector<1x16xf32> to vector<16xf32>
          %swap3A_171 = vector.shape_cast %bitcast_convert_type3A_166 : vector<16xf32> to vector<1x16xf32>
          tpu.vector_store %arg15[%swap3A_167, %swap3A_168], %swap3A_171 {strides = array<i32>} : memref<128x64xf32, #tpu.memory_space<vmem>>, vector<1x16xf32>,
          %get3A_172 = arith.index_cast %add3A_114 : i32 to index
          %get3A_173 = arith.constant 32 : index
          %get3A_174 = tpu.vector_load %arg11[%get3A_172, %get3A_173] {strides = array<i32>} : memref<128x128xf32, #tpu.memory_space<vmem>>, vector<1x16xf32>,
          %get3A_175 = vector.shape_cast %get3A_174 : vector<1x16xf32> to vector<16xf32>
          %get3A_176 = arith.index_cast %add3A_114 : i32 to index
          %get3A_177 = arith.constant 32 : index
          %get3A_178 = tpu.vector_load %arg13[%get3A_176, %get3A_177] {strides = array<i32>} : memref<128x128xf32, #tpu.memory_space<vmem>>, vector<1x16xf32>,
          %get3A_179 = vector.shape_cast %get3A_178 : vector<1x16xf32> to vector<16xf32>
          %add3A_180 = arith.addf %get3A_175, %get3A_179 : vector<16xf32>
          %get3A_181 = arith.index_cast %add3A_114 : i32 to index
          %get3A_182 = arith.constant 96 : index
          %get3A_183 = tpu.vector_load %arg11[%get3A_181, %get3A_182] {strides = array<i32>} : memref<128x128xf32, #tpu.memory_space<vmem>>, vector<1x16xf32>,
          %get3A_184 = vector.shape_cast %get3A_183 : vector<1x16xf32> to vector<16xf32>
          %get3A_185 = arith.index_cast %add3A_114 : i32 to index
          %get3A_186 = arith.constant 96 : index
          %get3A_187 = tpu.vector_load %arg13[%get3A_185, %get3A_186] {strides = array<i32>} : memref<128x128xf32, #tpu.memory_space<vmem>>, vector<1x16xf32>,
          %get3A_188 = vector.shape_cast %get3A_187 : vector<1x16xf32> to vector<16xf32>
          %add3A_189 = arith.addf %get3A_184, %get3A_188 : vector<16xf32>
          %bitcast_convert_type3A_190 = tpu.bitcast %add3A_180 : vector<16xf32> -> vector<16xi32>
          %bitcast_convert_type3A_191 = tpu.bitcast %add3A_189 : vector<16xf32> -> vector<16xi32>
          %add3A_192 = arith.addi %bitcast_convert_type3A_190, %broadcast_in_dim3A_8 : vector<16xi32>
          %shift_right_logical3A_193 = arith.shrui %add3A_192, %broadcast_in_dim3A_12 : vector<16xi32>
          %add3A_194 = arith.addi %bitcast_convert_type3A_191, %broadcast_in_dim3A_8 : vector<16xi32>
          %and3A_195 = arith.andi %add3A_194, %broadcast_in_dim3A_10 : vector<16xi32>
          %or3A_196 = arith.ori %shift_right_logical3A_193, %and3A_195 : vector<16xi32>
          %bitcast_convert_type3A_197 = tpu.bitcast %or3A_196 : vector<16xi32> -> vector<16xf32>
          %swap3A_198 = arith.index_cast %add3A_114 : i32 to index
          %swap3A_199 = arith.constant 32 : index
          %swap3A_200 = tpu.vector_load %arg15[%swap3A_198, %swap3A_199] {strides = array<i32>} : memref<128x64xf32, #tpu.memory_space<vmem>>, vector<1x16xf32>,
          %swap3A_201 = vector.shape_cast %swap3A_200 : vector<1x16xf32> to vector<16xf32>
          %swap3A_202 = vector.shape_cast %bitcast_convert_type3A_197 : vector<16xf32> to vector<1x16xf32>
          tpu.vector_store %arg15[%swap3A_198, %swap3A_199], %swap3A_202 {strides = array<i32>} : memref<128x64xf32, #tpu.memory_space<vmem>>, vector<1x16xf32>,
          %get3A_203 = arith.index_cast %add3A_114 : i32 to index
          %get3A_204 = arith.constant 48 : index
          %get3A_205 = tpu.vector_load %arg11[%get3A_203, %get3A_204] {strides = array<i32>} : memref<128x128xf32, #tpu.memory_space<vmem>>, vector<1x16xf32>,
          %get3A_206 = vector.shape_cast %get3A_205 : vector<1x16xf32> to vector<16xf32>
          %get3A_207 = arith.index_cast %add3A_114 : i32 to index
          %get3A_208 = arith.constant 48 : index
          %get3A_209 = tpu.vector_load %arg13[%get3A_207, %get3A_208] {strides = array<i32>} : memref<128x128xf32, #tpu.memory_space<vmem>>, vector<1x16xf32>,
          %get3A_210 = vector.shape_cast %get3A_209 : vector<1x16xf32> to vector<16xf32>
          %add3A_211 = arith.addf %get3A_206, %get3A_210 : vector<16xf32>
          %get3A_212 = arith.index_cast %add3A_114 : i32 to index
          %get3A_213 = arith.constant 112 : index
          %get3A_214 = tpu.vector_load %arg11[%get3A_212, %get3A_213] {strides = array<i32>} : memref<128x128xf32, #tpu.memory_space<vmem>>, vector<1x16xf32>,
          %get3A_215 = vector.shape_cast %get3A_214 : vector<1x16xf32> to vector<16xf32>
          %get3A_216 = arith.index_cast %add3A_114 : i32 to index
          %get3A_217 = arith.constant 112 : index
          %get3A_218 = tpu.vector_load %arg13[%get3A_216, %get3A_217] {strides = array<i32>} : memref<128x128xf32, #tpu.memory_space<vmem>>, vector<1x16xf32>,
          %get3A_219 = vector.shape_cast %get3A_218 : vector<1x16xf32> to vector<16xf32>
          %add3A_220 = arith.addf %get3A_215, %get3A_219 : vector<16xf32>
          %bitcast_convert_type3A_221 = tpu.bitcast %add3A_211 : vector<16xf32> -> vector<16xi32>
          %bitcast_convert_type3A_222 = tpu.bitcast %add3A_220 : vector<16xf32> -> vector<16xi32>
          %add3A_223 = arith.addi %bitcast_convert_type3A_221, %broadcast_in_dim3A_8 : vector<16xi32>
          %shift_right_logical3A_224 = arith.shrui %add3A_223, %broadcast_in_dim3A_12 : vector<16xi32>
          %add3A_225 = arith.addi %bitcast_convert_type3A_222, %broadcast_in_dim3A_8 : vector<16xi32>
          %and3A_226 = arith.andi %add3A_225, %broadcast_in_dim3A_10 : vector<16xi32>
          %or3A_227 = arith.ori %shift_right_logical3A_224, %and3A_226 : vector<16xi32>
          %bitcast_convert_type3A_228 = tpu.bitcast %or3A_227 : vector<16xi32> -> vector<16xf32>
          %swap3A_229 = arith.index_cast %add3A_114 : i32 to index
          %swap3A_230 = arith.constant 48 : index
          %swap3A_231 = tpu.vector_load %arg15[%swap3A_229, %swap3A_230] {strides = array<i32>} : memref<128x64xf32, #tpu.memory_space<vmem>>, vector<1x16xf32>,
          %swap3A_232 = vector.shape_cast %swap3A_231 : vector<1x16xf32> to vector<16xf32>
          %swap3A_233 = vector.shape_cast %bitcast_convert_type3A_228 : vector<16xf32> to vector<1x16xf32>
          tpu.vector_store %arg15[%swap3A_229, %swap3A_230], %swap3A_233 {strides = array<i32>} : memref<128x64xf32, #tpu.memory_space<vmem>>, vector<1x16xf32>,
          %mul3A_234 = arith.constant 2 : i32
          %mul3A_235 = arith.muli %scan3A_110, %mul3A_234 : i32
          %add3A_236 = arith.constant 1 : i32
          %add3A_237 = arith.addi %mul3A_235, %add3A_236 : i32
          %get3A_238 = arith.index_cast %add3A_237 : i32 to index
          %get3A_239 = arith.constant 0 : index
          %get3A_240 = tpu.vector_load %arg11[%get3A_238, %get3A_239] {strides = array<i32>} : memref<128x128xf32, #tpu.memory_space<vmem>>, vector<1x16xf32>,
          %get3A_241 = vector.shape_cast %get3A_240 : vector<1x16xf32> to vector<16xf32>
          %get3A_242 = arith.index_cast %add3A_237 : i32 to index
          %get3A_243 = arith.constant 0 : index
          %get3A_244 = tpu.vector_load %arg13[%get3A_242, %get3A_243] {strides = array<i32>} : memref<128x128xf32, #tpu.memory_space<vmem>>, vector<1x16xf32>,
          %get3A_245 = vector.shape_cast %get3A_244 : vector<1x16xf32> to vector<16xf32>
          %add3A_246 = arith.addf %get3A_241, %get3A_245 : vector<16xf32>
          %get3A_247 = arith.index_cast %add3A_237 : i32 to index
          %get3A_248 = arith.constant 64 : index
          %get3A_249 = tpu.vector_load %arg11[%get3A_247, %get3A_248] {strides = array<i32>} : memref<128x128xf32, #tpu.memory_space<vmem>>, vector<1x16xf32>,
          %get3A_250 = vector.shape_cast %get3A_249 : vector<1x16xf32> to vector<16xf32>
          %get3A_251 = arith.index_cast %add3A_237 : i32 to index
          %get3A_252 = arith.constant 64 : index
          %get3A_253 = tpu.vector_load %arg13[%get3A_251, %get3A_252] {strides = array<i32>} : memref<128x128xf32, #tpu.memory_space<vmem>>, vector<1x16xf32>,
          %get3A_254 = vector.shape_cast %get3A_253 : vector<1x16xf32> to vector<16xf32>
          %add3A_255 = arith.addf %get3A_250, %get3A_254 : vector<16xf32>
          %bitcast_convert_type3A_256 = tpu.bitcast %add3A_246 : vector<16xf32> -> vector<16xi32>
          %bitcast_convert_type3A_257 = tpu.bitcast %add3A_255 : vector<16xf32> -> vector<16xi32>
          %add3A_258 = arith.addi %bitcast_convert_type3A_256, %broadcast_in_dim3A_8 : vector<16xi32>
          %shift_right_logical3A_259 = arith.shrui %add3A_258, %broadcast_in_dim3A_12 : vector<16xi32>
          %add3A_260 = arith.addi %bitcast_convert_type3A_257, %broadcast_in_dim3A_8 : vector<16xi32>
          %and3A_261 = arith.andi %add3A_260, %broadcast_in_dim3A_10 : vector<16xi32>
          %or3A_262 = arith.ori %shift_right_logical3A_259, %and3A_261 : vector<16xi32>
          %bitcast_convert_type3A_263 = tpu.bitcast %or3A_262 : vector<16xi32> -> vector<16xf32>
          %swap3A_264 = arith.index_cast %add3A_237 : i32 to index
          %swap3A_265 = arith.constant 0 : index
          %swap3A_266 = tpu.vector_load %arg15[%swap3A_264, %swap3A_265] {strides = array<i32>} : memref<128x64xf32, #tpu.memory_space<vmem>>, vector<1x16xf32>,
          %swap3A_267 = vector.shape_cast %swap3A_266 : vector<1x16xf32> to vector<16xf32>
          %swap3A_268 = vector.shape_cast %bitcast_convert_type3A_263 : vector<16xf32> to vector<1x16xf32>
          tpu.vector_store %arg15[%swap3A_264, %swap3A_265], %swap3A_268 {strides = array<i32>} : memref<128x64xf32, #tpu.memory_space<vmem>>, vector<1x16xf32>,
          %get3A_269 = arith.index_cast %add3A_237 : i32 to index
          %get3A_270 = arith.constant 16 : index
          %get3A_271 = tpu.vector_load %arg11[%get3A_269, %get3A_270] {strides = array<i32>} : memref<128x128xf32, #tpu.memory_space<vmem>>, vector<1x16xf32>,
          %get3A_272 = vector.shape_cast %get3A_271 : vector<1x16xf32> to vector<16xf32>
          %get3A_273 = arith.index_cast %add3A_237 : i32 to index
          %get3A_274 = arith.constant 16 : index
          %get3A_275 = tpu.vector_load %arg13[%get3A_273, %get3A_274] {strides = array<i32>} : memref<128x128xf32, #tpu.memory_space<vmem>>, vector<1x16xf32>,
          %get3A_276 = vector.shape_cast %get3A_275 : vector<1x16xf32> to vector<16xf32>
          %add3A_277 = arith.addf %get3A_272, %get3A_276 : vector<16xf32>
          %get3A_278 = arith.index_cast %add3A_237 : i32 to index
          %get3A_279 = arith.constant 80 : index
          %get3A_280 = tpu.vector_load %arg11[%get3A_278, %get3A_279] {strides = array<i32>} : memref<128x128xf32, #tpu.memory_space<vmem>>, vector<1x16xf32>,
          %get3A_281 = vector.shape_cast %get3A_280 : vector<1x16xf32> to vector<16xf32>
          %get3A_282 = arith.index_cast %add3A_237 : i32 to index
          %get3A_283 = arith.constant 80 : index
          %get3A_284 = tpu.vector_load %arg13[%get3A_282, %get3A_283] {strides = array<i32>} : memref<128x128xf32, #tpu.memory_space<vmem>>, vector<1x16xf32>,
          %get3A_285 = vector.shape_cast %get3A_284 : vector<1x16xf32> to vector<16xf32>
          %add3A_286 = arith.addf %get3A_281, %get3A_285 : vector<16xf32>
          %bitcast_convert_type3A_287 = tpu.bitcast %add3A_277 : vector<16xf32> -> vector<16xi32>
          %bitcast_convert_type3A_288 = tpu.bitcast %add3A_286 : vector<16xf32> -> vector<16xi32>
          %add3A_289 = arith.addi %bitcast_convert_type3A_287, %broadcast_in_dim3A_8 : vector<16xi32>
          %shift_right_logical3A_290 = arith.shrui %add3A_289, %broadcast_in_dim3A_12 : vector<16xi32>
          %add3A_291 = arith.addi %bitcast_convert_type3A_288, %broadcast_in_dim3A_8 : vector<16xi32>
          %and3A_292 = arith.andi %add3A_291, %broadcast_in_dim3A_10 : vector<16xi32>
          %or3A_293 = arith.ori %shift_right_logical3A_290, %and3A_292 : vector<16xi32>
          %bitcast_convert_type3A_294 = tpu.bitcast %or3A_293 : vector<16xi32> -> vector<16xf32>
          %swap3A_295 = arith.index_cast %add3A_237 : i32 to index
          %swap3A_296 = arith.constant 16 : index
          %swap3A_297 = tpu.vector_load %arg15[%swap3A_295, %swap3A_296] {strides = array<i32>} : memref<128x64xf32, #tpu.memory_space<vmem>>, vector<1x16xf32>,
          %swap3A_298 = vector.shape_cast %swap3A_297 : vector<1x16xf32> to vector<16xf32>
          %swap3A_299 = vector.shape_cast %bitcast_convert_type3A_294 : vector<16xf32> to vector<1x16xf32>
          tpu.vector_store %arg15[%swap3A_295, %swap3A_296], %swap3A_299 {strides = array<i32>} : memref<128x64xf32, #tpu.memory_space<vmem>>, vector<1x16xf32>,
          %get3A_300 = arith.index_cast %add3A_237 : i32 to index
          %get3A_301 = arith.constant 32 : index
          %get3A_302 = tpu.vector_load %arg11[%get3A_300, %get3A_301] {strides = array<i32>} : memref<128x128xf32, #tpu.memory_space<vmem>>, vector<1x16xf32>,
          %get3A_303 = vector.shape_cast %get3A_302 : vector<1x16xf32> to vector<16xf32>
          %get3A_304 = arith.index_cast %add3A_237 : i32 to index
          %get3A_305 = arith.constant 32 : index
          %get3A_306 = tpu.vector_load %arg13[%get3A_304, %get3A_305] {strides = array<i32>} : memref<128x128xf32, #tpu.memory_space<vmem>>, vector<1x16xf32>,
          %get3A_307 = vector.shape_cast %get3A_306 : vector<1x16xf32> to vector<16xf32>
          %add3A_308 = arith.addf %get3A_303, %get3A_307 : vector<16xf32>
          %get3A_309 = arith.index_cast %add3A_237 : i32 to index
          %get3A_310 = arith.constant 96 : index
          %get3A_311 = tpu.vector_load %arg11[%get3A_309, %get3A_310] {strides = array<i32>} : memref<128x128xf32, #tpu.memory_space<vmem>>, vector<1x16xf32>,
          %get3A_312 = vector.shape_cast %get3A_311 : vector<1x16xf32> to vector<16xf32>
          %get3A_313 = arith.index_cast %add3A_237 : i32 to index
          %get3A_314 = arith.constant 96 : index
          %get3A_315 = tpu.vector_load %arg13[%get3A_313, %get3A_314] {strides = array<i32>} : memref<128x128xf32, #tpu.memory_space<vmem>>, vector<1x16xf32>,
          %get3A_316 = vector.shape_cast %get3A_315 : vector<1x16xf32> to vector<16xf32>
          %add3A_317 = arith.addf %get3A_312, %get3A_316 : vector<16xf32>
          %bitcast_convert_type3A_318 = tpu.bitcast %add3A_308 : vector<16xf32> -> vector<16xi32>
          %bitcast_convert_type3A_319 = tpu.bitcast %add3A_317 : vector<16xf32> -> vector<16xi32>
          %add3A_320 = arith.addi %bitcast_convert_type3A_318, %broadcast_in_dim3A_8 : vector<16xi32>
          %shift_right_logical3A_321 = arith.shrui %add3A_320, %broadcast_in_dim3A_12 : vector<16xi32>
          %add3A_322 = arith.addi %bitcast_convert_type3A_319, %broadcast_in_dim3A_8 : vector<16xi32>
          %and3A_323 = arith.andi %add3A_322, %broadcast_in_dim3A_10 : vector<16xi32>
          %or3A_324 = arith.ori %shift_right_logical3A_321, %and3A_323 : vector<16xi32>
          %bitcast_convert_type3A_325 = tpu.bitcast %or3A_324 : vector<16xi32> -> vector<16xf32>
          %swap3A_326 = arith.index_cast %add3A_237 : i32 to index
          %swap3A_327 = arith.constant 32 : index
          %swap3A_328 = tpu.vector_load %arg15[%swap3A_326, %swap3A_327] {strides = array<i32>} : memref<128x64xf32, #tpu.memory_space<vmem>>, vector<1x16xf32>,
          %swap3A_329 = vector.shape_cast %swap3A_328 : vector<1x16xf32> to vector<16xf32>
          %swap3A_330 = vector.shape_cast %bitcast_convert_type3A_325 : vector<16xf32> to vector<1x16xf32>
          tpu.vector_store %arg15[%swap3A_326, %swap3A_327], %swap3A_330 {strides = array<i32>} : memref<128x64xf32, #tpu.memory_space<vmem>>, vector<1x16xf32>,
          %get3A_331 = arith.index_cast %add3A_237 : i32 to index
          %get3A_332 = arith.constant 48 : index
          %get3A_333 = tpu.vector_load %arg11[%get3A_331, %get3A_332] {strides = array<i32>} : memref<128x128xf32, #tpu.memory_space<vmem>>, vector<1x16xf32>,
          %get3A_334 = vector.shape_cast %get3A_333 : vector<1x16xf32> to vector<16xf32>
          %get3A_335 = arith.index_cast %add3A_237 : i32 to index
          %get3A_336 = arith.constant 48 : index
          %get3A_337 = tpu.vector_load %arg13[%get3A_335, %get3A_336] {strides = array<i32>} : memref<128x128xf32, #tpu.memory_space<vmem>>, vector<1x16xf32>,
          %get3A_338 = vector.shape_cast %get3A_337 : vector<1x16xf32> to vector<16xf32>
          %add3A_339 = arith.addf %get3A_334, %get3A_338 : vector<16xf32>
          %get3A_340 = arith.index_cast %add3A_237 : i32 to index
          %get3A_341 = arith.constant 112 : index
          %get3A_342 = tpu.vector_load %arg11[%get3A_340, %get3A_341] {strides = array<i32>} : memref<128x128xf32, #tpu.memory_space<vmem>>, vector<1x16xf32>,
          %get3A_343 = vector.shape_cast %get3A_342 : vector<1x16xf32> to vector<16xf32>
          %get3A_344 = arith.index_cast %add3A_237 : i32 to index
          %get3A_345 = arith.constant 112 : index
          %get3A_346 = tpu.vector_load %arg13[%get3A_344, %get3A_345] {strides = array<i32>} : memref<128x128xf32, #tpu.memory_space<vmem>>, vector<1x16xf32>,
          %get3A_347 = vector.shape_cast %get3A_346 : vector<1x16xf32> to vector<16xf32>
          %add3A_348 = arith.addf %get3A_343, %get3A_347 : vector<16xf32>
          %bitcast_convert_type3A_349 = tpu.bitcast %add3A_339 : vector<16xf32> -> vector<16xi32>
          %bitcast_convert_type3A_350 = tpu.bitcast %add3A_348 : vector<16xf32> -> vector<16xi32>
          %add3A_351 = arith.addi %bitcast_convert_type3A_349, %broadcast_in_dim3A_8 : vector<16xi32>
          %shift_right_logical3A_352 = arith.shrui %add3A_351, %broadcast_in_dim3A_12 : vector<16xi32>
          %add3A_353 = arith.addi %bitcast_convert_type3A_350, %broadcast_in_dim3A_8 : vector<16xi32>
          %and3A_354 = arith.andi %add3A_353, %broadcast_in_dim3A_10 : vector<16xi32>
          %or3A_355 = arith.ori %shift_right_logical3A_352, %and3A_354 : vector<16xi32>
          %bitcast_convert_type3A_356 = tpu.bitcast %or3A_355 : vector<16xi32> -> vector<16xf32>
          %swap3A_357 = arith.index_cast %add3A_237 : i32 to index
          %swap3A_358 = arith.constant 48 : index
          %swap3A_359 = tpu.vector_load %arg15[%swap3A_357, %swap3A_358] {strides = array<i32>} : memref<128x64xf32, #tpu.memory_space<vmem>>, vector<1x16xf32>,
          %swap3A_360 = vector.shape_cast %swap3A_359 : vector<1x16xf32> to vector<16xf32>
          %swap3A_361 = vector.shape_cast %bitcast_convert_type3A_356 : vector<16xf32> to vector<1x16xf32>
          tpu.vector_store %arg15[%swap3A_357, %swap3A_358], %swap3A_361 {strides = array<i32>} : memref<128x64xf32, #tpu.memory_space<vmem>>, vector<1x16xf32>,
        }
        %scan3A_103 = arith.constant 64 : i32
        %add3A_104 = arith.addi %add3A_7, %sub3A_97 : i32
        %mul3A_105 = arith.constant 128 : i32
        %mul3A_106 = arith.muli %add3A_104, %mul3A_105 : i32
        %dma_start3A = arith.constant 0 : i32
        %dma_start3A_107 = tpu.memref_slice %arg6[%mul3A_106, %dma_start3A] : memref<160000x64xf32, #tpu.memory_space<hbm>> -> memref<128x64xf32, #tpu.memory_space<hbm>>
        %dma_start3A_108 = arith.constant 0 : i32
        %dma_start3A_109 = tpu.memref_slice %arg6[%mul3A_106, %dma_start3A_108] : memref<160000x64xf32, #tpu.memory_space<hbm>> -> memref<128x64xf32, #tpu.memory_space<hbm>>
        tpu.enqueue_dma source(%arg15 : memref<128x64xf32, #tpu.memory_space<vmem>>) target(%dma_start3A_109 : memref<128x64xf32, #tpu.memory_space<hbm>>) target_semaphore(%arg21 : memref<!tpu.dma_semaphore, #tpu.memory_space<semaphore_mem>>)
      } else {
      }
      %mul3A_59 = arith.constant 2 : i32
      %mul3A_60 = arith.muli %scan3A_29, %mul3A_59 : i32
      %add3A_61 = arith.constant 1 : i32
      %add3A_62 = arith.addi %mul3A_60, %add3A_61 : i32
      %ge3A_63 = arith.constant 2 : i32
      %ge3A_64 = arith.cmpi sge, %add3A_62, %ge3A_63 : i32
      %add3A_65 = arith.constant 1 : i32
      %add3A_66 = arith.addi %add3A_3, %add3A_65 : i32
      %le3A_67 = arith.cmpi sle, %add3A_62, %add3A_66 : i32
      %and3A_68 = arith.andi %ge3A_64, %le3A_67 : i1
      %convert_element_type3A_69 = arith.extui %and3A_68 : i1 to i32
      %cond3A_70 = arith.constant 0 : i32
      %cond3A_71 = arith.cmpi ne, %convert_element_type3A_69, %cond3A_70 : i32
      scf.if %cond3A_71 {
        %dma_wait3A_92 = arith.constant 0 : i32
        %dma_wait3A_93 = arith.constant 0 : i32
        %dma_wait3A_94 = tpu.memref_slice %arg4[%dma_wait3A_92, %dma_wait3A_93] : memref<10000x128xf32, #tpu.memory_space<hbm>> -> memref<10000x128xf32, #tpu.memory_space<hbm>>
        tpu.wait_indirect_dma semaphore(%arg20 : memref<!tpu.dma_semaphore, #tpu.memory_space<semaphore_mem>>) src(%dma_wait3A_94 : memref<10000x128xf32, #tpu.memory_space<hbm>>) dst(%arg12 : memref<128x128xf32, #tpu.memory_space<vmem>>)
        %dma_wait3A_95 = arith.constant 0 : i32
        %dma_wait3A_96 = arith.constant 0 : i32
        %dma_wait3A_97 = tpu.memref_slice %arg5[%dma_wait3A_95, %dma_wait3A_96] : memref<10000x128xf32, #tpu.memory_space<hbm>> -> memref<10000x128xf32, #tpu.memory_space<hbm>>
        tpu.wait_indirect_dma semaphore(%arg20 : memref<!tpu.dma_semaphore, #tpu.memory_space<semaphore_mem>>) src(%dma_wait3A_97 : memref<10000x128xf32, #tpu.memory_space<hbm>>) dst(%arg14 : memref<128x128xf32, #tpu.memory_space<vmem>>)
      } else {
      }
      %lt3A_72 = arith.cmpi slt, %add3A_62, %add3A_3 : i32
      %convert_element_type3A_73 = arith.extui %lt3A_72 : i1 to i32
      %cond3A_74 = arith.constant 0 : i32
      %cond3A_75 = arith.cmpi ne, %convert_element_type3A_73, %cond3A_74 : i32
      scf.if %cond3A_75 {
        %add3A_92 = arith.constant 1250 : i32
        %add3A_93 = arith.addi %add3A_92, %add3A_7 : i32
        %add3A_94 = arith.addi %add3A_93, %add3A_62 : i32
        %dma_start3A = arith.constant 0 : i32
        %dma_start3A_95 = tpu.memref_slice %arg2[%add3A_94, %dma_start3A] : memref<2500x128xi32, #tpu.memory_space<hbm>> -> memref<1x128xi32, #tpu.memory_space<hbm>>
        %dma_start3A_96 = tpu.memref_squeeze %dma_start3A_95 : memref<1x128xi32, #tpu.memory_space<hbm>> -> memref<128xi32, #tpu.memory_space<hbm>>
        %dma_start3A_97 = arith.constant 0 : i32
        %dma_start3A_98 = tpu.memref_slice %arg2[%add3A_94, %dma_start3A_97] : memref<2500x128xi32, #tpu.memory_space<hbm>> -> memref<1x128xi32, #tpu.memory_space<hbm>>
        %dma_start3A_99 = tpu.memref_squeeze %dma_start3A_98 : memref<1x128xi32, #tpu.memory_space<hbm>> -> memref<128xi32, #tpu.memory_space<hbm>>
        tpu.enqueue_dma source(%dma_start3A_99 : memref<128xi32, #tpu.memory_space<hbm>>) target(%arg8 : memref<128xi32, #tpu.memory_space<vmem>>) target_semaphore(%arg18 : memref<!tpu.dma_semaphore, #tpu.memory_space<semaphore_mem>>)
        %add3A_100 = arith.constant 1250 : i32
        %add3A_101 = arith.addi %add3A_100, %add3A_7 : i32
        %add3A_102 = arith.addi %add3A_101, %add3A_62 : i32
        %dma_start3A_103 = arith.constant 0 : i32
        %dma_start3A_104 = tpu.memref_slice %arg3[%add3A_102, %dma_start3A_103] : memref<2500x128xi32, #tpu.memory_space<hbm>> -> memref<1x128xi32, #tpu.memory_space<hbm>>
        %dma_start3A_105 = tpu.memref_squeeze %dma_start3A_104 : memref<1x128xi32, #tpu.memory_space<hbm>> -> memref<128xi32, #tpu.memory_space<hbm>>
        %dma_start3A_106 = arith.constant 0 : i32
        %dma_start3A_107 = tpu.memref_slice %arg3[%add3A_102, %dma_start3A_106] : memref<2500x128xi32, #tpu.memory_space<hbm>> -> memref<1x128xi32, #tpu.memory_space<hbm>>
        %dma_start3A_108 = tpu.memref_squeeze %dma_start3A_107 : memref<1x128xi32, #tpu.memory_space<hbm>> -> memref<128xi32, #tpu.memory_space<hbm>>
        tpu.enqueue_dma source(%dma_start3A_108 : memref<128xi32, #tpu.memory_space<hbm>>) target(%arg10 : memref<128xi32, #tpu.memory_space<vmem>>) target_semaphore(%arg18 : memref<!tpu.dma_semaphore, #tpu.memory_space<semaphore_mem>>)
      } else {
      }
      %ge3A_76 = arith.constant 1 : i32
      %ge3A_77 = arith.cmpi sge, %add3A_62, %ge3A_76 : i32
      %le3A_78 = arith.cmpi sle, %add3A_62, %add3A_3 : i32
      %and3A_79 = arith.andi %ge3A_77, %le3A_78 : i1
      %convert_element_type3A_80 = arith.extui %and3A_79 : i1 to i32
      %cond3A_81 = arith.constant 0 : i32
      %cond3A_82 = arith.cmpi ne, %convert_element_type3A_80, %cond3A_81 : i32
      scf.if %cond3A_82 {
        %dma_wait3A_92 = arith.constant 0 : i32
        %dma_wait3A_93 = arith.constant 0 : i32
        %dma_wait3A_94 = tpu.memref_slice %arg2[%dma_wait3A_92, %dma_wait3A_93] : memref<2500x128xi32, #tpu.memory_space<hbm>> -> memref<1x128xi32, #tpu.memory_space<hbm>>
        %dma_wait3A_95 = tpu.memref_squeeze %dma_wait3A_94 : memref<1x128xi32, #tpu.memory_space<hbm>> -> memref<128xi32, #tpu.memory_space<hbm>>
        %dma_wait3A_96 = arith.constant 0 : i32
        %dma_wait3A_97 = tpu.memref_slice %arg2[%dma_wait3A_92, %dma_wait3A_96] : memref<2500x128xi32, #tpu.memory_space<hbm>> -> memref<1x128xi32, #tpu.memory_space<hbm>>
        %dma_wait3A_98 = tpu.memref_squeeze %dma_wait3A_97 : memref<1x128xi32, #tpu.memory_space<hbm>> -> memref<128xi32, #tpu.memory_space<hbm>>
        tpu.wait_dma2 semaphore(%arg17 : memref<!tpu.dma_semaphore, #tpu.memory_space<semaphore_mem>>) src(%dma_wait3A_98 : memref<128xi32, #tpu.memory_space<hbm>>) dst(%arg7 : memref<128xi32, #tpu.memory_space<vmem>>)
        %dma_wait3A_99 = arith.constant 0 : i32
        %dma_wait3A_100 = arith.constant 0 : i32
        %dma_wait3A_101 = tpu.memref_slice %arg3[%dma_wait3A_99, %dma_wait3A_100] : memref<2500x128xi32, #tpu.memory_space<hbm>> -> memref<1x128xi32, #tpu.memory_space<hbm>>
        %dma_wait3A_102 = tpu.memref_squeeze %dma_wait3A_101 : memref<1x128xi32, #tpu.memory_space<hbm>> -> memref<128xi32, #tpu.memory_space<hbm>>
        %dma_wait3A_103 = arith.constant 0 : i32
        %dma_wait3A_104 = tpu.memref_slice %arg3[%dma_wait3A_99, %dma_wait3A_103] : memref<2500x128xi32, #tpu.memory_space<hbm>> -> memref<1x128xi32, #tpu.memory_space<hbm>>
        %dma_wait3A_105 = tpu.memref_squeeze %dma_wait3A_104 : memref<1x128xi32, #tpu.memory_space<hbm>> -> memref<128xi32, #tpu.memory_space<hbm>>
        tpu.wait_dma2 semaphore(%arg17 : memref<!tpu.dma_semaphore, #tpu.memory_space<semaphore_mem>>) src(%dma_wait3A_105 : memref<128xi32, #tpu.memory_space<hbm>>) dst(%arg9 : memref<128xi32, #tpu.memory_space<vmem>>)
        %dma_start3A = arith.constant 0 : i32
        %dma_start3A_106 = arith.constant 0 : i32
        %dma_start3A_107 = tpu.memref_slice %arg4[%dma_start3A, %dma_start3A_106] : memref<10000x128xf32, #tpu.memory_space<hbm>> -> memref<10000x128xf32, #tpu.memory_space<hbm>>
        tpu.enqueue_indirect_dma source(%dma_start3A_107 : memref<10000x128xf32, #tpu.memory_space<hbm>>) target(%arg11 : memref<128x128xf32, #tpu.memory_space<vmem>>) offsets(%arg7 : memref<128xi32, #tpu.memory_space<vmem>>) semaphore(%arg19 : memref<!tpu.dma_semaphore, #tpu.memory_space<semaphore_mem>>)
        %dma_start3A_108 = arith.constant 0 : i32
        %dma_start3A_109 = arith.constant 0 : i32
        %dma_start3A_110 = tpu.memref_slice %arg5[%dma_start3A_108, %dma_start3A_109] : memref<10000x128xf32, #tpu.memory_space<hbm>> -> memref<10000x128xf32, #tpu.memory_space<hbm>>
        tpu.enqueue_indirect_dma source(%dma_start3A_110 : memref<10000x128xf32, #tpu.memory_space<hbm>>) target(%arg13 : memref<128x128xf32, #tpu.memory_space<vmem>>) offsets(%arg9 : memref<128xi32, #tpu.memory_space<vmem>>) semaphore(%arg19 : memref<!tpu.dma_semaphore, #tpu.memory_space<semaphore_mem>>)
      } else {
      }
      %ge3A_83 = arith.constant 2 : i32
      %ge3A_84 = arith.cmpi sge, %add3A_62, %ge3A_83 : i32
      %add3A_85 = arith.constant 1 : i32
      %add3A_86 = arith.addi %add3A_3, %add3A_85 : i32
      %le3A_87 = arith.cmpi sle, %add3A_62, %add3A_86 : i32
      %and3A_88 = arith.andi %ge3A_84, %le3A_87 : i1
      %convert_element_type3A_89 = arith.extui %and3A_88 : i1 to i32
      %cond3A_90 = arith.constant 0 : i32
      %cond3A_91 = arith.cmpi ne, %convert_element_type3A_89, %cond3A_90 : i32
      scf.if %cond3A_91 {
        %ge3A_92 = arith.constant 4 : i32
        %ge3A_93 = arith.cmpi sge, %add3A_62, %ge3A_92 : i32
        %convert_element_type3A_94 = arith.extui %ge3A_93 : i1 to i32
        %cond3A_95 = arith.constant 0 : i32
        %cond3A_96 = arith.cmpi ne, %convert_element_type3A_94, %cond3A_95 : i32
        scf.if %cond3A_96 {
          %dma_wait3A_110 = arith.constant 0 : i32
          %dma_wait3A_111 = arith.constant 0 : i32
          %dma_wait3A_112 = tpu.memref_slice %arg6[%dma_wait3A_110, %dma_wait3A_111] : memref<160000x64xf32, #tpu.memory_space<hbm>> -> memref<128x64xf32, #tpu.memory_space<hbm>>
          %dma_wait3A_113 = arith.constant 0 : i32
          %dma_wait3A_114 = arith.constant 0 : i32
          %dma_wait3A_115 = tpu.memref_slice %arg6[%dma_wait3A_113, %dma_wait3A_114] : memref<160000x64xf32, #tpu.memory_space<hbm>> -> memref<128x64xf32, #tpu.memory_space<hbm>>
          tpu.wait_dma2 semaphore(%arg22 : memref<!tpu.dma_semaphore, #tpu.memory_space<semaphore_mem>>) src(%arg16 : memref<128x64xf32, #tpu.memory_space<vmem>>) dst(%dma_wait3A_115 : memref<128x64xf32, #tpu.memory_space<hbm>>)
        } else {
        }
        %sub3A = arith.constant 2 : i32
        %sub3A_97 = arith.subi %add3A_62, %sub3A : i32
        %scan3A_98 = arith.constant 0 : i32
        %scan3A_99 = arith.constant 0 : i32
        %scan3A_100 = arith.constant 64 : i32
        %scan3A_101 = arith.addi %scan3A_99, %scan3A_100 : i32
        %scan3A_102 = arith.constant 1 : i32
        scf.for %scan3A_110 = %scan3A_99 to %scan3A_101 step %scan3A_102  : i32 {
          %mul3A_111 = arith.constant 2 : i32
          %mul3A_112 = arith.muli %scan3A_110, %mul3A_111 : i32
          %add3A_113 = arith.constant 0 : i32
          %add3A_114 = arith.addi %mul3A_112, %add3A_113 : i32
          %get3A = arith.index_cast %add3A_114 : i32 to index
          %get3A_115 = arith.constant 0 : index
          %get3A_116 = tpu.vector_load %arg12[%get3A, %get3A_115] {strides = array<i32>} : memref<128x128xf32, #tpu.memory_space<vmem>>, vector<1x16xf32>,
          %get3A_117 = vector.shape_cast %get3A_116 : vector<1x16xf32> to vector<16xf32>
          %get3A_118 = arith.index_cast %add3A_114 : i32 to index
          %get3A_119 = arith.constant 0 : index
          %get3A_120 = tpu.vector_load %arg14[%get3A_118, %get3A_119] {strides = array<i32>} : memref<128x128xf32, #tpu.memory_space<vmem>>, vector<1x16xf32>,
          %get3A_121 = vector.shape_cast %get3A_120 : vector<1x16xf32> to vector<16xf32>
          %add3A_122 = arith.addf %get3A_117, %get3A_121 : vector<16xf32>
          %get3A_123 = arith.index_cast %add3A_114 : i32 to index
          %get3A_124 = arith.constant 64 : index
          %get3A_125 = tpu.vector_load %arg12[%get3A_123, %get3A_124] {strides = array<i32>} : memref<128x128xf32, #tpu.memory_space<vmem>>, vector<1x16xf32>,
          %get3A_126 = vector.shape_cast %get3A_125 : vector<1x16xf32> to vector<16xf32>
          %get3A_127 = arith.index_cast %add3A_114 : i32 to index
          %get3A_128 = arith.constant 64 : index
          %get3A_129 = tpu.vector_load %arg14[%get3A_127, %get3A_128] {strides = array<i32>} : memref<128x128xf32, #tpu.memory_space<vmem>>, vector<1x16xf32>,
          %get3A_130 = vector.shape_cast %get3A_129 : vector<1x16xf32> to vector<16xf32>
          %add3A_131 = arith.addf %get3A_126, %get3A_130 : vector<16xf32>
          %bitcast_convert_type3A = tpu.bitcast %add3A_122 : vector<16xf32> -> vector<16xi32>
          %bitcast_convert_type3A_132 = tpu.bitcast %add3A_131 : vector<16xf32> -> vector<16xi32>
          %add3A_133 = arith.addi %bitcast_convert_type3A, %broadcast_in_dim3A_8 : vector<16xi32>
          %shift_right_logical3A = arith.shrui %add3A_133, %broadcast_in_dim3A_12 : vector<16xi32>
          %add3A_134 = arith.addi %bitcast_convert_type3A_132, %broadcast_in_dim3A_8 : vector<16xi32>
          %and3A_135 = arith.andi %add3A_134, %broadcast_in_dim3A_10 : vector<16xi32>
          %or3A = arith.ori %shift_right_logical3A, %and3A_135 : vector<16xi32>
          %bitcast_convert_type3A_136 = tpu.bitcast %or3A : vector<16xi32> -> vector<16xf32>
          %swap3A = arith.index_cast %add3A_114 : i32 to index
          %swap3A_137 = arith.constant 0 : index
          %swap3A_138 = tpu.vector_load %arg16[%swap3A, %swap3A_137] {strides = array<i32>} : memref<128x64xf32, #tpu.memory_space<vmem>>, vector<1x16xf32>,
          %swap3A_139 = vector.shape_cast %swap3A_138 : vector<1x16xf32> to vector<16xf32>
          %swap3A_140 = vector.shape_cast %bitcast_convert_type3A_136 : vector<16xf32> to vector<1x16xf32>
          tpu.vector_store %arg16[%swap3A, %swap3A_137], %swap3A_140 {strides = array<i32>} : memref<128x64xf32, #tpu.memory_space<vmem>>, vector<1x16xf32>,
          %get3A_141 = arith.index_cast %add3A_114 : i32 to index
          %get3A_142 = arith.constant 16 : index
          %get3A_143 = tpu.vector_load %arg12[%get3A_141, %get3A_142] {strides = array<i32>} : memref<128x128xf32, #tpu.memory_space<vmem>>, vector<1x16xf32>,
          %get3A_144 = vector.shape_cast %get3A_143 : vector<1x16xf32> to vector<16xf32>
          %get3A_145 = arith.index_cast %add3A_114 : i32 to index
          %get3A_146 = arith.constant 16 : index
          %get3A_147 = tpu.vector_load %arg14[%get3A_145, %get3A_146] {strides = array<i32>} : memref<128x128xf32, #tpu.memory_space<vmem>>, vector<1x16xf32>,
          %get3A_148 = vector.shape_cast %get3A_147 : vector<1x16xf32> to vector<16xf32>
          %add3A_149 = arith.addf %get3A_144, %get3A_148 : vector<16xf32>
          %get3A_150 = arith.index_cast %add3A_114 : i32 to index
          %get3A_151 = arith.constant 80 : index
          %get3A_152 = tpu.vector_load %arg12[%get3A_150, %get3A_151] {strides = array<i32>} : memref<128x128xf32, #tpu.memory_space<vmem>>, vector<1x16xf32>,
          %get3A_153 = vector.shape_cast %get3A_152 : vector<1x16xf32> to vector<16xf32>
          %get3A_154 = arith.index_cast %add3A_114 : i32 to index
          %get3A_155 = arith.constant 80 : index
          %get3A_156 = tpu.vector_load %arg14[%get3A_154, %get3A_155] {strides = array<i32>} : memref<128x128xf32, #tpu.memory_space<vmem>>, vector<1x16xf32>,
          %get3A_157 = vector.shape_cast %get3A_156 : vector<1x16xf32> to vector<16xf32>
          %add3A_158 = arith.addf %get3A_153, %get3A_157 : vector<16xf32>
          %bitcast_convert_type3A_159 = tpu.bitcast %add3A_149 : vector<16xf32> -> vector<16xi32>
          %bitcast_convert_type3A_160 = tpu.bitcast %add3A_158 : vector<16xf32> -> vector<16xi32>
          %add3A_161 = arith.addi %bitcast_convert_type3A_159, %broadcast_in_dim3A_8 : vector<16xi32>
          %shift_right_logical3A_162 = arith.shrui %add3A_161, %broadcast_in_dim3A_12 : vector<16xi32>
          %add3A_163 = arith.addi %bitcast_convert_type3A_160, %broadcast_in_dim3A_8 : vector<16xi32>
          %and3A_164 = arith.andi %add3A_163, %broadcast_in_dim3A_10 : vector<16xi32>
          %or3A_165 = arith.ori %shift_right_logical3A_162, %and3A_164 : vector<16xi32>
          %bitcast_convert_type3A_166 = tpu.bitcast %or3A_165 : vector<16xi32> -> vector<16xf32>
          %swap3A_167 = arith.index_cast %add3A_114 : i32 to index
          %swap3A_168 = arith.constant 16 : index
          %swap3A_169 = tpu.vector_load %arg16[%swap3A_167, %swap3A_168] {strides = array<i32>} : memref<128x64xf32, #tpu.memory_space<vmem>>, vector<1x16xf32>,
          %swap3A_170 = vector.shape_cast %swap3A_169 : vector<1x16xf32> to vector<16xf32>
          %swap3A_171 = vector.shape_cast %bitcast_convert_type3A_166 : vector<16xf32> to vector<1x16xf32>
          tpu.vector_store %arg16[%swap3A_167, %swap3A_168], %swap3A_171 {strides = array<i32>} : memref<128x64xf32, #tpu.memory_space<vmem>>, vector<1x16xf32>,
          %get3A_172 = arith.index_cast %add3A_114 : i32 to index
          %get3A_173 = arith.constant 32 : index
          %get3A_174 = tpu.vector_load %arg12[%get3A_172, %get3A_173] {strides = array<i32>} : memref<128x128xf32, #tpu.memory_space<vmem>>, vector<1x16xf32>,
          %get3A_175 = vector.shape_cast %get3A_174 : vector<1x16xf32> to vector<16xf32>
          %get3A_176 = arith.index_cast %add3A_114 : i32 to index
          %get3A_177 = arith.constant 32 : index
          %get3A_178 = tpu.vector_load %arg14[%get3A_176, %get3A_177] {strides = array<i32>} : memref<128x128xf32, #tpu.memory_space<vmem>>, vector<1x16xf32>,
          %get3A_179 = vector.shape_cast %get3A_178 : vector<1x16xf32> to vector<16xf32>
          %add3A_180 = arith.addf %get3A_175, %get3A_179 : vector<16xf32>
          %get3A_181 = arith.index_cast %add3A_114 : i32 to index
          %get3A_182 = arith.constant 96 : index
          %get3A_183 = tpu.vector_load %arg12[%get3A_181, %get3A_182] {strides = array<i32>} : memref<128x128xf32, #tpu.memory_space<vmem>>, vector<1x16xf32>,
          %get3A_184 = vector.shape_cast %get3A_183 : vector<1x16xf32> to vector<16xf32>
          %get3A_185 = arith.index_cast %add3A_114 : i32 to index
          %get3A_186 = arith.constant 96 : index
          %get3A_187 = tpu.vector_load %arg14[%get3A_185, %get3A_186] {strides = array<i32>} : memref<128x128xf32, #tpu.memory_space<vmem>>, vector<1x16xf32>,
          %get3A_188 = vector.shape_cast %get3A_187 : vector<1x16xf32> to vector<16xf32>
          %add3A_189 = arith.addf %get3A_184, %get3A_188 : vector<16xf32>
          %bitcast_convert_type3A_190 = tpu.bitcast %add3A_180 : vector<16xf32> -> vector<16xi32>
          %bitcast_convert_type3A_191 = tpu.bitcast %add3A_189 : vector<16xf32> -> vector<16xi32>
          %add3A_192 = arith.addi %bitcast_convert_type3A_190, %broadcast_in_dim3A_8 : vector<16xi32>
          %shift_right_logical3A_193 = arith.shrui %add3A_192, %broadcast_in_dim3A_12 : vector<16xi32>
          %add3A_194 = arith.addi %bitcast_convert_type3A_191, %broadcast_in_dim3A_8 : vector<16xi32>
          %and3A_195 = arith.andi %add3A_194, %broadcast_in_dim3A_10 : vector<16xi32>
          %or3A_196 = arith.ori %shift_right_logical3A_193, %and3A_195 : vector<16xi32>
          %bitcast_convert_type3A_197 = tpu.bitcast %or3A_196 : vector<16xi32> -> vector<16xf32>
          %swap3A_198 = arith.index_cast %add3A_114 : i32 to index
          %swap3A_199 = arith.constant 32 : index
          %swap3A_200 = tpu.vector_load %arg16[%swap3A_198, %swap3A_199] {strides = array<i32>} : memref<128x64xf32, #tpu.memory_space<vmem>>, vector<1x16xf32>,
          %swap3A_201 = vector.shape_cast %swap3A_200 : vector<1x16xf32> to vector<16xf32>
          %swap3A_202 = vector.shape_cast %bitcast_convert_type3A_197 : vector<16xf32> to vector<1x16xf32>
          tpu.vector_store %arg16[%swap3A_198, %swap3A_199], %swap3A_202 {strides = array<i32>} : memref<128x64xf32, #tpu.memory_space<vmem>>, vector<1x16xf32>,
          %get3A_203 = arith.index_cast %add3A_114 : i32 to index
          %get3A_204 = arith.constant 48 : index
          %get3A_205 = tpu.vector_load %arg12[%get3A_203, %get3A_204] {strides = array<i32>} : memref<128x128xf32, #tpu.memory_space<vmem>>, vector<1x16xf32>,
          %get3A_206 = vector.shape_cast %get3A_205 : vector<1x16xf32> to vector<16xf32>
          %get3A_207 = arith.index_cast %add3A_114 : i32 to index
          %get3A_208 = arith.constant 48 : index
          %get3A_209 = tpu.vector_load %arg14[%get3A_207, %get3A_208] {strides = array<i32>} : memref<128x128xf32, #tpu.memory_space<vmem>>, vector<1x16xf32>,
          %get3A_210 = vector.shape_cast %get3A_209 : vector<1x16xf32> to vector<16xf32>
          %add3A_211 = arith.addf %get3A_206, %get3A_210 : vector<16xf32>
          %get3A_212 = arith.index_cast %add3A_114 : i32 to index
          %get3A_213 = arith.constant 112 : index
          %get3A_214 = tpu.vector_load %arg12[%get3A_212, %get3A_213] {strides = array<i32>} : memref<128x128xf32, #tpu.memory_space<vmem>>, vector<1x16xf32>,
          %get3A_215 = vector.shape_cast %get3A_214 : vector<1x16xf32> to vector<16xf32>
          %get3A_216 = arith.index_cast %add3A_114 : i32 to index
          %get3A_217 = arith.constant 112 : index
          %get3A_218 = tpu.vector_load %arg14[%get3A_216, %get3A_217] {strides = array<i32>} : memref<128x128xf32, #tpu.memory_space<vmem>>, vector<1x16xf32>,
          %get3A_219 = vector.shape_cast %get3A_218 : vector<1x16xf32> to vector<16xf32>
          %add3A_220 = arith.addf %get3A_215, %get3A_219 : vector<16xf32>
          %bitcast_convert_type3A_221 = tpu.bitcast %add3A_211 : vector<16xf32> -> vector<16xi32>
          %bitcast_convert_type3A_222 = tpu.bitcast %add3A_220 : vector<16xf32> -> vector<16xi32>
          %add3A_223 = arith.addi %bitcast_convert_type3A_221, %broadcast_in_dim3A_8 : vector<16xi32>
          %shift_right_logical3A_224 = arith.shrui %add3A_223, %broadcast_in_dim3A_12 : vector<16xi32>
          %add3A_225 = arith.addi %bitcast_convert_type3A_222, %broadcast_in_dim3A_8 : vector<16xi32>
          %and3A_226 = arith.andi %add3A_225, %broadcast_in_dim3A_10 : vector<16xi32>
          %or3A_227 = arith.ori %shift_right_logical3A_224, %and3A_226 : vector<16xi32>
          %bitcast_convert_type3A_228 = tpu.bitcast %or3A_227 : vector<16xi32> -> vector<16xf32>
          %swap3A_229 = arith.index_cast %add3A_114 : i32 to index
          %swap3A_230 = arith.constant 48 : index
          %swap3A_231 = tpu.vector_load %arg16[%swap3A_229, %swap3A_230] {strides = array<i32>} : memref<128x64xf32, #tpu.memory_space<vmem>>, vector<1x16xf32>,
          %swap3A_232 = vector.shape_cast %swap3A_231 : vector<1x16xf32> to vector<16xf32>
          %swap3A_233 = vector.shape_cast %bitcast_convert_type3A_228 : vector<16xf32> to vector<1x16xf32>
          tpu.vector_store %arg16[%swap3A_229, %swap3A_230], %swap3A_233 {strides = array<i32>} : memref<128x64xf32, #tpu.memory_space<vmem>>, vector<1x16xf32>,
          %mul3A_234 = arith.constant 2 : i32
          %mul3A_235 = arith.muli %scan3A_110, %mul3A_234 : i32
          %add3A_236 = arith.constant 1 : i32
          %add3A_237 = arith.addi %mul3A_235, %add3A_236 : i32
          %get3A_238 = arith.index_cast %add3A_237 : i32 to index
          %get3A_239 = arith.constant 0 : index
          %get3A_240 = tpu.vector_load %arg12[%get3A_238, %get3A_239] {strides = array<i32>} : memref<128x128xf32, #tpu.memory_space<vmem>>, vector<1x16xf32>,
          %get3A_241 = vector.shape_cast %get3A_240 : vector<1x16xf32> to vector<16xf32>
          %get3A_242 = arith.index_cast %add3A_237 : i32 to index
          %get3A_243 = arith.constant 0 : index
          %get3A_244 = tpu.vector_load %arg14[%get3A_242, %get3A_243] {strides = array<i32>} : memref<128x128xf32, #tpu.memory_space<vmem>>, vector<1x16xf32>,
          %get3A_245 = vector.shape_cast %get3A_244 : vector<1x16xf32> to vector<16xf32>
          %add3A_246 = arith.addf %get3A_241, %get3A_245 : vector<16xf32>
          %get3A_247 = arith.index_cast %add3A_237 : i32 to index
          %get3A_248 = arith.constant 64 : index
          %get3A_249 = tpu.vector_load %arg12[%get3A_247, %get3A_248] {strides = array<i32>} : memref<128x128xf32, #tpu.memory_space<vmem>>, vector<1x16xf32>,
          %get3A_250 = vector.shape_cast %get3A_249 : vector<1x16xf32> to vector<16xf32>
          %get3A_251 = arith.index_cast %add3A_237 : i32 to index
          %get3A_252 = arith.constant 64 : index
          %get3A_253 = tpu.vector_load %arg14[%get3A_251, %get3A_252] {strides = array<i32>} : memref<128x128xf32, #tpu.memory_space<vmem>>, vector<1x16xf32>,
          %get3A_254 = vector.shape_cast %get3A_253 : vector<1x16xf32> to vector<16xf32>
          %add3A_255 = arith.addf %get3A_250, %get3A_254 : vector<16xf32>
          %bitcast_convert_type3A_256 = tpu.bitcast %add3A_246 : vector<16xf32> -> vector<16xi32>
          %bitcast_convert_type3A_257 = tpu.bitcast %add3A_255 : vector<16xf32> -> vector<16xi32>
          %add3A_258 = arith.addi %bitcast_convert_type3A_256, %broadcast_in_dim3A_8 : vector<16xi32>
          %shift_right_logical3A_259 = arith.shrui %add3A_258, %broadcast_in_dim3A_12 : vector<16xi32>
          %add3A_260 = arith.addi %bitcast_convert_type3A_257, %broadcast_in_dim3A_8 : vector<16xi32>
          %and3A_261 = arith.andi %add3A_260, %broadcast_in_dim3A_10 : vector<16xi32>
          %or3A_262 = arith.ori %shift_right_logical3A_259, %and3A_261 : vector<16xi32>
          %bitcast_convert_type3A_263 = tpu.bitcast %or3A_262 : vector<16xi32> -> vector<16xf32>
          %swap3A_264 = arith.index_cast %add3A_237 : i32 to index
          %swap3A_265 = arith.constant 0 : index
          %swap3A_266 = tpu.vector_load %arg16[%swap3A_264, %swap3A_265] {strides = array<i32>} : memref<128x64xf32, #tpu.memory_space<vmem>>, vector<1x16xf32>,
          %swap3A_267 = vector.shape_cast %swap3A_266 : vector<1x16xf32> to vector<16xf32>
          %swap3A_268 = vector.shape_cast %bitcast_convert_type3A_263 : vector<16xf32> to vector<1x16xf32>
          tpu.vector_store %arg16[%swap3A_264, %swap3A_265], %swap3A_268 {strides = array<i32>} : memref<128x64xf32, #tpu.memory_space<vmem>>, vector<1x16xf32>,
          %get3A_269 = arith.index_cast %add3A_237 : i32 to index
          %get3A_270 = arith.constant 16 : index
          %get3A_271 = tpu.vector_load %arg12[%get3A_269, %get3A_270] {strides = array<i32>} : memref<128x128xf32, #tpu.memory_space<vmem>>, vector<1x16xf32>,
          %get3A_272 = vector.shape_cast %get3A_271 : vector<1x16xf32> to vector<16xf32>
          %get3A_273 = arith.index_cast %add3A_237 : i32 to index
          %get3A_274 = arith.constant 16 : index
          %get3A_275 = tpu.vector_load %arg14[%get3A_273, %get3A_274] {strides = array<i32>} : memref<128x128xf32, #tpu.memory_space<vmem>>, vector<1x16xf32>,
          %get3A_276 = vector.shape_cast %get3A_275 : vector<1x16xf32> to vector<16xf32>
          %add3A_277 = arith.addf %get3A_272, %get3A_276 : vector<16xf32>
          %get3A_278 = arith.index_cast %add3A_237 : i32 to index
          %get3A_279 = arith.constant 80 : index
          %get3A_280 = tpu.vector_load %arg12[%get3A_278, %get3A_279] {strides = array<i32>} : memref<128x128xf32, #tpu.memory_space<vmem>>, vector<1x16xf32>,
          %get3A_281 = vector.shape_cast %get3A_280 : vector<1x16xf32> to vector<16xf32>
          %get3A_282 = arith.index_cast %add3A_237 : i32 to index
          %get3A_283 = arith.constant 80 : index
          %get3A_284 = tpu.vector_load %arg14[%get3A_282, %get3A_283] {strides = array<i32>} : memref<128x128xf32, #tpu.memory_space<vmem>>, vector<1x16xf32>,
          %get3A_285 = vector.shape_cast %get3A_284 : vector<1x16xf32> to vector<16xf32>
          %add3A_286 = arith.addf %get3A_281, %get3A_285 : vector<16xf32>
          %bitcast_convert_type3A_287 = tpu.bitcast %add3A_277 : vector<16xf32> -> vector<16xi32>
          %bitcast_convert_type3A_288 = tpu.bitcast %add3A_286 : vector<16xf32> -> vector<16xi32>
          %add3A_289 = arith.addi %bitcast_convert_type3A_287, %broadcast_in_dim3A_8 : vector<16xi32>
          %shift_right_logical3A_290 = arith.shrui %add3A_289, %broadcast_in_dim3A_12 : vector<16xi32>
          %add3A_291 = arith.addi %bitcast_convert_type3A_288, %broadcast_in_dim3A_8 : vector<16xi32>
          %and3A_292 = arith.andi %add3A_291, %broadcast_in_dim3A_10 : vector<16xi32>
          %or3A_293 = arith.ori %shift_right_logical3A_290, %and3A_292 : vector<16xi32>
          %bitcast_convert_type3A_294 = tpu.bitcast %or3A_293 : vector<16xi32> -> vector<16xf32>
          %swap3A_295 = arith.index_cast %add3A_237 : i32 to index
          %swap3A_296 = arith.constant 16 : index
          %swap3A_297 = tpu.vector_load %arg16[%swap3A_295, %swap3A_296] {strides = array<i32>} : memref<128x64xf32, #tpu.memory_space<vmem>>, vector<1x16xf32>,
          %swap3A_298 = vector.shape_cast %swap3A_297 : vector<1x16xf32> to vector<16xf32>
          %swap3A_299 = vector.shape_cast %bitcast_convert_type3A_294 : vector<16xf32> to vector<1x16xf32>
          tpu.vector_store %arg16[%swap3A_295, %swap3A_296], %swap3A_299 {strides = array<i32>} : memref<128x64xf32, #tpu.memory_space<vmem>>, vector<1x16xf32>,
          %get3A_300 = arith.index_cast %add3A_237 : i32 to index
          %get3A_301 = arith.constant 32 : index
          %get3A_302 = tpu.vector_load %arg12[%get3A_300, %get3A_301] {strides = array<i32>} : memref<128x128xf32, #tpu.memory_space<vmem>>, vector<1x16xf32>,
          %get3A_303 = vector.shape_cast %get3A_302 : vector<1x16xf32> to vector<16xf32>
          %get3A_304 = arith.index_cast %add3A_237 : i32 to index
          %get3A_305 = arith.constant 32 : index
          %get3A_306 = tpu.vector_load %arg14[%get3A_304, %get3A_305] {strides = array<i32>} : memref<128x128xf32, #tpu.memory_space<vmem>>, vector<1x16xf32>,
          %get3A_307 = vector.shape_cast %get3A_306 : vector<1x16xf32> to vector<16xf32>
          %add3A_308 = arith.addf %get3A_303, %get3A_307 : vector<16xf32>
          %get3A_309 = arith.index_cast %add3A_237 : i32 to index
          %get3A_310 = arith.constant 96 : index
          %get3A_311 = tpu.vector_load %arg12[%get3A_309, %get3A_310] {strides = array<i32>} : memref<128x128xf32, #tpu.memory_space<vmem>>, vector<1x16xf32>,
          %get3A_312 = vector.shape_cast %get3A_311 : vector<1x16xf32> to vector<16xf32>
          %get3A_313 = arith.index_cast %add3A_237 : i32 to index
          %get3A_314 = arith.constant 96 : index
          %get3A_315 = tpu.vector_load %arg14[%get3A_313, %get3A_314] {strides = array<i32>} : memref<128x128xf32, #tpu.memory_space<vmem>>, vector<1x16xf32>,
          %get3A_316 = vector.shape_cast %get3A_315 : vector<1x16xf32> to vector<16xf32>
          %add3A_317 = arith.addf %get3A_312, %get3A_316 : vector<16xf32>
          %bitcast_convert_type3A_318 = tpu.bitcast %add3A_308 : vector<16xf32> -> vector<16xi32>
          %bitcast_convert_type3A_319 = tpu.bitcast %add3A_317 : vector<16xf32> -> vector<16xi32>
          %add3A_320 = arith.addi %bitcast_convert_type3A_318, %broadcast_in_dim3A_8 : vector<16xi32>
          %shift_right_logical3A_321 = arith.shrui %add3A_320, %broadcast_in_dim3A_12 : vector<16xi32>
          %add3A_322 = arith.addi %bitcast_convert_type3A_319, %broadcast_in_dim3A_8 : vector<16xi32>
          %and3A_323 = arith.andi %add3A_322, %broadcast_in_dim3A_10 : vector<16xi32>
          %or3A_324 = arith.ori %shift_right_logical3A_321, %and3A_323 : vector<16xi32>
          %bitcast_convert_type3A_325 = tpu.bitcast %or3A_324 : vector<16xi32> -> vector<16xf32>
          %swap3A_326 = arith.index_cast %add3A_237 : i32 to index
          %swap3A_327 = arith.constant 32 : index
          %swap3A_328 = tpu.vector_load %arg16[%swap3A_326, %swap3A_327] {strides = array<i32>} : memref<128x64xf32, #tpu.memory_space<vmem>>, vector<1x16xf32>,
          %swap3A_329 = vector.shape_cast %swap3A_328 : vector<1x16xf32> to vector<16xf32>
          %swap3A_330 = vector.shape_cast %bitcast_convert_type3A_325 : vector<16xf32> to vector<1x16xf32>
          tpu.vector_store %arg16[%swap3A_326, %swap3A_327], %swap3A_330 {strides = array<i32>} : memref<128x64xf32, #tpu.memory_space<vmem>>, vector<1x16xf32>,
          %get3A_331 = arith.index_cast %add3A_237 : i32 to index
          %get3A_332 = arith.constant 48 : index
          %get3A_333 = tpu.vector_load %arg12[%get3A_331, %get3A_332] {strides = array<i32>} : memref<128x128xf32, #tpu.memory_space<vmem>>, vector<1x16xf32>,
          %get3A_334 = vector.shape_cast %get3A_333 : vector<1x16xf32> to vector<16xf32>
          %get3A_335 = arith.index_cast %add3A_237 : i32 to index
          %get3A_336 = arith.constant 48 : index
          %get3A_337 = tpu.vector_load %arg14[%get3A_335, %get3A_336] {strides = array<i32>} : memref<128x128xf32, #tpu.memory_space<vmem>>, vector<1x16xf32>,
          %get3A_338 = vector.shape_cast %get3A_337 : vector<1x16xf32> to vector<16xf32>
          %add3A_339 = arith.addf %get3A_334, %get3A_338 : vector<16xf32>
          %get3A_340 = arith.index_cast %add3A_237 : i32 to index
          %get3A_341 = arith.constant 112 : index
          %get3A_342 = tpu.vector_load %arg12[%get3A_340, %get3A_341] {strides = array<i32>} : memref<128x128xf32, #tpu.memory_space<vmem>>, vector<1x16xf32>,
          %get3A_343 = vector.shape_cast %get3A_342 : vector<1x16xf32> to vector<16xf32>
          %get3A_344 = arith.index_cast %add3A_237 : i32 to index
          %get3A_345 = arith.constant 112 : index
          %get3A_346 = tpu.vector_load %arg14[%get3A_344, %get3A_345] {strides = array<i32>} : memref<128x128xf32, #tpu.memory_space<vmem>>, vector<1x16xf32>,
          %get3A_347 = vector.shape_cast %get3A_346 : vector<1x16xf32> to vector<16xf32>
          %add3A_348 = arith.addf %get3A_343, %get3A_347 : vector<16xf32>
          %bitcast_convert_type3A_349 = tpu.bitcast %add3A_339 : vector<16xf32> -> vector<16xi32>
          %bitcast_convert_type3A_350 = tpu.bitcast %add3A_348 : vector<16xf32> -> vector<16xi32>
          %add3A_351 = arith.addi %bitcast_convert_type3A_349, %broadcast_in_dim3A_8 : vector<16xi32>
          %shift_right_logical3A_352 = arith.shrui %add3A_351, %broadcast_in_dim3A_12 : vector<16xi32>
          %add3A_353 = arith.addi %bitcast_convert_type3A_350, %broadcast_in_dim3A_8 : vector<16xi32>
          %and3A_354 = arith.andi %add3A_353, %broadcast_in_dim3A_10 : vector<16xi32>
          %or3A_355 = arith.ori %shift_right_logical3A_352, %and3A_354 : vector<16xi32>
          %bitcast_convert_type3A_356 = tpu.bitcast %or3A_355 : vector<16xi32> -> vector<16xf32>
          %swap3A_357 = arith.index_cast %add3A_237 : i32 to index
          %swap3A_358 = arith.constant 48 : index
          %swap3A_359 = tpu.vector_load %arg16[%swap3A_357, %swap3A_358] {strides = array<i32>} : memref<128x64xf32, #tpu.memory_space<vmem>>, vector<1x16xf32>,
          %swap3A_360 = vector.shape_cast %swap3A_359 : vector<1x16xf32> to vector<16xf32>
          %swap3A_361 = vector.shape_cast %bitcast_convert_type3A_356 : vector<16xf32> to vector<1x16xf32>
          tpu.vector_store %arg16[%swap3A_357, %swap3A_358], %swap3A_361 {strides = array<i32>} : memref<128x64xf32, #tpu.memory_space<vmem>>, vector<1x16xf32>,
        }
        %scan3A_103 = arith.constant 64 : i32
        %add3A_104 = arith.addi %add3A_7, %sub3A_97 : i32
        %mul3A_105 = arith.constant 128 : i32
        %mul3A_106 = arith.muli %add3A_104, %mul3A_105 : i32
        %dma_start3A = arith.constant 0 : i32
        %dma_start3A_107 = tpu.memref_slice %arg6[%mul3A_106, %dma_start3A] : memref<160000x64xf32, #tpu.memory_space<hbm>> -> memref<128x64xf32, #tpu.memory_space<hbm>>
        %dma_start3A_108 = arith.constant 0 : i32
        %dma_start3A_109 = tpu.memref_slice %arg6[%mul3A_106, %dma_start3A_108] : memref<160000x64xf32, #tpu.memory_space<hbm>> -> memref<128x64xf32, #tpu.memory_space<hbm>>
        tpu.enqueue_dma source(%arg16 : memref<128x64xf32, #tpu.memory_space<vmem>>) target(%dma_start3A_109 : memref<128x64xf32, #tpu.memory_space<hbm>>) target_semaphore(%arg22 : memref<!tpu.dma_semaphore, #tpu.memory_space<semaphore_mem>>)
      } else {
      }
    }
    %scan3A_17 = arith.constant 22 : i32
    %dma_wait3A = arith.constant 0 : i32
    %dma_wait3A_18 = arith.constant 0 : i32
    %dma_wait3A_19 = tpu.memref_slice %arg6[%dma_wait3A, %dma_wait3A_18] : memref<160000x64xf32, #tpu.memory_space<hbm>> -> memref<128x64xf32, #tpu.memory_space<hbm>>
    %dma_wait3A_20 = arith.constant 0 : i32
    %dma_wait3A_21 = arith.constant 0 : i32
    %dma_wait3A_22 = tpu.memref_slice %arg6[%dma_wait3A_20, %dma_wait3A_21] : memref<160000x64xf32, #tpu.memory_space<hbm>> -> memref<128x64xf32, #tpu.memory_space<hbm>>
    tpu.wait_dma2 semaphore(%arg21 : memref<!tpu.dma_semaphore, #tpu.memory_space<semaphore_mem>>) src(%arg15 : memref<128x64xf32, #tpu.memory_space<vmem>>) dst(%dma_wait3A_22 : memref<128x64xf32, #tpu.memory_space<hbm>>)
    %dma_wait3A_23 = arith.constant 0 : i32
    %dma_wait3A_24 = arith.constant 0 : i32
    %dma_wait3A_25 = tpu.memref_slice %arg6[%dma_wait3A_23, %dma_wait3A_24] : memref<160000x64xf32, #tpu.memory_space<hbm>> -> memref<128x64xf32, #tpu.memory_space<hbm>>
    %dma_wait3A_26 = arith.constant 0 : i32
    %dma_wait3A_27 = arith.constant 0 : i32
    %dma_wait3A_28 = tpu.memref_slice %arg6[%dma_wait3A_26, %dma_wait3A_27] : memref<160000x64xf32, #tpu.memory_space<hbm>> -> memref<128x64xf32, #tpu.memory_space<hbm>>
    tpu.wait_dma2 semaphore(%arg22 : memref<!tpu.dma_semaphore, #tpu.memory_space<semaphore_mem>>) src(%arg16 : memref<128x64xf32, #tpu.memory_space<vmem>>) dst(%dma_wait3A_28 : memref<128x64xf32, #tpu.memory_space<hbm>>)
    return
  }
}

#map = affine_map<(d0, d1) -> (0, 0)>
module attributes {stable_mosaic.version = 14 : i64} {
  func.func @_scatter_body(%arg0: i32, %arg1: i32, %arg2: memref<2500x128xi32, #tpu.memory_space<hbm>>, %arg3: memref<160000x128xf32, #tpu.memory_space<hbm>>, %arg4: memref<20000x128xf32, #tpu.memory_space<hbm>>, %arg5: memref<20000x128xf32, #tpu.memory_space<hbm>>, %arg6: memref<128xi32, #tpu.memory_space<vmem>>, %arg7: memref<128xi32, #tpu.memory_space<vmem>>, %arg8: memref<128x128xf32, #tpu.memory_space<vmem>>, %arg9: memref<128x128xf32, #tpu.memory_space<vmem>>, %arg10: memref<10000x128xf32, #tpu.memory_space<vmem_shared>>, %arg11: memref<!tpu.dma_semaphore, #tpu.memory_space<semaphore_mem>>, %arg12: memref<!tpu.dma_semaphore, #tpu.memory_space<semaphore_mem>>, %arg13: memref<!tpu.dma_semaphore, #tpu.memory_space<semaphore_mem>>, %arg14: memref<!tpu.dma_semaphore, #tpu.memory_space<semaphore_mem>>) attributes {dimension_semantics = [#tpu.dimension_semantics<core_parallel>, #tpu.dimension_semantics<subcore_parallel>], iteration_bounds = array<i64: 2, 16>, scalar_prefetch = 0 : i64, scratch_operands = 9 : i64, tpu.core_type = #tpu.core_type<sc_vector_subcore>, window_params = [{transform_indices = #map}, {transform_indices = #map}, {transform_indices = #map}, {transform_indices = #map}]} {
    %mul3A = arith.constant 2 : i32
    %mul3A_0 = arith.muli %arg1, %mul3A : i32
    %add3A = arith.addi %mul3A_0, %arg0 : i32
    %lt3A = arith.constant 2 : i32
    %lt3A_1 = arith.cmpi slt, %add3A, %lt3A : i32
    %convert_element_type3A = arith.extui %lt3A_1 : i1 to i32
    %add3A_2 = arith.constant 39 : i32
    %add3A_3 = arith.addi %add3A_2, %convert_element_type3A : i32
    %mul3A_4 = arith.constant 39 : i32
    %mul3A_5 = arith.muli %mul3A_4, %add3A : i32
    %min3A = arith.constant 2 : i32
    %min3A_6 = arith.minsi %add3A, %min3A : i32
    %add3A_7 = arith.addi %mul3A_5, %min3A_6 : i32
    %mul3A_8 = arith.constant 10000 : i32
    %mul3A_9 = arith.muli %arg0, %mul3A_8 : i32
    %mul3A_10 = arith.constant 624 : i32
    %mul3A_11 = arith.muli %arg1, %mul3A_10 : i32
    %add3A_12 = arith.addi %mul3A_9, %mul3A_11 : i32
    %mul3A_13 = arith.constant 624 : i32
    %mul3A_14 = arith.muli %arg1, %mul3A_13 : i32
    "tpu.region"() ({
      %run_scoped3A = tpu.sem_alloc : memref<!tpu.dma_semaphore, #tpu.memory_space<semaphore_mem>>
      %dma_start3A = arith.constant 0 : i32
      %dma_start3A_41 = tpu.memref_slice %arg10[%mul3A_14, %dma_start3A] : memref<10000x128xf32, #tpu.memory_space<vmem_shared>> -> memref<624x128xf32, #tpu.memory_space<vmem_shared>>
      %dma_start3A_42 = arith.constant 0 : i32
      %dma_start3A_43 = tpu.memref_slice %arg4[%add3A_12, %dma_start3A_42] : memref<20000x128xf32, #tpu.memory_space<hbm>> -> memref<624x128xf32, #tpu.memory_space<hbm>>
      tpu.enqueue_dma source(%dma_start3A_43 : memref<624x128xf32, #tpu.memory_space<hbm>>) target(%dma_start3A_41 : memref<624x128xf32, #tpu.memory_space<vmem_shared>>) target_semaphore(%run_scoped3A : memref<!tpu.dma_semaphore, #tpu.memory_space<semaphore_mem>>)
      %dma_wait3A_44 = arith.constant 0 : i32
      %dma_wait3A_45 = tpu.memref_slice %arg10[%mul3A_14, %dma_wait3A_44] : memref<10000x128xf32, #tpu.memory_space<vmem_shared>> -> memref<624x128xf32, #tpu.memory_space<vmem_shared>>
      %dma_wait3A_46 = arith.constant 0 : i32
      %dma_wait3A_47 = tpu.memref_slice %arg4[%add3A_12, %dma_wait3A_46] : memref<20000x128xf32, #tpu.memory_space<hbm>> -> memref<624x128xf32, #tpu.memory_space<hbm>>
      tpu.wait_dma2 semaphore(%run_scoped3A : memref<!tpu.dma_semaphore, #tpu.memory_space<semaphore_mem>>) src(%dma_wait3A_47 : memref<624x128xf32, #tpu.memory_space<hbm>>) dst(%dma_wait3A_45 : memref<624x128xf32, #tpu.memory_space<vmem_shared>>)
      tpu.yield
    }) : () -> ()
    %eq3A = arith.constant 15 : i32
    %eq3A_15 = arith.cmpi eq, %arg1, %eq3A : i32
    %convert_element_type3A_16 = arith.extui %eq3A_15 : i1 to i32
    %cond3A = arith.constant 0 : i32
    %cond3A_17 = arith.cmpi ne, %convert_element_type3A_16, %cond3A : i32
    scf.if %cond3A_17 {
      %add3A_41 = arith.constant 9984 : i32
      %add3A_42 = arith.addi %mul3A_9, %add3A_41 : i32
      "tpu.region"() ({
        %run_scoped3A = tpu.sem_alloc : memref<!tpu.dma_semaphore, #tpu.memory_space<semaphore_mem>>
        %dma_start3A = arith.constant 9984 : i32
        %dma_start3A_43 = arith.constant 0 : i32
        %dma_start3A_44 = tpu.memref_slice %arg10[%dma_start3A, %dma_start3A_43] : memref<10000x128xf32, #tpu.memory_space<vmem_shared>> -> memref<16x128xf32, #tpu.memory_space<vmem_shared>>
        %dma_start3A_45 = arith.constant 0 : i32
        %dma_start3A_46 = tpu.memref_slice %arg4[%add3A_42, %dma_start3A_45] : memref<20000x128xf32, #tpu.memory_space<hbm>> -> memref<16x128xf32, #tpu.memory_space<hbm>>
        tpu.enqueue_dma source(%dma_start3A_46 : memref<16x128xf32, #tpu.memory_space<hbm>>) target(%dma_start3A_44 : memref<16x128xf32, #tpu.memory_space<vmem_shared>>) target_semaphore(%run_scoped3A : memref<!tpu.dma_semaphore, #tpu.memory_space<semaphore_mem>>)
        %dma_wait3A_47 = arith.constant 9984 : i32
        %dma_wait3A_48 = arith.constant 0 : i32
        %dma_wait3A_49 = tpu.memref_slice %arg10[%dma_wait3A_47, %dma_wait3A_48] : memref<10000x128xf32, #tpu.memory_space<vmem_shared>> -> memref<16x128xf32, #tpu.memory_space<vmem_shared>>
        %dma_wait3A_50 = arith.constant 0 : i32
        %dma_wait3A_51 = tpu.memref_slice %arg4[%add3A_42, %dma_wait3A_50] : memref<20000x128xf32, #tpu.memory_space<hbm>> -> memref<16x128xf32, #tpu.memory_space<hbm>>
        tpu.wait_dma2 semaphore(%run_scoped3A : memref<!tpu.dma_semaphore, #tpu.memory_space<semaphore_mem>>) src(%dma_wait3A_51 : memref<16x128xf32, #tpu.memory_space<hbm>>) dst(%dma_wait3A_49 : memref<16x128xf32, #tpu.memory_space<vmem_shared>>)
        tpu.yield
      }) : () -> ()
    } else {
    }
    %barrier3A = arith.constant 0 : index
    tpu.barrier barrier_id(%barrier3A)
    %scan3A = arith.constant 0 : i32
    %scan3A_18 = arith.constant 0 : i32
    %scan3A_19 = arith.constant 22 : i32
    %scan3A_20 = arith.addi %scan3A_18, %scan3A_19 : i32
    %scan3A_21 = arith.constant 1 : i32
    scf.for %scan3A_41 = %scan3A_18 to %scan3A_20 step %scan3A_21  : i32 {
      %mul3A_42 = arith.constant 2 : i32
      %mul3A_43 = arith.muli %scan3A_41, %mul3A_42 : i32
      %add3A_44 = arith.constant 0 : i32
      %add3A_45 = arith.addi %mul3A_43, %add3A_44 : i32
      %lt3A_46 = arith.cmpi slt, %add3A_45, %add3A_3 : i32
      %convert_element_type3A_47 = arith.extui %lt3A_46 : i1 to i32
      %cond3A_48 = arith.constant 0 : i32
      %cond3A_49 = arith.cmpi ne, %convert_element_type3A_47, %cond3A_48 : i32
      scf.if %cond3A_49 {
        %ge3A_69 = arith.constant 2 : i32
        %ge3A_70 = arith.cmpi sge, %add3A_45, %ge3A_69 : i32
        %convert_element_type3A_71 = arith.extui %ge3A_70 : i1 to i32
        %cond3A_72 = arith.constant 0 : i32
        %cond3A_73 = arith.cmpi ne, %convert_element_type3A_71, %cond3A_72 : i32
        scf.if %cond3A_73 {
          %dma_wait3A_89 = arith.constant 0 : i32
          %dma_wait3A_90 = arith.constant 0 : i32
          %dma_wait3A_91 = tpu.memref_slice %arg10[%dma_wait3A_89, %dma_wait3A_90] : memref<10000x128xf32, #tpu.memory_space<vmem_shared>> -> memref<10000x128xf32, #tpu.memory_space<vmem_shared>>
          tpu.wait_indirect_dma semaphore(%arg13 : memref<!tpu.dma_semaphore, #tpu.memory_space<semaphore_mem>>) src(%arg8 : memref<128x128xf32, #tpu.memory_space<vmem>>) dst(%dma_wait3A_91 : memref<10000x128xf32, #tpu.memory_space<vmem_shared>>)
        } else {
        }
        %add3A_74 = arith.constant 1250 : i32
        %add3A_75 = arith.addi %add3A_74, %add3A_7 : i32
        %add3A_76 = arith.addi %add3A_75, %add3A_45 : i32
        %dma_start3A = arith.constant 0 : i32
        %dma_start3A_77 = tpu.memref_slice %arg2[%add3A_76, %dma_start3A] : memref<2500x128xi32, #tpu.memory_space<hbm>> -> memref<1x128xi32, #tpu.memory_space<hbm>>
        %dma_start3A_78 = tpu.memref_squeeze %dma_start3A_77 : memref<1x128xi32, #tpu.memory_space<hbm>> -> memref<128xi32, #tpu.memory_space<hbm>>
        %dma_start3A_79 = arith.constant 0 : i32
        %dma_start3A_80 = tpu.memref_slice %arg2[%add3A_76, %dma_start3A_79] : memref<2500x128xi32, #tpu.memory_space<hbm>> -> memref<1x128xi32, #tpu.memory_space<hbm>>
        %dma_start3A_81 = tpu.memref_squeeze %dma_start3A_80 : memref<1x128xi32, #tpu.memory_space<hbm>> -> memref<128xi32, #tpu.memory_space<hbm>>
        tpu.enqueue_dma source(%dma_start3A_81 : memref<128xi32, #tpu.memory_space<hbm>>) target(%arg6 : memref<128xi32, #tpu.memory_space<vmem>>) target_semaphore(%arg11 : memref<!tpu.dma_semaphore, #tpu.memory_space<semaphore_mem>>)
        %add3A_82 = arith.addi %add3A_7, %add3A_45 : i32
        %mul3A_83 = arith.constant 128 : i32
        %mul3A_84 = arith.muli %add3A_82, %mul3A_83 : i32
        %dma_start3A_85 = arith.constant 0 : i32
        %dma_start3A_86 = tpu.memref_slice %arg3[%mul3A_84, %dma_start3A_85] : memref<160000x128xf32, #tpu.memory_space<hbm>> -> memref<128x128xf32, #tpu.memory_space<hbm>>
        %dma_start3A_87 = arith.constant 0 : i32
        %dma_start3A_88 = tpu.memref_slice %arg3[%mul3A_84, %dma_start3A_87] : memref<160000x128xf32, #tpu.memory_space<hbm>> -> memref<128x128xf32, #tpu.memory_space<hbm>>
        tpu.enqueue_dma source(%dma_start3A_88 : memref<128x128xf32, #tpu.memory_space<hbm>>) target(%arg8 : memref<128x128xf32, #tpu.memory_space<vmem>>) target_semaphore(%arg11 : memref<!tpu.dma_semaphore, #tpu.memory_space<semaphore_mem>>)
      } else {
      }
      %ge3A = arith.constant 1 : i32
      %ge3A_50 = arith.cmpi sge, %add3A_45, %ge3A : i32
      %le3A = arith.cmpi sle, %add3A_45, %add3A_3 : i32
      %and3A = arith.andi %ge3A_50, %le3A : i1
      %convert_element_type3A_51 = arith.extui %and3A : i1 to i32
      %cond3A_52 = arith.constant 0 : i32
      %cond3A_53 = arith.cmpi ne, %convert_element_type3A_51, %cond3A_52 : i32
      scf.if %cond3A_53 {
        %dma_wait3A_69 = arith.constant 0 : i32
        %dma_wait3A_70 = arith.constant 0 : i32
        %dma_wait3A_71 = tpu.memref_slice %arg2[%dma_wait3A_69, %dma_wait3A_70] : memref<2500x128xi32, #tpu.memory_space<hbm>> -> memref<1x128xi32, #tpu.memory_space<hbm>>
        %dma_wait3A_72 = tpu.memref_squeeze %dma_wait3A_71 : memref<1x128xi32, #tpu.memory_space<hbm>> -> memref<128xi32, #tpu.memory_space<hbm>>
        %dma_wait3A_73 = arith.constant 0 : i32
        %dma_wait3A_74 = tpu.memref_slice %arg2[%dma_wait3A_69, %dma_wait3A_73] : memref<2500x128xi32, #tpu.memory_space<hbm>> -> memref<1x128xi32, #tpu.memory_space<hbm>>
        %dma_wait3A_75 = tpu.memref_squeeze %dma_wait3A_74 : memref<1x128xi32, #tpu.memory_space<hbm>> -> memref<128xi32, #tpu.memory_space<hbm>>
        tpu.wait_dma2 semaphore(%arg12 : memref<!tpu.dma_semaphore, #tpu.memory_space<semaphore_mem>>) src(%dma_wait3A_75 : memref<128xi32, #tpu.memory_space<hbm>>) dst(%arg7 : memref<128xi32, #tpu.memory_space<vmem>>)
        %dma_wait3A_76 = arith.constant 0 : i32
        %dma_wait3A_77 = arith.constant 0 : i32
        %dma_wait3A_78 = tpu.memref_slice %arg3[%dma_wait3A_76, %dma_wait3A_77] : memref<160000x128xf32, #tpu.memory_space<hbm>> -> memref<128x128xf32, #tpu.memory_space<hbm>>
        %dma_wait3A_79 = arith.constant 0 : i32
        %dma_wait3A_80 = arith.constant 0 : i32
        %dma_wait3A_81 = tpu.memref_slice %arg3[%dma_wait3A_79, %dma_wait3A_80] : memref<160000x128xf32, #tpu.memory_space<hbm>> -> memref<128x128xf32, #tpu.memory_space<hbm>>
        tpu.wait_dma2 semaphore(%arg12 : memref<!tpu.dma_semaphore, #tpu.memory_space<semaphore_mem>>) src(%dma_wait3A_81 : memref<128x128xf32, #tpu.memory_space<hbm>>) dst(%arg9 : memref<128x128xf32, #tpu.memory_space<vmem>>)
        %dma_start3A = arith.constant 0 : i32
        %dma_start3A_82 = arith.constant 0 : i32
        %dma_start3A_83 = tpu.memref_slice %arg10[%dma_start3A, %dma_start3A_82] : memref<10000x128xf32, #tpu.memory_space<vmem_shared>> -> memref<10000x128xf32, #tpu.memory_space<vmem_shared>>
        tpu.enqueue_indirect_dma source(%arg9 : memref<128x128xf32, #tpu.memory_space<vmem>>) target(%dma_start3A_83 : memref<10000x128xf32, #tpu.memory_space<vmem_shared>>) offsets(%arg7 : memref<128xi32, #tpu.memory_space<vmem>>) semaphore(%arg14 : memref<!tpu.dma_semaphore, #tpu.memory_space<semaphore_mem>>) {add = true}
      } else {
      }
      %mul3A_54 = arith.constant 2 : i32
      %mul3A_55 = arith.muli %scan3A_41, %mul3A_54 : i32
      %add3A_56 = arith.constant 1 : i32
      %add3A_57 = arith.addi %mul3A_55, %add3A_56 : i32
      %lt3A_58 = arith.cmpi slt, %add3A_57, %add3A_3 : i32
      %convert_element_type3A_59 = arith.extui %lt3A_58 : i1 to i32
      %cond3A_60 = arith.constant 0 : i32
      %cond3A_61 = arith.cmpi ne, %convert_element_type3A_59, %cond3A_60 : i32
      scf.if %cond3A_61 {
        %ge3A_69 = arith.constant 2 : i32
        %ge3A_70 = arith.cmpi sge, %add3A_57, %ge3A_69 : i32
        %convert_element_type3A_71 = arith.extui %ge3A_70 : i1 to i32
        %cond3A_72 = arith.constant 0 : i32
        %cond3A_73 = arith.cmpi ne, %convert_element_type3A_71, %cond3A_72 : i32
        scf.if %cond3A_73 {
          %dma_wait3A_89 = arith.constant 0 : i32
          %dma_wait3A_90 = arith.constant 0 : i32
          %dma_wait3A_91 = tpu.memref_slice %arg10[%dma_wait3A_89, %dma_wait3A_90] : memref<10000x128xf32, #tpu.memory_space<vmem_shared>> -> memref<10000x128xf32, #tpu.memory_space<vmem_shared>>
          tpu.wait_indirect_dma semaphore(%arg14 : memref<!tpu.dma_semaphore, #tpu.memory_space<semaphore_mem>>) src(%arg9 : memref<128x128xf32, #tpu.memory_space<vmem>>) dst(%dma_wait3A_91 : memref<10000x128xf32, #tpu.memory_space<vmem_shared>>)
        } else {
        }
        %add3A_74 = arith.constant 1250 : i32
        %add3A_75 = arith.addi %add3A_74, %add3A_7 : i32
        %add3A_76 = arith.addi %add3A_75, %add3A_57 : i32
        %dma_start3A = arith.constant 0 : i32
        %dma_start3A_77 = tpu.memref_slice %arg2[%add3A_76, %dma_start3A] : memref<2500x128xi32, #tpu.memory_space<hbm>> -> memref<1x128xi32, #tpu.memory_space<hbm>>
        %dma_start3A_78 = tpu.memref_squeeze %dma_start3A_77 : memref<1x128xi32, #tpu.memory_space<hbm>> -> memref<128xi32, #tpu.memory_space<hbm>>
        %dma_start3A_79 = arith.constant 0 : i32
        %dma_start3A_80 = tpu.memref_slice %arg2[%add3A_76, %dma_start3A_79] : memref<2500x128xi32, #tpu.memory_space<hbm>> -> memref<1x128xi32, #tpu.memory_space<hbm>>
        %dma_start3A_81 = tpu.memref_squeeze %dma_start3A_80 : memref<1x128xi32, #tpu.memory_space<hbm>> -> memref<128xi32, #tpu.memory_space<hbm>>
        tpu.enqueue_dma source(%dma_start3A_81 : memref<128xi32, #tpu.memory_space<hbm>>) target(%arg7 : memref<128xi32, #tpu.memory_space<vmem>>) target_semaphore(%arg12 : memref<!tpu.dma_semaphore, #tpu.memory_space<semaphore_mem>>)
        %add3A_82 = arith.addi %add3A_7, %add3A_57 : i32
        %mul3A_83 = arith.constant 128 : i32
        %mul3A_84 = arith.muli %add3A_82, %mul3A_83 : i32
        %dma_start3A_85 = arith.constant 0 : i32
        %dma_start3A_86 = tpu.memref_slice %arg3[%mul3A_84, %dma_start3A_85] : memref<160000x128xf32, #tpu.memory_space<hbm>> -> memref<128x128xf32, #tpu.memory_space<hbm>>
        %dma_start3A_87 = arith.constant 0 : i32
        %dma_start3A_88 = tpu.memref_slice %arg3[%mul3A_84, %dma_start3A_87] : memref<160000x128xf32, #tpu.memory_space<hbm>> -> memref<128x128xf32, #tpu.memory_space<hbm>>
        tpu.enqueue_dma source(%dma_start3A_88 : memref<128x128xf32, #tpu.memory_space<hbm>>) target(%arg9 : memref<128x128xf32, #tpu.memory_space<vmem>>) target_semaphore(%arg12 : memref<!tpu.dma_semaphore, #tpu.memory_space<semaphore_mem>>)
      } else {
      }
      %ge3A_62 = arith.constant 1 : i32
      %ge3A_63 = arith.cmpi sge, %add3A_57, %ge3A_62 : i32
      %le3A_64 = arith.cmpi sle, %add3A_57, %add3A_3 : i32
      %and3A_65 = arith.andi %ge3A_63, %le3A_64 : i1
      %convert_element_type3A_66 = arith.extui %and3A_65 : i1 to i32
      %cond3A_67 = arith.constant 0 : i32
      %cond3A_68 = arith.cmpi ne, %convert_element_type3A_66, %cond3A_67 : i32
      scf.if %cond3A_68 {
        %dma_wait3A_69 = arith.constant 0 : i32
        %dma_wait3A_70 = arith.constant 0 : i32
        %dma_wait3A_71 = tpu.memref_slice %arg2[%dma_wait3A_69, %dma_wait3A_70] : memref<2500x128xi32, #tpu.memory_space<hbm>> -> memref<1x128xi32, #tpu.memory_space<hbm>>
        %dma_wait3A_72 = tpu.memref_squeeze %dma_wait3A_71 : memref<1x128xi32, #tpu.memory_space<hbm>> -> memref<128xi32, #tpu.memory_space<hbm>>
        %dma_wait3A_73 = arith.constant 0 : i32
        %dma_wait3A_74 = tpu.memref_slice %arg2[%dma_wait3A_69, %dma_wait3A_73] : memref<2500x128xi32, #tpu.memory_space<hbm>> -> memref<1x128xi32, #tpu.memory_space<hbm>>
        %dma_wait3A_75 = tpu.memref_squeeze %dma_wait3A_74 : memref<1x128xi32, #tpu.memory_space<hbm>> -> memref<128xi32, #tpu.memory_space<hbm>>
        tpu.wait_dma2 semaphore(%arg11 : memref<!tpu.dma_semaphore, #tpu.memory_space<semaphore_mem>>) src(%dma_wait3A_75 : memref<128xi32, #tpu.memory_space<hbm>>) dst(%arg6 : memref<128xi32, #tpu.memory_space<vmem>>)
        %dma_wait3A_76 = arith.constant 0 : i32
        %dma_wait3A_77 = arith.constant 0 : i32
        %dma_wait3A_78 = tpu.memref_slice %arg3[%dma_wait3A_76, %dma_wait3A_77] : memref<160000x128xf32, #tpu.memory_space<hbm>> -> memref<128x128xf32, #tpu.memory_space<hbm>>
        %dma_wait3A_79 = arith.constant 0 : i32
        %dma_wait3A_80 = arith.constant 0 : i32
        %dma_wait3A_81 = tpu.memref_slice %arg3[%dma_wait3A_79, %dma_wait3A_80] : memref<160000x128xf32, #tpu.memory_space<hbm>> -> memref<128x128xf32, #tpu.memory_space<hbm>>
        tpu.wait_dma2 semaphore(%arg11 : memref<!tpu.dma_semaphore, #tpu.memory_space<semaphore_mem>>) src(%dma_wait3A_81 : memref<128x128xf32, #tpu.memory_space<hbm>>) dst(%arg8 : memref<128x128xf32, #tpu.memory_space<vmem>>)
        %dma_start3A = arith.constant 0 : i32
        %dma_start3A_82 = arith.constant 0 : i32
        %dma_start3A_83 = tpu.memref_slice %arg10[%dma_start3A, %dma_start3A_82] : memref<10000x128xf32, #tpu.memory_space<vmem_shared>> -> memref<10000x128xf32, #tpu.memory_space<vmem_shared>>
        tpu.enqueue_indirect_dma source(%arg8 : memref<128x128xf32, #tpu.memory_space<vmem>>) target(%dma_start3A_83 : memref<10000x128xf32, #tpu.memory_space<vmem_shared>>) offsets(%arg6 : memref<128xi32, #tpu.memory_space<vmem>>) semaphore(%arg13 : memref<!tpu.dma_semaphore, #tpu.memory_space<semaphore_mem>>) {add = true}
      } else {
      }
    }
    %scan3A_22 = arith.constant 22 : i32
    %dma_wait3A = arith.constant 0 : i32
    %dma_wait3A_23 = arith.constant 0 : i32
    %dma_wait3A_24 = tpu.memref_slice %arg10[%dma_wait3A, %dma_wait3A_23] : memref<10000x128xf32, #tpu.memory_space<vmem_shared>> -> memref<10000x128xf32, #tpu.memory_space<vmem_shared>>
    tpu.wait_indirect_dma semaphore(%arg13 : memref<!tpu.dma_semaphore, #tpu.memory_space<semaphore_mem>>) src(%arg8 : memref<128x128xf32, #tpu.memory_space<vmem>>) dst(%dma_wait3A_24 : memref<10000x128xf32, #tpu.memory_space<vmem_shared>>)
    %dma_wait3A_25 = arith.constant 0 : i32
    %dma_wait3A_26 = arith.constant 0 : i32
    %dma_wait3A_27 = tpu.memref_slice %arg10[%dma_wait3A_25, %dma_wait3A_26] : memref<10000x128xf32, #tpu.memory_space<vmem_shared>> -> memref<10000x128xf32, #tpu.memory_space<vmem_shared>>
    tpu.wait_indirect_dma semaphore(%arg14 : memref<!tpu.dma_semaphore, #tpu.memory_space<semaphore_mem>>) src(%arg9 : memref<128x128xf32, #tpu.memory_space<vmem>>) dst(%dma_wait3A_27 : memref<10000x128xf32, #tpu.memory_space<vmem_shared>>)
    %barrier3A_28 = arith.constant 0 : index
    tpu.barrier barrier_id(%barrier3A_28)
    %mul3A_29 = arith.constant 624 : i32
    %mul3A_30 = arith.muli %arg1, %mul3A_29 : i32
    %mul3A_31 = arith.constant 10000 : i32
    %mul3A_32 = arith.muli %arg0, %mul3A_31 : i32
    %mul3A_33 = arith.constant 624 : i32
    %mul3A_34 = arith.muli %arg1, %mul3A_33 : i32
    %add3A_35 = arith.addi %mul3A_32, %mul3A_34 : i32
    "tpu.region"() ({
      %run_scoped3A = tpu.sem_alloc : memref<!tpu.dma_semaphore, #tpu.memory_space<semaphore_mem>>
      %dma_start3A = arith.constant 0 : i32
      %dma_start3A_41 = tpu.memref_slice %arg5[%add3A_35, %dma_start3A] : memref<20000x128xf32, #tpu.memory_space<hbm>> -> memref<624x128xf32, #tpu.memory_space<hbm>>
      %dma_start3A_42 = arith.constant 0 : i32
      %dma_start3A_43 = tpu.memref_slice %arg10[%mul3A_30, %dma_start3A_42] : memref<10000x128xf32, #tpu.memory_space<vmem_shared>> -> memref<624x128xf32, #tpu.memory_space<vmem_shared>>
      tpu.enqueue_dma source(%dma_start3A_43 : memref<624x128xf32, #tpu.memory_space<vmem_shared>>) target(%dma_start3A_41 : memref<624x128xf32, #tpu.memory_space<hbm>>) target_semaphore(%run_scoped3A : memref<!tpu.dma_semaphore, #tpu.memory_space<semaphore_mem>>)
      %dma_wait3A_44 = arith.constant 0 : i32
      %dma_wait3A_45 = tpu.memref_slice %arg5[%add3A_35, %dma_wait3A_44] : memref<20000x128xf32, #tpu.memory_space<hbm>> -> memref<624x128xf32, #tpu.memory_space<hbm>>
      %dma_wait3A_46 = arith.constant 0 : i32
      %dma_wait3A_47 = tpu.memref_slice %arg10[%mul3A_30, %dma_wait3A_46] : memref<10000x128xf32, #tpu.memory_space<vmem_shared>> -> memref<624x128xf32, #tpu.memory_space<vmem_shared>>
      tpu.wait_dma2 semaphore(%run_scoped3A : memref<!tpu.dma_semaphore, #tpu.memory_space<semaphore_mem>>) src(%dma_wait3A_47 : memref<624x128xf32, #tpu.memory_space<vmem_shared>>) dst(%dma_wait3A_45 : memref<624x128xf32, #tpu.memory_space<hbm>>)
      tpu.yield
    }) : () -> ()
    %eq3A_36 = arith.constant 15 : i32
    %eq3A_37 = arith.cmpi eq, %arg1, %eq3A_36 : i32
    %convert_element_type3A_38 = arith.extui %eq3A_37 : i1 to i32
    %cond3A_39 = arith.constant 0 : i32
    %cond3A_40 = arith.cmpi ne, %convert_element_type3A_38, %cond3A_39 : i32
    scf.if %cond3A_40 {
      %mul3A_41 = arith.constant 10000 : i32
      %mul3A_42 = arith.muli %arg0, %mul3A_41 : i32
      %add3A_43 = arith.constant 9984 : i32
      %add3A_44 = arith.addi %mul3A_42, %add3A_43 : i32
      "tpu.region"() ({
        %run_scoped3A = tpu.sem_alloc : memref<!tpu.dma_semaphore, #tpu.memory_space<semaphore_mem>>
        %dma_start3A = arith.constant 0 : i32
        %dma_start3A_45 = tpu.memref_slice %arg5[%add3A_44, %dma_start3A] : memref<20000x128xf32, #tpu.memory_space<hbm>> -> memref<16x128xf32, #tpu.memory_space<hbm>>
        %dma_start3A_46 = arith.constant 9984 : i32
        %dma_start3A_47 = arith.constant 0 : i32
        %dma_start3A_48 = tpu.memref_slice %arg10[%dma_start3A_46, %dma_start3A_47] : memref<10000x128xf32, #tpu.memory_space<vmem_shared>> -> memref<16x128xf32, #tpu.memory_space<vmem_shared>>
        tpu.enqueue_dma source(%dma_start3A_48 : memref<16x128xf32, #tpu.memory_space<vmem_shared>>) target(%dma_start3A_45 : memref<16x128xf32, #tpu.memory_space<hbm>>) target_semaphore(%run_scoped3A : memref<!tpu.dma_semaphore, #tpu.memory_space<semaphore_mem>>)
        %dma_wait3A_49 = arith.constant 0 : i32
        %dma_wait3A_50 = tpu.memref_slice %arg5[%add3A_44, %dma_wait3A_49] : memref<20000x128xf32, #tpu.memory_space<hbm>> -> memref<16x128xf32, #tpu.memory_space<hbm>>
        %dma_wait3A_51 = arith.constant 9984 : i32
        %dma_wait3A_52 = arith.constant 0 : i32
        %dma_wait3A_53 = tpu.memref_slice %arg10[%dma_wait3A_51, %dma_wait3A_52] : memref<10000x128xf32, #tpu.memory_space<vmem_shared>> -> memref<16x128xf32, #tpu.memory_space<vmem_shared>>
        tpu.wait_dma2 semaphore(%run_scoped3A : memref<!tpu.dma_semaphore, #tpu.memory_space<semaphore_mem>>) src(%dma_wait3A_53 : memref<16x128xf32, #tpu.memory_space<vmem_shared>>) dst(%dma_wait3A_50 : memref<16x128xf32, #tpu.memory_space<hbm>>)
        tpu.yield
      }) : () -> ()
    } else {
    }
    return
  }
}

#map = affine_map<(d0, d1) -> (0, 0)>
module attributes {stable_mosaic.version = 14 : i64} {
  func.func @_scatter_body(%arg0: i32, %arg1: i32, %arg2: memref<2500x128xi32, #tpu.memory_space<hbm>>, %arg3: memref<160000x128xf32, #tpu.memory_space<hbm>>, %arg4: memref<10000x128xf32, #tpu.memory_space<hbm>>, %arg5: memref<20000x128xf32, #tpu.memory_space<hbm>>, %arg6: memref<128xi32, #tpu.memory_space<vmem>>, %arg7: memref<128xi32, #tpu.memory_space<vmem>>, %arg8: memref<128x128xf32, #tpu.memory_space<vmem>>, %arg9: memref<128x128xf32, #tpu.memory_space<vmem>>, %arg10: memref<10000x128xf32, #tpu.memory_space<vmem_shared>>, %arg11: memref<!tpu.dma_semaphore, #tpu.memory_space<semaphore_mem>>, %arg12: memref<!tpu.dma_semaphore, #tpu.memory_space<semaphore_mem>>, %arg13: memref<!tpu.dma_semaphore, #tpu.memory_space<semaphore_mem>>, %arg14: memref<!tpu.dma_semaphore, #tpu.memory_space<semaphore_mem>>) attributes {dimension_semantics = [#tpu.dimension_semantics<core_parallel>, #tpu.dimension_semantics<subcore_parallel>], iteration_bounds = array<i64: 2, 16>, scalar_prefetch = 0 : i64, scratch_operands = 9 : i64, tpu.core_type = #tpu.core_type<sc_vector_subcore>, window_params = [{transform_indices = #map}, {transform_indices = #map}, {transform_indices = #map}, {transform_indices = #map}]} {
    %mul3A = arith.constant 2 : i32
    %mul3A_0 = arith.muli %arg1, %mul3A : i32
    %add3A = arith.addi %mul3A_0, %arg0 : i32
    %lt3A = arith.constant 2 : i32
    %lt3A_1 = arith.cmpi slt, %add3A, %lt3A : i32
    %convert_element_type3A = arith.extui %lt3A_1 : i1 to i32
    %add3A_2 = arith.constant 39 : i32
    %add3A_3 = arith.addi %add3A_2, %convert_element_type3A : i32
    %mul3A_4 = arith.constant 39 : i32
    %mul3A_5 = arith.muli %mul3A_4, %add3A : i32
    %min3A = arith.constant 2 : i32
    %min3A_6 = arith.minsi %add3A, %min3A : i32
    %add3A_7 = arith.addi %mul3A_5, %min3A_6 : i32
    %mul3A_8 = arith.constant 624 : i32
    %mul3A_9 = arith.muli %arg1, %mul3A_8 : i32
    %add3A_10 = arith.constant 0 : i32
    %add3A_11 = arith.addi %add3A_10, %mul3A_9 : i32
    %mul3A_12 = arith.constant 624 : i32
    %mul3A_13 = arith.muli %arg1, %mul3A_12 : i32
    "tpu.region"() ({
      %run_scoped3A = tpu.sem_alloc : memref<!tpu.dma_semaphore, #tpu.memory_space<semaphore_mem>>
      %dma_start3A = arith.constant 0 : i32
      %dma_start3A_40 = tpu.memref_slice %arg10[%mul3A_13, %dma_start3A] : memref<10000x128xf32, #tpu.memory_space<vmem_shared>> -> memref<624x128xf32, #tpu.memory_space<vmem_shared>>
      %dma_start3A_41 = arith.constant 0 : i32
      %dma_start3A_42 = tpu.memref_slice %arg4[%add3A_11, %dma_start3A_41] : memref<10000x128xf32, #tpu.memory_space<hbm>> -> memref<624x128xf32, #tpu.memory_space<hbm>>
      tpu.enqueue_dma source(%dma_start3A_42 : memref<624x128xf32, #tpu.memory_space<hbm>>) target(%dma_start3A_40 : memref<624x128xf32, #tpu.memory_space<vmem_shared>>) target_semaphore(%run_scoped3A : memref<!tpu.dma_semaphore, #tpu.memory_space<semaphore_mem>>)
      %dma_wait3A_43 = arith.constant 0 : i32
      %dma_wait3A_44 = tpu.memref_slice %arg10[%mul3A_13, %dma_wait3A_43] : memref<10000x128xf32, #tpu.memory_space<vmem_shared>> -> memref<624x128xf32, #tpu.memory_space<vmem_shared>>
      %dma_wait3A_45 = arith.constant 0 : i32
      %dma_wait3A_46 = tpu.memref_slice %arg4[%add3A_11, %dma_wait3A_45] : memref<10000x128xf32, #tpu.memory_space<hbm>> -> memref<624x128xf32, #tpu.memory_space<hbm>>
      tpu.wait_dma2 semaphore(%run_scoped3A : memref<!tpu.dma_semaphore, #tpu.memory_space<semaphore_mem>>) src(%dma_wait3A_46 : memref<624x128xf32, #tpu.memory_space<hbm>>) dst(%dma_wait3A_44 : memref<624x128xf32, #tpu.memory_space<vmem_shared>>)
      tpu.yield
    }) : () -> ()
    %eq3A = arith.constant 15 : i32
    %eq3A_14 = arith.cmpi eq, %arg1, %eq3A : i32
    %convert_element_type3A_15 = arith.extui %eq3A_14 : i1 to i32
    %cond3A = arith.constant 0 : i32
    %cond3A_16 = arith.cmpi ne, %convert_element_type3A_15, %cond3A : i32
    scf.if %cond3A_16 {
      "tpu.region"() ({
        %run_scoped3A = tpu.sem_alloc : memref<!tpu.dma_semaphore, #tpu.memory_space<semaphore_mem>>
        %dma_start3A = arith.constant 9984 : i32
        %dma_start3A_40 = arith.constant 0 : i32
        %dma_start3A_41 = tpu.memref_slice %arg10[%dma_start3A, %dma_start3A_40] : memref<10000x128xf32, #tpu.memory_space<vmem_shared>> -> memref<16x128xf32, #tpu.memory_space<vmem_shared>>
        %dma_start3A_42 = arith.constant 9984 : i32
        %dma_start3A_43 = arith.constant 0 : i32
        %dma_start3A_44 = tpu.memref_slice %arg4[%dma_start3A_42, %dma_start3A_43] : memref<10000x128xf32, #tpu.memory_space<hbm>> -> memref<16x128xf32, #tpu.memory_space<hbm>>
        tpu.enqueue_dma source(%dma_start3A_44 : memref<16x128xf32, #tpu.memory_space<hbm>>) target(%dma_start3A_41 : memref<16x128xf32, #tpu.memory_space<vmem_shared>>) target_semaphore(%run_scoped3A : memref<!tpu.dma_semaphore, #tpu.memory_space<semaphore_mem>>)
        %dma_wait3A_45 = arith.constant 9984 : i32
        %dma_wait3A_46 = arith.constant 0 : i32
        %dma_wait3A_47 = tpu.memref_slice %arg10[%dma_wait3A_45, %dma_wait3A_46] : memref<10000x128xf32, #tpu.memory_space<vmem_shared>> -> memref<16x128xf32, #tpu.memory_space<vmem_shared>>
        %dma_wait3A_48 = arith.constant 9984 : i32
        %dma_wait3A_49 = arith.constant 0 : i32
        %dma_wait3A_50 = tpu.memref_slice %arg4[%dma_wait3A_48, %dma_wait3A_49] : memref<10000x128xf32, #tpu.memory_space<hbm>> -> memref<16x128xf32, #tpu.memory_space<hbm>>
        tpu.wait_dma2 semaphore(%run_scoped3A : memref<!tpu.dma_semaphore, #tpu.memory_space<semaphore_mem>>) src(%dma_wait3A_50 : memref<16x128xf32, #tpu.memory_space<hbm>>) dst(%dma_wait3A_47 : memref<16x128xf32, #tpu.memory_space<vmem_shared>>)
        tpu.yield
      }) : () -> ()
    } else {
    }
    %barrier3A = arith.constant 0 : index
    tpu.barrier barrier_id(%barrier3A)
    %scan3A = arith.constant 0 : i32
    %scan3A_17 = arith.constant 0 : i32
    %scan3A_18 = arith.constant 22 : i32
    %scan3A_19 = arith.addi %scan3A_17, %scan3A_18 : i32
    %scan3A_20 = arith.constant 1 : i32
    scf.for %scan3A_40 = %scan3A_17 to %scan3A_19 step %scan3A_20  : i32 {
      %mul3A_41 = arith.constant 2 : i32
      %mul3A_42 = arith.muli %scan3A_40, %mul3A_41 : i32
      %add3A_43 = arith.constant 0 : i32
      %add3A_44 = arith.addi %mul3A_42, %add3A_43 : i32
      %lt3A_45 = arith.cmpi slt, %add3A_44, %add3A_3 : i32
      %convert_element_type3A_46 = arith.extui %lt3A_45 : i1 to i32
      %cond3A_47 = arith.constant 0 : i32
      %cond3A_48 = arith.cmpi ne, %convert_element_type3A_46, %cond3A_47 : i32
      scf.if %cond3A_48 {
        %ge3A_68 = arith.constant 2 : i32
        %ge3A_69 = arith.cmpi sge, %add3A_44, %ge3A_68 : i32
        %convert_element_type3A_70 = arith.extui %ge3A_69 : i1 to i32
        %cond3A_71 = arith.constant 0 : i32
        %cond3A_72 = arith.cmpi ne, %convert_element_type3A_70, %cond3A_71 : i32
        scf.if %cond3A_72 {
          %dma_wait3A_88 = arith.constant 0 : i32
          %dma_wait3A_89 = arith.constant 0 : i32
          %dma_wait3A_90 = tpu.memref_slice %arg10[%dma_wait3A_88, %dma_wait3A_89] : memref<10000x128xf32, #tpu.memory_space<vmem_shared>> -> memref<10000x128xf32, #tpu.memory_space<vmem_shared>>
          tpu.wait_indirect_dma semaphore(%arg13 : memref<!tpu.dma_semaphore, #tpu.memory_space<semaphore_mem>>) src(%arg8 : memref<128x128xf32, #tpu.memory_space<vmem>>) dst(%dma_wait3A_90 : memref<10000x128xf32, #tpu.memory_space<vmem_shared>>)
        } else {
        }
        %add3A_73 = arith.constant 0 : i32
        %add3A_74 = arith.addi %add3A_73, %add3A_7 : i32
        %add3A_75 = arith.addi %add3A_74, %add3A_44 : i32
        %dma_start3A = arith.constant 0 : i32
        %dma_start3A_76 = tpu.memref_slice %arg2[%add3A_75, %dma_start3A] : memref<2500x128xi32, #tpu.memory_space<hbm>> -> memref<1x128xi32, #tpu.memory_space<hbm>>
        %dma_start3A_77 = tpu.memref_squeeze %dma_start3A_76 : memref<1x128xi32, #tpu.memory_space<hbm>> -> memref<128xi32, #tpu.memory_space<hbm>>
        %dma_start3A_78 = arith.constant 0 : i32
        %dma_start3A_79 = tpu.memref_slice %arg2[%add3A_75, %dma_start3A_78] : memref<2500x128xi32, #tpu.memory_space<hbm>> -> memref<1x128xi32, #tpu.memory_space<hbm>>
        %dma_start3A_80 = tpu.memref_squeeze %dma_start3A_79 : memref<1x128xi32, #tpu.memory_space<hbm>> -> memref<128xi32, #tpu.memory_space<hbm>>
        tpu.enqueue_dma source(%dma_start3A_80 : memref<128xi32, #tpu.memory_space<hbm>>) target(%arg6 : memref<128xi32, #tpu.memory_space<vmem>>) target_semaphore(%arg11 : memref<!tpu.dma_semaphore, #tpu.memory_space<semaphore_mem>>)
        %add3A_81 = arith.addi %add3A_7, %add3A_44 : i32
        %mul3A_82 = arith.constant 128 : i32
        %mul3A_83 = arith.muli %add3A_81, %mul3A_82 : i32
        %dma_start3A_84 = arith.constant 0 : i32
        %dma_start3A_85 = tpu.memref_slice %arg3[%mul3A_83, %dma_start3A_84] : memref<160000x128xf32, #tpu.memory_space<hbm>> -> memref<128x128xf32, #tpu.memory_space<hbm>>
        %dma_start3A_86 = arith.constant 0 : i32
        %dma_start3A_87 = tpu.memref_slice %arg3[%mul3A_83, %dma_start3A_86] : memref<160000x128xf32, #tpu.memory_space<hbm>> -> memref<128x128xf32, #tpu.memory_space<hbm>>
        tpu.enqueue_dma source(%dma_start3A_87 : memref<128x128xf32, #tpu.memory_space<hbm>>) target(%arg8 : memref<128x128xf32, #tpu.memory_space<vmem>>) target_semaphore(%arg11 : memref<!tpu.dma_semaphore, #tpu.memory_space<semaphore_mem>>)
      } else {
      }
      %ge3A = arith.constant 1 : i32
      %ge3A_49 = arith.cmpi sge, %add3A_44, %ge3A : i32
      %le3A = arith.cmpi sle, %add3A_44, %add3A_3 : i32
      %and3A = arith.andi %ge3A_49, %le3A : i1
      %convert_element_type3A_50 = arith.extui %and3A : i1 to i32
      %cond3A_51 = arith.constant 0 : i32
      %cond3A_52 = arith.cmpi ne, %convert_element_type3A_50, %cond3A_51 : i32
      scf.if %cond3A_52 {
        %dma_wait3A_68 = arith.constant 0 : i32
        %dma_wait3A_69 = arith.constant 0 : i32
        %dma_wait3A_70 = tpu.memref_slice %arg2[%dma_wait3A_68, %dma_wait3A_69] : memref<2500x128xi32, #tpu.memory_space<hbm>> -> memref<1x128xi32, #tpu.memory_space<hbm>>
        %dma_wait3A_71 = tpu.memref_squeeze %dma_wait3A_70 : memref<1x128xi32, #tpu.memory_space<hbm>> -> memref<128xi32, #tpu.memory_space<hbm>>
        %dma_wait3A_72 = arith.constant 0 : i32
        %dma_wait3A_73 = tpu.memref_slice %arg2[%dma_wait3A_68, %dma_wait3A_72] : memref<2500x128xi32, #tpu.memory_space<hbm>> -> memref<1x128xi32, #tpu.memory_space<hbm>>
        %dma_wait3A_74 = tpu.memref_squeeze %dma_wait3A_73 : memref<1x128xi32, #tpu.memory_space<hbm>> -> memref<128xi32, #tpu.memory_space<hbm>>
        tpu.wait_dma2 semaphore(%arg12 : memref<!tpu.dma_semaphore, #tpu.memory_space<semaphore_mem>>) src(%dma_wait3A_74 : memref<128xi32, #tpu.memory_space<hbm>>) dst(%arg7 : memref<128xi32, #tpu.memory_space<vmem>>)
        %dma_wait3A_75 = arith.constant 0 : i32
        %dma_wait3A_76 = arith.constant 0 : i32
        %dma_wait3A_77 = tpu.memref_slice %arg3[%dma_wait3A_75, %dma_wait3A_76] : memref<160000x128xf32, #tpu.memory_space<hbm>> -> memref<128x128xf32, #tpu.memory_space<hbm>>
        %dma_wait3A_78 = arith.constant 0 : i32
        %dma_wait3A_79 = arith.constant 0 : i32
        %dma_wait3A_80 = tpu.memref_slice %arg3[%dma_wait3A_78, %dma_wait3A_79] : memref<160000x128xf32, #tpu.memory_space<hbm>> -> memref<128x128xf32, #tpu.memory_space<hbm>>
        tpu.wait_dma2 semaphore(%arg12 : memref<!tpu.dma_semaphore, #tpu.memory_space<semaphore_mem>>) src(%dma_wait3A_80 : memref<128x128xf32, #tpu.memory_space<hbm>>) dst(%arg9 : memref<128x128xf32, #tpu.memory_space<vmem>>)
        %dma_start3A = arith.constant 0 : i32
        %dma_start3A_81 = arith.constant 0 : i32
        %dma_start3A_82 = tpu.memref_slice %arg10[%dma_start3A, %dma_start3A_81] : memref<10000x128xf32, #tpu.memory_space<vmem_shared>> -> memref<10000x128xf32, #tpu.memory_space<vmem_shared>>
        tpu.enqueue_indirect_dma source(%arg9 : memref<128x128xf32, #tpu.memory_space<vmem>>) target(%dma_start3A_82 : memref<10000x128xf32, #tpu.memory_space<vmem_shared>>) offsets(%arg7 : memref<128xi32, #tpu.memory_space<vmem>>) semaphore(%arg14 : memref<!tpu.dma_semaphore, #tpu.memory_space<semaphore_mem>>) {add = true}
      } else {
      }
      %mul3A_53 = arith.constant 2 : i32
      %mul3A_54 = arith.muli %scan3A_40, %mul3A_53 : i32
      %add3A_55 = arith.constant 1 : i32
      %add3A_56 = arith.addi %mul3A_54, %add3A_55 : i32
      %lt3A_57 = arith.cmpi slt, %add3A_56, %add3A_3 : i32
      %convert_element_type3A_58 = arith.extui %lt3A_57 : i1 to i32
      %cond3A_59 = arith.constant 0 : i32
      %cond3A_60 = arith.cmpi ne, %convert_element_type3A_58, %cond3A_59 : i32
      scf.if %cond3A_60 {
        %ge3A_68 = arith.constant 2 : i32
        %ge3A_69 = arith.cmpi sge, %add3A_56, %ge3A_68 : i32
        %convert_element_type3A_70 = arith.extui %ge3A_69 : i1 to i32
        %cond3A_71 = arith.constant 0 : i32
        %cond3A_72 = arith.cmpi ne, %convert_element_type3A_70, %cond3A_71 : i32
        scf.if %cond3A_72 {
          %dma_wait3A_88 = arith.constant 0 : i32
          %dma_wait3A_89 = arith.constant 0 : i32
          %dma_wait3A_90 = tpu.memref_slice %arg10[%dma_wait3A_88, %dma_wait3A_89] : memref<10000x128xf32, #tpu.memory_space<vmem_shared>> -> memref<10000x128xf32, #tpu.memory_space<vmem_shared>>
          tpu.wait_indirect_dma semaphore(%arg14 : memref<!tpu.dma_semaphore, #tpu.memory_space<semaphore_mem>>) src(%arg9 : memref<128x128xf32, #tpu.memory_space<vmem>>) dst(%dma_wait3A_90 : memref<10000x128xf32, #tpu.memory_space<vmem_shared>>)
        } else {
        }
        %add3A_73 = arith.constant 0 : i32
        %add3A_74 = arith.addi %add3A_73, %add3A_7 : i32
        %add3A_75 = arith.addi %add3A_74, %add3A_56 : i32
        %dma_start3A = arith.constant 0 : i32
        %dma_start3A_76 = tpu.memref_slice %arg2[%add3A_75, %dma_start3A] : memref<2500x128xi32, #tpu.memory_space<hbm>> -> memref<1x128xi32, #tpu.memory_space<hbm>>
        %dma_start3A_77 = tpu.memref_squeeze %dma_start3A_76 : memref<1x128xi32, #tpu.memory_space<hbm>> -> memref<128xi32, #tpu.memory_space<hbm>>
        %dma_start3A_78 = arith.constant 0 : i32
        %dma_start3A_79 = tpu.memref_slice %arg2[%add3A_75, %dma_start3A_78] : memref<2500x128xi32, #tpu.memory_space<hbm>> -> memref<1x128xi32, #tpu.memory_space<hbm>>
        %dma_start3A_80 = tpu.memref_squeeze %dma_start3A_79 : memref<1x128xi32, #tpu.memory_space<hbm>> -> memref<128xi32, #tpu.memory_space<hbm>>
        tpu.enqueue_dma source(%dma_start3A_80 : memref<128xi32, #tpu.memory_space<hbm>>) target(%arg7 : memref<128xi32, #tpu.memory_space<vmem>>) target_semaphore(%arg12 : memref<!tpu.dma_semaphore, #tpu.memory_space<semaphore_mem>>)
        %add3A_81 = arith.addi %add3A_7, %add3A_56 : i32
        %mul3A_82 = arith.constant 128 : i32
        %mul3A_83 = arith.muli %add3A_81, %mul3A_82 : i32
        %dma_start3A_84 = arith.constant 0 : i32
        %dma_start3A_85 = tpu.memref_slice %arg3[%mul3A_83, %dma_start3A_84] : memref<160000x128xf32, #tpu.memory_space<hbm>> -> memref<128x128xf32, #tpu.memory_space<hbm>>
        %dma_start3A_86 = arith.constant 0 : i32
        %dma_start3A_87 = tpu.memref_slice %arg3[%mul3A_83, %dma_start3A_86] : memref<160000x128xf32, #tpu.memory_space<hbm>> -> memref<128x128xf32, #tpu.memory_space<hbm>>
        tpu.enqueue_dma source(%dma_start3A_87 : memref<128x128xf32, #tpu.memory_space<hbm>>) target(%arg9 : memref<128x128xf32, #tpu.memory_space<vmem>>) target_semaphore(%arg12 : memref<!tpu.dma_semaphore, #tpu.memory_space<semaphore_mem>>)
      } else {
      }
      %ge3A_61 = arith.constant 1 : i32
      %ge3A_62 = arith.cmpi sge, %add3A_56, %ge3A_61 : i32
      %le3A_63 = arith.cmpi sle, %add3A_56, %add3A_3 : i32
      %and3A_64 = arith.andi %ge3A_62, %le3A_63 : i1
      %convert_element_type3A_65 = arith.extui %and3A_64 : i1 to i32
      %cond3A_66 = arith.constant 0 : i32
      %cond3A_67 = arith.cmpi ne, %convert_element_type3A_65, %cond3A_66 : i32
      scf.if %cond3A_67 {
        %dma_wait3A_68 = arith.constant 0 : i32
        %dma_wait3A_69 = arith.constant 0 : i32
        %dma_wait3A_70 = tpu.memref_slice %arg2[%dma_wait3A_68, %dma_wait3A_69] : memref<2500x128xi32, #tpu.memory_space<hbm>> -> memref<1x128xi32, #tpu.memory_space<hbm>>
        %dma_wait3A_71 = tpu.memref_squeeze %dma_wait3A_70 : memref<1x128xi32, #tpu.memory_space<hbm>> -> memref<128xi32, #tpu.memory_space<hbm>>
        %dma_wait3A_72 = arith.constant 0 : i32
        %dma_wait3A_73 = tpu.memref_slice %arg2[%dma_wait3A_68, %dma_wait3A_72] : memref<2500x128xi32, #tpu.memory_space<hbm>> -> memref<1x128xi32, #tpu.memory_space<hbm>>
        %dma_wait3A_74 = tpu.memref_squeeze %dma_wait3A_73 : memref<1x128xi32, #tpu.memory_space<hbm>> -> memref<128xi32, #tpu.memory_space<hbm>>
        tpu.wait_dma2 semaphore(%arg11 : memref<!tpu.dma_semaphore, #tpu.memory_space<semaphore_mem>>) src(%dma_wait3A_74 : memref<128xi32, #tpu.memory_space<hbm>>) dst(%arg6 : memref<128xi32, #tpu.memory_space<vmem>>)
        %dma_wait3A_75 = arith.constant 0 : i32
        %dma_wait3A_76 = arith.constant 0 : i32
        %dma_wait3A_77 = tpu.memref_slice %arg3[%dma_wait3A_75, %dma_wait3A_76] : memref<160000x128xf32, #tpu.memory_space<hbm>> -> memref<128x128xf32, #tpu.memory_space<hbm>>
        %dma_wait3A_78 = arith.constant 0 : i32
        %dma_wait3A_79 = arith.constant 0 : i32
        %dma_wait3A_80 = tpu.memref_slice %arg3[%dma_wait3A_78, %dma_wait3A_79] : memref<160000x128xf32, #tpu.memory_space<hbm>> -> memref<128x128xf32, #tpu.memory_space<hbm>>
        tpu.wait_dma2 semaphore(%arg11 : memref<!tpu.dma_semaphore, #tpu.memory_space<semaphore_mem>>) src(%dma_wait3A_80 : memref<128x128xf32, #tpu.memory_space<hbm>>) dst(%arg8 : memref<128x128xf32, #tpu.memory_space<vmem>>)
        %dma_start3A = arith.constant 0 : i32
        %dma_start3A_81 = arith.constant 0 : i32
        %dma_start3A_82 = tpu.memref_slice %arg10[%dma_start3A, %dma_start3A_81] : memref<10000x128xf32, #tpu.memory_space<vmem_shared>> -> memref<10000x128xf32, #tpu.memory_space<vmem_shared>>
        tpu.enqueue_indirect_dma source(%arg8 : memref<128x128xf32, #tpu.memory_space<vmem>>) target(%dma_start3A_82 : memref<10000x128xf32, #tpu.memory_space<vmem_shared>>) offsets(%arg6 : memref<128xi32, #tpu.memory_space<vmem>>) semaphore(%arg13 : memref<!tpu.dma_semaphore, #tpu.memory_space<semaphore_mem>>) {add = true}
      } else {
      }
    }
    %scan3A_21 = arith.constant 22 : i32
    %dma_wait3A = arith.constant 0 : i32
    %dma_wait3A_22 = arith.constant 0 : i32
    %dma_wait3A_23 = tpu.memref_slice %arg10[%dma_wait3A, %dma_wait3A_22] : memref<10000x128xf32, #tpu.memory_space<vmem_shared>> -> memref<10000x128xf32, #tpu.memory_space<vmem_shared>>
    tpu.wait_indirect_dma semaphore(%arg13 : memref<!tpu.dma_semaphore, #tpu.memory_space<semaphore_mem>>) src(%arg8 : memref<128x128xf32, #tpu.memory_space<vmem>>) dst(%dma_wait3A_23 : memref<10000x128xf32, #tpu.memory_space<vmem_shared>>)
    %dma_wait3A_24 = arith.constant 0 : i32
    %dma_wait3A_25 = arith.constant 0 : i32
    %dma_wait3A_26 = tpu.memref_slice %arg10[%dma_wait3A_24, %dma_wait3A_25] : memref<10000x128xf32, #tpu.memory_space<vmem_shared>> -> memref<10000x128xf32, #tpu.memory_space<vmem_shared>>
    tpu.wait_indirect_dma semaphore(%arg14 : memref<!tpu.dma_semaphore, #tpu.memory_space<semaphore_mem>>) src(%arg9 : memref<128x128xf32, #tpu.memory_space<vmem>>) dst(%dma_wait3A_26 : memref<10000x128xf32, #tpu.memory_space<vmem_shared>>)
    %barrier3A_27 = arith.constant 0 : index
    tpu.barrier barrier_id(%barrier3A_27)
    %mul3A_28 = arith.constant 624 : i32
    %mul3A_29 = arith.muli %arg1, %mul3A_28 : i32
    %mul3A_30 = arith.constant 10000 : i32
    %mul3A_31 = arith.muli %arg0, %mul3A_30 : i32
    %mul3A_32 = arith.constant 624 : i32
    %mul3A_33 = arith.muli %arg1, %mul3A_32 : i32
    %add3A_34 = arith.addi %mul3A_31, %mul3A_33 : i32
    "tpu.region"() ({
      %run_scoped3A = tpu.sem_alloc : memref<!tpu.dma_semaphore, #tpu.memory_space<semaphore_mem>>
      %dma_start3A = arith.constant 0 : i32
      %dma_start3A_40 = tpu.memref_slice %arg5[%add3A_34, %dma_start3A] : memref<20000x128xf32, #tpu.memory_space<hbm>> -> memref<624x128xf32, #tpu.memory_space<hbm>>
      %dma_start3A_41 = arith.constant 0 : i32
      %dma_start3A_42 = tpu.memref_slice %arg10[%mul3A_29, %dma_start3A_41] : memref<10000x128xf32, #tpu.memory_space<vmem_shared>> -> memref<624x128xf32, #tpu.memory_space<vmem_shared>>
      tpu.enqueue_dma source(%dma_start3A_42 : memref<624x128xf32, #tpu.memory_space<vmem_shared>>) target(%dma_start3A_40 : memref<624x128xf32, #tpu.memory_space<hbm>>) target_semaphore(%run_scoped3A : memref<!tpu.dma_semaphore, #tpu.memory_space<semaphore_mem>>)
      %dma_wait3A_43 = arith.constant 0 : i32
      %dma_wait3A_44 = tpu.memref_slice %arg5[%add3A_34, %dma_wait3A_43] : memref<20000x128xf32, #tpu.memory_space<hbm>> -> memref<624x128xf32, #tpu.memory_space<hbm>>
      %dma_wait3A_45 = arith.constant 0 : i32
      %dma_wait3A_46 = tpu.memref_slice %arg10[%mul3A_29, %dma_wait3A_45] : memref<10000x128xf32, #tpu.memory_space<vmem_shared>> -> memref<624x128xf32, #tpu.memory_space<vmem_shared>>
      tpu.wait_dma2 semaphore(%run_scoped3A : memref<!tpu.dma_semaphore, #tpu.memory_space<semaphore_mem>>) src(%dma_wait3A_46 : memref<624x128xf32, #tpu.memory_space<vmem_shared>>) dst(%dma_wait3A_44 : memref<624x128xf32, #tpu.memory_space<hbm>>)
      tpu.yield
    }) : () -> ()
    %eq3A_35 = arith.constant 15 : i32
    %eq3A_36 = arith.cmpi eq, %arg1, %eq3A_35 : i32
    %convert_element_type3A_37 = arith.extui %eq3A_36 : i1 to i32
    %cond3A_38 = arith.constant 0 : i32
    %cond3A_39 = arith.cmpi ne, %convert_element_type3A_37, %cond3A_38 : i32
    scf.if %cond3A_39 {
      %mul3A_40 = arith.constant 10000 : i32
      %mul3A_41 = arith.muli %arg0, %mul3A_40 : i32
      %add3A_42 = arith.constant 9984 : i32
      %add3A_43 = arith.addi %mul3A_41, %add3A_42 : i32
      "tpu.region"() ({
        %run_scoped3A = tpu.sem_alloc : memref<!tpu.dma_semaphore, #tpu.memory_space<semaphore_mem>>
        %dma_start3A = arith.constant 0 : i32
        %dma_start3A_44 = tpu.memref_slice %arg5[%add3A_43, %dma_start3A] : memref<20000x128xf32, #tpu.memory_space<hbm>> -> memref<16x128xf32, #tpu.memory_space<hbm>>
        %dma_start3A_45 = arith.constant 9984 : i32
        %dma_start3A_46 = arith.constant 0 : i32
        %dma_start3A_47 = tpu.memref_slice %arg10[%dma_start3A_45, %dma_start3A_46] : memref<10000x128xf32, #tpu.memory_space<vmem_shared>> -> memref<16x128xf32, #tpu.memory_space<vmem_shared>>
        tpu.enqueue_dma source(%dma_start3A_47 : memref<16x128xf32, #tpu.memory_space<vmem_shared>>) target(%dma_start3A_44 : memref<16x128xf32, #tpu.memory_space<hbm>>) target_semaphore(%run_scoped3A : memref<!tpu.dma_semaphore, #tpu.memory_space<semaphore_mem>>)
        %dma_wait3A_48 = arith.constant 0 : i32
        %dma_wait3A_49 = tpu.memref_slice %arg5[%add3A_43, %dma_wait3A_48] : memref<20000x128xf32, #tpu.memory_space<hbm>> -> memref<16x128xf32, #tpu.memory_space<hbm>>
        %dma_wait3A_50 = arith.constant 9984 : i32
        %dma_wait3A_51 = arith.constant 0 : i32
        %dma_wait3A_52 = tpu.memref_slice %arg10[%dma_wait3A_50, %dma_wait3A_51] : memref<10000x128xf32, #tpu.memory_space<vmem_shared>> -> memref<16x128xf32, #tpu.memory_space<vmem_shared>>
        tpu.wait_dma2 semaphore(%run_scoped3A : memref<!tpu.dma_semaphore, #tpu.memory_space<semaphore_mem>>) src(%dma_wait3A_52 : memref<16x128xf32, #tpu.memory_space<vmem_shared>>) dst(%dma_wait3A_49 : memref<16x128xf32, #tpu.memory_space<hbm>>)
        tpu.yield
      }) : () -> ()
    } else {
    }
    return
  }
}

module attributes {stable_mosaic.version = 14 : i64} {
  func.func @_premix_body(%arg0: i32, %arg1: memref<2000x128xf32, #tpu.memory_space<vmem>>, %arg2: memref<128x128xf32, #tpu.memory_space<vmem>>, %arg3: memref<128x128xf32, #tpu.memory_space<vmem>>, %arg4: memref<1x128xf32, #tpu.memory_space<vmem>>, %arg5: memref<2000x128xf32, #tpu.memory_space<vmem>>, %arg6: memref<2000x128xf32, #tpu.memory_space<vmem>>) attributes {dimension_semantics = [#tpu.dimension_semantics<arbitrary>], iteration_bounds = array<i64: 5>, scalar_prefetch = 0 : i64, scratch_operands = 0 : i64, tpu.core_type = #tpu.core_type<tc>, window_params = [{transform_indices = @transform_0, window_bounds = array<i64: 2000, 128>}, {pipeline_mode = #tpu.pipeline_mode<synchronous>, transform_indices = @transform_1, window_bounds = array<i64: 128, 128>}, {pipeline_mode = #tpu.pipeline_mode<synchronous>, transform_indices = @transform_2, window_bounds = array<i64: 128, 128>}, {pipeline_mode = #tpu.pipeline_mode<synchronous>, transform_indices = @transform_3, window_bounds = array<i64: 1, 128>}, {transform_indices = @transform_4, window_bounds = array<i64: 2000, 128>}, {transform_indices = @transform_5, window_bounds = array<i64: 2000, 128>}]} {
    %get3A = arith.constant 0 : index
    %get3A_0 = arith.constant 0 : index
    %get3A_1 = vector.load %arg1[%get3A, %get3A_0] : memref<2000x128xf32, #tpu.memory_space<vmem>>, vector<2000x128xf32>
    %get3A_2 = arith.constant 0 : index
    %get3A_3 = arith.constant 0 : index
    %get3A_4 = vector.load %arg2[%get3A_2, %get3A_3] : memref<128x128xf32, #tpu.memory_space<vmem>>, vector<128x128xf32>
    %dot_general3A = arith.constant dense<0.000000e+00> : vector<2000x128xf32>
    %dot_general3A_5 = tpu.matmul %get3A_1, %get3A_4, %dot_general3A {dimension_numbers = #tpu.dot_dimension_numbers<[1], [0], [0], [1], [0, 0, 1, 1], [], []>, transpose_lhs_hint = false} : vector<2000x128xf32>, vector<128x128xf32>, vector<2000x128xf32> -> vector<2000x128xf32>
    %swap3A = arith.constant 0 : index
    %swap3A_6 = arith.constant 0 : index
    %swap3A_7 = vector.load %arg5[%swap3A, %swap3A_6] : memref<2000x128xf32, #tpu.memory_space<vmem>>, vector<2000x128xf32>
    tpu.vector_store %arg5[%swap3A, %swap3A_6], %dot_general3A_5 {strides = array<i32>} : memref<2000x128xf32, #tpu.memory_space<vmem>>, vector<2000x128xf32>,
    %get3A_8 = arith.constant 0 : index
    %get3A_9 = arith.constant 0 : index
    %get3A_10 = vector.load %arg3[%get3A_8, %get3A_9] : memref<128x128xf32, #tpu.memory_space<vmem>>, vector<128x128xf32>
    %dot_general3A_11 = arith.constant dense<0.000000e+00> : vector<2000x128xf32>
    %dot_general3A_12 = tpu.matmul %get3A_1, %get3A_10, %dot_general3A_11 {dimension_numbers = #tpu.dot_dimension_numbers<[1], [0], [0], [1], [0, 0, 1, 1], [], []>, transpose_lhs_hint = false} : vector<2000x128xf32>, vector<128x128xf32>, vector<2000x128xf32> -> vector<2000x128xf32>
    %get3A_13 = arith.constant 0 : index
    %get3A_14 = arith.constant 0 : index
    %get3A_15 = vector.load %arg4[%get3A_13, %get3A_14] : memref<1x128xf32, #tpu.memory_space<vmem>>, vector<1x128xf32>
    %add3A = vector.broadcast %get3A_15 : vector<1x128xf32> to vector<2000x128xf32>
    %add3A_16 = arith.addf %dot_general3A_12, %add3A : vector<2000x128xf32>
    %swap3A_17 = arith.constant 0 : index
    %swap3A_18 = arith.constant 0 : index
    %swap3A_19 = vector.load %arg6[%swap3A_17, %swap3A_18] : memref<2000x128xf32, #tpu.memory_space<vmem>>, vector<2000x128xf32>
    tpu.vector_store %arg6[%swap3A_17, %swap3A_18], %add3A_16 {strides = array<i32>} : memref<2000x128xf32, #tpu.memory_space<vmem>>, vector<2000x128xf32>,
    return
  }
  func.func @transform_0(%arg0: i32) -> (i32, i32) {
    %c0_i32 = arith.constant 0 : i32
    %c0_i32_0 = arith.constant 0 : i32
    return %arg0, %c0_i32 : i32, i32
  }
  func.func @transform_1(%arg0: i32) -> (i32, i32) {
    %c0_i32 = arith.constant 0 : i32
    %c0_i32_0 = arith.constant 0 : i32
    %c0_i32_1 = arith.constant 0 : i32
    return %c0_i32, %c0_i32_0 : i32, i32
  }
  func.func @transform_2(%arg0: i32) -> (i32, i32) {
    %c0_i32 = arith.constant 0 : i32
    %c0_i32_0 = arith.constant 0 : i32
    %c0_i32_1 = arith.constant 0 : i32
    return %c0_i32, %c0_i32_0 : i32, i32
  }
  func.func @transform_3(%arg0: i32) -> (i32, i32) {
    %c0_i32 = arith.constant 0 : i32
    %c0_i32_0 = arith.constant 0 : i32
    %c0_i32_1 = arith.constant 0 : i32
    return %c0_i32, %c0_i32_0 : i32, i32
  }
  func.func @transform_4(%arg0: i32) -> (i32, i32) {
    %c0_i32 = arith.constant 0 : i32
    %c0_i32_0 = arith.constant 0 : i32
    return %arg0, %c0_i32 : i32, i32
  }
  func.func @transform_5(%arg0: i32) -> (i32, i32) {
    %c0_i32 = arith.constant 0 : i32
    %c0_i32_0 = arith.constant 0 : i32
    return %arg0, %c0_i32 : i32, i32
  }
}

module attributes {stable_mosaic.version = 14 : i64} {
  func.func @_edge_mlp_body(%arg0: i32, %arg1: memref<2000x64xf32, #tpu.memory_space<vmem>>, %arg2: memref<2000x16xf32, #tpu.memory_space<vmem>>, %arg3: memref<16x64xf32, #tpu.memory_space<vmem>>, %arg4: memref<16x64xf32, #tpu.memory_space<vmem>>, %arg5: memref<64x128xf32, #tpu.memory_space<vmem>>, %arg6: memref<64x128xf32, #tpu.memory_space<vmem>>, %arg7: memref<1x128xf32, #tpu.memory_space<vmem>>, %arg8: memref<1x128xf32, #tpu.memory_space<vmem>>, %arg9: memref<1x128xf32, #tpu.memory_space<vmem>>, %arg10: memref<2000x128xf32, #tpu.memory_space<vmem>>) attributes {dimension_semantics = [#tpu.dimension_semantics<arbitrary>], iteration_bounds = array<i64: 80>, scalar_prefetch = 0 : i64, scratch_operands = 0 : i64, tpu.core_type = #tpu.core_type<tc>, window_params = [{transform_indices = @transform_0, window_bounds = array<i64: 2000, 64>}, {transform_indices = @transform_1, window_bounds = array<i64: 2000, 16>}, {pipeline_mode = #tpu.pipeline_mode<synchronous>, transform_indices = @transform_2, window_bounds = array<i64: 16, 64>}, {pipeline_mode = #tpu.pipeline_mode<synchronous>, transform_indices = @transform_3, window_bounds = array<i64: 16, 64>}, {pipeline_mode = #tpu.pipeline_mode<synchronous>, transform_indices = @transform_4, window_bounds = array<i64: 64, 128>}, {pipeline_mode = #tpu.pipeline_mode<synchronous>, transform_indices = @transform_5, window_bounds = array<i64: 64, 128>}, {pipeline_mode = #tpu.pipeline_mode<synchronous>, transform_indices = @transform_6, window_bounds = array<i64: 1, 128>}, {pipeline_mode = #tpu.pipeline_mode<synchronous>, transform_indices = @transform_7, window_bounds = array<i64: 1, 128>}, {pipeline_mode = #tpu.pipeline_mode<synchronous>, transform_indices = @transform_8, window_bounds = array<i64: 1, 128>}, {transform_indices = @transform_9, window_bounds = array<i64: 2000, 128>}]} {
    %get3A = arith.constant 0 : index
    %get3A_0 = arith.constant 0 : index
    %get3A_1 = vector.load %arg2[%get3A, %get3A_0] : memref<2000x16xf32, #tpu.memory_space<vmem>>, vector<2000x16xf32>
    %get3A_2 = arith.constant 0 : index
    %get3A_3 = arith.constant 0 : index
    %get3A_4 = vector.load %arg1[%get3A_2, %get3A_3] : memref<2000x64xf32, #tpu.memory_space<vmem>>, vector<2000x64xf32>
    %bitcast_convert_type3A = tpu.bitcast %get3A_4 : vector<2000x64xf32> -> vector<2000x64xi32>
    %shift_left3A = arith.constant 16 : i32
    %shift_left3A_5 = vector.broadcast %shift_left3A : i32 to vector<2000x64xi32>
    %shift_left3A_6 = arith.shli %bitcast_convert_type3A, %shift_left3A_5 : vector<2000x64xi32>
    %bitcast_convert_type3A_7 = tpu.bitcast %shift_left3A_6 : vector<2000x64xi32> -> vector<2000x64xf32>
    %and3A = arith.constant -65536 : i32
    %and3A_8 = vector.broadcast %and3A : i32 to vector<2000x64xi32>
    %and3A_9 = arith.andi %bitcast_convert_type3A, %and3A_8 : vector<2000x64xi32>
    %bitcast_convert_type3A_10 = tpu.bitcast %and3A_9 : vector<2000x64xi32> -> vector<2000x64xf32>
    %get3A_11 = arith.constant 0 : index
    %get3A_12 = arith.constant 0 : index
    %get3A_13 = vector.load %arg3[%get3A_11, %get3A_12] : memref<16x64xf32, #tpu.memory_space<vmem>>, vector<16x64xf32>
    %dot_general3A = arith.constant dense<0.000000e+00> : vector<2000x64xf32>
    %dot_general3A_14 = tpu.matmul %get3A_1, %get3A_13, %dot_general3A {dimension_numbers = #tpu.dot_dimension_numbers<[1], [0], [0], [1], [0, 0, 1, 1], [], []>, transpose_lhs_hint = false} : vector<2000x16xf32>, vector<16x64xf32>, vector<2000x64xf32> -> vector<2000x64xf32>
    %get3A_15 = arith.constant 0 : index
    %get3A_16 = arith.constant 0 : index
    %get3A_17 = vector.load %arg4[%get3A_15, %get3A_16] : memref<16x64xf32, #tpu.memory_space<vmem>>, vector<16x64xf32>
    %dot_general3A_18 = arith.constant dense<0.000000e+00> : vector<2000x64xf32>
    %dot_general3A_19 = tpu.matmul %get3A_1, %get3A_17, %dot_general3A_18 {dimension_numbers = #tpu.dot_dimension_numbers<[1], [0], [0], [1], [0, 0, 1, 1], [], []>, transpose_lhs_hint = false} : vector<2000x16xf32>, vector<16x64xf32>, vector<2000x64xf32> -> vector<2000x64xf32>
    %add3A = arith.addf %bitcast_convert_type3A_7, %dot_general3A_14 : vector<2000x64xf32>
    %max3A = arith.constant 0.000000e+00 : f32
    %max3A_20 = vector.broadcast %max3A : f32 to vector<2000x64xf32>
    %max3A_21 = arith.maximumf %add3A, %max3A_20 : vector<2000x64xf32>
    %add3A_22 = arith.addf %bitcast_convert_type3A_10, %dot_general3A_19 : vector<2000x64xf32>
    %max3A_23 = arith.constant 0.000000e+00 : f32
    %max3A_24 = vector.broadcast %max3A_23 : f32 to vector<2000x64xf32>
    %max3A_25 = arith.maximumf %add3A_22, %max3A_24 : vector<2000x64xf32>
    %get3A_26 = arith.constant 0 : index
    %get3A_27 = arith.constant 0 : index
    %get3A_28 = vector.load %arg5[%get3A_26, %get3A_27] : memref<64x128xf32, #tpu.memory_space<vmem>>, vector<64x128xf32>
    %dot_general3A_29 = arith.constant dense<0.000000e+00> : vector<2000x128xf32>
    %dot_general3A_30 = tpu.matmul %max3A_21, %get3A_28, %dot_general3A_29 {dimension_numbers = #tpu.dot_dimension_numbers<[1], [0], [0], [1], [0, 0, 1, 1], [], []>, transpose_lhs_hint = false} : vector<2000x64xf32>, vector<64x128xf32>, vector<2000x128xf32> -> vector<2000x128xf32>
    %get3A_31 = arith.constant 0 : index
    %get3A_32 = arith.constant 0 : index
    %get3A_33 = vector.load %arg6[%get3A_31, %get3A_32] : memref<64x128xf32, #tpu.memory_space<vmem>>, vector<64x128xf32>
    %dot_general3A_34 = arith.constant dense<0.000000e+00> : vector<2000x128xf32>
    %dot_general3A_35 = tpu.matmul %max3A_25, %get3A_33, %dot_general3A_34 {dimension_numbers = #tpu.dot_dimension_numbers<[1], [0], [0], [1], [0, 0, 1, 1], [], []>, transpose_lhs_hint = false} : vector<2000x64xf32>, vector<64x128xf32>, vector<2000x128xf32> -> vector<2000x128xf32>
    %add3A_36 = arith.addf %dot_general3A_30, %dot_general3A_35 : vector<2000x128xf32>
    %get3A_37 = arith.constant 0 : index
    %get3A_38 = arith.constant 0 : index
    %get3A_39 = vector.load %arg7[%get3A_37, %get3A_38] : memref<1x128xf32, #tpu.memory_space<vmem>>, vector<1x128xf32>
    %add3A_40 = vector.broadcast %get3A_39 : vector<1x128xf32> to vector<2000x128xf32>
    %add3A_41 = arith.addf %add3A_36, %add3A_40 : vector<2000x128xf32>
    %max3A_42 = arith.constant 0.000000e+00 : f32
    %max3A_43 = vector.broadcast %max3A_42 : f32 to vector<2000x128xf32>
    %max3A_44 = arith.maximumf %add3A_41, %max3A_43 : vector<2000x128xf32>
    %get3A_45 = arith.constant 0 : index
    %get3A_46 = arith.constant 0 : index
    %get3A_47 = vector.load %arg8[%get3A_45, %get3A_46] : memref<1x128xf32, #tpu.memory_space<vmem>>, vector<1x128xf32>
    %get3A_48 = arith.constant 0 : index
    %get3A_49 = arith.constant 0 : index
    %get3A_50 = vector.load %arg9[%get3A_48, %get3A_49] : memref<1x128xf32, #tpu.memory_space<vmem>>, vector<1x128xf32>
    %reduce_sum3A = arith.constant dense<0.000000e+00> : vector<2000xf32>
    %reduce_sum3A_51 = vector.multi_reduction <add>, %max3A_44, %reduce_sum3A [1] : vector<2000x128xf32> to vector<2000xf32>
    %broadcast_in_dim3A = vector.shape_cast %reduce_sum3A_51 : vector<2000xf32> to vector<2000x1xf32>
    %div3A = arith.constant 1.280000e+02 : f32
    %div3A_52 = vector.broadcast %div3A : f32 to vector<2000x1xf32>
    %div3A_53 = arith.divf %broadcast_in_dim3A, %div3A_52 : vector<2000x1xf32>
    %sub3A = vector.broadcast %div3A_53 : vector<2000x1xf32> to vector<2000x128xf32>
    %sub3A_54 = arith.subf %max3A_44, %sub3A : vector<2000x128xf32>
    %integer_pow3A = arith.mulf %sub3A_54, %sub3A_54 : vector<2000x128xf32>
    %reduce_sum3A_55 = arith.constant dense<0.000000e+00> : vector<2000xf32>
    %reduce_sum3A_56 = vector.multi_reduction <add>, %integer_pow3A, %reduce_sum3A_55 [1] : vector<2000x128xf32> to vector<2000xf32>
    %broadcast_in_dim3A_57 = vector.shape_cast %reduce_sum3A_56 : vector<2000xf32> to vector<2000x1xf32>
    %div3A_58 = arith.constant 1.280000e+02 : f32
    %div3A_59 = vector.broadcast %div3A_58 : f32 to vector<2000x1xf32>
    %div3A_60 = arith.divf %broadcast_in_dim3A_57, %div3A_59 : vector<2000x1xf32>
    %sub3A_61 = vector.broadcast %div3A_53 : vector<2000x1xf32> to vector<2000x128xf32>
    %sub3A_62 = arith.subf %max3A_44, %sub3A_61 : vector<2000x128xf32>
    %add3A_63 = arith.constant 9.99999974E-6 : f32
    %add3A_64 = vector.broadcast %add3A_63 : f32 to vector<2000x1xf32>
    %add3A_65 = arith.addf %div3A_60, %add3A_64 : vector<2000x1xf32>
    %rsqrt3A = math.rsqrt %add3A_65 : vector<2000x1xf32>
    %mul3A = vector.broadcast %rsqrt3A : vector<2000x1xf32> to vector<2000x128xf32>
    %mul3A_66 = arith.mulf %sub3A_62, %mul3A : vector<2000x128xf32>
    %mul3A_67 = vector.broadcast %get3A_47 : vector<1x128xf32> to vector<2000x128xf32>
    %mul3A_68 = arith.mulf %mul3A_66, %mul3A_67 : vector<2000x128xf32>
    %add3A_69 = vector.broadcast %get3A_50 : vector<1x128xf32> to vector<2000x128xf32>
    %add3A_70 = arith.addf %mul3A_68, %add3A_69 : vector<2000x128xf32>
    %swap3A = arith.constant 0 : index
    %swap3A_71 = arith.constant 0 : index
    %swap3A_72 = vector.load %arg10[%swap3A, %swap3A_71] : memref<2000x128xf32, #tpu.memory_space<vmem>>, vector<2000x128xf32>
    tpu.vector_store %arg10[%swap3A, %swap3A_71], %add3A_70 {strides = array<i32>} : memref<2000x128xf32, #tpu.memory_space<vmem>>, vector<2000x128xf32>,
    return
  }
  func.func @transform_0(%arg0: i32) -> (i32, i32) {
    %c0_i32 = arith.constant 0 : i32
    %c0_i32_0 = arith.constant 0 : i32
    return %arg0, %c0_i32 : i32, i32
  }
  func.func @transform_1(%arg0: i32) -> (i32, i32) {
    %add3A = arith.constant 0 : i32
    %add3A_0 = arith.addi %arg0, %add3A : i32
    %c0_i32 = arith.constant 0 : i32
    %c0_i32_1 = arith.constant 0 : i32
    return %add3A_0, %c0_i32 : i32, i32
  }
  func.func @transform_2(%arg0: i32) -> (i32, i32) {
    %c0_i32 = arith.constant 0 : i32
    %c0_i32_0 = arith.constant 0 : i32
    %c0_i32_1 = arith.constant 0 : i32
    return %c0_i32, %c0_i32_0 : i32, i32
  }
  func.func @transform_3(%arg0: i32) -> (i32, i32) {
    %c0_i32 = arith.constant 0 : i32
    %c0_i32_0 = arith.constant 0 : i32
    %c0_i32_1 = arith.constant 0 : i32
    return %c0_i32, %c0_i32_0 : i32, i32
  }
  func.func @transform_4(%arg0: i32) -> (i32, i32) {
    %c0_i32 = arith.constant 0 : i32
    %c0_i32_0 = arith.constant 0 : i32
    %c0_i32_1 = arith.constant 0 : i32
    return %c0_i32, %c0_i32_0 : i32, i32
  }
  func.func @transform_5(%arg0: i32) -> (i32, i32) {
    %c0_i32 = arith.constant 0 : i32
    %c0_i32_0 = arith.constant 0 : i32
    %c0_i32_1 = arith.constant 0 : i32
    return %c0_i32, %c0_i32_0 : i32, i32
  }
  func.func @transform_6(%arg0: i32) -> (i32, i32) {
    %c0_i32 = arith.constant 0 : i32
    %c0_i32_0 = arith.constant 0 : i32
    %c0_i32_1 = arith.constant 0 : i32
    return %c0_i32, %c0_i32_0 : i32, i32
  }
  func.func @transform_7(%arg0: i32) -> (i32, i32) {
    %c0_i32 = arith.constant 0 : i32
    %c0_i32_0 = arith.constant 0 : i32
    %c0_i32_1 = arith.constant 0 : i32
    return %c0_i32, %c0_i32_0 : i32, i32
  }
  func.func @transform_8(%arg0: i32) -> (i32, i32) {
    %c0_i32 = arith.constant 0 : i32
    %c0_i32_0 = arith.constant 0 : i32
    %c0_i32_1 = arith.constant 0 : i32
    return %c0_i32, %c0_i32_0 : i32, i32
  }
  func.func @transform_9(%arg0: i32) -> (i32, i32) {
    %c0_i32 = arith.constant 0 : i32
    %c0_i32_0 = arith.constant 0 : i32
    return %arg0, %c0_i32 : i32, i32
  }
}

module attributes {stable_mosaic.version = 14 : i64} {
  func.func @_edge_mlp_body(%arg0: i32, %arg1: memref<2000x64xf32, #tpu.memory_space<vmem>>, %arg2: memref<2000x16xf32, #tpu.memory_space<vmem>>, %arg3: memref<16x64xf32, #tpu.memory_space<vmem>>, %arg4: memref<16x64xf32, #tpu.memory_space<vmem>>, %arg5: memref<64x128xf32, #tpu.memory_space<vmem>>, %arg6: memref<64x128xf32, #tpu.memory_space<vmem>>, %arg7: memref<1x128xf32, #tpu.memory_space<vmem>>, %arg8: memref<1x128xf32, #tpu.memory_space<vmem>>, %arg9: memref<1x128xf32, #tpu.memory_space<vmem>>, %arg10: memref<2000x128xf32, #tpu.memory_space<vmem>>) attributes {dimension_semantics = [#tpu.dimension_semantics<arbitrary>], iteration_bounds = array<i64: 80>, scalar_prefetch = 0 : i64, scratch_operands = 0 : i64, tpu.core_type = #tpu.core_type<tc>, window_params = [{transform_indices = @transform_0, window_bounds = array<i64: 2000, 64>}, {transform_indices = @transform_1, window_bounds = array<i64: 2000, 16>}, {pipeline_mode = #tpu.pipeline_mode<synchronous>, transform_indices = @transform_2, window_bounds = array<i64: 16, 64>}, {pipeline_mode = #tpu.pipeline_mode<synchronous>, transform_indices = @transform_3, window_bounds = array<i64: 16, 64>}, {pipeline_mode = #tpu.pipeline_mode<synchronous>, transform_indices = @transform_4, window_bounds = array<i64: 64, 128>}, {pipeline_mode = #tpu.pipeline_mode<synchronous>, transform_indices = @transform_5, window_bounds = array<i64: 64, 128>}, {pipeline_mode = #tpu.pipeline_mode<synchronous>, transform_indices = @transform_6, window_bounds = array<i64: 1, 128>}, {pipeline_mode = #tpu.pipeline_mode<synchronous>, transform_indices = @transform_7, window_bounds = array<i64: 1, 128>}, {pipeline_mode = #tpu.pipeline_mode<synchronous>, transform_indices = @transform_8, window_bounds = array<i64: 1, 128>}, {transform_indices = @transform_9, window_bounds = array<i64: 2000, 128>}]} {
    %get3A = arith.constant 0 : index
    %get3A_0 = arith.constant 0 : index
    %get3A_1 = vector.load %arg2[%get3A, %get3A_0] : memref<2000x16xf32, #tpu.memory_space<vmem>>, vector<2000x16xf32>
    %get3A_2 = arith.constant 0 : index
    %get3A_3 = arith.constant 0 : index
    %get3A_4 = vector.load %arg1[%get3A_2, %get3A_3] : memref<2000x64xf32, #tpu.memory_space<vmem>>, vector<2000x64xf32>
    %bitcast_convert_type3A = tpu.bitcast %get3A_4 : vector<2000x64xf32> -> vector<2000x64xi32>
    %shift_left3A = arith.constant 16 : i32
    %shift_left3A_5 = vector.broadcast %shift_left3A : i32 to vector<2000x64xi32>
    %shift_left3A_6 = arith.shli %bitcast_convert_type3A, %shift_left3A_5 : vector<2000x64xi32>
    %bitcast_convert_type3A_7 = tpu.bitcast %shift_left3A_6 : vector<2000x64xi32> -> vector<2000x64xf32>
    %and3A = arith.constant -65536 : i32
    %and3A_8 = vector.broadcast %and3A : i32 to vector<2000x64xi32>
    %and3A_9 = arith.andi %bitcast_convert_type3A, %and3A_8 : vector<2000x64xi32>
    %bitcast_convert_type3A_10 = tpu.bitcast %and3A_9 : vector<2000x64xi32> -> vector<2000x64xf32>
    %get3A_11 = arith.constant 0 : index
    %get3A_12 = arith.constant 0 : index
    %get3A_13 = vector.load %arg3[%get3A_11, %get3A_12] : memref<16x64xf32, #tpu.memory_space<vmem>>, vector<16x64xf32>
    %dot_general3A = arith.constant dense<0.000000e+00> : vector<2000x64xf32>
    %dot_general3A_14 = tpu.matmul %get3A_1, %get3A_13, %dot_general3A {dimension_numbers = #tpu.dot_dimension_numbers<[1], [0], [0], [1], [0, 0, 1, 1], [], []>, transpose_lhs_hint = false} : vector<2000x16xf32>, vector<16x64xf32>, vector<2000x64xf32> -> vector<2000x64xf32>
    %get3A_15 = arith.constant 0 : index
    %get3A_16 = arith.constant 0 : index
    %get3A_17 = vector.load %arg4[%get3A_15, %get3A_16] : memref<16x64xf32, #tpu.memory_space<vmem>>, vector<16x64xf32>
    %dot_general3A_18 = arith.constant dense<0.000000e+00> : vector<2000x64xf32>
    %dot_general3A_19 = tpu.matmul %get3A_1, %get3A_17, %dot_general3A_18 {dimension_numbers = #tpu.dot_dimension_numbers<[1], [0], [0], [1], [0, 0, 1, 1], [], []>, transpose_lhs_hint = false} : vector<2000x16xf32>, vector<16x64xf32>, vector<2000x64xf32> -> vector<2000x64xf32>
    %add3A = arith.addf %bitcast_convert_type3A_7, %dot_general3A_14 : vector<2000x64xf32>
    %max3A = arith.constant 0.000000e+00 : f32
    %max3A_20 = vector.broadcast %max3A : f32 to vector<2000x64xf32>
    %max3A_21 = arith.maximumf %add3A, %max3A_20 : vector<2000x64xf32>
    %add3A_22 = arith.addf %bitcast_convert_type3A_10, %dot_general3A_19 : vector<2000x64xf32>
    %max3A_23 = arith.constant 0.000000e+00 : f32
    %max3A_24 = vector.broadcast %max3A_23 : f32 to vector<2000x64xf32>
    %max3A_25 = arith.maximumf %add3A_22, %max3A_24 : vector<2000x64xf32>
    %get3A_26 = arith.constant 0 : index
    %get3A_27 = arith.constant 0 : index
    %get3A_28 = vector.load %arg5[%get3A_26, %get3A_27] : memref<64x128xf32, #tpu.memory_space<vmem>>, vector<64x128xf32>
    %dot_general3A_29 = arith.constant dense<0.000000e+00> : vector<2000x128xf32>
    %dot_general3A_30 = tpu.matmul %max3A_21, %get3A_28, %dot_general3A_29 {dimension_numbers = #tpu.dot_dimension_numbers<[1], [0], [0], [1], [0, 0, 1, 1], [], []>, transpose_lhs_hint = false} : vector<2000x64xf32>, vector<64x128xf32>, vector<2000x128xf32> -> vector<2000x128xf32>
    %get3A_31 = arith.constant 0 : index
    %get3A_32 = arith.constant 0 : index
    %get3A_33 = vector.load %arg6[%get3A_31, %get3A_32] : memref<64x128xf32, #tpu.memory_space<vmem>>, vector<64x128xf32>
    %dot_general3A_34 = arith.constant dense<0.000000e+00> : vector<2000x128xf32>
    %dot_general3A_35 = tpu.matmul %max3A_25, %get3A_33, %dot_general3A_34 {dimension_numbers = #tpu.dot_dimension_numbers<[1], [0], [0], [1], [0, 0, 1, 1], [], []>, transpose_lhs_hint = false} : vector<2000x64xf32>, vector<64x128xf32>, vector<2000x128xf32> -> vector<2000x128xf32>
    %add3A_36 = arith.addf %dot_general3A_30, %dot_general3A_35 : vector<2000x128xf32>
    %get3A_37 = arith.constant 0 : index
    %get3A_38 = arith.constant 0 : index
    %get3A_39 = vector.load %arg7[%get3A_37, %get3A_38] : memref<1x128xf32, #tpu.memory_space<vmem>>, vector<1x128xf32>
    %add3A_40 = vector.broadcast %get3A_39 : vector<1x128xf32> to vector<2000x128xf32>
    %add3A_41 = arith.addf %add3A_36, %add3A_40 : vector<2000x128xf32>
    %max3A_42 = arith.constant 0.000000e+00 : f32
    %max3A_43 = vector.broadcast %max3A_42 : f32 to vector<2000x128xf32>
    %max3A_44 = arith.maximumf %add3A_41, %max3A_43 : vector<2000x128xf32>
    %get3A_45 = arith.constant 0 : index
    %get3A_46 = arith.constant 0 : index
    %get3A_47 = vector.load %arg8[%get3A_45, %get3A_46] : memref<1x128xf32, #tpu.memory_space<vmem>>, vector<1x128xf32>
    %get3A_48 = arith.constant 0 : index
    %get3A_49 = arith.constant 0 : index
    %get3A_50 = vector.load %arg9[%get3A_48, %get3A_49] : memref<1x128xf32, #tpu.memory_space<vmem>>, vector<1x128xf32>
    %reduce_sum3A = arith.constant dense<0.000000e+00> : vector<2000xf32>
    %reduce_sum3A_51 = vector.multi_reduction <add>, %max3A_44, %reduce_sum3A [1] : vector<2000x128xf32> to vector<2000xf32>
    %broadcast_in_dim3A = vector.shape_cast %reduce_sum3A_51 : vector<2000xf32> to vector<2000x1xf32>
    %div3A = arith.constant 1.280000e+02 : f32
    %div3A_52 = vector.broadcast %div3A : f32 to vector<2000x1xf32>
    %div3A_53 = arith.divf %broadcast_in_dim3A, %div3A_52 : vector<2000x1xf32>
    %sub3A = vector.broadcast %div3A_53 : vector<2000x1xf32> to vector<2000x128xf32>
    %sub3A_54 = arith.subf %max3A_44, %sub3A : vector<2000x128xf32>
    %integer_pow3A = arith.mulf %sub3A_54, %sub3A_54 : vector<2000x128xf32>
    %reduce_sum3A_55 = arith.constant dense<0.000000e+00> : vector<2000xf32>
    %reduce_sum3A_56 = vector.multi_reduction <add>, %integer_pow3A, %reduce_sum3A_55 [1] : vector<2000x128xf32> to vector<2000xf32>
    %broadcast_in_dim3A_57 = vector.shape_cast %reduce_sum3A_56 : vector<2000xf32> to vector<2000x1xf32>
    %div3A_58 = arith.constant 1.280000e+02 : f32
    %div3A_59 = vector.broadcast %div3A_58 : f32 to vector<2000x1xf32>
    %div3A_60 = arith.divf %broadcast_in_dim3A_57, %div3A_59 : vector<2000x1xf32>
    %sub3A_61 = vector.broadcast %div3A_53 : vector<2000x1xf32> to vector<2000x128xf32>
    %sub3A_62 = arith.subf %max3A_44, %sub3A_61 : vector<2000x128xf32>
    %add3A_63 = arith.constant 9.99999974E-6 : f32
    %add3A_64 = vector.broadcast %add3A_63 : f32 to vector<2000x1xf32>
    %add3A_65 = arith.addf %div3A_60, %add3A_64 : vector<2000x1xf32>
    %rsqrt3A = math.rsqrt %add3A_65 : vector<2000x1xf32>
    %mul3A = vector.broadcast %rsqrt3A : vector<2000x1xf32> to vector<2000x128xf32>
    %mul3A_66 = arith.mulf %sub3A_62, %mul3A : vector<2000x128xf32>
    %mul3A_67 = vector.broadcast %get3A_47 : vector<1x128xf32> to vector<2000x128xf32>
    %mul3A_68 = arith.mulf %mul3A_66, %mul3A_67 : vector<2000x128xf32>
    %add3A_69 = vector.broadcast %get3A_50 : vector<1x128xf32> to vector<2000x128xf32>
    %add3A_70 = arith.addf %mul3A_68, %add3A_69 : vector<2000x128xf32>
    %swap3A = arith.constant 0 : index
    %swap3A_71 = arith.constant 0 : index
    %swap3A_72 = vector.load %arg10[%swap3A, %swap3A_71] : memref<2000x128xf32, #tpu.memory_space<vmem>>, vector<2000x128xf32>
    tpu.vector_store %arg10[%swap3A, %swap3A_71], %add3A_70 {strides = array<i32>} : memref<2000x128xf32, #tpu.memory_space<vmem>>, vector<2000x128xf32>,
    return
  }
  func.func @transform_0(%arg0: i32) -> (i32, i32) {
    %c0_i32 = arith.constant 0 : i32
    %c0_i32_0 = arith.constant 0 : i32
    return %arg0, %c0_i32 : i32, i32
  }
  func.func @transform_1(%arg0: i32) -> (i32, i32) {
    %add3A = arith.constant 80 : i32
    %add3A_0 = arith.addi %arg0, %add3A : i32
    %c0_i32 = arith.constant 0 : i32
    %c0_i32_1 = arith.constant 0 : i32
    return %add3A_0, %c0_i32 : i32, i32
  }
  func.func @transform_2(%arg0: i32) -> (i32, i32) {
    %c0_i32 = arith.constant 0 : i32
    %c0_i32_0 = arith.constant 0 : i32
    %c0_i32_1 = arith.constant 0 : i32
    return %c0_i32, %c0_i32_0 : i32, i32
  }
  func.func @transform_3(%arg0: i32) -> (i32, i32) {
    %c0_i32 = arith.constant 0 : i32
    %c0_i32_0 = arith.constant 0 : i32
    %c0_i32_1 = arith.constant 0 : i32
    return %c0_i32, %c0_i32_0 : i32, i32
  }
  func.func @transform_4(%arg0: i32) -> (i32, i32) {
    %c0_i32 = arith.constant 0 : i32
    %c0_i32_0 = arith.constant 0 : i32
    %c0_i32_1 = arith.constant 0 : i32
    return %c0_i32, %c0_i32_0 : i32, i32
  }
  func.func @transform_5(%arg0: i32) -> (i32, i32) {
    %c0_i32 = arith.constant 0 : i32
    %c0_i32_0 = arith.constant 0 : i32
    %c0_i32_1 = arith.constant 0 : i32
    return %c0_i32, %c0_i32_0 : i32, i32
  }
  func.func @transform_6(%arg0: i32) -> (i32, i32) {
    %c0_i32 = arith.constant 0 : i32
    %c0_i32_0 = arith.constant 0 : i32
    %c0_i32_1 = arith.constant 0 : i32
    return %c0_i32, %c0_i32_0 : i32, i32
  }
  func.func @transform_7(%arg0: i32) -> (i32, i32) {
    %c0_i32 = arith.constant 0 : i32
    %c0_i32_0 = arith.constant 0 : i32
    %c0_i32_1 = arith.constant 0 : i32
    return %c0_i32, %c0_i32_0 : i32, i32
  }
  func.func @transform_8(%arg0: i32) -> (i32, i32) {
    %c0_i32 = arith.constant 0 : i32
    %c0_i32_0 = arith.constant 0 : i32
    %c0_i32_1 = arith.constant 0 : i32
    return %c0_i32, %c0_i32_0 : i32, i32
  }
  func.func @transform_9(%arg0: i32) -> (i32, i32) {
    %c0_i32 = arith.constant 0 : i32
    %c0_i32_0 = arith.constant 0 : i32
    return %arg0, %c0_i32 : i32, i32
  }
}

module attributes {stable_mosaic.version = 14 : i64} {
  func.func @_node_mlp_body(%arg0: i32, %arg1: memref<2000x128xf32, #tpu.memory_space<vmem>>, %arg2: memref<2000x128xf32, #tpu.memory_space<vmem>>, %arg3: memref<2000x128xf32, #tpu.memory_space<vmem>>, %arg4: memref<128x128xf32, #tpu.memory_space<vmem>>, %arg5: memref<128x128xf32, #tpu.memory_space<vmem>>, %arg6: memref<1x128xf32, #tpu.memory_space<vmem>>, %arg7: memref<128x128xf32, #tpu.memory_space<vmem>>, %arg8: memref<1x128xf32, #tpu.memory_space<vmem>>, %arg9: memref<1x128xf32, #tpu.memory_space<vmem>>, %arg10: memref<1x128xf32, #tpu.memory_space<vmem>>, %arg11: memref<2000x128xf32, #tpu.memory_space<vmem>>) attributes {dimension_semantics = [#tpu.dimension_semantics<arbitrary>], iteration_bounds = array<i64: 5>, scalar_prefetch = 0 : i64, scratch_operands = 0 : i64, tpu.core_type = #tpu.core_type<tc>, window_params = [{transform_indices = @transform_0, window_bounds = array<i64: 2000, 128>}, {transform_indices = @transform_1, window_bounds = array<i64: 2000, 128>}, {transform_indices = @transform_2, window_bounds = array<i64: 2000, 128>}, {pipeline_mode = #tpu.pipeline_mode<synchronous>, transform_indices = @transform_3, window_bounds = array<i64: 128, 128>}, {pipeline_mode = #tpu.pipeline_mode<synchronous>, transform_indices = @transform_4, window_bounds = array<i64: 128, 128>}, {pipeline_mode = #tpu.pipeline_mode<synchronous>, transform_indices = @transform_5, window_bounds = array<i64: 1, 128>}, {pipeline_mode = #tpu.pipeline_mode<synchronous>, transform_indices = @transform_6, window_bounds = array<i64: 128, 128>}, {pipeline_mode = #tpu.pipeline_mode<synchronous>, transform_indices = @transform_7, window_bounds = array<i64: 1, 128>}, {pipeline_mode = #tpu.pipeline_mode<synchronous>, transform_indices = @transform_8, window_bounds = array<i64: 1, 128>}, {pipeline_mode = #tpu.pipeline_mode<synchronous>, transform_indices = @transform_9, window_bounds = array<i64: 1, 128>}, {transform_indices = @transform_10, window_bounds = array<i64: 2000, 128>}]} {
    %get3A = arith.constant 0 : index
    %get3A_0 = arith.constant 0 : index
    %get3A_1 = vector.load %arg1[%get3A, %get3A_0] : memref<2000x128xf32, #tpu.memory_space<vmem>>, vector<2000x128xf32>
    %get3A_2 = arith.constant 0 : index
    %get3A_3 = arith.constant 0 : index
    %get3A_4 = vector.load %arg2[%get3A_2, %get3A_3] : memref<2000x128xf32, #tpu.memory_space<vmem>>, vector<2000x128xf32>
    %get3A_5 = arith.constant 0 : index
    %get3A_6 = arith.constant 0 : index
    %get3A_7 = vector.load %arg3[%get3A_5, %get3A_6] : memref<2000x128xf32, #tpu.memory_space<vmem>>, vector<2000x128xf32>
    %add3A = arith.addf %get3A_4, %get3A_7 : vector<2000x128xf32>
    %get3A_8 = arith.constant 0 : index
    %get3A_9 = arith.constant 0 : index
    %get3A_10 = vector.load %arg4[%get3A_8, %get3A_9] : memref<128x128xf32, #tpu.memory_space<vmem>>, vector<128x128xf32>
    %dot_general3A = arith.constant dense<0.000000e+00> : vector<2000x128xf32>
    %dot_general3A_11 = tpu.matmul %get3A_1, %get3A_10, %dot_general3A {dimension_numbers = #tpu.dot_dimension_numbers<[1], [0], [0], [1], [0, 0, 1, 1], [], []>, transpose_lhs_hint = false} : vector<2000x128xf32>, vector<128x128xf32>, vector<2000x128xf32> -> vector<2000x128xf32>
    %get3A_12 = arith.constant 0 : index
    %get3A_13 = arith.constant 0 : index
    %get3A_14 = vector.load %arg5[%get3A_12, %get3A_13] : memref<128x128xf32, #tpu.memory_space<vmem>>, vector<128x128xf32>
    %dot_general3A_15 = arith.constant dense<0.000000e+00> : vector<2000x128xf32>
    %dot_general3A_16 = tpu.matmul %add3A, %get3A_14, %dot_general3A_15 {dimension_numbers = #tpu.dot_dimension_numbers<[1], [0], [0], [1], [0, 0, 1, 1], [], []>, transpose_lhs_hint = false} : vector<2000x128xf32>, vector<128x128xf32>, vector<2000x128xf32> -> vector<2000x128xf32>
    %add3A_17 = arith.addf %dot_general3A_11, %dot_general3A_16 : vector<2000x128xf32>
    %get3A_18 = arith.constant 0 : index
    %get3A_19 = arith.constant 0 : index
    %get3A_20 = vector.load %arg6[%get3A_18, %get3A_19] : memref<1x128xf32, #tpu.memory_space<vmem>>, vector<1x128xf32>
    %add3A_21 = vector.broadcast %get3A_20 : vector<1x128xf32> to vector<2000x128xf32>
    %add3A_22 = arith.addf %add3A_17, %add3A_21 : vector<2000x128xf32>
    %max3A = arith.constant 0.000000e+00 : f32
    %max3A_23 = vector.broadcast %max3A : f32 to vector<2000x128xf32>
    %max3A_24 = arith.maximumf %add3A_22, %max3A_23 : vector<2000x128xf32>
    %get3A_25 = arith.constant 0 : index
    %get3A_26 = arith.constant 0 : index
    %get3A_27 = vector.load %arg7[%get3A_25, %get3A_26] : memref<128x128xf32, #tpu.memory_space<vmem>>, vector<128x128xf32>
    %dot_general3A_28 = arith.constant dense<0.000000e+00> : vector<2000x128xf32>
    %dot_general3A_29 = tpu.matmul %max3A_24, %get3A_27, %dot_general3A_28 {dimension_numbers = #tpu.dot_dimension_numbers<[1], [0], [0], [1], [0, 0, 1, 1], [], []>, transpose_lhs_hint = false} : vector<2000x128xf32>, vector<128x128xf32>, vector<2000x128xf32> -> vector<2000x128xf32>
    %get3A_30 = arith.constant 0 : index
    %get3A_31 = arith.constant 0 : index
    %get3A_32 = vector.load %arg8[%get3A_30, %get3A_31] : memref<1x128xf32, #tpu.memory_space<vmem>>, vector<1x128xf32>
    %add3A_33 = vector.broadcast %get3A_32 : vector<1x128xf32> to vector<2000x128xf32>
    %add3A_34 = arith.addf %dot_general3A_29, %add3A_33 : vector<2000x128xf32>
    %add3A_35 = arith.addf %get3A_1, %add3A_34 : vector<2000x128xf32>
    %get3A_36 = arith.constant 0 : index
    %get3A_37 = arith.constant 0 : index
    %get3A_38 = vector.load %arg9[%get3A_36, %get3A_37] : memref<1x128xf32, #tpu.memory_space<vmem>>, vector<1x128xf32>
    %get3A_39 = arith.constant 0 : index
    %get3A_40 = arith.constant 0 : index
    %get3A_41 = vector.load %arg10[%get3A_39, %get3A_40] : memref<1x128xf32, #tpu.memory_space<vmem>>, vector<1x128xf32>
    %reduce_sum3A = arith.constant dense<0.000000e+00> : vector<2000xf32>
    %reduce_sum3A_42 = vector.multi_reduction <add>, %add3A_35, %reduce_sum3A [1] : vector<2000x128xf32> to vector<2000xf32>
    %broadcast_in_dim3A = vector.shape_cast %reduce_sum3A_42 : vector<2000xf32> to vector<2000x1xf32>
    %div3A = arith.constant 1.280000e+02 : f32
    %div3A_43 = vector.broadcast %div3A : f32 to vector<2000x1xf32>
    %div3A_44 = arith.divf %broadcast_in_dim3A, %div3A_43 : vector<2000x1xf32>
    %sub3A = vector.broadcast %div3A_44 : vector<2000x1xf32> to vector<2000x128xf32>
    %sub3A_45 = arith.subf %add3A_35, %sub3A : vector<2000x128xf32>
    %integer_pow3A = arith.mulf %sub3A_45, %sub3A_45 : vector<2000x128xf32>
    %reduce_sum3A_46 = arith.constant dense<0.000000e+00> : vector<2000xf32>
    %reduce_sum3A_47 = vector.multi_reduction <add>, %integer_pow3A, %reduce_sum3A_46 [1] : vector<2000x128xf32> to vector<2000xf32>
    %broadcast_in_dim3A_48 = vector.shape_cast %reduce_sum3A_47 : vector<2000xf32> to vector<2000x1xf32>
    %div3A_49 = arith.constant 1.280000e+02 : f32
    %div3A_50 = vector.broadcast %div3A_49 : f32 to vector<2000x1xf32>
    %div3A_51 = arith.divf %broadcast_in_dim3A_48, %div3A_50 : vector<2000x1xf32>
    %sub3A_52 = vector.broadcast %div3A_44 : vector<2000x1xf32> to vector<2000x128xf32>
    %sub3A_53 = arith.subf %add3A_35, %sub3A_52 : vector<2000x128xf32>
    %add3A_54 = arith.constant 9.99999974E-6 : f32
    %add3A_55 = vector.broadcast %add3A_54 : f32 to vector<2000x1xf32>
    %add3A_56 = arith.addf %div3A_51, %add3A_55 : vector<2000x1xf32>
    %rsqrt3A = math.rsqrt %add3A_56 : vector<2000x1xf32>
    %mul3A = vector.broadcast %rsqrt3A : vector<2000x1xf32> to vector<2000x128xf32>
    %mul3A_57 = arith.mulf %sub3A_53, %mul3A : vector<2000x128xf32>
    %mul3A_58 = vector.broadcast %get3A_38 : vector<1x128xf32> to vector<2000x128xf32>
    %mul3A_59 = arith.mulf %mul3A_57, %mul3A_58 : vector<2000x128xf32>
    %add3A_60 = vector.broadcast %get3A_41 : vector<1x128xf32> to vector<2000x128xf32>
    %add3A_61 = arith.addf %mul3A_59, %add3A_60 : vector<2000x128xf32>
    %swap3A = arith.constant 0 : index
    %swap3A_62 = arith.constant 0 : index
    %swap3A_63 = vector.load %arg11[%swap3A, %swap3A_62] : memref<2000x128xf32, #tpu.memory_space<vmem>>, vector<2000x128xf32>
    tpu.vector_store %arg11[%swap3A, %swap3A_62], %add3A_61 {strides = array<i32>} : memref<2000x128xf32, #tpu.memory_space<vmem>>, vector<2000x128xf32>,
    return
  }
  func.func @transform_0(%arg0: i32) -> (i32, i32) {
    %c0_i32 = arith.constant 0 : i32
    %c0_i32_0 = arith.constant 0 : i32
    return %arg0, %c0_i32 : i32, i32
  }
  func.func @transform_1(%arg0: i32) -> (i32, i32) {
    %c0_i32 = arith.constant 0 : i32
    %c0_i32_0 = arith.constant 0 : i32
    return %arg0, %c0_i32 : i32, i32
  }
  func.func @transform_2(%arg0: i32) -> (i32, i32) {
    %add3A = arith.constant 5 : i32
    %add3A_0 = arith.addi %arg0, %add3A : i32
    %c0_i32 = arith.constant 0 : i32
    %c0_i32_1 = arith.constant 0 : i32
    return %add3A_0, %c0_i32 : i32, i32
  }
  func.func @transform_3(%arg0: i32) -> (i32, i32) {
    %c0_i32 = arith.constant 0 : i32
    %c0_i32_0 = arith.constant 0 : i32
    %c0_i32_1 = arith.constant 0 : i32
    return %c0_i32, %c0_i32_0 : i32, i32
  }
  func.func @transform_4(%arg0: i32) -> (i32, i32) {
    %c0_i32 = arith.constant 0 : i32
    %c0_i32_0 = arith.constant 0 : i32
    %c0_i32_1 = arith.constant 0 : i32
    return %c0_i32, %c0_i32_0 : i32, i32
  }
  func.func @transform_5(%arg0: i32) -> (i32, i32) {
    %c0_i32 = arith.constant 0 : i32
    %c0_i32_0 = arith.constant 0 : i32
    %c0_i32_1 = arith.constant 0 : i32
    return %c0_i32, %c0_i32_0 : i32, i32
  }
  func.func @transform_6(%arg0: i32) -> (i32, i32) {
    %c0_i32 = arith.constant 0 : i32
    %c0_i32_0 = arith.constant 0 : i32
    %c0_i32_1 = arith.constant 0 : i32
    return %c0_i32, %c0_i32_0 : i32, i32
  }
  func.func @transform_7(%arg0: i32) -> (i32, i32) {
    %c0_i32 = arith.constant 0 : i32
    %c0_i32_0 = arith.constant 0 : i32
    %c0_i32_1 = arith.constant 0 : i32
    return %c0_i32, %c0_i32_0 : i32, i32
  }
  func.func @transform_8(%arg0: i32) -> (i32, i32) {
    %c0_i32 = arith.constant 0 : i32
    %c0_i32_0 = arith.constant 0 : i32
    %c0_i32_1 = arith.constant 0 : i32
    return %c0_i32, %c0_i32_0 : i32, i32
  }
  func.func @transform_9(%arg0: i32) -> (i32, i32) {
    %c0_i32 = arith.constant 0 : i32
    %c0_i32_0 = arith.constant 0 : i32
    %c0_i32_1 = arith.constant 0 : i32
    return %c0_i32, %c0_i32_0 : i32, i32
  }
  func.func @transform_10(%arg0: i32) -> (i32, i32) {
    %c0_i32 = arith.constant 0 : i32
    %c0_i32_0 = arith.constant 0 : i32
    return %arg0, %c0_i32 : i32, i32
  }
}

</mosaic_0001>

<sc_bundles>
// kernel: kernel.10.cloned.1.call-start
scs
__scs_entry_jumppad:
0x0: {  	(pc) =	sbr.rel $0x88, $3  }
0x1: {  	(tag) =	ssettag $0x0;
	lr =	simm.s32 $0x1  }
0x2: {  	[smem:$0x3F92] =	sst lr;
	_ =	strace $0xD0000000  }
0x3: {  	_ = 	snop  }
0x4: {  	_ = 	snop  }
0x5: {  	_ = 	snop  }
0x6: {  	_ = 	snop  }
0x7: {  	_ = 	snop  }
__scs_overlays_trampoline_lowered:
0x8: {  	[smem:$0x3FA1] =	sst s0  }
0x9: {  	[smem:$0x3FA2] =	sst s1  }
0xa: {  	[smem:$0x3FA3] =	sst s2  }
0xb: {  	[smem:$0x3FA4] =	sst s3  }
0xc: {  	[smem:$0x3FA5] =	sst s4  }
0xd: {  	[smem:$0x3FA6] =	sst s5  }
0xe: {  	[smem:$0x3FA7] =	sst s6  }
0xf: {  	[smem:$0x3FA8] =	sst s7  }
0x10: {  	[smem:$0x3FA9] =	sst s8  }
0x11: {  	[smem:$0x3FAA] =	sst s9;
	s0 =	simm.s32 @!p0 $0x0  }
0x12: {  	s1 =	sld [smem:$0x3F90];
	s0 =	simm.s32 @p0 $0x1  }
0x13: {  	[smem:$0x3FAB] =	sst s0;
	s0 =	simm.s32 @!p1 $0x0  }
0x14: {  	s2 =	sld [smem:$0x3F8F];
	s0 =	simm.s32 @p1 $0x1  }
0x15: {  	[smem:$0x3FAC] =	sst s0;
	s0 =	simm.s32 @!p2 $0x0  }
0x16: {  	s3 =	sld [smem:$0x3FDB];
	s0 =	simm.s32 @p2 $0x1  }
0x17: {  	s4 =	simm.s32 $0x1BF5;
	[smem:$0x3FAE] =	sst s0  }
0x18: {  	s0 =	sld [smem:$0x3F91];
	_ =	swait.ge [sflag:s4], $0x0  }
0x19: {  	s7 =	sld [smem:$0x3F92]  }
0x1a: {  	s8 =	sadd.s32 $0xFFFFE003, lr  }
0x1b: {  	s9 =	sadd.s32 $0xFFFFFEF7, lr;
	s5 =	simm.s32 $0xFFFFFFFF;
	p2 =	slt.u32 s8, $0xFFFFF086  }
0x1c: {  	p1 =	slt.u32 s9, $0xF7A;
	s5 =	simm.s32 @!p2 $0x0  }
0x1d: {  	s5 =	simm.s32 @p1 $0x1;
	p0 =	seq.s32 s7, s2  }
0x1e: {  	s7 =	smul.u32 @!p0 $0xF7A, s2;
	p2 =	seq.s32 @!p0 s5, $0x0  }
0x1f: {  	s9 =	smul.u32 $0xF7A, s1;
	s8 =	simm.s32 @!p0 $0x1BF5;
	p2 =	por !p2, p0  }
0x20: {  	[sflag:s8] =	ssyncset.s32 @!p0 $0xFFFFF086;
	s6 =	sadd.s32 @!p0 s3, s7;
	s7 =	simm.s32 @!p0 $0x108  }
0x21: {  	s3 =	sadd.s32 s3, s9;
	s6 =	sadd.s32 @!p0 $0x88, s6;
	s7 =	simm.s32 @p2 $0x1082  }
0x22: {  	[simem:s7], [sflag:s8] =	dma.local @!p0 [hbm:s6], $0xF7A  }
0x23: {  	s9 =	sor.u32 $0xD0000000, s2;
	s6 =	simm.s32 $0x108;
	_ =	swait.ge @!p0 [sflag:s8], $0x0  }
0x24: {  	s3 =	sadd.s32 $0x88, s3;
	s6 =	simm.s32 @!p1 $0x1082;
	[sflag:s4] =	ssyncset.s32 $0xFFFFF086  }
0x25: {  	[simem:s6], [sflag:s4] =	dma.local [hbm:s3], $0xF7A  }
0x26: {  	[smem:$0x3F92] =	sst s1;
	(tag) =	ssettag s2;
	_ =	strace s9  }
0x27: {  	s1 =	sld [smem:$0x3FA2]  }
0x28: {  	s2 =	sld [smem:$0x3FA3]  }
0x29: {  	s4 =	sld [smem:$0x3FA5]  }
0x2a: {  	p0 =	seq.s32 s5, $0x0;
	s5 =	sld [smem:$0x3FA6]  }
0x2b: {  	s6 =	sld [smem:$0x3FA7]  }
0x2c: {  	s7 =	sld [smem:$0x3FA8]  }
0x2d: {  	s3 =	simm.s32 $0x108;
	s8 =	sld [smem:$0x3FA9]  }
0x2e: {  	s3 =	simm.s32 @!p0 $0x1082;
	s9 =	sld [smem:$0x3FAA]  }
0x2f: {  	lr =	sadd.s32 s0, s3;
	s0 =	sld [smem:$0x3FA1]  }
0x30: {  	s3 =	sld [smem:$0x3FA4]  }
0x31: {  	[smem:$0x3FAD] =	sst s10  }
0x32: {  	s10 =	sld [smem:$0x3FAB];
	_ =	sdelay $0x3  }
0x33: {  	p0 =	seq.s32 s10, $0x1;
	s10 =	sld [smem:$0x3FAD];
	_ =	sdelay $0x3  }
0x34: {  	[smem:$0x3FAD] =	sst s10  }
0x35: {  	s10 =	sld [smem:$0x3FAC];
	_ =	sdelay $0x3  }
0x36: {  	p1 =	seq.s32 s10, $0x1;
	s10 =	sld [smem:$0x3FAD];
	_ =	sdelay $0x3  }
0x37: {  	[smem:$0x3FAD] =	sst s10  }
0x38: {  	s10 =	sld [smem:$0x3FAE]  }
0x39: {  	_ = 	snop;
	(pc) =	sbr.ind lr, $3  }
0x3a: {  	_ = 	snop  }
0x3b: {  	_ = 	snop  }
0x3c: {  	p2 =	seq.s32 s10, $0x1;
	s10 =	sld [smem:$0x3FAD]  }
0x3d: {  	_ =	shalt  }
0x3e: {  	_ =	shalt  }
0x3f: {  	_ =	shalt  }
0x40: {  	_ =	shalt  }
0x41: {  	_ =	shalt  }
0x42: {  	_ =	shalt  }
0x43: {  	_ =	shalt  }
0x44: {  	_ =	shalt  }
0x45: {  	_ =	shalt  }
0x46: {  	_ =	shalt  }
0x47: {  	_ =	shalt  }
0x48: {  	_ =	shalt  }
0x49: {  	_ =	shalt  }
0x4a: {  	_ =	shalt  }
0x4b: {  	_ =	shalt  }
0x4c: {  	_ =	shalt  }
0x4d: {  	_ =	shalt  }
0x4e: {  	_ =	shalt  }
0x4f: {  	_ =	shalt  }
0x50: {  	_ =	shalt  }
0x51: {  	_ =	shalt  }
0x52: {  	_ =	shalt  }
0x53: {  	_ =	shalt  }
0x54: {  	_ =	shalt  }
0x55: {  	_ =	shalt  }
0x56: {  	_ =	shalt  }
0x57: {  	_ =	shalt  }
0x58: {  	_ =	shalt  }
0x59: {  	_ =	shalt  }
0x5a: {  	_ =	shalt  }
0x5b: {  	_ =	shalt  }
0x5c: {  	_ =	shalt  }
0x5d: {  	_ =	shalt  }
0x5e: {  	_ =	shalt  }
0x5f: {  	_ =	shalt  }
0x60: {  	_ =	shalt  }
0x61: {  	_ =	shalt  }
0x62: {  	_ =	shalt  }
0x63: {  	_ =	shalt  }
0x64: {  	_ =	shalt  }
0x65: {  	_ =	shalt  }
0x66: {  	_ =	shalt  }
0x67: {  	_ =	shalt  }
0x68: {  	_ =	shalt  }
0x69: {  	_ =	shalt  }
0x6a: {  	_ =	shalt  }
0x6b: {  	_ =	shalt  }
0x6c: {  	_ =	shalt  }
0x6d: {  	_ =	shalt  }
0x6e: {  	_ =	shalt  }
0x6f: {  	_ =	shalt  }
0x70: {  	_ =	shalt  }
0x71: {  	_ =	shalt  }
0x72: {  	_ =	shalt  }
0x73: {  	_ =	shalt  }
0x74: {  	_ =	shalt  }
0x75: {  	_ =	shalt  }
0x76: {  	_ =	shalt  }
0x77: {  	_ =	shalt  }
0x78: {  	_ =	shalt  }
0x79: {  	_ =	shalt  }
0x7a: {  	_ =	shalt  }
0x7b: {  	_ =	shalt  }
0x7c: {  	_ =	shalt  }
0x7d: {  	_ =	shalt  }
0x7e: {  	_ =	shalt  }
0x7f: {  	_ =	shalt  }
0x80: {  	_ =	shalt  }
0x81: {  	_ =	shalt  }
0x82: {  	_ =	shalt  }
0x83: {  	_ =	shalt  }
0x84: {  	_ =	shalt  }
0x85: {  	_ =	shalt  }
0x86: {  	_ =	shalt  }
0x87: {  	_ =	shalt  }
.Lfunc_end0:
.L_simem_size_0:
called_computation_lowered:
.L_overlay_start_0:
0x88: {  	s2 =	sld [smem:$0x3FD9]  }
0x89: {  	s3 =	sld [smem:$0x3FFE];
	_ =	sdelay $0x1  }
0x8a: {  	s1 =	srdreg.scid  }
0x8b: {  	s0 =	sand.u32 $0x1, s1  }
0x8c: {  	s17 =	sshll.u32 s0, $0xA;
	s2 =	sadd.s32 s3, s2  }
0x8d: {  	s2 =	sadd.s32 s2, s17  }
0x8e: {  	[smem:$0x3FB9] =	sst s2  }
0x8f: {  	_ = 	snop  }
0x90: {  	s2 =	sld [smem:$0x3FD0];
	(tm) =	ssettm $0x1  }
0x91: {  	s18 =	sld [smem:$0x3FFB];
	_ =	sdelay $0x3  }
0x92: {  	_ =	strace s18  }
0x93: {  	s3 =	sld [smem:$0x3FFC];
	_ =	sdelay $0x3  }
0x94: {  	_ =	strace s3  }
0x95: {  	s3 =	sld [smem:$0x3FFD];
	_ =	sdelay $0x3  }
0x96: {  	_ =	strace s3  }
0x97: {  	_ =	strace $0x8FFFFFFF  }
0x98: {  	s19 =	sld [smem:$0x3FDB];
	_ =	sdelay $0x1  }
0x99: {  	s4 =	simm.s32 $_scs_section_size  }
0x9a: {  	s5 =	simm.s32 $_size__tile_overlayer_lowered;
	s6 =	simm.s32 $_tile_overlayer_lowered  }
0x9b: {  	s22 =	simm.s32 $0x1BFF;
	s21 =	sshll.u32 s6, $0x1;
	s3 =	sadd.s32 s4, s19  }
0x9c: {  	s7 =	simm.s32 $0x0;
	s20 =	sshll.u32 s5, $0x1;
	s5 =	sadd.s32 s21, s3  }
0x9d: {  	[timem:s7], [sflag:s22] =	dma.local [hbm:s5], s20  }
0x9e: {  	_ =	swait.ge [sflag:s22], s20  }
0x9f: {  	s4 =	ssub.s32 $0x0, s20;
	[sflag:s22] =	ssyncset.done $0x0  }
0xa0: {  	[sflag:s22] =	ssyncadd.s32 s4;
	_ =	sdelay $0x1  }
0xa1: {  	s23 =	simm.s32 $0x1B8B  }
0xa2: {  	_ =	swait.ge [sflag:s23], $0x1  }
0xa3: {  	[sflag:s23] =	ssyncset.done $0x0  }
0xa4: {  	s25 =	simm.s32 $0x1B8E;
	s24 =	sld [smem:$0x3FFE];
	[sflag:s23] =	ssyncadd.s32 $0xFFFFFFFF  }
0xa5: {  	s26 =	simm.s32 $execute0_lowered;
	[smem:$0x3FD2] =	sst s25  }
0xa6: {  	s5 =	sshll.u32 s26, $0x1;
	_ =	strace $0x80000046;
	[dreg:$0x1] =	wrdreg $0xFFFFFFFF  }
0xa7: {  	s28 =	simm.s32 $_size_execute0_lowered;
	s3 =	sadd.s32 s3, s5;
	[dreg:$0x0] =	wrdreg $0x0  }
0xa8: {  	s5 =	sshll.u32 s28, $0x1;
	[dreg:$0x2] =	wrdreg s3  }
0xa9: {  	[dreg:$0x3] =	wrdreg s5  }
0xaa: {  	[dreg:$0x4] =	wrdreg $0xC0  }
0xab: {  	_ =	task [dreg:s7], $0x5FFFF  }
0xac: {  	[dreg:$0x1] =	wrdreg $0xFFFFFFFF  }
0xad: {  	[dreg:$0x0] =	wrdreg $0x60  }
0xae: {  	[dreg:$0x2] =	wrdreg s24  }
0xaf: {  	[dreg:$0x3] =	wrdreg s2  }
0xb0: {  	[dreg:$0x4] =	wrdreg $0xA  }
0xb1: {  	_ =	task.clear_ibuf [dreg:s7], $0x5FFFF;
	_ =	strace $0x90000046  }
0xb2: {  	s29 =	simm.s32 $0xA;
	_ =	strace $0x80000048  }
0xb3: {  	_ =	swait.ge [sflag:s29], $0x1  }
0xb4: {  	[sflag:s29] =	ssyncadd.s32 $0xFFFFFFFF  }
0xb5: {  	_ =	strace $0x90000048  }
0xb6: {  	_ =	sfence  }
0xb7: {  	s30 =	sld [smem:$0x0];
	_ =	sdelay $0x2  }
0xb8: {  	s31 =	sshll.u32 s1, $0xD;
	s1 =	sshrl.u32 s1, $0x2  }
0xb9: {  	s3 =	sand.u32 $0x4000, s31;
	s1 =	sadd.s32 s1, s30  }
0xba: {  	s0 =	sor.u32 s3, s0;
	s1 =	sshll.u32 s1, $0x11  }
0xbb: {  	s0 =	sor.u32 s1, s0  }
0xbc: {  	s0 =	sadd.s32 $0x8F2B, s0  }
0xbd: {  	[sflag:s0] =	ssyncadd.remote.s32 $0x1  }
0xbe: {  	_ =	sfence.sel $0xFFFF  }
0xbf: {  	[dreg:$0x0] =	wrdreg $0xFFFFFFFF;
	(pc) =	sbr.abs _section_cstart, $3  }
0xc0: {  	[dreg:$0x1] =	wrdreg $0xFFFFFFFF  }
0xc1: {  	_ =	task.clear_ibuf [dreg:s7], $0x2FFFF;
	_ =	strace $0x9FFFFFFF  }
0xc2: {  	(tm) =	ssettm $0x7FFFFFFF  }
0xc3: {  	_ =	shalt  }
tec
execute0_lowered:
.L_overlay_start_1:
0x0: {  	(tag) =	ssettag $0x1  }
0x1: {  	s7 =	rddreg [dreg:$0x0]  }
0x2: {  	s1 =	rddreg [dreg:$0x1]  }
0x3: {  	s0 =	rddreg [dreg:$0x2];
	s2 =	simm.s32 $0x0;
	s5 =	srdreg.scid  }
0x4: {  	s3 =	stileid.u32;
	s14 =	simm.s32 $0x10200;
	s15 =	simm.s32 $0x14200  }
0x5: {  	s16 =	simm.s32 $0x5;
	s17 =	simm.s32 $0x6;
	s18 =	simm.s32 $0x0  }
0x6: {  	[smem:$0x7FF] =	sst s2;
	s4 =	sadd.s32 $0x3400, s7;
	s8 =	sand.u32 $0x1, s5  }
0x7: {  	s5 =	sadd.s32 $0xD200, s7;
	s10 =	sshll.u32 s3, $0x1;
	s6 =	sadd.s32 $0x17000, s7  }
0x8: {  	s7 =	sadd.s32 $0x3E200, s7;
	p0 =	seq.s32 s3, $0x0;
	_ =	strace $0x80000047  }
.Ltmp0:
0x9: {  	s9 =	ssub.s32 $0x2, s8;
	s10 =	sor.u32 s8, s10;
	(pc) =	sbr.rel .LBB2_1-.Ltmp0, $4  }
0xa: {  	s8 =	simm.s32 $0x28;
	s11 =	sshrl.u32 s9, $0x1;
	s31 =	smul.u32 $0x27, s10  }
0xb: {  	s10 =	smin.u32 s10, $0x2;
	s8 =	simm.s32 @!p0 $0x27;
	s13 =	ssub.s32 s9, s11  }
0xc: {  	s9 =	sadd.s32 s10, s31;
	s10 =	simm.s32 $0x29;
	s13 =	smax.u32 s13, $0x1  }
0xd: {  	s10 =	simm.s32 @!p0 $0x28;
	s11 =	sadd.s32 $0x3FFFE, s9;
	s12 =	sadd.s32 $0x3FFFF, s9  }
.LBB2_11:
0xe: {  	s18 =	sadd.s32 $0x1, s18  }
0xf: {  	_ =	swait.ge [sflag:s16], $0x4000;
	p0 =	sne.s32 s18, s13  }
.Ltmp1:
0x10: {  	[sflag:s16] =	ssyncset.done $0x0;
	(pc) =	sbr.rel @!p0 .LBB2_12-.Ltmp1, $4  }
0x11: {  	[sflag:s16] =	ssyncadd.s32 $0xFFFFC000  }
0x12: {  	_ =	swait.ge [sflag:s17], $0x4000  }
0x13: {  	[sflag:s17] =	ssyncset.done $0x0  }
0x14: {  	[sflag:s17] =	ssyncadd.s32 $0xFFFFC000  }
.LBB2_1:
.Ltmp2:
0x15: {  	(pc) =	sbr.rel .LBB2_2-.Ltmp2, $2  }
0x16: {  	_ =	sdelay $0x2  }
0x17: {  	s19 =	simm.s32 $0x0  }
.LBB2_10:
0x18: {  	s19 =	sadd.s32 $0x1, s19  }
0x19: {  	p0 =	sne.s32 s19, $0x16  }
.Ltmp3:
0x1a: {  	_ = 	snop;
	(pc) =	sbr.rel @!p0 .LBB2_11-.Ltmp3, $1  }
0x1b: {  	_ =	sdelay $0x3  }
.LBB2_2:
0x1c: {  	s20 =	sshll.u32 s19, $0x1  }
0x1d: {  	p2 =	sne.s32 s19, $0x0;
	p0 =	sle.u32 s20, s10  }
0x1e: {  	p0 =	por !p2, !p0  }
0x1f: {  	p3 =	por !p0, !p0  }
0x20: {  	s21 =	simm.s32 @p3 $0x3  }
0x21: {  	_ =	swait.ge @p3 [sflag:s21], $0x4000  }
0x22: {  	p0 =	sge.u32 s20, s8;
	[sflag:s21] =	ssyncset.done @p3 $0x0  }
0x23: {  	s22 =	sadd.s32 @!p0 s9, s20;
	[sflag:s21] =	ssyncadd.s32 @p3 $0xFFFFC000  }
0x24: {  	p1 =	seq.s32 s19, $0x0;
	s22 =	sshll.u32 @!p0 s22, $0x4;
	_ =	swait.ge @p3 [sflag:s21], $0x4000  }
0x25: {  	p4 =	sgt.u32 @!p1 s20, s8;
	s22 =	sand.u32 @!p0 $0xFFFFFF0, s22;
	[sflag:s21] =	ssyncset.done @p3 $0x0  }
0x26: {  	s23 =	sadd.s32 @!p0 s4, s22;
	[sflag:s21] =	ssyncadd.s32 @p3 $0xFFFFC000;
	s21 =	simm.s32 @!p0 $0x0  }
0x27: {  	[tilespmem:s21], [sflag:$0x1] =	stream.linear.gather @!p0 [hbm4b:s23+s21], $0x80, $0x38;
	[tilespmem:$0x18200] =	vst v63  }
0x28: {  	p1 =	por p4, p1;
	s23 =	sadd.s32 @!p0 s5, s22;
	s22 =	simm.s32 @!p0 $0x100  }
0x29: {  	[tilespmem:s22], [sflag:$0x1] =	stream.linear.gather @!p0 [hbm4b:s23+s21], $0x80, $0x38;
	[tilespmem:$0x18200] =	vst v63  }
0x2a: {  	s23 =	simm.s32 @!p1 $0x2  }
0x2b: {  	_ =	swait.ge @!p1 [sflag:s23], $0x80  }
0x2c: {  	[sflag:s23] =	ssyncset.done @!p1 $0x0  }
0x2d: {  	[sflag:s23] =	ssyncadd.s32 @!p1 $0xFFFFFF80  }
0x2e: {  	_ =	swait.ge @!p1 [sflag:s23], $0x80  }
0x2f: {  	s24 =	simm.s32 @!p1 $0x4200;
	[sflag:s23] =	ssyncset.done @!p1 $0x0  }
.Ltmp4:
0x30: {  	[sflag:s23] =	ssyncadd.s32 @!p1 $0xFFFFFF80;
	s23 =	simm.s32 @!p1 $0x80;
	(pc) =	sbr.rel @!p3 .LBB2_6-.Ltmp4, $4  }
0x31: {  	[tilespmem:s24], [sflag:$0x4] =	stream.indirect.gather @!p1 [hbm4b:s1+s23], $0x80, s23, s23, $0xb8;
	[tilespmem:$0x18200] =	vst v63  }
0x32: {  	s25 =	simm.s32 @!p1 $0xC200;
	s24 =	simm.s32 @!p1 $0x180  }
0x33: {  	[tilespmem:s25], [sflag:$0x4] =	stream.indirect.gather @!p1 [hbm4b:s6+s23], $0x80, s24, s23, $0xb8;
	[tilespmem:$0x18200] =	vst v63  }
0x34: {  	p1 =	slt.u32 s19, $0x2  }
0x35: {  	s23 =	simm.s32 @!p1 $0x5  }
0x36: {  	_ =	swait.ge @!p1 [sflag:s23], $0x4000  }
0x37: {  	[sflag:s23] =	ssyncset.done @!p1 $0x0  }
0x38: {  	[sflag:s23] =	ssyncadd.s32 @!p1 $0xFFFFC000;
	s23 =	simm.s32 $0x0  }
0x39: {  	v0 =	vld [tilespmem:s23+$0x2B0]  }
0x3a: {  	v1 =	vld [tilespmem:s23+$0x82B0]  }
0x3b: {  	v2 =	vld [tilespmem:s23+$0x2F0]  }
0x3c: {  	v3 =	vld [tilespmem:s23+$0x82F0]  }
0x3d: {  	v4 =	vld [tilespmem:s23+$0x200]  }
0x3e: {  	v5 =	vld [tilespmem:s23+$0x8200]  }
0x3f: {  	v6 =	vld [tilespmem:s23+$0x240]  }
0x40: {  	v7 =	vld [tilespmem:s23+$0x8240]  }
0x41: {  	v8 =	vld [tilespmem:s23+$0x210]  }
0x42: {  	v9 =	vld [tilespmem:s23+$0x8250]  }
0x43: {  	v10 =	vld [tilespmem:s23+$0x220]  }
0x44: {  	v0 =	vadd.f32 v1, v0;
	v1 =	vadd.f32 v3, v2;
	v2 =	vld [tilespmem:s23+$0x8210]  }
0x45: {  	v3 =	vld [tilespmem:s23+$0x250];
	v4 =	vadd.f32 v5, v4  }
0x46: {  	v5 =	vadd.f32 v7, v6;
	v6 =	vld [tilespmem:s23+$0x8260];
	v0 =	vadd.s32 $0x8000, v0;
	v1 =	vadd.s32 $0x8000, v1  }
0x47: {  	v7 =	vld [tilespmem:s23+$0x270];
	v0 =	vshrl.u32 v0, $0x10;
	v1 =	vand.u32 $0xFFFF0000, v1  }
0x48: {  	v0 =	vor.u32 v0, v1;
	v1 =	vld [tilespmem:s23+$0x8220]  }
0x49: {  	[tilespmem:s23+$0x102B0] =	vst v0;
	v0 =	vadd.s32 $0x8000, v4;
	v4 =	vadd.s32 $0x8000, v5;
	v5 =	vld [tilespmem:s23+$0x260]  }
0x4a: {  	v2 =	vadd.f32 v2, v8;
	v8 =	vld [tilespmem:s23+$0x8270];
	v0 =	vshrl.u32 v0, $0x10;
	v4 =	vand.u32 $0xFFFF0000, v4  }
0x4b: {  	v3 =	vadd.f32 v9, v3;
	v0 =	vor.u32 v0, v4;
	v4 =	vld [tilespmem:s23+$0x230]  }
0x4c: {  	[tilespmem:s23+$0x10200] =	vst v0;
	v0 =	vld [tilespmem:s23+$0x8230]  }
0x4d: {  	v2 =	vadd.s32 $0x8000, v2;
	v3 =	vadd.s32 $0x8000, v3  }
0x4e: {  	v61 =	vld [tilespmem:s23+$0x82C0];
	v2 =	vshrl.u32 v2, $0x10;
	v3 =	vand.u32 $0xFFFF0000, v3;
	v1 =	vadd.f32 v1, v10  }
0x4f: {  	v2 =	vor.u32 v2, v3;
	v3 =	vld [tilespmem:s23+$0x280];
	v5 =	vadd.f32 v6, v5  }
0x50: {  	[tilespmem:s23+$0x10210] =	vst v2;
	v2 =	vld [tilespmem:s23+$0x8280];
	v1 =	vadd.s32 $0x8000, v1  }
0x51: {  	v6 =	vld [tilespmem:s23+$0x2C0];
	v5 =	vadd.s32 $0x8000, v5;
	v0 =	vadd.f32 v0, v4;
	v4 =	vadd.f32 v8, v7  }
0x52: {  	v1 =	vshrl.u32 v1, $0x10;
	v5 =	vand.u32 $0xFFFF0000, v5;
	v7 =	vld [tilespmem:s23+$0x2D0]  }
0x53: {  	v1 =	vor.u32 v1, v5;
	v5 =	vld [tilespmem:s23+$0x290];
	v0 =	vadd.s32 $0x8000, v0;
	v4 =	vadd.s32 $0x8000, v4  }
0x54: {  	[tilespmem:s23+$0x10220] =	vst v1;
	v1 =	vld [tilespmem:s23+$0x8290];
	v0 =	vshrl.u32 v0, $0x10;
	v4 =	vand.u32 $0xFFFF0000, v4  }
0x55: {  	v8 =	vld [tilespmem:s23+$0x82D0];
	v0 =	vor.u32 v0, v4  }
0x56: {  	v62 =	vld [tilespmem:s23+$0x2A0];
	[tilespmem:s23+$0x10230] =	vst v0;
	v0 =	vadd.f32 v2, v3;
	v3 =	vadd.f32 v61, v6  }
0x57: {  	v6 =	vld [tilespmem:s23+$0x82A0]  }
0x58: {  	v4 =	vld [tilespmem:s23+$0x82E0];
	v0 =	vadd.s32 $0x8000, v0;
	v3 =	vadd.s32 $0x8000, v3  }
0x59: {  	s24 =	simm.s32 $0x100;
	v2 =	vld [tilespmem:s23+$0x2E0];
	v5 =	vadd.f32 v1, v5;
	v63 =	vshrl.u32 v0, $0x10;
	v1 =	vand.u32 $0xFFFF0000, v3  }
0x5a: {  	v7 =	vadd.f32 v8, v7;
	v0 =	vld [tilespmem:s24+$0x2B0];
	v3 =	vor.u32 v63, v1  }
0x5b: {  	v1 =	vld [tilespmem:s24+$0x82B0];
	v5 =	vadd.s32 $0x8000, v5;
	[tilespmem:s23+$0x10280] =	vst v3  }
0x5c: {  	s25 =	simm.s32 $0x800;
	v7 =	vadd.s32 $0x8000, v7;
	v5 =	vshrl.u32 v5, $0x10;
	v6 =	vadd.f32 v6, v62;
	v3 =	vld [tilespmem:s24+$0x2F0]  }
.LBB2_4:
0x5d: {  	p3 =	sne.s32 s25, $0xFC00;
	v8 =	vld [tilespmem:s24+$0x82F0];
	v7 =	vand.u32 $0xFFFF0000, v7  }
0x5e: {  	v9 =	vld [tilespmem:s24+$0x200];
	v5 =	vor.u32 v5, v7;
	v2 =	vadd.f32 v4, v2;
	v4 =	vadd.s32 $0x8000, v6  }
0x5f: {  	v6 =	vld [tilespmem:s24+$0x8200];
	[tilespmem:s23+$0x10290] =	vst v5;
	v4 =	vshrl.u32 v4, $0x10  }
0x60: {  	v5 =	vld [tilespmem:s24+$0x240];
	v2 =	vadd.s32 $0x8000, v2  }
0x61: {  	v7 =	vld [tilespmem:s24+$0x8240];
	v2 =	vand.u32 $0xFFFF0000, v2  }
0x62: {  	v0 =	vadd.f32 v1, v0;
	v10 =	vld [tilespmem:s24+$0x210];
	v1 =	vadd.f32 v8, v3;
	v2 =	vor.u32 v4, v2  }
0x63: {  	v3 =	vld [tilespmem:s24+$0x8210];
	[tilespmem:s23+$0x102A0] =	vst v2;
	s23 =	smov.u32 s24  }
0x64: {  	v0 =	vadd.s32 $0x8000, v0;
	v2 =	vadd.f32 v6, v9;
	v4 =	vld [tilespmem:s23+$0x250];
	v1 =	vadd.s32 $0x8000, v1  }
0x65: {  	v0 =	vshrl.u32 v0, $0x10;
	v6 =	vld [tilespmem:s23+$0x8250];
	v1 =	vand.u32 $0xFFFF0000, v1  }
0x66: {  	v5 =	vadd.f32 v7, v5;
	v2 =	vadd.s32 $0x8000, v2;
	v7 =	vld [tilespmem:s23+$0x220];
	v0 =	vor.u32 v0, v1  }
0x67: {  	v1 =	vshrl.u32 v2, $0x10;
	v2 =	vld [tilespmem:s23+$0x8220];
	[tilespmem:s23+$0x102B0] =	vst v0  }
0x68: {  	v0 =	vadd.s32 $0x8000, v5;
	v3 =	vadd.f32 v3, v10;
	v5 =	vld [tilespmem:s23+$0x260]  }
0x69: {  	v0 =	vand.u32 $0xFFFF0000, v0;
	v8 =	vld [tilespmem:s23+$0x8260]  }
0x6a: {  	v0 =	vor.u32 v1, v0;
	v1 =	vadd.f32 v6, v4;
	v3 =	vadd.s32 $0x8000, v3;
	v4 =	vld [tilespmem:s23+$0x230]  }
0x6b: {  	[tilespmem:s23+$0x10200] =	vst v0;
	v0 =	vshrl.u32 v3, $0x10;
	v3 =	vld [tilespmem:s23+$0x8230]  }
0x6c: {  	v1 =	vadd.s32 $0x8000, v1;
	v2 =	vadd.f32 v2, v7;
	v6 =	vld [tilespmem:s23+$0x270]  }
0x6d: {  	v1 =	vand.u32 $0xFFFF0000, v1;
	v7 =	vld [tilespmem:s23+$0x8270]  }
0x6e: {  	v0 =	vor.u32 v0, v1;
	v1 =	vadd.f32 v8, v5;
	v2 =	vadd.s32 $0x8000, v2;
	v5 =	vld [tilespmem:s23+$0x280]  }
0x6f: {  	[tilespmem:s23+$0x10210] =	vst v0;
	v0 =	vshrl.u32 v2, $0x10;
	v2 =	vld [tilespmem:s23+$0x8280]  }
0x70: {  	v1 =	vadd.s32 $0x8000, v1;
	v3 =	vadd.f32 v3, v4;
	v4 =	vld [tilespmem:s23+$0x2C0]  }
0x71: {  	v1 =	vand.u32 $0xFFFF0000, v1;
	v8 =	vld [tilespmem:s23+$0x82C0]  }
0x72: {  	v0 =	vor.u32 v0, v1;
	v1 =	vadd.f32 v7, v6;
	v3 =	vadd.s32 $0x8000, v3;
	v6 =	vld [tilespmem:s23+$0x290]  }
0x73: {  	[tilespmem:s23+$0x10220] =	vst v0;
	v0 =	vshrl.u32 v3, $0x10;
	v3 =	vld [tilespmem:s23+$0x8290]  }
0x74: {  	v1 =	vadd.s32 $0x8000, v1;
	v2 =	vadd.f32 v2, v5;
	v5 =	vld [tilespmem:s23+$0x2D0]  }
0x75: {  	v1 =	vand.u32 $0xFFFF0000, v1;
	v7 =	vld [tilespmem:s23+$0x82D0]  }
0x76: {  	v0 =	vor.u32 v0, v1;
	v1 =	vadd.f32 v8, v4;
	v2 =	vadd.s32 $0x8000, v2;
	v8 =	vld [tilespmem:s23+$0x2A0]  }
0x77: {  	[tilespmem:s23+$0x10230] =	vst v0;
	v9 =	vshrl.u32 v2, $0x10;
	v10 =	vld [tilespmem:s23+$0x82A0]  }
.Ltmp5:
0x78: {  	v0 =	vadd.s32 $0x8000, v1;
	v1 =	vadd.f32 v3, v6;
	v2 =	vld [tilespmem:s23+$0x2E0];
	(pc) =	sbr.rel @p3 .LBB2_4-.Ltmp5, $4  }
0x79: {  	s24 =	sshra.s32 s25, $0x2;
	v3 =	vand.u32 $0xFFFF0000, v0;
	v4 =	vld [tilespmem:s23+$0x82E0]  }
0x7a: {  	v0 =	vld [tilespmem:s24+$0x2B0];
	v3 =	vor.u32 v9, v3;
	v6 =	vadd.f32 v7, v5;
	v5 =	vadd.s32 $0x8000, v1  }
0x7b: {  	v1 =	vld [tilespmem:s24+$0x82B0];
	[tilespmem:s23+$0x10280] =	vst v3;
	v5 =	vshrl.u32 v5, $0x10  }
0x7c: {  	s25 =	sadd.s32 $0x400, s25;
	v3 =	vld [tilespmem:s24+$0x2F0];
	v7 =	vadd.s32 $0x8000, v6;
	v6 =	vadd.f32 v10, v8  }
0x7d: {  	v8 =	vld [tilespmem:s24+$0x82F0];
	v7 =	vand.u32 $0xFFFF0000, v7  }
0x7e: {  	v9 =	vld [tilespmem:s24+$0x200];
	v5 =	vor.u32 v5, v7;
	v2 =	vadd.f32 v4, v2  }
0x7f: {  	v31 =	vld [tilespmem:s24+$0x8200];
	[tilespmem:s23+$0x10290] =	vst v5  }
0x80: {  	v33 =	vadd.s32 $0x8000, v6;
	v32 =	vld [tilespmem:s24+$0x240];
	v2 =	vadd.s32 $0x8000, v2  }
0x81: {  	v5 =	vshrl.u32 v33, $0x10;
	v34 =	vld [tilespmem:s24+$0x8240];
	v2 =	vand.u32 $0xFFFF0000, v2  }
0x82: {  	v10 =	vld [tilespmem:s24+$0x210];
	v2 =	vor.u32 v5, v2  }
0x83: {  	v35 =	vld [tilespmem:s24+$0x8210];
	[tilespmem:s23+$0x102A0] =	vst v2  }
0x84: {  	v2 =	vld [tilespmem:s24+$0x250]  }
0x85: {  	v37 =	vld [tilespmem:s24+$0x8250]  }
0x86: {  	v38 =	vld [tilespmem:s24+$0x220]  }
0x87: {  	v39 =	vld [tilespmem:s24+$0x8220]  }
0x88: {  	v41 =	vld [tilespmem:s24+$0x260]  }
0x89: {  	v42 =	vld [tilespmem:s24+$0x8260]  }
0x8a: {  	v43 =	vld [tilespmem:s24+$0x230]  }
0x8b: {  	v44 =	vld [tilespmem:s24+$0x8230]  }
0x8c: {  	v46 =	vld [tilespmem:s24+$0x270]  }
0x8d: {  	v47 =	vld [tilespmem:s24+$0x8270]  }
0x8e: {  	v50 =	vld [tilespmem:s24+$0x2C0]  }
0x8f: {  	v0 =	vadd.f32 v1, v0;
	v36 =	vadd.f32 v8, v3;
	v51 =	vld [tilespmem:s24+$0x82C0]  }
0x90: {  	v55 =	vld [tilespmem:s24+$0x2D0]  }
0x91: {  	v0 =	vadd.s32 $0x8000, v0;
	v7 =	vadd.f32 v31, v9;
	v1 =	vadd.s32 $0x8000, v36;
	v56 =	vld [tilespmem:s24+$0x82D0]  }
0x92: {  	v0 =	vshrl.u32 v0, $0x10;
	v59 =	vld [tilespmem:s24+$0x2E0];
	v1 =	vand.u32 $0xFFFF0000, v1;
	v4 =	vadd.f32 v34, v32  }
0x93: {  	v40 =	vadd.s32 $0x8000, v7;
	v11 =	vld [tilespmem:s24+$0x82E0];
	v5 =	vadd.f32 v35, v10;
	v0 =	vor.u32 v0, v1  }
0x94: {  	[tilespmem:s24+$0x102B0] =	vst v0;
	v4 =	vadd.s32 $0x8000, v4;
	v0 =	vshrl.u32 v40, $0x10  }
0x95: {  	v48 =	vld [tilespmem:s24+$0x280];
	v45 =	vadd.s32 $0x8000, v5;
	v2 =	vadd.f32 v37, v2;
	v1 =	vadd.f32 v39, v38  }
0x96: {  	v49 =	vld [tilespmem:s24+$0x8280];
	v4 =	vand.u32 $0xFFFF0000, v4;
	v6 =	vadd.f32 v42, v41;
	v53 =	vadd.f32 v47, v46  }
0x97: {  	v52 =	vld [tilespmem:s24+$0x290];
	v0 =	vor.u32 v0, v4;
	v60 =	vadd.f32 v51, v50;
	v5 =	vadd.f32 v56, v55  }
0x98: {  	v54 =	vld [tilespmem:s24+$0x8290];
	v3 =	vshrl.u32 v45, $0x10;
	v61 =	vadd.f32 v11, v59;
	[tilespmem:s24+$0x10200] =	vst v0;
	v0 =	vadd.f32 v44, v43  }
0x99: {  	v57 =	vld [tilespmem:s24+$0x2A0];
	v2 =	vadd.s32 $0x8000, v2;
	v1 =	vadd.s32 $0x8000, v1;
	v6 =	vadd.s32 $0x8000, v6  }
0x9a: {  	v58 =	vld [tilespmem:s24+$0x82A0];
	v4 =	vadd.s32 $0x8000, v53;
	v2 =	vand.u32 $0xFFFF0000, v2;
	v1 =	vshrl.u32 v1, $0x10  }
0x9b: {  	v6 =	vand.u32 $0xFFFF0000, v6;
	v0 =	vadd.s32 $0x8000, v0;
	v2 =	vor.u32 v3, v2  }
0x9c: {  	v4 =	vand.u32 $0xFFFF0000, v4;
	v1 =	vor.u32 v1, v6;
	v0 =	vshrl.u32 v0, $0x10;
	[tilespmem:s24+$0x10210] =	vst v2  }
0x9d: {  	v3 =	vadd.s32 $0x8000, v60;
	[tilespmem:s24+$0x10220] =	vst v1;
	v2 =	vadd.f32 v49, v48;
	v1 =	vadd.f32 v54, v52  }
0x9e: {  	v62 =	vadd.s32 $0x8000, v5;
	v0 =	vor.u32 v0, v4;
	v3 =	vand.u32 $0xFFFF0000, v3  }
0x9f: {  	[tilespmem:s24+$0x10230] =	vst v0;
	v0 =	vadd.f32 v58, v57;
	v2 =	vadd.s32 $0x8000, v2;
	v1 =	vadd.s32 $0x8000, v1  }
0xa0: {  	v4 =	vadd.s32 $0x8000, v61;
	v2 =	vshrl.u32 v2, $0x10;
	v1 =	vshrl.u32 v1, $0x10  }
0xa1: {  	s31 =	sadd.s32 s20, s11;
	v0 =	vadd.s32 $0x8000, v0;
	v2 =	vor.u32 v2, v3;
	v3 =	vand.u32 $0xFFFF0000, v62  }
0xa2: {  	s23 =	sshll.u32 s31, $0xB;
	v63 =	vand.u32 $0xFFFF0000, v4;
	v0 =	vshrl.u32 v0, $0x10;
	[tilespmem:s24+$0x10280] =	vst v2;
	v1 =	vor.u32 v1, v3  }
0xa3: {  	s23 =	sand.u32 $0x1FFFF800, s23;
	v0 =	vor.u32 v0, v63;
	[tilespmem:s24+$0x10290] =	vst v1  }
0xa4: {  	s23 =	sadd.s32 s7, s23;
	[tilespmem:s24+$0x102A0] =	vst v0  }
0xa5: {  	[hbm4b:s23+s2] =	stream.linear.scatter [tilespmem:s14], [sflag:$0x5], $0x4000, $0x38;
	[tilespmem:$0x18200] =	vst v63  }
.LBB2_6:
0xa6: {  	p3 =	slt.u32 s20, s10  }
0xa7: {  	p2 =	por !p2, !p3  }
0xa8: {  	p2 =	por !p2, !p2  }
0xa9: {  	s23 =	simm.s32 @p2 $0x4  }
0xaa: {  	_ =	swait.ge @p2 [sflag:s23], $0x4000  }
0xab: {  	s24 =	sor.u32 $0x1, s20;
	[sflag:s23] =	ssyncset.done @p2 $0x0  }
0xac: {  	p3 =	sge.u32 s24, s8;
	[sflag:s23] =	ssyncadd.s32 @p2 $0xFFFFC000  }
0xad: {  	s24 =	sadd.s32 @!p3 s9, s24;
	_ =	swait.ge @p2 [sflag:s23], $0x4000  }
0xae: {  	s24 =	sshll.u32 @!p3 s24, $0x4;
	[sflag:s23] =	ssyncset.done @p2 $0x0  }
0xaf: {  	[sflag:s23] =	ssyncadd.s32 @p2 $0xFFFFC000;
	s23 =	sand.u32 @!p3 $0xFFFFFF0, s24  }
0xb0: {  	s25 =	simm.s32 @!p3 $0x0;
	s26 =	simm.s32 @!p3 $0x80;
	s24 =	sadd.s32 @!p3 s4, s23  }
0xb1: {  	[tilespmem:s26], [sflag:$0x2] =	stream.linear.gather @!p3 [hbm4b:s24+s25], $0x80, $0x38;
	[tilespmem:$0x18200] =	vst v63  }
0xb2: {  	s23 =	sadd.s32 @!p3 s5, s23;
	s24 =	simm.s32 @!p3 $0x180  }
0xb3: {  	[tilespmem:s24], [sflag:$0x2] =	stream.linear.gather @!p3 [hbm4b:s23+s25], $0x80, $0x38;
	[tilespmem:$0x18200] =	vst v63  }
0xb4: {  	s23 =	simm.s32 @!p0 $0x1  }
0xb5: {  	_ =	swait.ge @!p0 [sflag:s23], $0x80  }
0xb6: {  	[sflag:s23] =	ssyncset.done @!p0 $0x0  }
0xb7: {  	[sflag:s23] =	ssyncadd.s32 @!p0 $0xFFFFFF80  }
0xb8: {  	_ =	swait.ge @!p0 [sflag:s23], $0x80  }
.Ltmp6:
0xb9: {  	[sflag:s23] =	ssyncset.done @!p0 $0x0;
	(pc) =	sbr.rel @!p2 .LBB2_10-.Ltmp6, $4  }
0xba: {  	s24 =	simm.s32 @!p0 $0x200;
	[sflag:s23] =	ssyncadd.s32 @!p0 $0xFFFFFF80;
	s23 =	simm.s32 @!p0 $0x80  }
0xbb: {  	[tilespmem:s24], [sflag:$0x3] =	stream.indirect.gather @!p0 [hbm4b:s1+s23], $0x80, s21, s23, $0xb8;
	[tilespmem:$0x18200] =	vst v63  }
0xbc: {  	s21 =	simm.s32 @!p0 $0x8200  }
0xbd: {  	[tilespmem:s21], [sflag:$0x3] =	stream.indirect.gather @!p0 [hbm4b:s6+s23], $0x80, s22, s23, $0xb8;
	[tilespmem:$0x18200] =	vst v63  }
0xbe: {  	s21 =	simm.s32 @!p1 $0x6  }
0xbf: {  	_ =	swait.ge @!p1 [sflag:s21], $0x4000  }
0xc0: {  	[sflag:s21] =	ssyncset.done @!p1 $0x0  }
0xc1: {  	[sflag:s21] =	ssyncadd.s32 @!p1 $0xFFFFC000;
	s21 =	simm.s32 $0x0  }
0xc2: {  	v0 =	vld [tilespmem:s21+$0x42B0]  }
0xc3: {  	v1 =	vld [tilespmem:s21+$0xC2B0]  }
0xc4: {  	v2 =	vld [tilespmem:s21+$0x42F0]  }
0xc5: {  	v3 =	vld [tilespmem:s21+$0xC2F0]  }
0xc6: {  	v4 =	vld [tilespmem:s21+$0x4200]  }
0xc7: {  	v5 =	vld [tilespmem:s21+$0xC200]  }
0xc8: {  	v6 =	vld [tilespmem:s21+$0x4240]  }
0xc9: {  	v7 =	vld [tilespmem:s21+$0xC240]  }
0xca: {  	v8 =	vld [tilespmem:s21+$0x4210]  }
0xcb: {  	v9 =	vld [tilespmem:s21+$0xC250]  }
0xcc: {  	v10 =	vld [tilespmem:s21+$0x4220]  }
0xcd: {  	v0 =	vadd.f32 v1, v0;
	v1 =	vadd.f32 v3, v2;
	v2 =	vld [tilespmem:s21+$0xC210]  }
0xce: {  	v3 =	vld [tilespmem:s21+$0x4250];
	v4 =	vadd.f32 v5, v4  }
0xcf: {  	v5 =	vadd.f32 v7, v6;
	v6 =	vld [tilespmem:s21+$0xC260];
	v0 =	vadd.s32 $0x8000, v0;
	v1 =	vadd.s32 $0x8000, v1  }
0xd0: {  	v7 =	vld [tilespmem:s21+$0x4270];
	v0 =	vshrl.u32 v0, $0x10;
	v1 =	vand.u32 $0xFFFF0000, v1  }
0xd1: {  	v0 =	vor.u32 v0, v1;
	v1 =	vld [tilespmem:s21+$0xC220]  }
0xd2: {  	[tilespmem:s21+$0x142B0] =	vst v0;
	v0 =	vadd.s32 $0x8000, v4;
	v4 =	vadd.s32 $0x8000, v5;
	v5 =	vld [tilespmem:s21+$0x4260]  }
0xd3: {  	v2 =	vadd.f32 v2, v8;
	v8 =	vld [tilespmem:s21+$0xC270];
	v0 =	vshrl.u32 v0, $0x10;
	v4 =	vand.u32 $0xFFFF0000, v4  }
0xd4: {  	v3 =	vadd.f32 v9, v3;
	v0 =	vor.u32 v0, v4;
	v4 =	vld [tilespmem:s21+$0x4230]  }
0xd5: {  	[tilespmem:s21+$0x14200] =	vst v0;
	v0 =	vld [tilespmem:s21+$0xC230]  }
0xd6: {  	v2 =	vadd.s32 $0x8000, v2;
	v3 =	vadd.s32 $0x8000, v3  }
0xd7: {  	v61 =	vld [tilespmem:s21+$0xC2C0];
	v2 =	vshrl.u32 v2, $0x10;
	v3 =	vand.u32 $0xFFFF0000, v3;
	v1 =	vadd.f32 v1, v10  }
0xd8: {  	v2 =	vor.u32 v2, v3;
	v3 =	vld [tilespmem:s21+$0x4280];
	v5 =	vadd.f32 v6, v5  }
0xd9: {  	[tilespmem:s21+$0x14210] =	vst v2;
	v2 =	vld [tilespmem:s21+$0xC280];
	v1 =	vadd.s32 $0x8000, v1  }
0xda: {  	v6 =	vld [tilespmem:s21+$0x42C0];
	v5 =	vadd.s32 $0x8000, v5;
	v0 =	vadd.f32 v0, v4;
	v4 =	vadd.f32 v8, v7  }
0xdb: {  	v1 =	vshrl.u32 v1, $0x10;
	v5 =	vand.u32 $0xFFFF0000, v5;
	v7 =	vld [tilespmem:s21+$0x42D0]  }
0xdc: {  	v1 =	vor.u32 v1, v5;
	v5 =	vld [tilespmem:s21+$0x4290];
	v0 =	vadd.s32 $0x8000, v0;
	v4 =	vadd.s32 $0x8000, v4  }
0xdd: {  	[tilespmem:s21+$0x14220] =	vst v1;
	v1 =	vld [tilespmem:s21+$0xC290];
	v0 =	vshrl.u32 v0, $0x10;
	v4 =	vand.u32 $0xFFFF0000, v4  }
0xde: {  	v8 =	vld [tilespmem:s21+$0xC2D0];
	v0 =	vor.u32 v0, v4  }
0xdf: {  	v62 =	vld [tilespmem:s21+$0x42A0];
	[tilespmem:s21+$0x14230] =	vst v0;
	v0 =	vadd.f32 v2, v3;
	v3 =	vadd.f32 v61, v6  }
0xe0: {  	v6 =	vld [tilespmem:s21+$0xC2A0]  }
0xe1: {  	v4 =	vld [tilespmem:s21+$0xC2E0];
	v0 =	vadd.s32 $0x8000, v0;
	v3 =	vadd.s32 $0x8000, v3  }
0xe2: {  	s22 =	simm.s32 $0x100;
	v2 =	vld [tilespmem:s21+$0x42E0];
	v5 =	vadd.f32 v1, v5;
	v63 =	vshrl.u32 v0, $0x10;
	v1 =	vand.u32 $0xFFFF0000, v3  }
0xe3: {  	v7 =	vadd.f32 v8, v7;
	v0 =	vld [tilespmem:s22+$0x42B0];
	v3 =	vor.u32 v63, v1  }
0xe4: {  	v1 =	vld [tilespmem:s22+$0xC2B0];
	v5 =	vadd.s32 $0x8000, v5;
	[tilespmem:s21+$0x14280] =	vst v3  }
0xe5: {  	s23 =	simm.s32 $0x800;
	v7 =	vadd.s32 $0x8000, v7;
	v5 =	vshrl.u32 v5, $0x10;
	v6 =	vadd.f32 v6, v62;
	v3 =	vld [tilespmem:s22+$0x42F0]  }
.LBB2_8:
0xe6: {  	p0 =	sne.s32 s23, $0xFC00;
	v8 =	vld [tilespmem:s22+$0xC2F0];
	v7 =	vand.u32 $0xFFFF0000, v7  }
0xe7: {  	v9 =	vld [tilespmem:s22+$0x4200];
	v5 =	vor.u32 v5, v7;
	v2 =	vadd.f32 v4, v2;
	v4 =	vadd.s32 $0x8000, v6  }
0xe8: {  	v6 =	vld [tilespmem:s22+$0xC200];
	[tilespmem:s21+$0x14290] =	vst v5;
	v4 =	vshrl.u32 v4, $0x10  }
0xe9: {  	v5 =	vld [tilespmem:s22+$0x4240];
	v2 =	vadd.s32 $0x8000, v2  }
0xea: {  	v7 =	vld [tilespmem:s22+$0xC240];
	v2 =	vand.u32 $0xFFFF0000, v2  }
0xeb: {  	v0 =	vadd.f32 v1, v0;
	v10 =	vld [tilespmem:s22+$0x4210];
	v1 =	vadd.f32 v8, v3;
	v2 =	vor.u32 v4, v2  }
0xec: {  	v3 =	vld [tilespmem:s22+$0xC210];
	[tilespmem:s21+$0x142A0] =	vst v2;
	s21 =	smov.u32 s22  }
0xed: {  	v0 =	vadd.s32 $0x8000, v0;
	v2 =	vadd.f32 v6, v9;
	v4 =	vld [tilespmem:s21+$0x4250];
	v1 =	vadd.s32 $0x8000, v1  }
0xee: {  	v0 =	vshrl.u32 v0, $0x10;
	v6 =	vld [tilespmem:s21+$0xC250];
	v1 =	vand.u32 $0xFFFF0000, v1  }
0xef: {  	v5 =	vadd.f32 v7, v5;
	v2 =	vadd.s32 $0x8000, v2;
	v7 =	vld [tilespmem:s21+$0x4220];
	v0 =	vor.u32 v0, v1  }
0xf0: {  	v1 =	vshrl.u32 v2, $0x10;
	v2 =	vld [tilespmem:s21+$0xC220];
	[tilespmem:s21+$0x142B0] =	vst v0  }
0xf1: {  	v0 =	vadd.s32 $0x8000, v5;
	v3 =	vadd.f32 v3, v10;
	v5 =	vld [tilespmem:s21+$0x4260]  }
0xf2: {  	v0 =	vand.u32 $0xFFFF0000, v0;
	v8 =	vld [tilespmem:s21+$0xC260]  }
0xf3: {  	v0 =	vor.u32 v1, v0;
	v1 =	vadd.f32 v6, v4;
	v3 =	vadd.s32 $0x8000, v3;
	v4 =	vld [tilespmem:s21+$0x4230]  }
0xf4: {  	[tilespmem:s21+$0x14200] =	vst v0;
	v0 =	vshrl.u32 v3, $0x10;
	v3 =	vld [tilespmem:s21+$0xC230]  }
0xf5: {  	v1 =	vadd.s32 $0x8000, v1;
	v2 =	vadd.f32 v2, v7;
	v6 =	vld [tilespmem:s21+$0x4270]  }
0xf6: {  	v1 =	vand.u32 $0xFFFF0000, v1;
	v7 =	vld [tilespmem:s21+$0xC270]  }
0xf7: {  	v0 =	vor.u32 v0, v1;
	v1 =	vadd.f32 v8, v5;
	v2 =	vadd.s32 $0x8000, v2;
	v5 =	vld [tilespmem:s21+$0x4280]  }
0xf8: {  	[tilespmem:s21+$0x14210] =	vst v0;
	v0 =	vshrl.u32 v2, $0x10;
	v2 =	vld [tilespmem:s21+$0xC280]  }
0xf9: {  	v1 =	vadd.s32 $0x8000, v1;
	v3 =	vadd.f32 v3, v4;
	v4 =	vld [tilespmem:s21+$0x42C0]  }
0xfa: {  	v1 =	vand.u32 $0xFFFF0000, v1;
	v8 =	vld [tilespmem:s21+$0xC2C0]  }
0xfb: {  	v0 =	vor.u32 v0, v1;
	v1 =	vadd.f32 v7, v6;
	v3 =	vadd.s32 $0x8000, v3;
	v6 =	vld [tilespmem:s21+$0x4290]  }
0xfc: {  	[tilespmem:s21+$0x14220] =	vst v0;
	v0 =	vshrl.u32 v3, $0x10;
	v3 =	vld [tilespmem:s21+$0xC290]  }
0xfd: {  	v1 =	vadd.s32 $0x8000, v1;
	v2 =	vadd.f32 v2, v5;
	v5 =	vld [tilespmem:s21+$0x42D0]  }
0xfe: {  	v1 =	vand.u32 $0xFFFF0000, v1;
	v7 =	vld [tilespmem:s21+$0xC2D0]  }
0xff: {  	v0 =	vor.u32 v0, v1;
	v1 =	vadd.f32 v8, v4;
	v2 =	vadd.s32 $0x8000, v2;
	v8 =	vld [tilespmem:s21+$0x42A0]  }
0x100: {  	[tilespmem:s21+$0x14230] =	vst v0;
	v9 =	vshrl.u32 v2, $0x10;
	v10 =	vld [tilespmem:s21+$0xC2A0]  }
.Ltmp7:
0x101: {  	v0 =	vadd.s32 $0x8000, v1;
	v1 =	vadd.f32 v3, v6;
	v2 =	vld [tilespmem:s21+$0x42E0];
	(pc) =	sbr.rel @p0 .LBB2_8-.Ltmp7, $4  }
0x102: {  	s22 =	sshra.s32 s23, $0x2;
	v3 =	vand.u32 $0xFFFF0000, v0;
	v4 =	vld [tilespmem:s21+$0xC2E0]  }
0x103: {  	v0 =	vld [tilespmem:s22+$0x42B0];
	v3 =	vor.u32 v9, v3;
	v6 =	vadd.f32 v7, v5;
	v5 =	vadd.s32 $0x8000, v1  }
0x104: {  	v1 =	vld [tilespmem:s22+$0xC2B0];
	[tilespmem:s21+$0x14280] =	vst v3;
	v5 =	vshrl.u32 v5, $0x10  }
0x105: {  	s23 =	sadd.s32 $0x400, s23;
	v3 =	vld [tilespmem:s22+$0x42F0];
	v7 =	vadd.s32 $0x8000, v6;
	v6 =	vadd.f32 v10, v8  }
0x106: {  	v8 =	vld [tilespmem:s22+$0xC2F0];
	v7 =	vand.u32 $0xFFFF0000, v7  }
0x107: {  	v9 =	vld [tilespmem:s22+$0x4200];
	v5 =	vor.u32 v5, v7;
	v2 =	vadd.f32 v4, v2  }
0x108: {  	v31 =	vld [tilespmem:s22+$0xC200];
	[tilespmem:s21+$0x14290] =	vst v5  }
0x109: {  	v33 =	vadd.s32 $0x8000, v6;
	v32 =	vld [tilespmem:s22+$0x4240];
	v2 =	vadd.s32 $0x8000, v2  }
0x10a: {  	v5 =	vshrl.u32 v33, $0x10;
	v34 =	vld [tilespmem:s22+$0xC240];
	v2 =	vand.u32 $0xFFFF0000, v2  }
0x10b: {  	v10 =	vld [tilespmem:s22+$0x4210];
	v2 =	vor.u32 v5, v2  }
0x10c: {  	v35 =	vld [tilespmem:s22+$0xC210];
	[tilespmem:s21+$0x142A0] =	vst v2  }
0x10d: {  	v2 =	vld [tilespmem:s22+$0x4250]  }
0x10e: {  	v37 =	vld [tilespmem:s22+$0xC250]  }
0x10f: {  	v38 =	vld [tilespmem:s22+$0x4220]  }
0x110: {  	v39 =	vld [tilespmem:s22+$0xC220]  }
0x111: {  	v41 =	vld [tilespmem:s22+$0x4260]  }
0x112: {  	v42 =	vld [tilespmem:s22+$0xC260]  }
0x113: {  	v43 =	vld [tilespmem:s22+$0x4230]  }
0x114: {  	v44 =	vld [tilespmem:s22+$0xC230]  }
0x115: {  	v46 =	vld [tilespmem:s22+$0x4270]  }
0x116: {  	v47 =	vld [tilespmem:s22+$0xC270]  }
0x117: {  	v50 =	vld [tilespmem:s22+$0x42C0]  }
0x118: {  	v0 =	vadd.f32 v1, v0;
	v36 =	vadd.f32 v8, v3;
	v51 =	vld [tilespmem:s22+$0xC2C0]  }
0x119: {  	v55 =	vld [tilespmem:s22+$0x42D0]  }
0x11a: {  	v0 =	vadd.s32 $0x8000, v0;
	v7 =	vadd.f32 v31, v9;
	v1 =	vadd.s32 $0x8000, v36;
	v56 =	vld [tilespmem:s22+$0xC2D0]  }
0x11b: {  	v0 =	vshrl.u32 v0, $0x10;
	v59 =	vld [tilespmem:s22+$0x42E0];
	v1 =	vand.u32 $0xFFFF0000, v1;
	v4 =	vadd.f32 v34, v32  }
0x11c: {  	v40 =	vadd.s32 $0x8000, v7;
	v11 =	vld [tilespmem:s22+$0xC2E0];
	v5 =	vadd.f32 v35, v10;
	v0 =	vor.u32 v0, v1  }
0x11d: {  	[tilespmem:s22+$0x142B0] =	vst v0;
	v4 =	vadd.s32 $0x8000, v4;
	v0 =	vshrl.u32 v40, $0x10  }
0x11e: {  	v48 =	vld [tilespmem:s22+$0x4280];
	v45 =	vadd.s32 $0x8000, v5;
	v2 =	vadd.f32 v37, v2;
	v1 =	vadd.f32 v39, v38  }
0x11f: {  	v49 =	vld [tilespmem:s22+$0xC280];
	v4 =	vand.u32 $0xFFFF0000, v4;
	v6 =	vadd.f32 v42, v41;
	v53 =	vadd.f32 v47, v46  }
0x120: {  	v52 =	vld [tilespmem:s22+$0x4290];
	v0 =	vor.u32 v0, v4;
	v60 =	vadd.f32 v51, v50;
	v5 =	vadd.f32 v56, v55  }
0x121: {  	v54 =	vld [tilespmem:s22+$0xC290];
	v3 =	vshrl.u32 v45, $0x10;
	v61 =	vadd.f32 v11, v59;
	[tilespmem:s22+$0x14200] =	vst v0;
	v0 =	vadd.f32 v44, v43  }
0x122: {  	v57 =	vld [tilespmem:s22+$0x42A0];
	v2 =	vadd.s32 $0x8000, v2;
	v1 =	vadd.s32 $0x8000, v1;
	v6 =	vadd.s32 $0x8000, v6  }
0x123: {  	v58 =	vld [tilespmem:s22+$0xC2A0];
	v4 =	vadd.s32 $0x8000, v53;
	v2 =	vand.u32 $0xFFFF0000, v2;
	v1 =	vshrl.u32 v1, $0x10  }
0x124: {  	v6 =	vand.u32 $0xFFFF0000, v6;
	v0 =	vadd.s32 $0x8000, v0;
	v2 =	vor.u32 v3, v2  }
0x125: {  	v4 =	vand.u32 $0xFFFF0000, v4;
	v1 =	vor.u32 v1, v6;
	v0 =	vshrl.u32 v0, $0x10;
	[tilespmem:s22+$0x14210] =	vst v2  }
0x126: {  	v3 =	vadd.s32 $0x8000, v60;
	[tilespmem:s22+$0x14220] =	vst v1;
	v2 =	vadd.f32 v49, v48;
	v1 =	vadd.f32 v54, v52  }
0x127: {  	v62 =	vadd.s32 $0x8000, v5;
	v0 =	vor.u32 v0, v4;
	v3 =	vand.u32 $0xFFFF0000, v3  }
0x128: {  	[tilespmem:s22+$0x14230] =	vst v0;
	v0 =	vadd.f32 v58, v57;
	v2 =	vadd.s32 $0x8000, v2;
	v1 =	vadd.s32 $0x8000, v1  }
0x129: {  	v4 =	vadd.s32 $0x8000, v61;
	v2 =	vshrl.u32 v2, $0x10;
	v1 =	vshrl.u32 v1, $0x10  }
.Ltmp8:
0x12a: {  	s20 =	sadd.s32 s20, s12;
	v0 =	vadd.s32 $0x8000, v0;
	v2 =	vor.u32 v2, v3;
	v3 =	vand.u32 $0xFFFF0000, v62;
	(pc) =	sbr.rel .LBB2_10-.Ltmp8, $4  }
0x12b: {  	s20 =	sshll.u32 s20, $0xB;
	v63 =	vand.u32 $0xFFFF0000, v4;
	v0 =	vshrl.u32 v0, $0x10;
	[tilespmem:s22+$0x14280] =	vst v2;
	v1 =	vor.u32 v1, v3  }
0x12c: {  	s20 =	sand.u32 $0x1FFFF800, s20;
	v0 =	vor.u32 v0, v63;
	[tilespmem:s22+$0x14290] =	vst v1  }
0x12d: {  	s20 =	sadd.s32 s7, s20;
	[tilespmem:s22+$0x142A0] =	vst v0  }
0x12e: {  	[hbm4b:s20+s2] =	stream.linear.scatter [tilespmem:s15], [sflag:$0x6], $0x4000, $0x38;
	[tilespmem:$0x18200] =	vst v63  }
.LBB2_12:
0x12f: {  	_ =	sfence.sel $0x180000  }
0x130: {  	[bflag:$0x0] =	sbarrier.arrive $0xFFFF  }
0x131: {  	p0 =	sne.s32 s3, $0x0;
	_ =	strace $0x90000047  }
0x132: {  	s0 =	sadd.s32 @!p0 $0x100000, s0;
	[bflag:$0x2] =	sbarrier.arrive $0xFFFF  }
0x133: {  	[sflag:s0] =	ssyncadd.tile.s32 @!p0 $0x1;
	_ =	shalt  }
.Lfunc_end2:
_tile_overlayer_lowered:
.L_overlay_start_2:
0x134: {  	(tag) =	ssettag $0x2  }
0x135: {  	s0 =	rddreg [dreg:$0x0];
	s2 =	stileid.u32  }
0x136: {  	s1 =	rddreg [dreg:$0x1];
	p0 =	sne.s32 s2, $0x0  }
0x137: {  	s3 =	rddreg [dreg:$0x2];
	[bflag:$0x3] =	sbarrier.arrive $0xFFFF;
	s2 =	simm.s32 @!p0 $0x1C07  }
0x138: {  	[timem:s3], [sflag:s2] =	dma.local @!p0 [hbm:s0], s1  }
0x139: {  	s0 =	simm.s32 @!p0 $0x7  }
0x13a: {  	_ =	swait.ge @!p0 [sflag:s0], s1  }
0x13b: {  	s1 =	ssub.s32 @!p0 $0x0, s1;
	[sflag:s0] =	ssyncset.done @!p0 $0x0  }
0x13c: {  	[sflag:s0] =	ssyncadd.s32 @!p0 s1  }
0x13d: {  	[bflag:$0x3] =	sbarrier.arrive $0xFFFF  }
0x13e: {  	_ =	shalt  }

// kernel: kernel.13.cloned.1.call-start
scs
__scs_entry_jumppad:
0x0: {  	(pc) =	sbr.rel $0x88, $3  }
0x1: {  	(tag) =	ssettag $0x0;
	lr =	simm.s32 $0x1  }
0x2: {  	[smem:$0x3F92] =	sst lr;
	_ =	strace $0xD0000000  }
0x3: {  	_ = 	snop  }
0x4: {  	_ = 	snop  }
0x5: {  	_ = 	snop  }
0x6: {  	_ = 	snop  }
0x7: {  	_ = 	snop  }
__scs_overlays_trampoline_lowered:
0x8: {  	[smem:$0x3FA1] =	sst s0  }
0x9: {  	[smem:$0x3FA2] =	sst s1  }
0xa: {  	[smem:$0x3FA3] =	sst s2  }
0xb: {  	[smem:$0x3FA4] =	sst s3  }
0xc: {  	[smem:$0x3FA5] =	sst s4  }
0xd: {  	[smem:$0x3FA6] =	sst s5  }
0xe: {  	[smem:$0x3FA7] =	sst s6  }
0xf: {  	[smem:$0x3FA8] =	sst s7  }
0x10: {  	[smem:$0x3FA9] =	sst s8  }
0x11: {  	[smem:$0x3FAA] =	sst s9;
	s0 =	simm.s32 @!p0 $0x0  }
0x12: {  	s1 =	sld [smem:$0x3F90];
	s0 =	simm.s32 @p0 $0x1  }
0x13: {  	[smem:$0x3FAB] =	sst s0;
	s0 =	simm.s32 @!p1 $0x0  }
0x14: {  	s2 =	sld [smem:$0x3F8F];
	s0 =	simm.s32 @p1 $0x1  }
0x15: {  	[smem:$0x3FAC] =	sst s0;
	s0 =	simm.s32 @!p2 $0x0  }
0x16: {  	s3 =	sld [smem:$0x3FDB];
	s0 =	simm.s32 @p2 $0x1  }
0x17: {  	s4 =	simm.s32 $0x1BF5;
	[smem:$0x3FAE] =	sst s0  }
0x18: {  	s0 =	sld [smem:$0x3F91];
	_ =	swait.ge [sflag:s4], $0x0  }
0x19: {  	s7 =	sld [smem:$0x3F92]  }
0x1a: {  	s8 =	sadd.s32 $0xFFFFE003, lr  }
0x1b: {  	s9 =	sadd.s32 $0xFFFFFEF7, lr;
	s5 =	simm.s32 $0xFFFFFFFF;
	p2 =	slt.u32 s8, $0xFFFFF086  }
0x1c: {  	p1 =	slt.u32 s9, $0xF7A;
	s5 =	simm.s32 @!p2 $0x0  }
0x1d: {  	s5 =	simm.s32 @p1 $0x1;
	p0 =	seq.s32 s7, s2  }
0x1e: {  	s7 =	smul.u32 @!p0 $0xF7A, s2;
	p2 =	seq.s32 @!p0 s5, $0x0  }
0x1f: {  	s9 =	smul.u32 $0xF7A, s1;
	s8 =	simm.s32 @!p0 $0x1BF5;
	p2 =	por !p2, p0  }
0x20: {  	[sflag:s8] =	ssyncset.s32 @!p0 $0xFFFFF086;
	s6 =	sadd.s32 @!p0 s3, s7;
	s7 =	simm.s32 @!p0 $0x108  }
0x21: {  	s3 =	sadd.s32 s3, s9;
	s6 =	sadd.s32 @!p0 $0x88, s6;
	s7 =	simm.s32 @p2 $0x1082  }
0x22: {  	[simem:s7], [sflag:s8] =	dma.local @!p0 [hbm:s6], $0xF7A  }
0x23: {  	s9 =	sor.u32 $0xD0000000, s2;
	s6 =	simm.s32 $0x108;
	_ =	swait.ge @!p0 [sflag:s8], $0x0  }
0x24: {  	s3 =	sadd.s32 $0x88, s3;
	s6 =	simm.s32 @!p1 $0x1082;
	[sflag:s4] =	ssyncset.s32 $0xFFFFF086  }
0x25: {  	[simem:s6], [sflag:s4] =	dma.local [hbm:s3], $0xF7A  }
0x26: {  	[smem:$0x3F92] =	sst s1;
	(tag) =	ssettag s2;
	_ =	strace s9  }
0x27: {  	s1 =	sld [smem:$0x3FA2]  }
0x28: {  	s2 =	sld [smem:$0x3FA3]  }
0x29: {  	s4 =	sld [smem:$0x3FA5]  }
0x2a: {  	p0 =	seq.s32 s5, $0x0;
	s5 =	sld [smem:$0x3FA6]  }
0x2b: {  	s6 =	sld [smem:$0x3FA7]  }
0x2c: {  	s7 =	sld [smem:$0x3FA8]  }
0x2d: {  	s3 =	simm.s32 $0x108;
	s8 =	sld [smem:$0x3FA9]  }
0x2e: {  	s3 =	simm.s32 @!p0 $0x1082;
	s9 =	sld [smem:$0x3FAA]  }
0x2f: {  	lr =	sadd.s32 s0, s3;
	s0 =	sld [smem:$0x3FA1]  }
0x30: {  	s3 =	sld [smem:$0x3FA4]  }
0x31: {  	[smem:$0x3FAD] =	sst s10  }
0x32: {  	s10 =	sld [smem:$0x3FAB];
	_ =	sdelay $0x3  }
0x33: {  	p0 =	seq.s32 s10, $0x1;
	s10 =	sld [smem:$0x3FAD];
	_ =	sdelay $0x3  }
0x34: {  	[smem:$0x3FAD] =	sst s10  }
0x35: {  	s10 =	sld [smem:$0x3FAC];
	_ =	sdelay $0x3  }
0x36: {  	p1 =	seq.s32 s10, $0x1;
	s10 =	sld [smem:$0x3FAD];
	_ =	sdelay $0x3  }
0x37: {  	[smem:$0x3FAD] =	sst s10  }
0x38: {  	s10 =	sld [smem:$0x3FAE]  }
0x39: {  	_ = 	snop;
	(pc) =	sbr.ind lr, $3  }
0x3a: {  	_ = 	snop  }
0x3b: {  	_ = 	snop  }
0x3c: {  	p2 =	seq.s32 s10, $0x1;
	s10 =	sld [smem:$0x3FAD]  }
0x3d: {  	_ =	shalt  }
0x3e: {  	_ =	shalt  }
0x3f: {  	_ =	shalt  }
0x40: {  	_ =	shalt  }
0x41: {  	_ =	shalt  }
0x42: {  	_ =	shalt  }
0x43: {  	_ =	shalt  }
0x44: {  	_ =	shalt  }
0x45: {  	_ =	shalt  }
0x46: {  	_ =	shalt  }
0x47: {  	_ =	shalt  }
0x48: {  	_ =	shalt  }
0x49: {  	_ =	shalt  }
0x4a: {  	_ =	shalt  }
0x4b: {  	_ =	shalt  }
0x4c: {  	_ =	shalt  }
0x4d: {  	_ =	shalt  }
0x4e: {  	_ =	shalt  }
0x4f: {  	_ =	shalt  }
0x50: {  	_ =	shalt  }
0x51: {  	_ =	shalt  }
0x52: {  	_ =	shalt  }
0x53: {  	_ =	shalt  }
0x54: {  	_ =	shalt  }
0x55: {  	_ =	shalt  }
0x56: {  	_ =	shalt  }
0x57: {  	_ =	shalt  }
0x58: {  	_ =	shalt  }
0x59: {  	_ =	shalt  }
0x5a: {  	_ =	shalt  }
0x5b: {  	_ =	shalt  }
0x5c: {  	_ =	shalt  }
0x5d: {  	_ =	shalt  }
0x5e: {  	_ =	shalt  }
0x5f: {  	_ =	shalt  }
0x60: {  	_ =	shalt  }
0x61: {  	_ =	shalt  }
0x62: {  	_ =	shalt  }
0x63: {  	_ =	shalt  }
0x64: {  	_ =	shalt  }
0x65: {  	_ =	shalt  }
0x66: {  	_ =	shalt  }
0x67: {  	_ =	shalt  }
0x68: {  	_ =	shalt  }
0x69: {  	_ =	shalt  }
0x6a: {  	_ =	shalt  }
0x6b: {  	_ =	shalt  }
0x6c: {  	_ =	shalt  }
0x6d: {  	_ =	shalt  }
0x6e: {  	_ =	shalt  }
0x6f: {  	_ =	shalt  }
0x70: {  	_ =	shalt  }
0x71: {  	_ =	shalt  }
0x72: {  	_ =	shalt  }
0x73: {  	_ =	shalt  }
0x74: {  	_ =	shalt  }
0x75: {  	_ =	shalt  }
0x76: {  	_ =	shalt  }
0x77: {  	_ =	shalt  }
0x78: {  	_ =	shalt  }
0x79: {  	_ =	shalt  }
0x7a: {  	_ =	shalt  }
0x7b: {  	_ =	shalt  }
0x7c: {  	_ =	shalt  }
0x7d: {  	_ =	shalt  }
0x7e: {  	_ =	shalt  }
0x7f: {  	_ =	shalt  }
0x80: {  	_ =	shalt  }
0x81: {  	_ =	shalt  }
0x82: {  	_ =	shalt  }
0x83: {  	_ =	shalt  }
0x84: {  	_ =	shalt  }
0x85: {  	_ =	shalt  }
0x86: {  	_ =	shalt  }
0x87: {  	_ =	shalt  }
.Lfunc_end0:
.L_simem_size_0:
called_computation.1_lowered:
.L_overlay_start_0:
0x88: {  	s2 =	sld [smem:$0x3FD9]  }
0x89: {  	s3 =	sld [smem:$0x3FFE];
	_ =	sdelay $0x1  }
0x8a: {  	s1 =	srdreg.scid  }
0x8b: {  	s0 =	sand.u32 $0x1, s1  }
0x8c: {  	s17 =	sshll.u32 s0, $0xA;
	s2 =	sadd.s32 s3, s2  }
0x8d: {  	s2 =	sadd.s32 s2, s17  }
0x8e: {  	[smem:$0x3FB9] =	sst s2  }
0x8f: {  	_ = 	snop  }
0x90: {  	s18 =	sld [smem:$0x3FD0];
	(tm) =	ssettm $0x1  }
0x91: {  	s19 =	sld [smem:$0x3FFB];
	_ =	sdelay $0x3  }
0x92: {  	_ =	strace s19  }
0x93: {  	s2 =	sld [smem:$0x3FFC];
	_ =	sdelay $0x3  }
0x94: {  	_ =	strace s2  }
0x95: {  	s2 =	sld [smem:$0x3FFD];
	_ =	sdelay $0x3  }
0x96: {  	_ =	strace s2  }
0x97: {  	_ =	strace $0x8FFFFFFF  }
0x98: {  	s20 =	sld [smem:$0x3FDB];
	_ =	sdelay $0x1  }
0x99: {  	s4 =	simm.s32 $_scs_section_size  }
0x9a: {  	s5 =	simm.s32 $_size__tile_overlayer_lowered;
	s6 =	simm.s32 $_tile_overlayer_lowered  }
0x9b: {  	s7 =	simm.s32 $0x1BFF;
	s21 =	sshll.u32 s6, $0x1;
	s4 =	sadd.s32 s4, s20  }
0x9c: {  	s22 =	simm.s32 $0x0;
	s5 =	sshll.u32 s5, $0x1;
	s6 =	sadd.s32 s21, s4  }
0x9d: {  	[timem:s22], [sflag:s7] =	dma.local [hbm:s6], s5  }
0x9e: {  	_ =	swait.ge [sflag:s7], s5  }
0x9f: {  	s5 =	ssub.s32 $0x0, s5;
	[sflag:s7] =	ssyncset.done $0x0  }
0xa0: {  	[sflag:s7] =	ssyncadd.s32 s5;
	_ =	sdelay $0x1  }
0xa1: {  	s23 =	simm.s32 $0x1B8B  }
0xa2: {  	_ =	swait.ge [sflag:s23], $0x1  }
0xa3: {  	[sflag:s23] =	ssyncset.done $0x0  }
0xa4: {  	[sflag:s23] =	ssyncadd.s32 $0xFFFFFFFF  }
0xa5: {  	s5 =	sld [smem:$0x0]  }
0xa6: {  	s6 =	sand.u32 $0xFFFFFFFE, s1  }
0xa7: {  	p0 =	sne.s32 s1, s6  }
0xa8: {  	s6 =	sshll.u32 @p0 s6, $0xE  }
0xa9: {  	s6 =	sadd.s32 @p0 $0x11B8D, s6;
	s7 =	sshll.u32 @p0 s5, $0x11  }
0xaa: {  	s6 =	sor.u32 @p0 s7, s6  }
0xab: {  	[sflag:s6] =	ssyncadd.remote.s32 @p0 $0x1;
	_ =	sdelay $0x1  }
0xac: {  	s6 =	simm.s32 @p0 $0x1B8D  }
0xad: {  	_ =	swait.eq @p0 [sflag:s6], $0x1  }
0xae: {  	[sflag:s6] =	ssyncadd.s32 @p0 $0xFFFFFFFF  }
0xaf: {  	s7 =	sshll.u32 @!p0 s1, $0xE  }
0xb0: {  	s7 =	sor.u32 @!p0 $0x4000, s7;
	s6 =	simm.s32 @!p0 $0x1B8D  }
0xb1: {  	s5 =	sshll.u32 @!p0 s5, $0x11;
	s7 =	sadd.s32 @!p0 $0x11B8D, s7;
	_ =	swait.eq @!p0 [sflag:s6], $0x1  }
0xb2: {  	s5 =	sor.u32 @!p0 s5, s7;
	[sflag:s6] =	ssyncadd.s32 @!p0 $0xFFFFFFFF  }
0xb3: {  	s25 =	simm.s32 $0x1B8E;
	s24 =	sld [smem:$0x3FFE];
	[sflag:s5] =	ssyncadd.remote.s32 @!p0 $0x1  }
0xb4: {  	s26 =	simm.s32 $execute0_lowered;
	[smem:$0x3FD2] =	sst s25  }
0xb5: {  	s6 =	sshll.u32 s26, $0x1;
	_ =	strace $0x80000049;
	[dreg:$0x1] =	wrdreg $0xFFFFFFFF  }
0xb6: {  	s28 =	simm.s32 $_size_execute0_lowered;
	s4 =	sadd.s32 s4, s6;
	[dreg:$0x0] =	wrdreg $0x0  }
0xb7: {  	s6 =	sshll.u32 s28, $0x1;
	[dreg:$0x2] =	wrdreg s4  }
0xb8: {  	[dreg:$0x3] =	wrdreg s6  }
0xb9: {  	[dreg:$0x4] =	wrdreg $0xC0  }
0xba: {  	_ =	task [dreg:s22], $0x5FFFF  }
0xbb: {  	[dreg:$0x1] =	wrdreg $0xFFFFFFFF  }
0xbc: {  	[dreg:$0x0] =	wrdreg $0x60  }
0xbd: {  	[dreg:$0x2] =	wrdreg s24  }
0xbe: {  	[dreg:$0x3] =	wrdreg s18  }
0xbf: {  	[dreg:$0x4] =	wrdreg $0x9  }
0xc0: {  	_ =	task.clear_ibuf [dreg:s22], $0x5FFFF;
	_ =	strace $0x90000049  }
0xc1: {  	s29 =	simm.s32 $0x9;
	_ =	strace $0x8000004B  }
0xc2: {  	_ =	swait.ge [sflag:s29], $0x1  }
0xc3: {  	[sflag:s29] =	ssyncadd.s32 $0xFFFFFFFF  }
0xc4: {  	_ =	strace $0x9000004B  }
0xc5: {  	_ =	sfence  }
0xc6: {  	s30 =	sld [smem:$0x0];
	_ =	sdelay $0x2  }
0xc7: {  	s31 =	sshll.u32 s1, $0xD;
	s1 =	sshrl.u32 s1, $0x2  }
0xc8: {  	s4 =	sand.u32 $0x4000, s31;
	s1 =	sadd.s32 s1, s30  }
0xc9: {  	s0 =	sor.u32 s4, s0;
	s1 =	sshll.u32 s1, $0x11  }
0xca: {  	s0 =	sor.u32 s1, s0  }
0xcb: {  	s0 =	sadd.s32 $0x8F2B, s0  }
0xcc: {  	[sflag:s0] =	ssyncadd.remote.s32 $0x1  }
0xcd: {  	_ =	sfence.sel $0xFFFF  }
0xce: {  	[dreg:$0x0] =	wrdreg $0xFFFFFFFF;
	(pc) =	sbr.abs _section_cstart, $3  }
0xcf: {  	[dreg:$0x1] =	wrdreg $0xFFFFFFFF  }
0xd0: {  	_ =	task.clear_ibuf [dreg:s22], $0x2FFFF;
	_ =	strace $0x9FFFFFFF  }
0xd1: {  	(tm) =	ssettm $0x7FFFFFFF  }
tec
execute0_lowered:
.L_overlay_start_1:
0x0: {  	(tag) =	ssettag $0x1  }
0x1: {  	s7 =	rddreg [dreg:$0x0]  }
0x2: {  	s1 =	rddreg [dreg:$0x1]  }
0x3: {  	s0 =	rddreg [dreg:$0x2]  }
0x4: {  	s2 =	simm.s32 $0x0;
	s6 =	srdreg.scid;
	s3 =	stileid.u32  }
0x5: {  	s14 =	simm.s32 $0x10200;
	s15 =	simm.s32 $0x14200;
	s16 =	simm.s32 $0x5  }
0x6: {  	s17 =	simm.s32 $0x6;
	s18 =	simm.s32 $0x0;
	[smem:$0x7FF] =	sst s2  }
0x7: {  	s4 =	sadd.s32 $0x3400, s7;
	s5 =	sadd.s32 $0xD200, s7;
	s8 =	sand.u32 $0x1, s6  }
0x8: {  	s6 =	sadd.s32 $0x17000, s7;
	s10 =	sshll.u32 s3, $0x1;
	s7 =	sadd.s32 $0x2AF200, s7  }
0x9: {  	p0 =	seq.s32 s3, $0x0;
	_ =	strace $0x8000004A;
	s9 =	ssub.s32 $0x2, s8  }
.Ltmp0:
0xa: {  	s10 =	sor.u32 s8, s10;
	s8 =	simm.s32 $0x28;
	(pc) =	sbr.rel .LBB2_1-.Ltmp0, $4  }
0xb: {  	s11 =	sshrl.u32 s9, $0x1;
	s31 =	smul.u32 $0x27, s10;
	s10 =	smin.u32 s10, $0x2  }
0xc: {  	s8 =	simm.s32 @!p0 $0x27;
	s13 =	ssub.s32 s9, s11;
	s9 =	simm.s32 $0x29  }
0xd: {  	s12 =	sadd.s32 s10, s31;
	s9 =	simm.s32 @!p0 $0x28;
	s13 =	smax.u32 s13, $0x1  }
0xe: {  	s10 =	sadd.s32 $0x4E2, s12;
	s11 =	sadd.s32 $0x3FFFE, s12;
	s12 =	sadd.s32 $0x3FFFF, s12  }
.LBB2_11:
0xf: {  	s18 =	sadd.s32 $0x1, s18  }
0x10: {  	_ =	swait.ge [sflag:s16], $0x4000;
	p0 =	sne.s32 s18, s13  }
.Ltmp1:
0x11: {  	[sflag:s16] =	ssyncset.done $0x0;
	(pc) =	sbr.rel @!p0 .LBB2_12-.Ltmp1, $4  }
0x12: {  	[sflag:s16] =	ssyncadd.s32 $0xFFFFC000  }
0x13: {  	_ =	swait.ge [sflag:s17], $0x4000  }
0x14: {  	[sflag:s17] =	ssyncset.done $0x0  }
0x15: {  	[sflag:s17] =	ssyncadd.s32 $0xFFFFC000  }
.LBB2_1:
.Ltmp2:
0x16: {  	(pc) =	sbr.rel .LBB2_2-.Ltmp2, $2  }
0x17: {  	_ =	sdelay $0x2  }
0x18: {  	s19 =	simm.s32 $0x0  }
.LBB2_10:
0x19: {  	s19 =	sadd.s32 $0x1, s19  }
0x1a: {  	p0 =	sne.s32 s19, $0x16  }
.Ltmp3:
0x1b: {  	_ = 	snop;
	(pc) =	sbr.rel @!p0 .LBB2_11-.Ltmp3, $1  }
0x1c: {  	_ =	sdelay $0x3  }
.LBB2_2:
0x1d: {  	s20 =	sshll.u32 s19, $0x1  }
0x1e: {  	p2 =	sne.s32 s19, $0x0;
	p0 =	sle.u32 s20, s9  }
0x1f: {  	p0 =	por !p2, !p0  }
0x20: {  	p3 =	por !p0, !p0  }
0x21: {  	s21 =	simm.s32 @p3 $0x3  }
0x22: {  	_ =	swait.ge @p3 [sflag:s21], $0x4000  }
0x23: {  	p0 =	sge.u32 s20, s8;
	[sflag:s21] =	ssyncset.done @p3 $0x0  }
0x24: {  	s22 =	sadd.s32 @!p0 s20, s10;
	[sflag:s21] =	ssyncadd.s32 @p3 $0xFFFFC000  }
0x25: {  	p1 =	seq.s32 s19, $0x0;
	s22 =	sshll.u32 @!p0 s22, $0x4;
	_ =	swait.ge @p3 [sflag:s21], $0x4000  }
0x26: {  	p4 =	sgt.u32 @!p1 s20, s8;
	s22 =	sand.u32 @!p0 $0x1FFFFFF0, s22;
	[sflag:s21] =	ssyncset.done @p3 $0x0  }
0x27: {  	s23 =	sadd.s32 @!p0 s4, s22;
	[sflag:s21] =	ssyncadd.s32 @p3 $0xFFFFC000;
	s21 =	simm.s32 @!p0 $0x0  }
0x28: {  	[tilespmem:s21], [sflag:$0x1] =	stream.linear.gather @!p0 [hbm4b:s23+s21], $0x80, $0x38;
	[tilespmem:$0x18200] =	vst v63  }
0x29: {  	p1 =	por p4, p1;
	s23 =	sadd.s32 @!p0 s5, s22;
	s22 =	simm.s32 @!p0 $0x100  }
0x2a: {  	[tilespmem:s22], [sflag:$0x1] =	stream.linear.gather @!p0 [hbm4b:s23+s21], $0x80, $0x38;
	[tilespmem:$0x18200] =	vst v63  }
0x2b: {  	s23 =	simm.s32 @!p1 $0x2  }
0x2c: {  	_ =	swait.ge @!p1 [sflag:s23], $0x80  }
0x2d: {  	[sflag:s23] =	ssyncset.done @!p1 $0x0  }
0x2e: {  	[sflag:s23] =	ssyncadd.s32 @!p1 $0xFFFFFF80  }
0x2f: {  	_ =	swait.ge @!p1 [sflag:s23], $0x80  }
0x30: {  	s24 =	simm.s32 @!p1 $0x4200;
	[sflag:s23] =	ssyncset.done @!p1 $0x0  }
.Ltmp4:
0x31: {  	[sflag:s23] =	ssyncadd.s32 @!p1 $0xFFFFFF80;
	s23 =	simm.s32 @!p1 $0x80;
	(pc) =	sbr.rel @!p3 .LBB2_6-.Ltmp4, $4  }
0x32: {  	[tilespmem:s24], [sflag:$0x4] =	stream.indirect.gather @!p1 [hbm4b:s1+s23], $0x80, s23, s23, $0xb8;
	[tilespmem:$0x18200] =	vst v63  }
0x33: {  	s25 =	simm.s32 @!p1 $0xC200;
	s24 =	simm.s32 @!p1 $0x180  }
0x34: {  	[tilespmem:s25], [sflag:$0x4] =	stream.indirect.gather @!p1 [hbm4b:s6+s23], $0x80, s24, s23, $0xb8;
	[tilespmem:$0x18200] =	vst v63  }
0x35: {  	p1 =	slt.u32 s19, $0x2  }
0x36: {  	s23 =	simm.s32 @!p1 $0x5  }
0x37: {  	_ =	swait.ge @!p1 [sflag:s23], $0x4000  }
0x38: {  	[sflag:s23] =	ssyncset.done @!p1 $0x0  }
0x39: {  	[sflag:s23] =	ssyncadd.s32 @!p1 $0xFFFFC000;
	s23 =	simm.s32 $0x0  }
0x3a: {  	v0 =	vld [tilespmem:s23+$0x2B0]  }
0x3b: {  	v1 =	vld [tilespmem:s23+$0x82B0]  }
0x3c: {  	v2 =	vld [tilespmem:s23+$0x2F0]  }
0x3d: {  	v3 =	vld [tilespmem:s23+$0x82F0]  }
0x3e: {  	v4 =	vld [tilespmem:s23+$0x200]  }
0x3f: {  	v5 =	vld [tilespmem:s23+$0x8200]  }
0x40: {  	v6 =	vld [tilespmem:s23+$0x240]  }
0x41: {  	v7 =	vld [tilespmem:s23+$0x8240]  }
0x42: {  	v8 =	vld [tilespmem:s23+$0x210]  }
0x43: {  	v9 =	vld [tilespmem:s23+$0x8250]  }
0x44: {  	v10 =	vld [tilespmem:s23+$0x220]  }
0x45: {  	v0 =	vadd.f32 v1, v0;
	v1 =	vadd.f32 v3, v2;
	v2 =	vld [tilespmem:s23+$0x8210]  }
0x46: {  	v3 =	vld [tilespmem:s23+$0x250];
	v4 =	vadd.f32 v5, v4  }
0x47: {  	v5 =	vadd.f32 v7, v6;
	v6 =	vld [tilespmem:s23+$0x8260];
	v0 =	vadd.s32 $0x8000, v0;
	v1 =	vadd.s32 $0x8000, v1  }
0x48: {  	v7 =	vld [tilespmem:s23+$0x270];
	v0 =	vshrl.u32 v0, $0x10;
	v1 =	vand.u32 $0xFFFF0000, v1  }
0x49: {  	v0 =	vor.u32 v0, v1;
	v1 =	vld [tilespmem:s23+$0x8220]  }
0x4a: {  	[tilespmem:s23+$0x102B0] =	vst v0;
	v0 =	vadd.s32 $0x8000, v4;
	v4 =	vadd.s32 $0x8000, v5;
	v5 =	vld [tilespmem:s23+$0x260]  }
0x4b: {  	v2 =	vadd.f32 v2, v8;
	v8 =	vld [tilespmem:s23+$0x8270];
	v0 =	vshrl.u32 v0, $0x10;
	v4 =	vand.u32 $0xFFFF0000, v4  }
0x4c: {  	v3 =	vadd.f32 v9, v3;
	v0 =	vor.u32 v0, v4;
	v4 =	vld [tilespmem:s23+$0x230]  }
0x4d: {  	[tilespmem:s23+$0x10200] =	vst v0;
	v0 =	vld [tilespmem:s23+$0x8230]  }
0x4e: {  	v2 =	vadd.s32 $0x8000, v2;
	v3 =	vadd.s32 $0x8000, v3  }
0x4f: {  	v61 =	vld [tilespmem:s23+$0x82C0];
	v2 =	vshrl.u32 v2, $0x10;
	v3 =	vand.u32 $0xFFFF0000, v3;
	v1 =	vadd.f32 v1, v10  }
0x50: {  	v2 =	vor.u32 v2, v3;
	v3 =	vld [tilespmem:s23+$0x280];
	v5 =	vadd.f32 v6, v5  }
0x51: {  	[tilespmem:s23+$0x10210] =	vst v2;
	v2 =	vld [tilespmem:s23+$0x8280];
	v1 =	vadd.s32 $0x8000, v1  }
0x52: {  	v6 =	vld [tilespmem:s23+$0x2C0];
	v5 =	vadd.s32 $0x8000, v5;
	v0 =	vadd.f32 v0, v4;
	v4 =	vadd.f32 v8, v7  }
0x53: {  	v1 =	vshrl.u32 v1, $0x10;
	v5 =	vand.u32 $0xFFFF0000, v5;
	v7 =	vld [tilespmem:s23+$0x2D0]  }
0x54: {  	v1 =	vor.u32 v1, v5;
	v5 =	vld [tilespmem:s23+$0x290];
	v0 =	vadd.s32 $0x8000, v0;
	v4 =	vadd.s32 $0x8000, v4  }
0x55: {  	[tilespmem:s23+$0x10220] =	vst v1;
	v1 =	vld [tilespmem:s23+$0x8290];
	v0 =	vshrl.u32 v0, $0x10;
	v4 =	vand.u32 $0xFFFF0000, v4  }
0x56: {  	v8 =	vld [tilespmem:s23+$0x82D0];
	v0 =	vor.u32 v0, v4  }
0x57: {  	v62 =	vld [tilespmem:s23+$0x2A0];
	[tilespmem:s23+$0x10230] =	vst v0;
	v0 =	vadd.f32 v2, v3;
	v3 =	vadd.f32 v61, v6  }
0x58: {  	v6 =	vld [tilespmem:s23+$0x82A0]  }
0x59: {  	v4 =	vld [tilespmem:s23+$0x82E0];
	v0 =	vadd.s32 $0x8000, v0;
	v3 =	vadd.s32 $0x8000, v3  }
0x5a: {  	s24 =	simm.s32 $0x100;
	v2 =	vld [tilespmem:s23+$0x2E0];
	v5 =	vadd.f32 v1, v5;
	v63 =	vshrl.u32 v0, $0x10;
	v1 =	vand.u32 $0xFFFF0000, v3  }
0x5b: {  	v7 =	vadd.f32 v8, v7;
	v0 =	vld [tilespmem:s24+$0x2B0];
	v3 =	vor.u32 v63, v1  }
0x5c: {  	v1 =	vld [tilespmem:s24+$0x82B0];
	v5 =	vadd.s32 $0x8000, v5;
	[tilespmem:s23+$0x10280] =	vst v3  }
0x5d: {  	s25 =	simm.s32 $0x800;
	v7 =	vadd.s32 $0x8000, v7;
	v5 =	vshrl.u32 v5, $0x10;
	v6 =	vadd.f32 v6, v62;
	v3 =	vld [tilespmem:s24+$0x2F0]  }
.LBB2_4:
0x5e: {  	p3 =	sne.s32 s25, $0xFC00;
	v8 =	vld [tilespmem:s24+$0x82F0];
	v7 =	vand.u32 $0xFFFF0000, v7  }
0x5f: {  	v9 =	vld [tilespmem:s24+$0x200];
	v5 =	vor.u32 v5, v7;
	v2 =	vadd.f32 v4, v2;
	v4 =	vadd.s32 $0x8000, v6  }
0x60: {  	v6 =	vld [tilespmem:s24+$0x8200];
	[tilespmem:s23+$0x10290] =	vst v5;
	v4 =	vshrl.u32 v4, $0x10  }
0x61: {  	v5 =	vld [tilespmem:s24+$0x240];
	v2 =	vadd.s32 $0x8000, v2  }
0x62: {  	v7 =	vld [tilespmem:s24+$0x8240];
	v2 =	vand.u32 $0xFFFF0000, v2  }
0x63: {  	v0 =	vadd.f32 v1, v0;
	v10 =	vld [tilespmem:s24+$0x210];
	v1 =	vadd.f32 v8, v3;
	v2 =	vor.u32 v4, v2  }
0x64: {  	v3 =	vld [tilespmem:s24+$0x8210];
	[tilespmem:s23+$0x102A0] =	vst v2;
	s23 =	smov.u32 s24  }
0x65: {  	v0 =	vadd.s32 $0x8000, v0;
	v2 =	vadd.f32 v6, v9;
	v4 =	vld [tilespmem:s23+$0x250];
	v1 =	vadd.s32 $0x8000, v1  }
0x66: {  	v0 =	vshrl.u32 v0, $0x10;
	v6 =	vld [tilespmem:s23+$0x8250];
	v1 =	vand.u32 $0xFFFF0000, v1  }
0x67: {  	v5 =	vadd.f32 v7, v5;
	v2 =	vadd.s32 $0x8000, v2;
	v7 =	vld [tilespmem:s23+$0x220];
	v0 =	vor.u32 v0, v1  }
0x68: {  	v1 =	vshrl.u32 v2, $0x10;
	v2 =	vld [tilespmem:s23+$0x8220];
	[tilespmem:s23+$0x102B0] =	vst v0  }
0x69: {  	v0 =	vadd.s32 $0x8000, v5;
	v3 =	vadd.f32 v3, v10;
	v5 =	vld [tilespmem:s23+$0x260]  }
0x6a: {  	v0 =	vand.u32 $0xFFFF0000, v0;
	v8 =	vld [tilespmem:s23+$0x8260]  }
0x6b: {  	v0 =	vor.u32 v1, v0;
	v1 =	vadd.f32 v6, v4;
	v3 =	vadd.s32 $0x8000, v3;
	v4 =	vld [tilespmem:s23+$0x230]  }
0x6c: {  	[tilespmem:s23+$0x10200] =	vst v0;
	v0 =	vshrl.u32 v3, $0x10;
	v3 =	vld [tilespmem:s23+$0x8230]  }
0x6d: {  	v1 =	vadd.s32 $0x8000, v1;
	v2 =	vadd.f32 v2, v7;
	v6 =	vld [tilespmem:s23+$0x270]  }
0x6e: {  	v1 =	vand.u32 $0xFFFF0000, v1;
	v7 =	vld [tilespmem:s23+$0x8270]  }
0x6f: {  	v0 =	vor.u32 v0, v1;
	v1 =	vadd.f32 v8, v5;
	v2 =	vadd.s32 $0x8000, v2;
	v5 =	vld [tilespmem:s23+$0x280]  }
0x70: {  	[tilespmem:s23+$0x10210] =	vst v0;
	v0 =	vshrl.u32 v2, $0x10;
	v2 =	vld [tilespmem:s23+$0x8280]  }
0x71: {  	v1 =	vadd.s32 $0x8000, v1;
	v3 =	vadd.f32 v3, v4;
	v4 =	vld [tilespmem:s23+$0x2C0]  }
0x72: {  	v1 =	vand.u32 $0xFFFF0000, v1;
	v8 =	vld [tilespmem:s23+$0x82C0]  }
0x73: {  	v0 =	vor.u32 v0, v1;
	v1 =	vadd.f32 v7, v6;
	v3 =	vadd.s32 $0x8000, v3;
	v6 =	vld [tilespmem:s23+$0x290]  }
0x74: {  	[tilespmem:s23+$0x10220] =	vst v0;
	v0 =	vshrl.u32 v3, $0x10;
	v3 =	vld [tilespmem:s23+$0x8290]  }
0x75: {  	v1 =	vadd.s32 $0x8000, v1;
	v2 =	vadd.f32 v2, v5;
	v5 =	vld [tilespmem:s23+$0x2D0]  }
0x76: {  	v1 =	vand.u32 $0xFFFF0000, v1;
	v7 =	vld [tilespmem:s23+$0x82D0]  }
0x77: {  	v0 =	vor.u32 v0, v1;
	v1 =	vadd.f32 v8, v4;
	v2 =	vadd.s32 $0x8000, v2;
	v8 =	vld [tilespmem:s23+$0x2A0]  }
0x78: {  	[tilespmem:s23+$0x10230] =	vst v0;
	v9 =	vshrl.u32 v2, $0x10;
	v10 =	vld [tilespmem:s23+$0x82A0]  }
.Ltmp5:
0x79: {  	v0 =	vadd.s32 $0x8000, v1;
	v1 =	vadd.f32 v3, v6;
	v2 =	vld [tilespmem:s23+$0x2E0];
	(pc) =	sbr.rel @p3 .LBB2_4-.Ltmp5, $4  }
0x7a: {  	s24 =	sshra.s32 s25, $0x2;
	v3 =	vand.u32 $0xFFFF0000, v0;
	v4 =	vld [tilespmem:s23+$0x82E0]  }
0x7b: {  	v0 =	vld [tilespmem:s24+$0x2B0];
	v3 =	vor.u32 v9, v3;
	v6 =	vadd.f32 v7, v5;
	v5 =	vadd.s32 $0x8000, v1  }
0x7c: {  	v1 =	vld [tilespmem:s24+$0x82B0];
	[tilespmem:s23+$0x10280] =	vst v3;
	v5 =	vshrl.u32 v5, $0x10  }
0x7d: {  	s25 =	sadd.s32 $0x400, s25;
	v3 =	vld [tilespmem:s24+$0x2F0];
	v7 =	vadd.s32 $0x8000, v6;
	v6 =	vadd.f32 v10, v8  }
0x7e: {  	v8 =	vld [tilespmem:s24+$0x82F0];
	v7 =	vand.u32 $0xFFFF0000, v7  }
0x7f: {  	v9 =	vld [tilespmem:s24+$0x200];
	v5 =	vor.u32 v5, v7;
	v2 =	vadd.f32 v4, v2  }
0x80: {  	v31 =	vld [tilespmem:s24+$0x8200];
	[tilespmem:s23+$0x10290] =	vst v5  }
0x81: {  	v33 =	vadd.s32 $0x8000, v6;
	v32 =	vld [tilespmem:s24+$0x240];
	v2 =	vadd.s32 $0x8000, v2  }
0x82: {  	v5 =	vshrl.u32 v33, $0x10;
	v34 =	vld [tilespmem:s24+$0x8240];
	v2 =	vand.u32 $0xFFFF0000, v2  }
0x83: {  	v10 =	vld [tilespmem:s24+$0x210];
	v2 =	vor.u32 v5, v2  }
0x84: {  	v35 =	vld [tilespmem:s24+$0x8210];
	[tilespmem:s23+$0x102A0] =	vst v2  }
0x85: {  	v2 =	vld [tilespmem:s24+$0x250]  }
0x86: {  	v37 =	vld [tilespmem:s24+$0x8250]  }
0x87: {  	v38 =	vld [tilespmem:s24+$0x220]  }
0x88: {  	v39 =	vld [tilespmem:s24+$0x8220]  }
0x89: {  	v41 =	vld [tilespmem:s24+$0x260]  }
0x8a: {  	v42 =	vld [tilespmem:s24+$0x8260]  }
0x8b: {  	v43 =	vld [tilespmem:s24+$0x230]  }
0x8c: {  	v44 =	vld [tilespmem:s24+$0x8230]  }
0x8d: {  	v46 =	vld [tilespmem:s24+$0x270]  }
0x8e: {  	v47 =	vld [tilespmem:s24+$0x8270]  }
0x8f: {  	v50 =	vld [tilespmem:s24+$0x2C0]  }
0x90: {  	v0 =	vadd.f32 v1, v0;
	v36 =	vadd.f32 v8, v3;
	v51 =	vld [tilespmem:s24+$0x82C0]  }
0x91: {  	v55 =	vld [tilespmem:s24+$0x2D0]  }
0x92: {  	v0 =	vadd.s32 $0x8000, v0;
	v7 =	vadd.f32 v31, v9;
	v1 =	vadd.s32 $0x8000, v36;
	v56 =	vld [tilespmem:s24+$0x82D0]  }
0x93: {  	v0 =	vshrl.u32 v0, $0x10;
	v59 =	vld [tilespmem:s24+$0x2E0];
	v1 =	vand.u32 $0xFFFF0000, v1;
	v4 =	vadd.f32 v34, v32  }
0x94: {  	v40 =	vadd.s32 $0x8000, v7;
	v11 =	vld [tilespmem:s24+$0x82E0];
	v5 =	vadd.f32 v35, v10;
	v0 =	vor.u32 v0, v1  }
0x95: {  	[tilespmem:s24+$0x102B0] =	vst v0;
	v4 =	vadd.s32 $0x8000, v4;
	v0 =	vshrl.u32 v40, $0x10  }
0x96: {  	v48 =	vld [tilespmem:s24+$0x280];
	v45 =	vadd.s32 $0x8000, v5;
	v2 =	vadd.f32 v37, v2;
	v1 =	vadd.f32 v39, v38  }
0x97: {  	v49 =	vld [tilespmem:s24+$0x8280];
	v4 =	vand.u32 $0xFFFF0000, v4;
	v6 =	vadd.f32 v42, v41;
	v53 =	vadd.f32 v47, v46  }
0x98: {  	v52 =	vld [tilespmem:s24+$0x290];
	v0 =	vor.u32 v0, v4;
	v60 =	vadd.f32 v51, v50;
	v5 =	vadd.f32 v56, v55  }
0x99: {  	v54 =	vld [tilespmem:s24+$0x8290];
	v3 =	vshrl.u32 v45, $0x10;
	v61 =	vadd.f32 v11, v59;
	[tilespmem:s24+$0x10200] =	vst v0;
	v0 =	vadd.f32 v44, v43  }
0x9a: {  	v57 =	vld [tilespmem:s24+$0x2A0];
	v2 =	vadd.s32 $0x8000, v2;
	v1 =	vadd.s32 $0x8000, v1;
	v6 =	vadd.s32 $0x8000, v6  }
0x9b: {  	v58 =	vld [tilespmem:s24+$0x82A0];
	v4 =	vadd.s32 $0x8000, v53;
	v2 =	vand.u32 $0xFFFF0000, v2;
	v1 =	vshrl.u32 v1, $0x10  }
0x9c: {  	v6 =	vand.u32 $0xFFFF0000, v6;
	v0 =	vadd.s32 $0x8000, v0;
	v2 =	vor.u32 v3, v2  }
0x9d: {  	v4 =	vand.u32 $0xFFFF0000, v4;
	v1 =	vor.u32 v1, v6;
	v0 =	vshrl.u32 v0, $0x10;
	[tilespmem:s24+$0x10210] =	vst v2  }
0x9e: {  	v3 =	vadd.s32 $0x8000, v60;
	[tilespmem:s24+$0x10220] =	vst v1;
	v2 =	vadd.f32 v49, v48;
	v1 =	vadd.f32 v54, v52  }
0x9f: {  	v62 =	vadd.s32 $0x8000, v5;
	v0 =	vor.u32 v0, v4;
	v3 =	vand.u32 $0xFFFF0000, v3  }
0xa0: {  	[tilespmem:s24+$0x10230] =	vst v0;
	v0 =	vadd.f32 v58, v57;
	v2 =	vadd.s32 $0x8000, v2;
	v1 =	vadd.s32 $0x8000, v1  }
0xa1: {  	v4 =	vadd.s32 $0x8000, v61;
	v2 =	vshrl.u32 v2, $0x10;
	v1 =	vshrl.u32 v1, $0x10  }
0xa2: {  	s31 =	sadd.s32 s20, s11;
	v0 =	vadd.s32 $0x8000, v0;
	v2 =	vor.u32 v2, v3;
	v3 =	vand.u32 $0xFFFF0000, v62  }
0xa3: {  	s23 =	sshll.u32 s31, $0xB;
	v63 =	vand.u32 $0xFFFF0000, v4;
	v0 =	vshrl.u32 v0, $0x10;
	[tilespmem:s24+$0x10280] =	vst v2;
	v1 =	vor.u32 v1, v3  }
0xa4: {  	s23 =	sand.u32 $0x1FFFF800, s23;
	v0 =	vor.u32 v0, v63;
	[tilespmem:s24+$0x10290] =	vst v1  }
0xa5: {  	s23 =	sadd.s32 s7, s23;
	[tilespmem:s24+$0x102A0] =	vst v0  }
0xa6: {  	[hbm4b:s23+s2] =	stream.linear.scatter [tilespmem:s14], [sflag:$0x5], $0x4000, $0x38;
	[tilespmem:$0x18200] =	vst v63  }
.LBB2_6:
0xa7: {  	p3 =	slt.u32 s20, s9  }
0xa8: {  	p2 =	por !p2, !p3  }
0xa9: {  	p2 =	por !p2, !p2  }
0xaa: {  	s23 =	simm.s32 @p2 $0x4  }
0xab: {  	_ =	swait.ge @p2 [sflag:s23], $0x4000  }
0xac: {  	s24 =	sor.u32 $0x1, s20;
	[sflag:s23] =	ssyncset.done @p2 $0x0  }
0xad: {  	p3 =	sge.u32 s24, s8;
	[sflag:s23] =	ssyncadd.s32 @p2 $0xFFFFC000  }
0xae: {  	s24 =	sadd.s32 @!p3 s24, s10;
	_ =	swait.ge @p2 [sflag:s23], $0x4000  }
0xaf: {  	s24 =	sshll.u32 @!p3 s24, $0x4;
	[sflag:s23] =	ssyncset.done @p2 $0x0  }
0xb0: {  	[sflag:s23] =	ssyncadd.s32 @p2 $0xFFFFC000;
	s23 =	sand.u32 @!p3 $0x1FFFFFF0, s24  }
0xb1: {  	s25 =	simm.s32 @!p3 $0x0;
	s26 =	simm.s32 @!p3 $0x80;
	s24 =	sadd.s32 @!p3 s4, s23  }
0xb2: {  	[tilespmem:s26], [sflag:$0x2] =	stream.linear.gather @!p3 [hbm4b:s24+s25], $0x80, $0x38;
	[tilespmem:$0x18200] =	vst v63  }
0xb3: {  	s23 =	sadd.s32 @!p3 s5, s23;
	s24 =	simm.s32 @!p3 $0x180  }
0xb4: {  	[tilespmem:s24], [sflag:$0x2] =	stream.linear.gather @!p3 [hbm4b:s23+s25], $0x80, $0x38;
	[tilespmem:$0x18200] =	vst v63  }
0xb5: {  	s23 =	simm.s32 @!p0 $0x1  }
0xb6: {  	_ =	swait.ge @!p0 [sflag:s23], $0x80  }
0xb7: {  	[sflag:s23] =	ssyncset.done @!p0 $0x0  }
0xb8: {  	[sflag:s23] =	ssyncadd.s32 @!p0 $0xFFFFFF80  }
0xb9: {  	_ =	swait.ge @!p0 [sflag:s23], $0x80  }
.Ltmp6:
0xba: {  	[sflag:s23] =	ssyncset.done @!p0 $0x0;
	(pc) =	sbr.rel @!p2 .LBB2_10-.Ltmp6, $4  }
0xbb: {  	s24 =	simm.s32 @!p0 $0x200;
	[sflag:s23] =	ssyncadd.s32 @!p0 $0xFFFFFF80;
	s23 =	simm.s32 @!p0 $0x80  }
0xbc: {  	[tilespmem:s24], [sflag:$0x3] =	stream.indirect.gather @!p0 [hbm4b:s1+s23], $0x80, s21, s23, $0xb8;
	[tilespmem:$0x18200] =	vst v63  }
0xbd: {  	s21 =	simm.s32 @!p0 $0x8200  }
0xbe: {  	[tilespmem:s21], [sflag:$0x3] =	stream.indirect.gather @!p0 [hbm4b:s6+s23], $0x80, s22, s23, $0xb8;
	[tilespmem:$0x18200] =	vst v63  }
0xbf: {  	s21 =	simm.s32 @!p1 $0x6  }
0xc0: {  	_ =	swait.ge @!p1 [sflag:s21], $0x4000  }
0xc1: {  	[sflag:s21] =	ssyncset.done @!p1 $0x0  }
0xc2: {  	[sflag:s21] =	ssyncadd.s32 @!p1 $0xFFFFC000;
	s21 =	simm.s32 $0x0  }
0xc3: {  	v0 =	vld [tilespmem:s21+$0x42B0]  }
0xc4: {  	v1 =	vld [tilespmem:s21+$0xC2B0]  }
0xc5: {  	v2 =	vld [tilespmem:s21+$0x42F0]  }
0xc6: {  	v3 =	vld [tilespmem:s21+$0xC2F0]  }
0xc7: {  	v4 =	vld [tilespmem:s21+$0x4200]  }
0xc8: {  	v5 =	vld [tilespmem:s21+$0xC200]  }
0xc9: {  	v6 =	vld [tilespmem:s21+$0x4240]  }
0xca: {  	v7 =	vld [tilespmem:s21+$0xC240]  }
0xcb: {  	v8 =	vld [tilespmem:s21+$0x4210]  }
0xcc: {  	v9 =	vld [tilespmem:s21+$0xC250]  }
0xcd: {  	v10 =	vld [tilespmem:s21+$0x4220]  }
0xce: {  	v0 =	vadd.f32 v1, v0;
	v1 =	vadd.f32 v3, v2;
	v2 =	vld [tilespmem:s21+$0xC210]  }
0xcf: {  	v3 =	vld [tilespmem:s21+$0x4250];
	v4 =	vadd.f32 v5, v4  }
0xd0: {  	v5 =	vadd.f32 v7, v6;
	v6 =	vld [tilespmem:s21+$0xC260];
	v0 =	vadd.s32 $0x8000, v0;
	v1 =	vadd.s32 $0x8000, v1  }
0xd1: {  	v7 =	vld [tilespmem:s21+$0x4270];
	v0 =	vshrl.u32 v0, $0x10;
	v1 =	vand.u32 $0xFFFF0000, v1  }
0xd2: {  	v0 =	vor.u32 v0, v1;
	v1 =	vld [tilespmem:s21+$0xC220]  }
0xd3: {  	[tilespmem:s21+$0x142B0] =	vst v0;
	v0 =	vadd.s32 $0x8000, v4;
	v4 =	vadd.s32 $0x8000, v5;
	v5 =	vld [tilespmem:s21+$0x4260]  }
0xd4: {  	v2 =	vadd.f32 v2, v8;
	v8 =	vld [tilespmem:s21+$0xC270];
	v0 =	vshrl.u32 v0, $0x10;
	v4 =	vand.u32 $0xFFFF0000, v4  }
0xd5: {  	v3 =	vadd.f32 v9, v3;
	v0 =	vor.u32 v0, v4;
	v4 =	vld [tilespmem:s21+$0x4230]  }
0xd6: {  	[tilespmem:s21+$0x14200] =	vst v0;
	v0 =	vld [tilespmem:s21+$0xC230]  }
0xd7: {  	v2 =	vadd.s32 $0x8000, v2;
	v3 =	vadd.s32 $0x8000, v3  }
0xd8: {  	v61 =	vld [tilespmem:s21+$0xC2C0];
	v2 =	vshrl.u32 v2, $0x10;
	v3 =	vand.u32 $0xFFFF0000, v3;
	v1 =	vadd.f32 v1, v10  }
0xd9: {  	v2 =	vor.u32 v2, v3;
	v3 =	vld [tilespmem:s21+$0x4280];
	v5 =	vadd.f32 v6, v5  }
0xda: {  	[tilespmem:s21+$0x14210] =	vst v2;
	v2 =	vld [tilespmem:s21+$0xC280];
	v1 =	vadd.s32 $0x8000, v1  }
0xdb: {  	v6 =	vld [tilespmem:s21+$0x42C0];
	v5 =	vadd.s32 $0x8000, v5;
	v0 =	vadd.f32 v0, v4;
	v4 =	vadd.f32 v8, v7  }
0xdc: {  	v1 =	vshrl.u32 v1, $0x10;
	v5 =	vand.u32 $0xFFFF0000, v5;
	v7 =	vld [tilespmem:s21+$0x42D0]  }
0xdd: {  	v1 =	vor.u32 v1, v5;
	v5 =	vld [tilespmem:s21+$0x4290];
	v0 =	vadd.s32 $0x8000, v0;
	v4 =	vadd.s32 $0x8000, v4  }
0xde: {  	[tilespmem:s21+$0x14220] =	vst v1;
	v1 =	vld [tilespmem:s21+$0xC290];
	v0 =	vshrl.u32 v0, $0x10;
	v4 =	vand.u32 $0xFFFF0000, v4  }
0xdf: {  	v8 =	vld [tilespmem:s21+$0xC2D0];
	v0 =	vor.u32 v0, v4  }
0xe0: {  	v62 =	vld [tilespmem:s21+$0x42A0];
	[tilespmem:s21+$0x14230] =	vst v0;
	v0 =	vadd.f32 v2, v3;
	v3 =	vadd.f32 v61, v6  }
0xe1: {  	v6 =	vld [tilespmem:s21+$0xC2A0]  }
0xe2: {  	v4 =	vld [tilespmem:s21+$0xC2E0];
	v0 =	vadd.s32 $0x8000, v0;
	v3 =	vadd.s32 $0x8000, v3  }
0xe3: {  	s22 =	simm.s32 $0x100;
	v2 =	vld [tilespmem:s21+$0x42E0];
	v5 =	vadd.f32 v1, v5;
	v63 =	vshrl.u32 v0, $0x10;
	v1 =	vand.u32 $0xFFFF0000, v3  }
0xe4: {  	v7 =	vadd.f32 v8, v7;
	v0 =	vld [tilespmem:s22+$0x42B0];
	v3 =	vor.u32 v63, v1  }
0xe5: {  	v1 =	vld [tilespmem:s22+$0xC2B0];
	v5 =	vadd.s32 $0x8000, v5;
	[tilespmem:s21+$0x14280] =	vst v3  }
0xe6: {  	s23 =	simm.s32 $0x800;
	v7 =	vadd.s32 $0x8000, v7;
	v5 =	vshrl.u32 v5, $0x10;
	v6 =	vadd.f32 v6, v62;
	v3 =	vld [tilespmem:s22+$0x42F0]  }
.LBB2_8:
0xe7: {  	p0 =	sne.s32 s23, $0xFC00;
	v8 =	vld [tilespmem:s22+$0xC2F0];
	v7 =	vand.u32 $0xFFFF0000, v7  }
0xe8: {  	v9 =	vld [tilespmem:s22+$0x4200];
	v5 =	vor.u32 v5, v7;
	v2 =	vadd.f32 v4, v2;
	v4 =	vadd.s32 $0x8000, v6  }
0xe9: {  	v6 =	vld [tilespmem:s22+$0xC200];
	[tilespmem:s21+$0x14290] =	vst v5;
	v4 =	vshrl.u32 v4, $0x10  }
0xea: {  	v5 =	vld [tilespmem:s22+$0x4240];
	v2 =	vadd.s32 $0x8000, v2  }
0xeb: {  	v7 =	vld [tilespmem:s22+$0xC240];
	v2 =	vand.u32 $0xFFFF0000, v2  }
0xec: {  	v0 =	vadd.f32 v1, v0;
	v10 =	vld [tilespmem:s22+$0x4210];
	v1 =	vadd.f32 v8, v3;
	v2 =	vor.u32 v4, v2  }
0xed: {  	v3 =	vld [tilespmem:s22+$0xC210];
	[tilespmem:s21+$0x142A0] =	vst v2;
	s21 =	smov.u32 s22  }
0xee: {  	v0 =	vadd.s32 $0x8000, v0;
	v2 =	vadd.f32 v6, v9;
	v4 =	vld [tilespmem:s21+$0x4250];
	v1 =	vadd.s32 $0x8000, v1  }
0xef: {  	v0 =	vshrl.u32 v0, $0x10;
	v6 =	vld [tilespmem:s21+$0xC250];
	v1 =	vand.u32 $0xFFFF0000, v1  }
0xf0: {  	v5 =	vadd.f32 v7, v5;
	v2 =	vadd.s32 $0x8000, v2;
	v7 =	vld [tilespmem:s21+$0x4220];
	v0 =	vor.u32 v0, v1  }
0xf1: {  	v1 =	vshrl.u32 v2, $0x10;
	v2 =	vld [tilespmem:s21+$0xC220];
	[tilespmem:s21+$0x142B0] =	vst v0  }
0xf2: {  	v0 =	vadd.s32 $0x8000, v5;
	v3 =	vadd.f32 v3, v10;
	v5 =	vld [tilespmem:s21+$0x4260]  }
0xf3: {  	v0 =	vand.u32 $0xFFFF0000, v0;
	v8 =	vld [tilespmem:s21+$0xC260]  }
0xf4: {  	v0 =	vor.u32 v1, v0;
	v1 =	vadd.f32 v6, v4;
	v3 =	vadd.s32 $0x8000, v3;
	v4 =	vld [tilespmem:s21+$0x4230]  }
0xf5: {  	[tilespmem:s21+$0x14200] =	vst v0;
	v0 =	vshrl.u32 v3, $0x10;
	v3 =	vld [tilespmem:s21+$0xC230]  }
0xf6: {  	v1 =	vadd.s32 $0x8000, v1;
	v2 =	vadd.f32 v2, v7;
	v6 =	vld [tilespmem:s21+$0x4270]  }
0xf7: {  	v1 =	vand.u32 $0xFFFF0000, v1;
	v7 =	vld [tilespmem:s21+$0xC270]  }
0xf8: {  	v0 =	vor.u32 v0, v1;
	v1 =	vadd.f32 v8, v5;
	v2 =	vadd.s32 $0x8000, v2;
	v5 =	vld [tilespmem:s21+$0x4280]  }
0xf9: {  	[tilespmem:s21+$0x14210] =	vst v0;
	v0 =	vshrl.u32 v2, $0x10;
	v2 =	vld [tilespmem:s21+$0xC280]  }
0xfa: {  	v1 =	vadd.s32 $0x8000, v1;
	v3 =	vadd.f32 v3, v4;
	v4 =	vld [tilespmem:s21+$0x42C0]  }
0xfb: {  	v1 =	vand.u32 $0xFFFF0000, v1;
	v8 =	vld [tilespmem:s21+$0xC2C0]  }
0xfc: {  	v0 =	vor.u32 v0, v1;
	v1 =	vadd.f32 v7, v6;
	v3 =	vadd.s32 $0x8000, v3;
	v6 =	vld [tilespmem:s21+$0x4290]  }
0xfd: {  	[tilespmem:s21+$0x14220] =	vst v0;
	v0 =	vshrl.u32 v3, $0x10;
	v3 =	vld [tilespmem:s21+$0xC290]  }
0xfe: {  	v1 =	vadd.s32 $0x8000, v1;
	v2 =	vadd.f32 v2, v5;
	v5 =	vld [tilespmem:s21+$0x42D0]  }
0xff: {  	v1 =	vand.u32 $0xFFFF0000, v1;
	v7 =	vld [tilespmem:s21+$0xC2D0]  }
0x100: {  	v0 =	vor.u32 v0, v1;
	v1 =	vadd.f32 v8, v4;
	v2 =	vadd.s32 $0x8000, v2;
	v8 =	vld [tilespmem:s21+$0x42A0]  }
0x101: {  	[tilespmem:s21+$0x14230] =	vst v0;
	v9 =	vshrl.u32 v2, $0x10;
	v10 =	vld [tilespmem:s21+$0xC2A0]  }
.Ltmp7:
0x102: {  	v0 =	vadd.s32 $0x8000, v1;
	v1 =	vadd.f32 v3, v6;
	v2 =	vld [tilespmem:s21+$0x42E0];
	(pc) =	sbr.rel @p0 .LBB2_8-.Ltmp7, $4  }
0x103: {  	s22 =	sshra.s32 s23, $0x2;
	v3 =	vand.u32 $0xFFFF0000, v0;
	v4 =	vld [tilespmem:s21+$0xC2E0]  }
0x104: {  	v0 =	vld [tilespmem:s22+$0x42B0];
	v3 =	vor.u32 v9, v3;
	v6 =	vadd.f32 v7, v5;
	v5 =	vadd.s32 $0x8000, v1  }
0x105: {  	v1 =	vld [tilespmem:s22+$0xC2B0];
	[tilespmem:s21+$0x14280] =	vst v3;
	v5 =	vshrl.u32 v5, $0x10  }
0x106: {  	s23 =	sadd.s32 $0x400, s23;
	v3 =	vld [tilespmem:s22+$0x42F0];
	v7 =	vadd.s32 $0x8000, v6;
	v6 =	vadd.f32 v10, v8  }
0x107: {  	v8 =	vld [tilespmem:s22+$0xC2F0];
	v7 =	vand.u32 $0xFFFF0000, v7  }
0x108: {  	v9 =	vld [tilespmem:s22+$0x4200];
	v5 =	vor.u32 v5, v7;
	v2 =	vadd.f32 v4, v2  }
0x109: {  	v31 =	vld [tilespmem:s22+$0xC200];
	[tilespmem:s21+$0x14290] =	vst v5  }
0x10a: {  	v33 =	vadd.s32 $0x8000, v6;
	v32 =	vld [tilespmem:s22+$0x4240];
	v2 =	vadd.s32 $0x8000, v2  }
0x10b: {  	v5 =	vshrl.u32 v33, $0x10;
	v34 =	vld [tilespmem:s22+$0xC240];
	v2 =	vand.u32 $0xFFFF0000, v2  }
0x10c: {  	v10 =	vld [tilespmem:s22+$0x4210];
	v2 =	vor.u32 v5, v2  }
0x10d: {  	v35 =	vld [tilespmem:s22+$0xC210];
	[tilespmem:s21+$0x142A0] =	vst v2  }
0x10e: {  	v2 =	vld [tilespmem:s22+$0x4250]  }
0x10f: {  	v37 =	vld [tilespmem:s22+$0xC250]  }
0x110: {  	v38 =	vld [tilespmem:s22+$0x4220]  }
0x111: {  	v39 =	vld [tilespmem:s22+$0xC220]  }
0x112: {  	v41 =	vld [tilespmem:s22+$0x4260]  }
0x113: {  	v42 =	vld [tilespmem:s22+$0xC260]  }
0x114: {  	v43 =	vld [tilespmem:s22+$0x4230]  }
0x115: {  	v44 =	vld [tilespmem:s22+$0xC230]  }
0x116: {  	v46 =	vld [tilespmem:s22+$0x4270]  }
0x117: {  	v47 =	vld [tilespmem:s22+$0xC270]  }
0x118: {  	v50 =	vld [tilespmem:s22+$0x42C0]  }
0x119: {  	v0 =	vadd.f32 v1, v0;
	v36 =	vadd.f32 v8, v3;
	v51 =	vld [tilespmem:s22+$0xC2C0]  }
0x11a: {  	v55 =	vld [tilespmem:s22+$0x42D0]  }
0x11b: {  	v0 =	vadd.s32 $0x8000, v0;
	v7 =	vadd.f32 v31, v9;
	v1 =	vadd.s32 $0x8000, v36;
	v56 =	vld [tilespmem:s22+$0xC2D0]  }
0x11c: {  	v0 =	vshrl.u32 v0, $0x10;
	v59 =	vld [tilespmem:s22+$0x42E0];
	v1 =	vand.u32 $0xFFFF0000, v1;
	v4 =	vadd.f32 v34, v32  }
0x11d: {  	v40 =	vadd.s32 $0x8000, v7;
	v11 =	vld [tilespmem:s22+$0xC2E0];
	v5 =	vadd.f32 v35, v10;
	v0 =	vor.u32 v0, v1  }
0x11e: {  	[tilespmem:s22+$0x142B0] =	vst v0;
	v4 =	vadd.s32 $0x8000, v4;
	v0 =	vshrl.u32 v40, $0x10  }
0x11f: {  	v48 =	vld [tilespmem:s22+$0x4280];
	v45 =	vadd.s32 $0x8000, v5;
	v2 =	vadd.f32 v37, v2;
	v1 =	vadd.f32 v39, v38  }
0x120: {  	v49 =	vld [tilespmem:s22+$0xC280];
	v4 =	vand.u32 $0xFFFF0000, v4;
	v6 =	vadd.f32 v42, v41;
	v53 =	vadd.f32 v47, v46  }
0x121: {  	v52 =	vld [tilespmem:s22+$0x4290];
	v0 =	vor.u32 v0, v4;
	v60 =	vadd.f32 v51, v50;
	v5 =	vadd.f32 v56, v55  }
0x122: {  	v54 =	vld [tilespmem:s22+$0xC290];
	v3 =	vshrl.u32 v45, $0x10;
	v61 =	vadd.f32 v11, v59;
	[tilespmem:s22+$0x14200] =	vst v0;
	v0 =	vadd.f32 v44, v43  }
0x123: {  	v57 =	vld [tilespmem:s22+$0x42A0];
	v2 =	vadd.s32 $0x8000, v2;
	v1 =	vadd.s32 $0x8000, v1;
	v6 =	vadd.s32 $0x8000, v6  }
0x124: {  	v58 =	vld [tilespmem:s22+$0xC2A0];
	v4 =	vadd.s32 $0x8000, v53;
	v2 =	vand.u32 $0xFFFF0000, v2;
	v1 =	vshrl.u32 v1, $0x10  }
0x125: {  	v6 =	vand.u32 $0xFFFF0000, v6;
	v0 =	vadd.s32 $0x8000, v0;
	v2 =	vor.u32 v3, v2  }
0x126: {  	v4 =	vand.u32 $0xFFFF0000, v4;
	v1 =	vor.u32 v1, v6;
	v0 =	vshrl.u32 v0, $0x10;
	[tilespmem:s22+$0x14210] =	vst v2  }
0x127: {  	v3 =	vadd.s32 $0x8000, v60;
	[tilespmem:s22+$0x14220] =	vst v1;
	v2 =	vadd.f32 v49, v48;
	v1 =	vadd.f32 v54, v52  }
0x128: {  	v62 =	vadd.s32 $0x8000, v5;
	v0 =	vor.u32 v0, v4;
	v3 =	vand.u32 $0xFFFF0000, v3  }
0x129: {  	[tilespmem:s22+$0x14230] =	vst v0;
	v0 =	vadd.f32 v58, v57;
	v2 =	vadd.s32 $0x8000, v2;
	v1 =	vadd.s32 $0x8000, v1  }
0x12a: {  	v4 =	vadd.s32 $0x8000, v61;
	v2 =	vshrl.u32 v2, $0x10;
	v1 =	vshrl.u32 v1, $0x10  }
.Ltmp8:
0x12b: {  	s20 =	sadd.s32 s20, s12;
	v0 =	vadd.s32 $0x8000, v0;
	v2 =	vor.u32 v2, v3;
	v3 =	vand.u32 $0xFFFF0000, v62;
	(pc) =	sbr.rel .LBB2_10-.Ltmp8, $4  }
0x12c: {  	s20 =	sshll.u32 s20, $0xB;
	v63 =	vand.u32 $0xFFFF0000, v4;
	v0 =	vshrl.u32 v0, $0x10;
	[tilespmem:s22+$0x14280] =	vst v2;
	v1 =	vor.u32 v1, v3  }
0x12d: {  	s20 =	sand.u32 $0x1FFFF800, s20;
	v0 =	vor.u32 v0, v63;
	[tilespmem:s22+$0x14290] =	vst v1  }
0x12e: {  	s20 =	sadd.s32 s7, s20;
	[tilespmem:s22+$0x142A0] =	vst v0  }
0x12f: {  	[hbm4b:s20+s2] =	stream.linear.scatter [tilespmem:s15], [sflag:$0x6], $0x4000, $0x38;
	[tilespmem:$0x18200] =	vst v63  }
.LBB2_12:
0x130: {  	_ =	sfence.sel $0x180000  }
0x131: {  	[bflag:$0x0] =	sbarrier.arrive $0xFFFF  }
0x132: {  	p0 =	sne.s32 s3, $0x0;
	_ =	strace $0x9000004A  }
0x133: {  	s0 =	sadd.s32 @!p0 $0x100000, s0;
	[bflag:$0x2] =	sbarrier.arrive $0xFFFF  }
0x134: {  	[sflag:s0] =	ssyncadd.tile.s32 @!p0 $0x1;
	_ =	shalt  }
.Lfunc_end2:
_tile_overlayer_lowered:
.L_overlay_start_2:
0x135: {  	(tag) =	ssettag $0x2  }
0x136: {  	s0 =	rddreg [dreg:$0x0];
	s2 =	stileid.u32  }
0x137: {  	s1 =	rddreg [dreg:$0x1];
	p0 =	sne.s32 s2, $0x0  }
0x138: {  	s3 =	rddreg [dreg:$0x2];
	[bflag:$0x3] =	sbarrier.arrive $0xFFFF;
	s2 =	simm.s32 @!p0 $0x1C07  }
0x139: {  	[timem:s3], [sflag:s2] =	dma.local @!p0 [hbm:s0], s1  }
0x13a: {  	s0 =	simm.s32 @!p0 $0x7  }
0x13b: {  	_ =	swait.ge @!p0 [sflag:s0], s1  }
0x13c: {  	s1 =	ssub.s32 @!p0 $0x0, s1;
	[sflag:s0] =	ssyncset.done @!p0 $0x0  }
0x13d: {  	[sflag:s0] =	ssyncadd.s32 @!p0 s1  }
0x13e: {  	[bflag:$0x3] =	sbarrier.arrive $0xFFFF  }
0x13f: {  	_ =	shalt  }

// kernel: kernel.16.cloned.1.call-start
scs
__scs_entry_jumppad:
0x0: {  	(pc) =	sbr.rel $0x88, $3  }
0x1: {  	(tag) =	ssettag $0x0;
	lr =	simm.s32 $0x1  }
0x2: {  	[smem:$0x3F92] =	sst lr;
	_ =	strace $0xD0000000  }
0x3: {  	_ = 	snop  }
0x4: {  	_ = 	snop  }
0x5: {  	_ = 	snop  }
0x6: {  	_ = 	snop  }
0x7: {  	_ = 	snop  }
__scs_overlays_trampoline_lowered:
0x8: {  	[smem:$0x3FA1] =	sst s0  }
0x9: {  	[smem:$0x3FA2] =	sst s1  }
0xa: {  	[smem:$0x3FA3] =	sst s2  }
0xb: {  	[smem:$0x3FA4] =	sst s3  }
0xc: {  	[smem:$0x3FA5] =	sst s4  }
0xd: {  	[smem:$0x3FA6] =	sst s5  }
0xe: {  	[smem:$0x3FA7] =	sst s6  }
0xf: {  	[smem:$0x3FA8] =	sst s7  }
0x10: {  	[smem:$0x3FA9] =	sst s8  }
0x11: {  	[smem:$0x3FAA] =	sst s9;
	s0 =	simm.s32 @!p0 $0x0  }
0x12: {  	s1 =	sld [smem:$0x3F90];
	s0 =	simm.s32 @p0 $0x1  }
0x13: {  	[smem:$0x3FAB] =	sst s0;
	s0 =	simm.s32 @!p1 $0x0  }
0x14: {  	s2 =	sld [smem:$0x3F8F];
	s0 =	simm.s32 @p1 $0x1  }
0x15: {  	[smem:$0x3FAC] =	sst s0;
	s0 =	simm.s32 @!p2 $0x0  }
0x16: {  	s3 =	sld [smem:$0x3FDB];
	s0 =	simm.s32 @p2 $0x1  }
0x17: {  	s4 =	simm.s32 $0x1BF5;
	[smem:$0x3FAE] =	sst s0  }
0x18: {  	s0 =	sld [smem:$0x3F91];
	_ =	swait.ge [sflag:s4], $0x0  }
0x19: {  	s7 =	sld [smem:$0x3F92]  }
0x1a: {  	s8 =	sadd.s32 $0xFFFFE003, lr  }
0x1b: {  	s9 =	sadd.s32 $0xFFFFFEF7, lr;
	s5 =	simm.s32 $0xFFFFFFFF;
	p2 =	slt.u32 s8, $0xFFFFF086  }
0x1c: {  	p1 =	slt.u32 s9, $0xF7A;
	s5 =	simm.s32 @!p2 $0x0  }
0x1d: {  	s5 =	simm.s32 @p1 $0x1;
	p0 =	seq.s32 s7, s2  }
0x1e: {  	s7 =	smul.u32 @!p0 $0xF7A, s2;
	p2 =	seq.s32 @!p0 s5, $0x0  }
0x1f: {  	s9 =	smul.u32 $0xF7A, s1;
	s8 =	simm.s32 @!p0 $0x1BF5;
	p2 =	por !p2, p0  }
0x20: {  	[sflag:s8] =	ssyncset.s32 @!p0 $0xFFFFF086;
	s6 =	sadd.s32 @!p0 s3, s7;
	s7 =	simm.s32 @!p0 $0x108  }
0x21: {  	s3 =	sadd.s32 s3, s9;
	s6 =	sadd.s32 @!p0 $0x88, s6;
	s7 =	simm.s32 @p2 $0x1082  }
0x22: {  	[simem:s7], [sflag:s8] =	dma.local @!p0 [hbm:s6], $0xF7A  }
0x23: {  	s9 =	sor.u32 $0xD0000000, s2;
	s6 =	simm.s32 $0x108;
	_ =	swait.ge @!p0 [sflag:s8], $0x0  }
0x24: {  	s3 =	sadd.s32 $0x88, s3;
	s6 =	simm.s32 @!p1 $0x1082;
	[sflag:s4] =	ssyncset.s32 $0xFFFFF086  }
0x25: {  	[simem:s6], [sflag:s4] =	dma.local [hbm:s3], $0xF7A  }
0x26: {  	[smem:$0x3F92] =	sst s1;
	(tag) =	ssettag s2;
	_ =	strace s9  }
0x27: {  	s1 =	sld [smem:$0x3FA2]  }
0x28: {  	s2 =	sld [smem:$0x3FA3]  }
0x29: {  	s4 =	sld [smem:$0x3FA5]  }
0x2a: {  	p0 =	seq.s32 s5, $0x0;
	s5 =	sld [smem:$0x3FA6]  }
0x2b: {  	s6 =	sld [smem:$0x3FA7]  }
0x2c: {  	s7 =	sld [smem:$0x3FA8]  }
0x2d: {  	s3 =	simm.s32 $0x108;
	s8 =	sld [smem:$0x3FA9]  }
0x2e: {  	s3 =	simm.s32 @!p0 $0x1082;
	s9 =	sld [smem:$0x3FAA]  }
0x2f: {  	lr =	sadd.s32 s0, s3;
	s0 =	sld [smem:$0x3FA1]  }
0x30: {  	s3 =	sld [smem:$0x3FA4]  }
0x31: {  	[smem:$0x3FAD] =	sst s10  }
0x32: {  	s10 =	sld [smem:$0x3FAB];
	_ =	sdelay $0x3  }
0x33: {  	p0 =	seq.s32 s10, $0x1;
	s10 =	sld [smem:$0x3FAD];
	_ =	sdelay $0x3  }
0x34: {  	[smem:$0x3FAD] =	sst s10  }
0x35: {  	s10 =	sld [smem:$0x3FAC];
	_ =	sdelay $0x3  }
0x36: {  	p1 =	seq.s32 s10, $0x1;
	s10 =	sld [smem:$0x3FAD];
	_ =	sdelay $0x3  }
0x37: {  	[smem:$0x3FAD] =	sst s10  }
0x38: {  	s10 =	sld [smem:$0x3FAE]  }
0x39: {  	_ = 	snop;
	(pc) =	sbr.ind lr, $3  }
0x3a: {  	_ = 	snop  }
0x3b: {  	_ = 	snop  }
0x3c: {  	p2 =	seq.s32 s10, $0x1;
	s10 =	sld [smem:$0x3FAD]  }
0x3d: {  	_ =	shalt  }
0x3e: {  	_ =	shalt  }
0x3f: {  	_ =	shalt  }
0x40: {  	_ =	shalt  }
0x41: {  	_ =	shalt  }
0x42: {  	_ =	shalt  }
0x43: {  	_ =	shalt  }
0x44: {  	_ =	shalt  }
0x45: {  	_ =	shalt  }
0x46: {  	_ =	shalt  }
0x47: {  	_ =	shalt  }
0x48: {  	_ =	shalt  }
0x49: {  	_ =	shalt  }
0x4a: {  	_ =	shalt  }
0x4b: {  	_ =	shalt  }
0x4c: {  	_ =	shalt  }
0x4d: {  	_ =	shalt  }
0x4e: {  	_ =	shalt  }
0x4f: {  	_ =	shalt  }
0x50: {  	_ =	shalt  }
0x51: {  	_ =	shalt  }
0x52: {  	_ =	shalt  }
0x53: {  	_ =	shalt  }
0x54: {  	_ =	shalt  }
0x55: {  	_ =	shalt  }
0x56: {  	_ =	shalt  }
0x57: {  	_ =	shalt  }
0x58: {  	_ =	shalt  }
0x59: {  	_ =	shalt  }
0x5a: {  	_ =	shalt  }
0x5b: {  	_ =	shalt  }
0x5c: {  	_ =	shalt  }
0x5d: {  	_ =	shalt  }
0x5e: {  	_ =	shalt  }
0x5f: {  	_ =	shalt  }
0x60: {  	_ =	shalt  }
0x61: {  	_ =	shalt  }
0x62: {  	_ =	shalt  }
0x63: {  	_ =	shalt  }
0x64: {  	_ =	shalt  }
0x65: {  	_ =	shalt  }
0x66: {  	_ =	shalt  }
0x67: {  	_ =	shalt  }
0x68: {  	_ =	shalt  }
0x69: {  	_ =	shalt  }
0x6a: {  	_ =	shalt  }
0x6b: {  	_ =	shalt  }
0x6c: {  	_ =	shalt  }
0x6d: {  	_ =	shalt  }
0x6e: {  	_ =	shalt  }
0x6f: {  	_ =	shalt  }
0x70: {  	_ =	shalt  }
0x71: {  	_ =	shalt  }
0x72: {  	_ =	shalt  }
0x73: {  	_ =	shalt  }
0x74: {  	_ =	shalt  }
0x75: {  	_ =	shalt  }
0x76: {  	_ =	shalt  }
0x77: {  	_ =	shalt  }
0x78: {  	_ =	shalt  }
0x79: {  	_ =	shalt  }
0x7a: {  	_ =	shalt  }
0x7b: {  	_ =	shalt  }
0x7c: {  	_ =	shalt  }
0x7d: {  	_ =	shalt  }
0x7e: {  	_ =	shalt  }
0x7f: {  	_ =	shalt  }
0x80: {  	_ =	shalt  }
0x81: {  	_ =	shalt  }
0x82: {  	_ =	shalt  }
0x83: {  	_ =	shalt  }
0x84: {  	_ =	shalt  }
0x85: {  	_ =	shalt  }
0x86: {  	_ =	shalt  }
0x87: {  	_ =	shalt  }
.Lfunc_end0:
.L_simem_size_0:
called_computation.2_lowered:
.L_overlay_start_0:
0x88: {  	s2 =	sld [smem:$0x3FD9]  }
0x89: {  	s3 =	sld [smem:$0x3FFE];
	_ =	sdelay $0x1  }
0x8a: {  	s1 =	srdreg.scid  }
0x8b: {  	s0 =	sand.u32 $0x1, s1  }
0x8c: {  	s17 =	sshll.u32 s0, $0xA;
	s2 =	sadd.s32 s3, s2  }
0x8d: {  	s2 =	sadd.s32 s2, s17  }
0x8e: {  	[smem:$0x3FB9] =	sst s2  }
0x8f: {  	_ = 	snop  }
0x90: {  	(tm) =	ssettm $0x1  }
0x91: {  	s18 =	sld [smem:$0x3FFB];
	_ =	sdelay $0x3  }
0x92: {  	_ =	strace s18  }
0x93: {  	s2 =	sld [smem:$0x3FFC];
	_ =	sdelay $0x3  }
0x94: {  	_ =	strace s2  }
0x95: {  	s2 =	sld [smem:$0x3FFD];
	_ =	sdelay $0x3  }
0x96: {  	_ =	strace s2  }
0x97: {  	_ =	strace $0x8FFFFFFF  }
0x98: {  	s19 =	sld [smem:$0x3FDB];
	_ =	sdelay $0x1  }
0x99: {  	s20 =	simm.s32 $_scs_section_size  }
0x9a: {  	s4 =	simm.s32 $_size__tile_overlayer_lowered;
	s5 =	simm.s32 $_tile_overlayer_lowered  }
0x9b: {  	s6 =	simm.s32 $0x1BFF;
	s21 =	sshll.u32 s5, $0x1;
	s3 =	sadd.s32 s20, s19  }
0x9c: {  	s22 =	simm.s32 $0x0;
	s4 =	sshll.u32 s4, $0x1;
	s5 =	sadd.s32 s21, s3  }
0x9d: {  	[timem:s22], [sflag:s6] =	dma.local [hbm:s5], s4  }
0x9e: {  	_ =	swait.ge [sflag:s6], s4  }
0x9f: {  	s4 =	ssub.s32 $0x0, s4;
	[sflag:s6] =	ssyncset.done $0x0  }
0xa0: {  	[sflag:s6] =	ssyncadd.s32 s4;
	_ =	sdelay $0x1  }
0xa1: {  	s23 =	simm.s32 $0x1B8B  }
0xa2: {  	_ =	swait.ge [sflag:s23], $0x1  }
0xa3: {  	[sflag:s23] =	ssyncset.done $0x0  }
0xa4: {  	[sflag:s23] =	ssyncadd.s32 $0xFFFFFFFF  }
0xa5: {  	s4 =	sld [smem:$0x0]  }
0xa6: {  	s5 =	sand.u32 $0xFFFFFFFE, s1  }
0xa7: {  	p0 =	sne.s32 s1, s5  }
0xa8: {  	s5 =	sshll.u32 @p0 s5, $0xE  }
0xa9: {  	s5 =	sadd.s32 @p0 $0x11B8D, s5;
	s6 =	sshll.u32 @p0 s4, $0x11  }
0xaa: {  	s5 =	sor.u32 @p0 s6, s5  }
0xab: {  	[sflag:s5] =	ssyncadd.remote.s32 @p0 $0x1;
	_ =	sdelay $0x1  }
0xac: {  	s5 =	simm.s32 @p0 $0x1B8D  }
0xad: {  	_ =	swait.eq @p0 [sflag:s5], $0x1  }
0xae: {  	[sflag:s5] =	ssyncadd.s32 @p0 $0xFFFFFFFF  }
0xaf: {  	s6 =	sshll.u32 @!p0 s1, $0xE  }
0xb0: {  	s6 =	sor.u32 @!p0 $0x4000, s6;
	s5 =	simm.s32 @!p0 $0x1B8D  }
0xb1: {  	s4 =	sshll.u32 @!p0 s4, $0x11;
	s6 =	sadd.s32 @!p0 $0x11B8D, s6;
	_ =	swait.eq @!p0 [sflag:s5], $0x1  }
0xb2: {  	s4 =	sor.u32 @!p0 s4, s6;
	[sflag:s5] =	ssyncadd.s32 @!p0 $0xFFFFFFFF  }
0xb3: {  	s25 =	simm.s32 $0x1B8E;
	s24 =	sld [smem:$0x3FFE];
	[sflag:s4] =	ssyncadd.remote.s32 @!p0 $0x1  }
0xb4: {  	s26 =	simm.s32 $execute0_lowered;
	[smem:$0x3FD2] =	sst s25  }
0xb5: {  	s5 =	sshll.u32 s26, $0x1;
	_ =	strace $0x8000004C;
	[dreg:$0x1] =	wrdreg $0xFFFFFFFF  }
0xb6: {  	s28 =	simm.s32 $_size_execute0_lowered;
	s3 =	sadd.s32 s3, s5;
	[dreg:$0x0] =	wrdreg $0x0  }
0xb7: {  	s5 =	sshll.u32 s28, $0x1;
	[dreg:$0x2] =	wrdreg s3  }
0xb8: {  	[dreg:$0x3] =	wrdreg s5  }
0xb9: {  	[dreg:$0x4] =	wrdreg $0xC0  }
0xba: {  	_ =	task [dreg:s22], $0x5FFFF  }
0xbb: {  	[dreg:$0x1] =	wrdreg $0xFFFFFFFF  }
0xbc: {  	[dreg:$0x0] =	wrdreg $0x60  }
0xbd: {  	[dreg:$0x2] =	wrdreg s24  }
0xbe: {  	[dreg:$0x3] =	wrdreg $0x81000  }
0xbf: {  	[dreg:$0x4] =	wrdreg $0xA  }
0xc0: {  	_ =	task.clear_ibuf [dreg:s22], $0x5FFFF;
	_ =	strace $0x9000004C  }
0xc1: {  	s29 =	simm.s32 $0xA;
	_ =	strace $0x8000004E  }
0xc2: {  	_ =	swait.ge [sflag:s29], $0x1  }
0xc3: {  	[sflag:s29] =	ssyncadd.s32 $0xFFFFFFFF  }
0xc4: {  	_ =	strace $0x9000004E  }
0xc5: {  	_ =	sfence  }
0xc6: {  	s30 =	sld [smem:$0x0];
	_ =	sdelay $0x2  }
0xc7: {  	s31 =	sshll.u32 s1, $0xD;
	s1 =	sshrl.u32 s1, $0x2  }
0xc8: {  	s4 =	sand.u32 $0x4000, s31;
	s1 =	sadd.s32 s1, s30  }
0xc9: {  	s0 =	sor.u32 s4, s0;
	s1 =	sshll.u32 s1, $0x11  }
0xca: {  	s0 =	sor.u32 s1, s0  }
0xcb: {  	s0 =	sadd.s32 $0x8F2B, s0  }
0xcc: {  	[sflag:s0] =	ssyncadd.remote.s32 $0x1  }
0xcd: {  	_ =	sfence.sel $0xFFFF  }
0xce: {  	[dreg:$0x0] =	wrdreg $0xFFFFFFFF;
	(pc) =	sbr.abs _section_cstart, $3  }
0xcf: {  	[dreg:$0x1] =	wrdreg $0xFFFFFFFF  }
0xd0: {  	_ =	task.clear_ibuf [dreg:s22], $0x2FFFF;
	_ =	strace $0x9FFFFFFF  }
0xd1: {  	(tm) =	ssettm $0x7FFFFFFF  }
tec
execute0_lowered:
.L_overlay_start_1:
0x0: {  	(tag) =	ssettag $0x1  }
0x1: {  	s0 =	rddreg [dreg:$0x0]  }
0x2: {  	s1 =	rddreg [dreg:$0x1]  }
0x3: {  	s3 =	simm.s32 $0x0;
	s21 =	stileid.u32;
	s4 =	srdreg.scid  }
0x4: {  	s28 =	simm.s32 $0x4;
	s29 =	simm.s32 $0x0;
	[smem:$0x7FF] =	sst s3  }
0x5: {  	s2 =	sadd.s32 $0xD200, s0;
	s5 =	smul.u32 $0x2700, s21;
	s6 =	sadd.s32 $0xA02200, s0  }
0x6: {  	s8 =	sand.u32 $0x1, s4;
	s23 =	sshll.u32 s21, $0x1;
	s11 =	sadd.s32 $0x65400, s0  }
0x7: {  	p0 =	seq.s32 s21, $0x0;
	s4 =	simm.s32 $0x28;
	s14 =	smul.u32 $0x4E000, s21  }
0x8: {  	s30 =	sshll.u32 s21, $0x6;
	s31 =	sadd.s32 $0x138000, s1;
	s19 =	smul.u32 $0x4E, s21  }
0x9: {  	_ =	strace $0x8000004D;
	s9 =	ssub.s32 $0x2, s8;
	s26 =	smul.u32 $0x27100, s8  }
0xa: {  	s10 =	sor.u32 s8, s23;
	s4 =	simm.s32 @!p0 $0x27;
	s15 =	smul.u32 $0x138800, s8  }
0xb: {  	[dreg:$0x5] =	wrdreg s31;
	s8 =	smul.u32 $0x27, s8;
	p0 =	sne.s32 s21, $0xF  }
0xc: {  	s21 =	simm.s32 $0x5;
	s7 =	sadd.s32 s5, s0;
	s12 =	sshrl.u32 s9, $0x1  }
0xd: {  	s13 =	smul.u32 $0x27, s10;
	s10 =	smin.u32 s10, $0x2;
	s25 =	sshrl.u32 s14, $0x2  }
0xe: {  	s0 =	sadd.s32 $0x65200, s0;
	s9 =	ssub.s32 s9, s12;
	s7 =	sadd.s32 $0x3E200, s7  }
0xf: {  	[dreg:$0x6] =	wrdreg s0;
	s16 =	sadd.s32 s5, s26;
	s17 =	sshrl.u32 s15, $0x3  }
0x10: {  	s5 =	sadd.s32 s8, s19;
	s24 =	sadd.s32 s10, s13;
	s13 =	sadd.s32 s25, s1  }
0x11: {  	[dreg:$0x4] =	wrdreg s7;
	s7 =	sor.u32 $0x1C05, s30;
	s0 =	sadd.s32 s11, s16  }
0x12: {  	s18 =	sadd.s32 s11, s17;
	s9 =	smax.u32 s9, $0x1;
	[dreg:$0x3] =	wrdreg s13  }
0x13: {  	s5 =	sadd.s32 s10, s5;
	[dreg:$0x7] =	wrdreg s0;
	s0 =	sadd.s32 $0x27000, s18  }
0x14: {  	s20 =	sshll.u32 s24, $0x4;
	[dreg:$0x9] =	wrdreg s9;
	s22 =	sadd.s32 $0x1, s24  }
0x15: {  	s23 =	sshll.u32 s24, $0xB;
	s30 =	sshll.u32 s5, $0xB;
	s5 =	sshll.u32 s5, $0x4  }
0x16: {  	[dreg:$0x8] =	wrdreg s0;
	s0 =	sadd.s32 s2, s20;
	s24 =	sshll.u32 s22, $0x4  }
0x17: {  	s25 =	sadd.s32 s6, s23;
	s8 =	sadd.s32 s30, s6;
	[dreg:$0xa] =	wrdreg s0  }
0x18: {  	s31 =	sadd.s32 s5, s2;
	s23 =	simm.s32 $0x80;
	[dreg:$0xb] =	wrdreg s25  }
0x19: {  	s26 =	sand.u32 $0xFFFFFF0, s24;
	s0 =	sshll.u32 s22, $0xB;
	s17 =	sadd.s32 $0x1000, s8  }
0x1a: {  	s18 =	sadd.s32 $0x20, s31;
	s19 =	sadd.s32 $0x1800, s8;
	s20 =	sadd.s32 $0x30, s31  }
0x1b: {  	s22 =	simm.s32 $0x100;
	s25 =	simm.s32 $0x1;
	s0 =	sand.u32 $0x1FFFF800, s0  }
0x1c: {  	s15 =	sadd.s32 s2, s26;
	s26 =	simm.s32 $0x3;
	s16 =	sadd.s32 s6, s0  }
.LBB2_1:
0x1d: {  	s0 =	rddreg [dreg:$0x3]  }
0x1e: {  	s12 =	rddreg [dreg:$0x4];
	s30 =	sshrl.u32 s0, $0x3  }
0x1f: {  	[spmem:s30], [sflag:s7] =	dma.local [hbm:s12], $0x2700  }
0x20: {  	_ =	swait.ge [sflag:s21], $0x2700  }
0x21: {  	[sflag:s21] =	ssyncset.done $0x0;
	s0 =	rddreg [dreg:$0x5]  }
0x22: {  	[sflag:s21] =	ssyncadd.s32 $0xFFFFD900;
	s31 =	sshrl.u32 @!p0 s0, $0x3;
	s0 =	rddreg [dreg:$0x6]  }
0x23: {  	[spmem:s31], [sflag:s7] =	dma.local @!p0 [hbm:s0], $0x100  }
0x24: {  	s0 =	simm.s32 @!p0 $0x5  }
0x25: {  	_ =	swait.ge @!p0 [sflag:s0], $0x100  }
0x26: {  	[sflag:s0] =	ssyncset.done @!p0 $0x0  }
0x27: {  	[sflag:s0] =	ssyncadd.s32 @!p0 $0xFFFFFF00  }
0x28: {  	[bflag:$0x0] =	sbarrier.arrive $0xFFFF  }
0x29: {  	s13 =	rddreg [dreg:$0xa]  }
0x2a: {  	[tilespmem:s3], [sflag:$0x1] =	stream.linear.gather [hbm4b:s13+s3], $0x80, $0x38;
	[tilespmem:$0x1B980] =	vst v63  }
0x2b: {  	s14 =	rddreg [dreg:$0xb]  }
0x2c: {  	[tilespmem:s22], [sflag:$0x1] =	stream.linear.gather [hbm4b:s14+s3], $0x4000, $0x38;
	[tilespmem:$0x1B980] =	vst v63  }
0x2d: {  	_ = 	snop  }
0x2e: {  	[tilespmem:s23], [sflag:$0x2] =	stream.linear.gather [hbm4b:s15+s3], $0x80, $0x38;
	[tilespmem:$0x1B980] =	vst v63  }
0x2f: {  	s24 =	simm.s32 $0x4100  }
0x30: {  	[tilespmem:s24], [sflag:$0x2] =	stream.linear.gather [hbm4b:s16+s3], $0x4000, $0x38;
	[tilespmem:$0x1B980] =	vst v63  }
0x31: {  	_ =	swait.ge [sflag:s25], $0x80  }
0x32: {  	[sflag:s25] =	ssyncset.done $0x0  }
0x33: {  	[sflag:s25] =	ssyncadd.s32 $0xFFFFFF80  }
0x34: {  	_ =	swait.ge [sflag:s25], $0x4000  }
0x35: {  	p1 =	sle.u32 s4, $0x2;
	[sflag:s25] =	ssyncset.done $0x0  }
0x36: {  	s0 =	simm.s32 @!p1 $0x3;
	[sflag:s25] =	ssyncadd.s32 $0xFFFFC000  }
0x37: {  	[spmem:s1] =	stream.indirect.scatter.add.f32 [tilespmem:s22], [sflag:$0x3], $0x80, s3, s23, $0xb8;
	[tilespmem:$0x1B980] =	vst v63  }
0x38: {  	_ =	swait.ge @!p1 [sflag:s0], $0x4000;
	p1 =	por p1, p1  }
0x39: {  	[sflag:s0] =	ssyncset.done @!p1 $0x0  }
0x3a: {  	p2 =	slt.u32 s4, $0x2;
	s24 =	simm.s32 @!p1 $0x0;
	[sflag:s0] =	ssyncadd.s32 @!p1 $0xFFFFC000  }
0x3b: {  	[tilespmem:s24], [sflag:$0x1] =	stream.linear.gather @!p1 [hbm4b:s18+s24], $0x80, $0x38;
	[tilespmem:$0x1B980] =	vst v63  }
0x3c: {  	s5 =	simm.s32 @!p1 $0x100;
	s0 =	simm.s32 @!p2 $0x2  }
0x3d: {  	[tilespmem:s5], [sflag:$0x1] =	stream.linear.gather @!p1 [hbm4b:s17+s24], $0x4000, $0x38;
	[tilespmem:$0x1B980] =	vst v63  }
0x3e: {  	_ =	swait.ge @!p2 [sflag:s0], $0x80  }
0x3f: {  	[sflag:s0] =	ssyncset.done @!p2 $0x0  }
0x40: {  	[sflag:s0] =	ssyncadd.s32 @!p2 $0xFFFFFF80  }
0x41: {  	_ =	swait.ge @!p2 [sflag:s0], $0x4000  }
0x42: {  	p3 =	sle.u32 s4, $0x3;
	s2 =	simm.s32 @!p2 $0x4100;
	[sflag:s0] =	ssyncset.done @!p2 $0x0  }
0x43: {  	s6 =	simm.s32 @!p3 $0x4;
	[sflag:s0] =	ssyncadd.s32 @!p2 $0xFFFFC000;
	s0 =	simm.s32 @!p2 $0x80  }
0x44: {  	[spmem:s1] =	stream.indirect.scatter.add.f32 @!p2 [tilespmem:s2], [sflag:$0x4], $0x80, s0, s0, $0xb8;
	[tilespmem:$0x1B980] =	vst v63  }
0x45: {  	_ =	swait.ge @!p3 [sflag:s6], $0x4000  }
0x46: {  	[sflag:s6] =	ssyncset.done @!p3 $0x0  }
0x47: {  	s0 =	simm.s32 @!p3 $0x0;
	s2 =	simm.s32 @!p3 $0x80;
	[sflag:s6] =	ssyncadd.s32 @!p3 $0xFFFFC000  }
0x48: {  	[tilespmem:s2], [sflag:$0x2] =	stream.linear.gather @!p3 [hbm4b:s20+s0], $0x80, $0x38;
	[tilespmem:$0x1B980] =	vst v63  }
0x49: {  	s12 =	simm.s32 @!p1 $0x1;
	s2 =	simm.s32 @!p3 $0x4100  }
0x4a: {  	[tilespmem:s2], [sflag:$0x2] =	stream.linear.gather @!p3 [hbm4b:s19+s0], $0x4000, $0x38;
	[tilespmem:$0x1B980] =	vst v63  }
0x4b: {  	s10 =	simm.s32 $0x7;
	_ =	swait.ge @!p1 [sflag:s12], $0x80  }
0x4c: {  	s8 =	sadd.s32 $0x20, s18;
	s11 =	simm.s32 $0x4;
	[sflag:s12] =	ssyncset.done @!p1 $0x0  }
0x4d: {  	s9 =	sadd.s32 $0x1000, s17;
	s6 =	simm.s32 $0x5;
	[sflag:s12] =	ssyncadd.s32 @!p1 $0xFFFFFF80  }
0x4e: {  	s0 =	sadd.s32 $0x20, s20;
	s2 =	sadd.s32 $0x1000, s19;
	_ =	swait.ge @!p1 [sflag:s12], $0x4000  }
.LBB2_2:
0x4f: {  	p3 =	sge.u32 s11, s4  }
0x50: {  	[sflag:s12] =	ssyncset.done @!p1 $0x0;
	s13 =	smov.u32 s10;
	s10 =	sadd.s32 $0x2, s10  }
0x51: {  	s14 =	simm.s32 @!p3 $0x3;
	[sflag:s12] =	ssyncadd.s32 @!p1 $0xFFFFC000;
	s12 =	simm.s32 @!p1 $0x80  }
0x52: {  	[spmem:s1] =	stream.indirect.scatter.add.f32 @!p1 [tilespmem:s5], [sflag:$0x3], $0x80, s24, s12, $0xb8;
	[tilespmem:$0x1B980] =	vst v63  }
0x53: {  	p2 =	sne.s32 s10, $0x2D;
	p1 =	por p3, p3;
	_ =	swait.ge @!p3 [sflag:s14], $0x4000  }
0x54: {  	[sflag:s14] =	ssyncset.done @!p1 $0x0  }
0x55: {  	s24 =	simm.s32 @!p1 $0x0;
	[sflag:s14] =	ssyncadd.s32 @!p1 $0xFFFFC000  }
0x56: {  	[tilespmem:s24], [sflag:$0x1] =	stream.linear.gather @!p1 [hbm4b:s8+s24], $0x80, $0x38;
	[tilespmem:$0x1B980] =	vst v63  }
0x57: {  	s5 =	simm.s32 @!p1 $0x100;
	p3 =	sgt.u32 s11, s4  }
0x58: {  	[tilespmem:s5], [sflag:$0x1] =	stream.linear.gather @!p1 [hbm4b:s9+s24], $0x4000, $0x38;
	[tilespmem:$0x1B980] =	vst v63  }
0x59: {  	s11 =	simm.s32 @!p3 $0x2  }
0x5a: {  	_ =	swait.ge @!p3 [sflag:s11], $0x80  }
0x5b: {  	[sflag:s11] =	ssyncset.done @!p3 $0x0  }
0x5c: {  	[sflag:s11] =	ssyncadd.s32 @!p3 $0xFFFFFF80  }
0x5d: {  	_ =	swait.ge @!p3 [sflag:s11], $0x4000  }
0x5e: {  	p4 =	sge.u32 s6, s4;
	s12 =	simm.s32 @!p3 $0x4100;
	[sflag:s11] =	ssyncset.done @!p3 $0x0  }
0x5f: {  	s6 =	simm.s32 @!p3 $0x80;
	[sflag:s11] =	ssyncadd.s32 @!p3 $0xFFFFC000;
	s11 =	simm.s32 @!p4 $0x4  }
0x60: {  	[spmem:s1] =	stream.indirect.scatter.add.f32 @!p3 [tilespmem:s12], [sflag:$0x4], $0x80, s6, s6, $0xb8;
	[tilespmem:$0x1B980] =	vst v63  }
0x61: {  	s6 =	smov.u32 s13;
	_ =	swait.ge @!p4 [sflag:s11], $0x4000  }
0x62: {  	[sflag:s11] =	ssyncset.done @!p4 $0x0  }
0x63: {  	s12 =	simm.s32 @!p4 $0x80;
	[sflag:s11] =	ssyncadd.s32 @!p4 $0xFFFFC000;
	s11 =	simm.s32 @!p4 $0x0  }
0x64: {  	[tilespmem:s12], [sflag:$0x2] =	stream.linear.gather @!p4 [hbm4b:s0+s11], $0x80, $0x38;
	[tilespmem:$0x1B980] =	vst v63  }
0x65: {  	s13 =	simm.s32 @!p4 $0x4100;
	s12 =	simm.s32 @!p1 $0x1  }
0x66: {  	[tilespmem:s13], [sflag:$0x2] =	stream.linear.gather @!p4 [hbm4b:s2+s11], $0x4000, $0x38;
	[tilespmem:$0x1B980] =	vst v63  }
.Ltmp0:
0x67: {  	_ = 	snop;
	(pc) =	sbr.rel @p2 .LBB2_2-.Ltmp0, $4  }
0x68: {  	_ =	swait.ge @!p1 [sflag:s12], $0x80  }
0x69: {  	s0 =	sadd.s32 $0x20, s0;
	[sflag:s12] =	ssyncset.done @!p1 $0x0  }
0x6a: {  	s8 =	sadd.s32 $0x20, s8;
	s2 =	sadd.s32 $0x1000, s2;
	[sflag:s12] =	ssyncadd.s32 @!p1 $0xFFFFFF80  }
0x6b: {  	s9 =	sadd.s32 $0x1000, s9;
	s11 =	sadd.s32 $0xFFFFFFFF, s6;
	_ =	swait.ge @!p1 [sflag:s12], $0x4000  }
0x6c: {  	p2 =	sge.u32 s11, s4;
	[sflag:s12] =	ssyncset.done @!p1 $0x0  }
0x6d: {  	s10 =	simm.s32 @!p2 $0x3;
	[sflag:s12] =	ssyncadd.s32 @!p1 $0xFFFFC000;
	s12 =	simm.s32 @!p1 $0x80  }
0x6e: {  	[spmem:s1] =	stream.indirect.scatter.add.f32 @!p1 [tilespmem:s5], [sflag:$0x3], $0x80, s24, s12, $0xb8;
	[tilespmem:$0x1B980] =	vst v63  }
0x6f: {  	p1 =	por p2, p2;
	_ =	swait.ge @!p2 [sflag:s10], $0x4000  }
0x70: {  	[sflag:s10] =	ssyncset.done @!p1 $0x0  }
0x71: {  	s5 =	simm.s32 @!p1 $0x0;
	[sflag:s10] =	ssyncadd.s32 @!p1 $0xFFFFC000  }
0x72: {  	[tilespmem:s5], [sflag:$0x1] =	stream.linear.gather @!p1 [hbm4b:s8+s5], $0x80, $0x38;
	[tilespmem:$0x1B980] =	vst v63  }
0x73: {  	p2 =	sgt.u32 s11, s4;
	s8 =	simm.s32 @!p1 $0x100  }
0x74: {  	[tilespmem:s8], [sflag:$0x1] =	stream.linear.gather @!p1 [hbm4b:s9+s5], $0x4000, $0x38;
	[tilespmem:$0x1B980] =	vst v63  }
0x75: {  	s9 =	simm.s32 @!p2 $0x2  }
0x76: {  	_ =	swait.ge @!p2 [sflag:s9], $0x80  }
0x77: {  	[sflag:s9] =	ssyncset.done @!p2 $0x0  }
0x78: {  	[sflag:s9] =	ssyncadd.s32 @!p2 $0xFFFFFF80  }
0x79: {  	_ =	swait.ge @!p2 [sflag:s9], $0x4000  }
0x7a: {  	p3 =	sge.u32 s6, s4;
	s6 =	simm.s32 @!p2 $0x80;
	[sflag:s9] =	ssyncset.done @!p2 $0x0  }
0x7b: {  	s10 =	simm.s32 @!p2 $0x4100;
	[sflag:s9] =	ssyncadd.s32 @!p2 $0xFFFFC000;
	s9 =	simm.s32 @!p3 $0x4  }
0x7c: {  	[spmem:s1] =	stream.indirect.scatter.add.f32 @!p2 [tilespmem:s10], [sflag:$0x4], $0x80, s6, s6, $0xb8;
	[tilespmem:$0x1B980] =	vst v63  }
0x7d: {  	_ =	swait.ge @!p3 [sflag:s9], $0x4000  }
0x7e: {  	[sflag:s9] =	ssyncset.done @!p3 $0x0  }
0x7f: {  	s6 =	simm.s32 @!p3 $0x0;
	[sflag:s9] =	ssyncadd.s32 @!p3 $0xFFFFC000;
	s9 =	simm.s32 @!p3 $0x80  }
0x80: {  	[tilespmem:s9], [sflag:$0x2] =	stream.linear.gather @!p3 [hbm4b:s0+s6], $0x80, $0x38;
	[tilespmem:$0x1B980] =	vst v63  }
0x81: {  	s0 =	simm.s32 @!p3 $0x4100;
	s9 =	simm.s32 @!p1 $0x1  }
0x82: {  	[tilespmem:s0], [sflag:$0x2] =	stream.linear.gather @!p3 [hbm4b:s2+s6], $0x4000, $0x38;
	[tilespmem:$0x1B980] =	vst v63  }
0x83: {  	_ =	swait.ge @!p1 [sflag:s9], $0x80  }
0x84: {  	[sflag:s9] =	ssyncset.done @!p1 $0x0  }
0x85: {  	[sflag:s9] =	ssyncadd.s32 @!p1 $0xFFFFFF80  }
0x86: {  	_ =	swait.ge @!p1 [sflag:s9], $0x4000  }
0x87: {  	[sflag:s9] =	ssyncset.done @!p1 $0x0  }
0x88: {  	s0 =	simm.s32 @!p1 $0x80;
	[sflag:s9] =	ssyncadd.s32 @!p1 $0xFFFFC000  }
0x89: {  	[spmem:s1] =	stream.indirect.scatter.add.f32 @!p1 [tilespmem:s8], [sflag:$0x3], $0x80, s5, s0, $0xb8;
	[tilespmem:$0x1B980] =	vst v63  }
0x8a: {  	_ =	swait.ge [sflag:s26], $0x4000  }
0x8b: {  	[sflag:s26] =	ssyncset.done $0x0  }
0x8c: {  	[sflag:s26] =	ssyncadd.s32 $0xFFFFC000  }
0x8d: {  	_ =	swait.ge [sflag:s28], $0x4000  }
0x8e: {  	[sflag:s28] =	ssyncset.done $0x0  }
0x8f: {  	[sflag:s28] =	ssyncadd.s32 $0xFFFFC000  }
0x90: {  	[bflag:$0x0] =	sbarrier.arrive $0xFFFF  }
0x91: {  	s24 =	rddreg [dreg:$0x7]  }
0x92: {  	[hbm:s24], [sflag:s7] =	dma.local [spmem:s30], $0x2700  }
0x93: {  	_ =	swait.ge [sflag:s21], $0x2700  }
0x94: {  	[sflag:s21] =	ssyncset.done $0x0  }
0x95: {  	s0 =	rddreg [dreg:$0x8];
	[sflag:s21] =	ssyncadd.s32 $0xFFFFD900  }
0x96: {  	[hbm:s0], [sflag:s7] =	dma.local @!p0 [spmem:s31], $0x100  }
0x97: {  	s0 =	simm.s32 @!p0 $0x5  }
0x98: {  	_ =	swait.ge @!p0 [sflag:s0], $0x100  }
0x99: {  	s29 =	sadd.s32 $0x1, s29;
	s31 =	rddreg [dreg:$0x9]  }
0x9a: {  	p1 =	sne.s32 s29, s31  }
.Ltmp1:
0x9b: {  	_ = 	snop;
	(pc) =	sbr.rel @p1 .LBB2_1-.Ltmp1, $3  }
0x9c: {  	_ =	sdelay $0x1  }
0x9d: {  	[sflag:s0] =	ssyncset.done @!p0 $0x0  }
0x9e: {  	[sflag:s0] =	ssyncadd.s32 @!p0 $0xFFFFFF00  }
0x9f: {  	_ =	sfence.sel $0x180000  }
0xa0: {  	[bflag:$0x0] =	sbarrier.arrive $0xFFFF  }
0xa1: {  	_ =	strace $0x9000004D  }
0xa2: {  	s0 =	stileid.u32;
	[bflag:$0x2] =	sbarrier.arrive $0xFFFF  }
0xa3: {  	p0 =	sne.s32 s0, $0x0;
	s0 =	rddreg [dreg:$0x2]  }
0xa4: {  	s0 =	sadd.s32 @!p0 $0x100000, s0  }
0xa5: {  	[sflag:s0] =	ssyncadd.tile.s32 @!p0 $0x1;
	_ =	shalt  }
.Lfunc_end2:
_tile_overlayer_lowered:
.L_overlay_start_2:
0xa6: {  	(tag) =	ssettag $0x2  }
0xa7: {  	s0 =	rddreg [dreg:$0x0];
	s2 =	stileid.u32  }
0xa8: {  	s1 =	rddreg [dreg:$0x1];
	p0 =	sne.s32 s2, $0x0  }
0xa9: {  	s3 =	rddreg [dreg:$0x2];
	[bflag:$0x3] =	sbarrier.arrive $0xFFFF;
	s2 =	simm.s32 @!p0 $0x1C05  }
0xaa: {  	[timem:s3], [sflag:s2] =	dma.local @!p0 [hbm:s0], s1  }
0xab: {  	s0 =	simm.s32 @!p0 $0x5  }
0xac: {  	_ =	swait.ge @!p0 [sflag:s0], s1  }
0xad: {  	s1 =	ssub.s32 @!p0 $0x0, s1;
	[sflag:s0] =	ssyncset.done @!p0 $0x0  }
0xae: {  	[sflag:s0] =	ssyncadd.s32 @!p0 s1  }
0xaf: {  	[bflag:$0x3] =	sbarrier.arrive $0xFFFF  }
0xb0: {  	_ =	shalt  }

// kernel: kernel.19.cloned.1.call-start
scs
__scs_entry_jumppad:
0x0: {  	(pc) =	sbr.rel $0x88, $3  }
0x1: {  	(tag) =	ssettag $0x0;
	lr =	simm.s32 $0x1  }
0x2: {  	[smem:$0x3F92] =	sst lr;
	_ =	strace $0xD0000000  }
0x3: {  	_ = 	snop  }
0x4: {  	_ = 	snop  }
0x5: {  	_ = 	snop  }
0x6: {  	_ = 	snop  }
0x7: {  	_ = 	snop  }
__scs_overlays_trampoline_lowered:
0x8: {  	[smem:$0x3FA1] =	sst s0  }
0x9: {  	[smem:$0x3FA2] =	sst s1  }
0xa: {  	[smem:$0x3FA3] =	sst s2  }
0xb: {  	[smem:$0x3FA4] =	sst s3  }
0xc: {  	[smem:$0x3FA5] =	sst s4  }
0xd: {  	[smem:$0x3FA6] =	sst s5  }
0xe: {  	[smem:$0x3FA7] =	sst s6  }
0xf: {  	[smem:$0x3FA8] =	sst s7  }
0x10: {  	[smem:$0x3FA9] =	sst s8  }
0x11: {  	[smem:$0x3FAA] =	sst s9;
	s0 =	simm.s32 @!p0 $0x0  }
0x12: {  	s1 =	sld [smem:$0x3F90];
	s0 =	simm.s32 @p0 $0x1  }
0x13: {  	[smem:$0x3FAB] =	sst s0;
	s0 =	simm.s32 @!p1 $0x0  }
0x14: {  	s2 =	sld [smem:$0x3F8F];
	s0 =	simm.s32 @p1 $0x1  }
0x15: {  	[smem:$0x3FAC] =	sst s0;
	s0 =	simm.s32 @!p2 $0x0  }
0x16: {  	s3 =	sld [smem:$0x3FDB];
	s0 =	simm.s32 @p2 $0x1  }
0x17: {  	s4 =	simm.s32 $0x1BF5;
	[smem:$0x3FAE] =	sst s0  }
0x18: {  	s0 =	sld [smem:$0x3F91];
	_ =	swait.ge [sflag:s4], $0x0  }
0x19: {  	s7 =	sld [smem:$0x3F92]  }
0x1a: {  	s8 =	sadd.s32 $0xFFFFE003, lr  }
0x1b: {  	s9 =	sadd.s32 $0xFFFFFEF7, lr;
	s5 =	simm.s32 $0xFFFFFFFF;
	p2 =	slt.u32 s8, $0xFFFFF086  }
0x1c: {  	p1 =	slt.u32 s9, $0xF7A;
	s5 =	simm.s32 @!p2 $0x0  }
0x1d: {  	s5 =	simm.s32 @p1 $0x1;
	p0 =	seq.s32 s7, s2  }
0x1e: {  	s7 =	smul.u32 @!p0 $0xF7A, s2;
	p2 =	seq.s32 @!p0 s5, $0x0  }
0x1f: {  	s9 =	smul.u32 $0xF7A, s1;
	s8 =	simm.s32 @!p0 $0x1BF5;
	p2 =	por !p2, p0  }
0x20: {  	[sflag:s8] =	ssyncset.s32 @!p0 $0xFFFFF086;
	s6 =	sadd.s32 @!p0 s3, s7;
	s7 =	simm.s32 @!p0 $0x108  }
0x21: {  	s3 =	sadd.s32 s3, s9;
	s6 =	sadd.s32 @!p0 $0x88, s6;
	s7 =	simm.s32 @p2 $0x1082  }
0x22: {  	[simem:s7], [sflag:s8] =	dma.local @!p0 [hbm:s6], $0xF7A  }
0x23: {  	s9 =	sor.u32 $0xD0000000, s2;
	s6 =	simm.s32 $0x108;
	_ =	swait.ge @!p0 [sflag:s8], $0x0  }
0x24: {  	s3 =	sadd.s32 $0x88, s3;
	s6 =	simm.s32 @!p1 $0x1082;
	[sflag:s4] =	ssyncset.s32 $0xFFFFF086  }
0x25: {  	[simem:s6], [sflag:s4] =	dma.local [hbm:s3], $0xF7A  }
0x26: {  	[smem:$0x3F92] =	sst s1;
	(tag) =	ssettag s2;
	_ =	strace s9  }
0x27: {  	s1 =	sld [smem:$0x3FA2]  }
0x28: {  	s2 =	sld [smem:$0x3FA3]  }
0x29: {  	s4 =	sld [smem:$0x3FA5]  }
0x2a: {  	p0 =	seq.s32 s5, $0x0;
	s5 =	sld [smem:$0x3FA6]  }
0x2b: {  	s6 =	sld [smem:$0x3FA7]  }
0x2c: {  	s7 =	sld [smem:$0x3FA8]  }
0x2d: {  	s3 =	simm.s32 $0x108;
	s8 =	sld [smem:$0x3FA9]  }
0x2e: {  	s3 =	simm.s32 @!p0 $0x1082;
	s9 =	sld [smem:$0x3FAA]  }
0x2f: {  	lr =	sadd.s32 s0, s3;
	s0 =	sld [smem:$0x3FA1]  }
0x30: {  	s3 =	sld [smem:$0x3FA4]  }
0x31: {  	[smem:$0x3FAD] =	sst s10  }
0x32: {  	s10 =	sld [smem:$0x3FAB];
	_ =	sdelay $0x3  }
0x33: {  	p0 =	seq.s32 s10, $0x1;
	s10 =	sld [smem:$0x3FAD];
	_ =	sdelay $0x3  }
0x34: {  	[smem:$0x3FAD] =	sst s10  }
0x35: {  	s10 =	sld [smem:$0x3FAC];
	_ =	sdelay $0x3  }
0x36: {  	p1 =	seq.s32 s10, $0x1;
	s10 =	sld [smem:$0x3FAD];
	_ =	sdelay $0x3  }
0x37: {  	[smem:$0x3FAD] =	sst s10  }
0x38: {  	s10 =	sld [smem:$0x3FAE]  }
0x39: {  	_ = 	snop;
	(pc) =	sbr.ind lr, $3  }
0x3a: {  	_ = 	snop  }
0x3b: {  	_ = 	snop  }
0x3c: {  	p2 =	seq.s32 s10, $0x1;
	s10 =	sld [smem:$0x3FAD]  }
0x3d: {  	_ =	shalt  }
0x3e: {  	_ =	shalt  }
0x3f: {  	_ =	shalt  }
0x40: {  	_ =	shalt  }
0x41: {  	_ =	shalt  }
0x42: {  	_ =	shalt  }
0x43: {  	_ =	shalt  }
0x44: {  	_ =	shalt  }
0x45: {  	_ =	shalt  }
0x46: {  	_ =	shalt  }
0x47: {  	_ =	shalt  }
0x48: {  	_ =	shalt  }
0x49: {  	_ =	shalt  }
0x4a: {  	_ =	shalt  }
0x4b: {  	_ =	shalt  }
0x4c: {  	_ =	shalt  }
0x4d: {  	_ =	shalt  }
0x4e: {  	_ =	shalt  }
0x4f: {  	_ =	shalt  }
0x50: {  	_ =	shalt  }
0x51: {  	_ =	shalt  }
0x52: {  	_ =	shalt  }
0x53: {  	_ =	shalt  }
0x54: {  	_ =	shalt  }
0x55: {  	_ =	shalt  }
0x56: {  	_ =	shalt  }
0x57: {  	_ =	shalt  }
0x58: {  	_ =	shalt  }
0x59: {  	_ =	shalt  }
0x5a: {  	_ =	shalt  }
0x5b: {  	_ =	shalt  }
0x5c: {  	_ =	shalt  }
0x5d: {  	_ =	shalt  }
0x5e: {  	_ =	shalt  }
0x5f: {  	_ =	shalt  }
0x60: {  	_ =	shalt  }
0x61: {  	_ =	shalt  }
0x62: {  	_ =	shalt  }
0x63: {  	_ =	shalt  }
0x64: {  	_ =	shalt  }
0x65: {  	_ =	shalt  }
0x66: {  	_ =	shalt  }
0x67: {  	_ =	shalt  }
0x68: {  	_ =	shalt  }
0x69: {  	_ =	shalt  }
0x6a: {  	_ =	shalt  }
0x6b: {  	_ =	shalt  }
0x6c: {  	_ =	shalt  }
0x6d: {  	_ =	shalt  }
0x6e: {  	_ =	shalt  }
0x6f: {  	_ =	shalt  }
0x70: {  	_ =	shalt  }
0x71: {  	_ =	shalt  }
0x72: {  	_ =	shalt  }
0x73: {  	_ =	shalt  }
0x74: {  	_ =	shalt  }
0x75: {  	_ =	shalt  }
0x76: {  	_ =	shalt  }
0x77: {  	_ =	shalt  }
0x78: {  	_ =	shalt  }
0x79: {  	_ =	shalt  }
0x7a: {  	_ =	shalt  }
0x7b: {  	_ =	shalt  }
0x7c: {  	_ =	shalt  }
0x7d: {  	_ =	shalt  }
0x7e: {  	_ =	shalt  }
0x7f: {  	_ =	shalt  }
0x80: {  	_ =	shalt  }
0x81: {  	_ =	shalt  }
0x82: {  	_ =	shalt  }
0x83: {  	_ =	shalt  }
0x84: {  	_ =	shalt  }
0x85: {  	_ =	shalt  }
0x86: {  	_ =	shalt  }
0x87: {  	_ =	shalt  }
.Lfunc_end0:
.L_simem_size_0:
called_computation.3_lowered:
.L_overlay_start_0:
0x88: {  	s2 =	sld [smem:$0x3FD9]  }
0x89: {  	s3 =	sld [smem:$0x3FFE];
	_ =	sdelay $0x1  }
0x8a: {  	s1 =	srdreg.scid  }
0x8b: {  	s0 =	sand.u32 $0x1, s1  }
0x8c: {  	s16 =	sshll.u32 s0, $0xA;
	s2 =	sadd.s32 s3, s2  }
0x8d: {  	s2 =	sadd.s32 s2, s16  }
0x8e: {  	[smem:$0x3FB9] =	sst s2  }
0x8f: {  	_ = 	snop  }
0x90: {  	(tm) =	ssettm $0x1  }
0x91: {  	s17 =	sld [smem:$0x3FFB];
	_ =	sdelay $0x3  }
0x92: {  	_ =	strace s17  }
0x93: {  	s2 =	sld [smem:$0x3FFC];
	_ =	sdelay $0x3  }
0x94: {  	_ =	strace s2  }
0x95: {  	s2 =	sld [smem:$0x3FFD];
	_ =	sdelay $0x3  }
0x96: {  	_ =	strace s2  }
0x97: {  	_ =	strace $0x8FFFFFFF  }
0x98: {  	s18 =	sld [smem:$0x3FDB];
	_ =	sdelay $0x1  }
0x99: {  	s19 =	simm.s32 $_scs_section_size  }
0x9a: {  	s4 =	simm.s32 $_size__tile_overlayer_lowered;
	s5 =	simm.s32 $_tile_overlayer_lowered  }
0x9b: {  	s22 =	simm.s32 $0x1BFF;
	s21 =	sshll.u32 s5, $0x1;
	s2 =	sadd.s32 s19, s18  }
0x9c: {  	s6 =	simm.s32 $0x0;
	s20 =	sshll.u32 s4, $0x1;
	s4 =	sadd.s32 s21, s2  }
0x9d: {  	[timem:s6], [sflag:s22] =	dma.local [hbm:s4], s20  }
0x9e: {  	_ =	swait.ge [sflag:s22], s20  }
0x9f: {  	s3 =	ssub.s32 $0x0, s20;
	[sflag:s22] =	ssyncset.done $0x0  }
0xa0: {  	[sflag:s22] =	ssyncadd.s32 s3;
	_ =	sdelay $0x1  }
0xa1: {  	s23 =	simm.s32 $0x1B8B  }
0xa2: {  	_ =	swait.ge [sflag:s23], $0x1  }
0xa3: {  	[sflag:s23] =	ssyncset.done $0x0  }
0xa4: {  	s25 =	simm.s32 $0x1B8E;
	s24 =	sld [smem:$0x3FFE];
	[sflag:s23] =	ssyncadd.s32 $0xFFFFFFFF  }
0xa5: {  	s26 =	simm.s32 $execute0_lowered;
	[smem:$0x3FD2] =	sst s25  }
0xa6: {  	s4 =	sshll.u32 s26, $0x1;
	_ =	strace $0x8000004F;
	[dreg:$0x1] =	wrdreg $0xFFFFFFFF  }
0xa7: {  	s28 =	simm.s32 $_size_execute0_lowered;
	s2 =	sadd.s32 s2, s4;
	[dreg:$0x0] =	wrdreg $0x0  }
0xa8: {  	s4 =	sshll.u32 s28, $0x1;
	[dreg:$0x2] =	wrdreg s2  }
0xa9: {  	[dreg:$0x3] =	wrdreg s4  }
0xaa: {  	[dreg:$0x4] =	wrdreg $0xC0  }
0xab: {  	_ =	task [dreg:s6], $0x5FFFF  }
0xac: {  	[dreg:$0x1] =	wrdreg $0xFFFFFFFF  }
0xad: {  	[dreg:$0x0] =	wrdreg $0x60  }
0xae: {  	[dreg:$0x2] =	wrdreg s24  }
0xaf: {  	[dreg:$0x3] =	wrdreg $0x81000  }
0xb0: {  	[dreg:$0x4] =	wrdreg $0x9  }
0xb1: {  	_ =	task.clear_ibuf [dreg:s6], $0x5FFFF;
	_ =	strace $0x9000004F  }
0xb2: {  	s29 =	simm.s32 $0x9;
	_ =	strace $0x80000051  }
0xb3: {  	_ =	swait.ge [sflag:s29], $0x1  }
0xb4: {  	[sflag:s29] =	ssyncadd.s32 $0xFFFFFFFF  }
0xb5: {  	_ =	strace $0x90000051  }
0xb6: {  	_ =	sfence  }
0xb7: {  	s30 =	sld [smem:$0x0];
	_ =	sdelay $0x2  }
0xb8: {  	s31 =	sshll.u32 s1, $0xD;
	s1 =	sshrl.u32 s1, $0x2  }
0xb9: {  	s3 =	sand.u32 $0x4000, s31;
	s1 =	sadd.s32 s1, s30  }
0xba: {  	s0 =	sor.u32 s3, s0;
	s1 =	sshll.u32 s1, $0x11  }
0xbb: {  	s0 =	sor.u32 s1, s0  }
0xbc: {  	s0 =	sadd.s32 $0x8F2B, s0  }
0xbd: {  	[sflag:s0] =	ssyncadd.remote.s32 $0x1  }
0xbe: {  	_ =	sfence.sel $0xFFFF  }
0xbf: {  	[dreg:$0x0] =	wrdreg $0xFFFFFFFF;
	(pc) =	sbr.abs _section_cstart, $3  }
0xc0: {  	[dreg:$0x1] =	wrdreg $0xFFFFFFFF  }
0xc1: {  	_ =	task.clear_ibuf [dreg:s6], $0x2FFFF;
	_ =	strace $0x9FFFFFFF  }
0xc2: {  	(tm) =	ssettm $0x7FFFFFFF  }
0xc3: {  	_ =	shalt  }
tec
execute0_lowered:
.L_overlay_start_1:
0x0: {  	(tag) =	ssettag $0x1  }
0x1: {  	s1 =	srdreg.scid  }
0x2: {  	s0 =	stileid.u32;
	s4 =	rddreg [dreg:$0x0];
	s16 =	simm.s32 $0x5  }
0x3: {  	s18 =	simm.s32 $0x3;
	s19 =	simm.s32 $0x4;
	s23 =	smul.u32 $0x4E, s0  }
0x4: {  	s5 =	sand.u32 $0x1, s1;
	s2 =	sshll.u32 s0, $0x1;
	s8 =	smul.u32 $0x4E000, s0  }
0x5: {  	s24 =	sadd.s32 $0x65400, s4;
	s9 =	sadd.s32 $0x17000, s4;
	s28 =	smul.u32 $0x270, s0  }
0x6: {  	p0 =	seq.s32 s0, $0x0;
	s30 =	sshll.u32 s0, $0x6;
	s3 =	smul.u32 $0x27, s5  }
0x7: {  	s6 =	sor.u32 s5, s2;
	s2 =	rddreg [dreg:$0x1];
	s10 =	smul.u32 $0x2710, s5  }
0x8: {  	s25 =	ssub.s32 $0x2, s5;
	s5 =	smul.u32 $0x138800, s5;
	s6 =	smin.u32 s6, $0x2  }
0x9: {  	s26 =	sshrl.u32 s25, $0x1;
	s8 =	sshrl.u32 s8, $0x2;
	s17 =	sadd.s32 $0x138000, s2  }
0xa: {  	s7 =	sadd.s32 s3, s23;
	s3 =	simm.s32 $0x0;
	s11 =	ssub.s32 s25, s26  }
0xb: {  	s15 =	sadd.s32 s8, s2;
	s31 =	sshrl.u32 s5, $0x3;
	s6 =	sadd.s32 s6, s7  }
0xc: {  	[smem:$0x7FF] =	sst s3;
	s15 =	sshrl.u32 s15, $0x3;
	s7 =	sshll.u32 s6, $0x4  }
0xd: {  	s6 =	sshll.u32 s6, $0xB;
	_ =	strace $0x80000050;
	s13 =	sadd.s32 s7, s4  }
0xe: {  	s14 =	sadd.s32 s6, s4;
	s4 =	simm.s32 $0x28;
	s6 =	sadd.s32 s28, s10  }
0xf: {  	s10 =	sadd.s32 $0x27000, s31;
	s4 =	simm.s32 @!p0 $0x27;
	s29 =	sshll.u32 s6, $0x4  }
0x10: {  	s6 =	sor.u32 $0x1C05, s30;
	s7 =	sadd.s32 s24, s10;
	s12 =	sadd.s32 $0x12020, s13  }
0x11: {  	s13 =	sadd.s32 $0x12030, s13;
	p0 =	sne.s32 s0, $0xF;
	s5 =	sadd.s32 s24, s29  }
0x12: {  	s8 =	sadd.s32 s9, s29;
	s9 =	sadd.s32 s9, s10;
	s10 =	smax.u32 s11, $0x1  }
0x13: {  	s11 =	sadd.s32 $0xC73200, s14;
	s14 =	sadd.s32 $0xC73A00, s14;
	s17 =	sshrl.u32 @!p0 s17, $0x3  }
.LBB2_1:
0x14: {  	[spmem:s15], [sflag:s6] =	dma.local [hbm:s5], $0x2700  }
0x15: {  	_ =	swait.ge [sflag:s16], $0x2700  }
0x16: {  	[sflag:s16] =	ssyncset.done $0x0  }
0x17: {  	s20 =	simm.s32 @!p0 $0x5;
	[sflag:s16] =	ssyncadd.s32 $0xFFFFD900  }
0x18: {  	[spmem:s17], [sflag:s6] =	dma.local @!p0 [hbm:s7], $0x100  }
0x19: {  	p1 =	sle.u32 s4, $0x0;
	_ =	swait.ge @!p0 [sflag:s20], $0x100  }
0x1a: {  	p2 =	por @!p1 $0x1, $0x1;
	[sflag:s20] =	ssyncset.done @!p0 $0x0  }
0x1b: {  	p2 =	por p2, p1;
	[sflag:s20] =	ssyncadd.s32 @!p0 $0xFFFFFF00  }
0x1c: {  	s20 =	simm.s32 @!p2 $0x3;
	[bflag:$0x0] =	sbarrier.arrive $0xFFFF  }
0x1d: {  	p3 =	por $0x1, $0x1;
	_ =	swait.ge @!p2 [sflag:s20], $0x4000  }
0x1e: {  	p4 =	slt.u32 @!p3 s4, $0x0;
	p1 =	por p1, p1;
	[sflag:s20] =	ssyncset.done @!p2 $0x0  }
0x1f: {  	p3 =	por p4, p3;
	s23 =	simm.s32 @!p1 $0x0;
	[sflag:s20] =	ssyncadd.s32 @!p2 $0xFFFFC000  }
0x20: {  	[tilespmem:s23], [sflag:$0x1] =	stream.linear.gather @!p1 [hbm4b:s12+s23], $0x80, $0x38;
	[tilespmem:$0x1B980] =	vst v63  }
0x21: {  	s24 =	simm.s32 @!p1 $0x100;
	s20 =	simm.s32 @!p3 $0x2  }
0x22: {  	[tilespmem:s24], [sflag:$0x1] =	stream.linear.gather @!p1 [hbm4b:s11+s23], $0x4000, $0x38;
	[tilespmem:$0x1B980] =	vst v63  }
0x23: {  	_ =	swait.ge @!p3 [sflag:s20], $0x80  }
0x24: {  	[sflag:s20] =	ssyncset.done @!p3 $0x0  }
0x25: {  	p2 =	sle.u32 s4, $0x1;
	[sflag:s20] =	ssyncadd.s32 @!p3 $0xFFFFFF80  }
0x26: {  	p4 =	por @!p2 $0x1, $0x1;
	_ =	swait.ge @!p3 [sflag:s20], $0x4000  }
0x27: {  	s21 =	simm.s32 @!p3 $0x80;
	p4 =	por p4, p2;
	[sflag:s20] =	ssyncset.done @!p3 $0x0  }
0x28: {  	s25 =	simm.s32 @!p4 $0x4;
	[sflag:s20] =	ssyncadd.s32 @!p3 $0xFFFFC000;
	s20 =	simm.s32 @!p3 $0x4100  }
0x29: {  	[spmem:s2] =	stream.indirect.scatter.add.f32 @!p3 [tilespmem:s20], [sflag:$0x4], $0x80, s21, s21, $0xb8;
	[tilespmem:$0x1B980] =	vst v63  }
0x2a: {  	s22 =	simm.s32 $0x3;
	_ =	swait.ge @!p4 [sflag:s25], $0x4000  }
0x2b: {  	s26 =	simm.s32 $0x5;
	p5 =	sle.u32 s4, $0x2;
	[sflag:s25] =	ssyncset.done @!p4 $0x0  }
0x2c: {  	s21 =	simm.s32 @!p2 $0x0;
	s20 =	simm.s32 @!p2 $0x80;
	[sflag:s25] =	ssyncadd.s32 @!p4 $0xFFFFC000  }
0x2d: {  	[tilespmem:s20], [sflag:$0x2] =	stream.linear.gather @!p2 [hbm4b:s13+s21], $0x80, $0x38;
	[tilespmem:$0x1B980] =	vst v63  }
0x2e: {  	p6 =	por @!p5 $0x0, $0x0;
	s30 =	simm.s32 @!p1 $0x1;
	s28 =	simm.s32 @!p2 $0x4100  }
0x2f: {  	[tilespmem:s28], [sflag:$0x2] =	stream.linear.gather @!p2 [hbm4b:s14+s21], $0x4000, $0x38;
	[tilespmem:$0x1B980] =	vst v63  }
0x30: {  	p3 =	por $0x0, $0x0;
	s25 =	sadd.s32 $0x1000, s11;
	_ =	swait.ge @!p1 [sflag:s30], $0x80  }
0x31: {  	p4 =	slt.u32 @!p3 s4, $0x2;
	s20 =	sadd.s32 $0x1000, s14;
	[sflag:s30] =	ssyncset.done @!p1 $0x0  }
0x32: {  	s21 =	sadd.s32 $0x20, s13;
	s28 =	sadd.s32 $0x20, s12;
	[sflag:s30] =	ssyncadd.s32 @!p1 $0xFFFFFF80  }
.LBB2_2:
0x33: {  	p6 =	por p6, p5;
	_ =	swait.ge @!p1 [sflag:s30], $0x4000  }
0x34: {  	s31 =	smov.u32 s26;
	s26 =	sadd.s32 $0x2, s26;
	s29 =	smov.u32 s20  }
0x35: {  	s0 =	simm.s32 @!p1 $0x80;
	s1 =	simm.s32 @!p6 $0x3;
	[sflag:s30] =	ssyncset.done @!p1 $0x0  }
0x36: {  	p2 =	sne.s32 s26, $0x2D;
	[sflag:s30] =	ssyncadd.s32 @!p1 $0xFFFFC000  }
0x37: {  	[spmem:s2] =	stream.indirect.scatter.add.f32 @!p1 [tilespmem:s24], [sflag:$0x3], $0x80, s23, s0, $0xb8;
	[tilespmem:$0x1B980] =	vst v63  }
0x38: {  	p1 =	por p5, p5;
	_ =	swait.ge @!p6 [sflag:s1], $0x4000  }
0x39: {  	s23 =	simm.s32 @!p1 $0x0;
	[sflag:s1] =	ssyncset.done @!p6 $0x0  }
0x3a: {  	[sflag:s1] =	ssyncadd.s32 @!p6 $0xFFFFC000  }
0x3b: {  	[tilespmem:s23], [sflag:$0x1] =	stream.linear.gather @!p1 [hbm4b:s28+s23], $0x80, $0x38;
	[tilespmem:$0x1B980] =	vst v63  }
0x3c: {  	p4 =	por p4, p3;
	s24 =	simm.s32 @!p1 $0x100  }
0x3d: {  	[tilespmem:s24], [sflag:$0x1] =	stream.linear.gather @!p1 [hbm4b:s25+s23], $0x4000, $0x38;
	[tilespmem:$0x1B980] =	vst v63  }
0x3e: {  	s0 =	simm.s32 @!p4 $0x2  }
0x3f: {  	_ =	swait.ge @!p4 [sflag:s0], $0x80  }
0x40: {  	[sflag:s0] =	ssyncset.done @!p4 $0x0  }
0x41: {  	p3 =	sge.u32 s22, s4;
	[sflag:s0] =	ssyncadd.s32 @!p4 $0xFFFFFF80  }
0x42: {  	p5 =	seq.s32 @!p3 s22, $0x1;
	s22 =	smov.u32 s31;
	_ =	swait.ge @!p4 [sflag:s0], $0x4000  }
0x43: {  	p5 =	por p5, p3;
	s1 =	simm.s32 @!p4 $0x80;
	[sflag:s0] =	ssyncset.done @!p4 $0x0  }
0x44: {  	s30 =	simm.s32 @!p5 $0x4;
	[sflag:s0] =	ssyncadd.s32 @!p4 $0xFFFFC000;
	s0 =	simm.s32 @!p4 $0x4100  }
0x45: {  	[spmem:s2] =	stream.indirect.scatter.add.f32 @!p4 [tilespmem:s0], [sflag:$0x4], $0x80, s1, s1, $0xb8;
	[tilespmem:$0x1B980] =	vst v63  }
0x46: {  	s20 =	sadd.s32 $0x1000, s20;
	_ =	swait.ge @!p5 [sflag:s30], $0x4000  }
0x47: {  	s0 =	simm.s32 @!p3 $0x0;
	s1 =	simm.s32 @!p3 $0x80;
	[sflag:s30] =	ssyncset.done @!p5 $0x0  }
0x48: {  	s31 =	simm.s32 @!p3 $0x4100;
	s25 =	sadd.s32 $0x1000, s25;
	[sflag:s30] =	ssyncadd.s32 @!p5 $0xFFFFC000  }
0x49: {  	[tilespmem:s1], [sflag:$0x2] =	stream.linear.gather @!p3 [hbm4b:s21+s0], $0x80, $0x38;
	[tilespmem:$0x1B980] =	vst v63  }
.Ltmp0:
0x4a: {  	s30 =	simm.s32 @!p1 $0x1;
	s21 =	sadd.s32 $0x20, s21;
	(pc) =	sbr.rel @p2 .LBB2_2-.Ltmp0, $4  }
0x4b: {  	[tilespmem:s31], [sflag:$0x2] =	stream.linear.gather @!p3 [hbm4b:s29+s0], $0x4000, $0x38;
	[tilespmem:$0x1B980] =	vst v63  }
0x4c: {  	s0 =	sadd.s32 $0xFFFFFFFF, s22;
	p3 =	seq.s32 s22, $0x1;
	_ =	swait.ge @!p1 [sflag:s30], $0x80  }
0x4d: {  	p5 =	sge.u32 s0, s4;
	p4 =	sgt.u32 @!p3 s0, s4;
	[sflag:s30] =	ssyncset.done @!p1 $0x0  }
0x4e: {  	s28 =	sadd.s32 $0x20, s28;
	p6 =	seq.s32 @!p5 s22, $0x1;
	[sflag:s30] =	ssyncadd.s32 @!p1 $0xFFFFFF80  }
0x4f: {  	_ =	swait.ge @!p1 [sflag:s30], $0x4000  }
0x50: {  	p2 =	por p6, p5;
	[sflag:s30] =	ssyncset.done @!p1 $0x0  }
0x51: {  	s1 =	simm.s32 @!p1 $0x80;
	s0 =	simm.s32 @!p2 $0x3;
	[sflag:s30] =	ssyncadd.s32 @!p1 $0xFFFFC000  }
0x52: {  	[spmem:s2] =	stream.indirect.scatter.add.f32 @!p1 [tilespmem:s24], [sflag:$0x3], $0x80, s23, s1, $0xb8;
	[tilespmem:$0x1B980] =	vst v63  }
0x53: {  	_ =	swait.ge @!p2 [sflag:s0], $0x4000  }
0x54: {  	p1 =	por p5, p5;
	[sflag:s0] =	ssyncset.done @!p2 $0x0  }
0x55: {  	p3 =	por p4, p3;
	s1 =	simm.s32 @!p1 $0x0;
	[sflag:s0] =	ssyncadd.s32 @!p2 $0xFFFFC000  }
0x56: {  	[tilespmem:s1], [sflag:$0x1] =	stream.linear.gather @!p1 [hbm4b:s28+s1], $0x80, $0x38;
	[tilespmem:$0x1B980] =	vst v63  }
0x57: {  	s23 =	simm.s32 @!p3 $0x2;
	s0 =	simm.s32 @!p1 $0x100  }
0x58: {  	[tilespmem:s0], [sflag:$0x1] =	stream.linear.gather @!p1 [hbm4b:s25+s1], $0x4000, $0x38;
	[tilespmem:$0x1B980] =	vst v63  }
0x59: {  	_ =	swait.ge @!p3 [sflag:s23], $0x80  }
0x5a: {  	[sflag:s23] =	ssyncset.done @!p3 $0x0  }
0x5b: {  	p2 =	sge.u32 s22, s4;
	[sflag:s23] =	ssyncadd.s32 @!p3 $0xFFFFFF80  }
0x5c: {  	p4 =	seq.s32 @!p2 s22, $0x1;
	_ =	swait.ge @!p3 [sflag:s23], $0x4000  }
0x5d: {  	s22 =	simm.s32 @!p3 $0x80;
	p4 =	por p4, p2;
	[sflag:s23] =	ssyncset.done @!p3 $0x0  }
0x5e: {  	s24 =	simm.s32 @!p4 $0x4;
	[sflag:s23] =	ssyncadd.s32 @!p3 $0xFFFFC000;
	s23 =	simm.s32 @!p3 $0x4100  }
0x5f: {  	[spmem:s2] =	stream.indirect.scatter.add.f32 @!p3 [tilespmem:s23], [sflag:$0x4], $0x80, s22, s22, $0xb8;
	[tilespmem:$0x1B980] =	vst v63  }
0x60: {  	_ =	swait.ge @!p4 [sflag:s24], $0x4000  }
0x61: {  	[sflag:s24] =	ssyncset.done @!p4 $0x0  }
0x62: {  	s22 =	simm.s32 @!p2 $0x0;
	s23 =	simm.s32 @!p2 $0x80;
	[sflag:s24] =	ssyncadd.s32 @!p4 $0xFFFFC000  }
0x63: {  	[tilespmem:s23], [sflag:$0x2] =	stream.linear.gather @!p2 [hbm4b:s21+s22], $0x80, $0x38;
	[tilespmem:$0x1B980] =	vst v63  }
0x64: {  	s21 =	simm.s32 @!p2 $0x4100;
	s23 =	simm.s32 @!p1 $0x1  }
0x65: {  	[tilespmem:s21], [sflag:$0x2] =	stream.linear.gather @!p2 [hbm4b:s20+s22], $0x4000, $0x38;
	[tilespmem:$0x1B980] =	vst v63  }
0x66: {  	_ =	swait.ge @!p1 [sflag:s23], $0x80  }
0x67: {  	[sflag:s23] =	ssyncset.done @!p1 $0x0  }
0x68: {  	[sflag:s23] =	ssyncadd.s32 @!p1 $0xFFFFFF80  }
0x69: {  	_ =	swait.ge @!p1 [sflag:s23], $0x4000  }
0x6a: {  	[sflag:s23] =	ssyncset.done @!p1 $0x0  }
0x6b: {  	s20 =	simm.s32 @!p1 $0x80;
	[sflag:s23] =	ssyncadd.s32 @!p1 $0xFFFFC000  }
0x6c: {  	[spmem:s2] =	stream.indirect.scatter.add.f32 @!p1 [tilespmem:s0], [sflag:$0x3], $0x80, s1, s20, $0xb8;
	[tilespmem:$0x1B980] =	vst v63  }
0x6d: {  	_ =	swait.ge [sflag:s18], $0x4000  }
0x6e: {  	[sflag:s18] =	ssyncset.done $0x0  }
0x6f: {  	[sflag:s18] =	ssyncadd.s32 $0xFFFFC000  }
0x70: {  	_ =	swait.ge [sflag:s19], $0x4000  }
0x71: {  	[sflag:s19] =	ssyncset.done $0x0  }
0x72: {  	[sflag:s19] =	ssyncadd.s32 $0xFFFFC000  }
0x73: {  	[bflag:$0x0] =	sbarrier.arrive $0xFFFF  }
0x74: {  	[hbm:s8], [sflag:s6] =	dma.local [spmem:s15], $0x2700  }
0x75: {  	s3 =	sadd.s32 $0x1, s3;
	_ =	swait.ge [sflag:s16], $0x2700  }
0x76: {  	p1 =	sne.s32 s3, s10;
	[sflag:s16] =	ssyncset.done $0x0  }
.Ltmp1:
0x77: {  	s0 =	simm.s32 @!p0 $0x5;
	[sflag:s16] =	ssyncadd.s32 $0xFFFFD900;
	(pc) =	sbr.rel @p1 .LBB2_1-.Ltmp1, $4  }
0x78: {  	[hbm:s9], [sflag:s6] =	dma.local @!p0 [spmem:s17], $0x100  }
0x79: {  	_ =	swait.ge @!p0 [sflag:s0], $0x100  }
0x7a: {  	[sflag:s0] =	ssyncset.done @!p0 $0x0  }
0x7b: {  	[sflag:s0] =	ssyncadd.s32 @!p0 $0xFFFFFF00  }
0x7c: {  	_ =	sfence.sel $0x180000  }
0x7d: {  	[bflag:$0x0] =	sbarrier.arrive $0xFFFF  }
0x7e: {  	_ =	strace $0x90000050  }
0x7f: {  	s0 =	stileid.u32;
	[bflag:$0x2] =	sbarrier.arrive $0xFFFF  }
0x80: {  	p0 =	sne.s32 s0, $0x0;
	s0 =	rddreg [dreg:$0x2]  }
0x81: {  	s0 =	sadd.s32 @!p0 $0x100000, s0  }
0x82: {  	[sflag:s0] =	ssyncadd.tile.s32 @!p0 $0x1;
	_ =	shalt  }
.Lfunc_end2:
_tile_overlayer_lowered:
.L_overlay_start_2:
0x83: {  	(tag) =	ssettag $0x2  }
0x84: {  	s0 =	rddreg [dreg:$0x0];
	s2 =	stileid.u32  }
0x85: {  	s1 =	rddreg [dreg:$0x1];
	p0 =	sne.s32 s2, $0x0  }
0x86: {  	s3 =	rddreg [dreg:$0x2];
	[bflag:$0x3] =	sbarrier.arrive $0xFFFF;
	s2 =	simm.s32 @!p0 $0x1C05  }
0x87: {  	[timem:s3], [sflag:s2] =	dma.local @!p0 [hbm:s0], s1  }
0x88: {  	s0 =	simm.s32 @!p0 $0x5  }
0x89: {  	_ =	swait.ge @!p0 [sflag:s0], s1  }
0x8a: {  	s1 =	ssub.s32 @!p0 $0x0, s1;
	[sflag:s0] =	ssyncset.done @!p0 $0x0  }
0x8b: {  	[sflag:s0] =	ssyncadd.s32 @!p0 s1  }
0x8c: {  	[bflag:$0x3] =	sbarrier.arrive $0xFFFF  }
0x8d: {  	_ =	shalt  }

</sc_bundles>
